<compile_context>
chip_gen: v7x
topology: tpu7x:2x2x1
jax: 0.10.2.dev20260603
libtpu: 0.0.44.dev20260713+nightly
codegen_flags: <defaults>
</compile_context>

<pallas_src>
import functools
import math

import jax
import jax.numpy as jnp
from jax import lax
from jax.experimental import pallas as pl
from jax.experimental.pallas import tpu as pltpu
from jax.experimental.pallas import tpu_sc as plsc

_NUM_CORES = 2
_NUM_SUBCORES = 16
_NW = _NUM_CORES * _NUM_SUBCORES

_BATCH = 4096
_POS = 200
_D = 64
_G = 128
_CB = 2
_CROWS = _CB * _G
_NBB = _BATCH // _G
_NBLOCKS = _POS * _NBB
_NCH = _NBLOCKS // (_NW * _CB)
_INV_SCALE = 1.0 / math.sqrt(_D)


def _build():
  mesh = plsc.VectorSubcoreMesh(core_axis_name="c", subcore_axis_name="s")

  @functools.partial(
      pl.kernel,
      mesh=mesh,
      out_type=jax.ShapeDtypeStruct((_POS, 8, 256, _G), jnp.float32),
      compiler_params=pltpu.CompilerParams(
          use_tc_tiling_on_sc=False, needs_layout_passes=False),
      scratch_types=[
          pltpu.VMEM((2, _CROWS), jnp.int32),
          pltpu.VMEM((2, _CROWS, _D), jnp.float32),
          pltpu.VMEM((2, 8, 16, 133), jnp.float32),
          pltpu.SemaphoreType.DMA,
          pltpu.SemaphoreType.DMA,
          pltpu.SemaphoreType.DMA,
          pltpu.SemaphoreType.DMA,
          pltpu.SemaphoreType.DMA,
          pltpu.SemaphoreType.DMA,
      ],
  )
  def embed(idx_hbm, table_hbm, out_hbm, idx_v, rows_v, t_v,
            gsem0, gsem1, ssem0, ssem1, isem0, isem1):
    gsems = (gsem0, gsem1)
    ssems = (ssem0, ssem1)
    isems = (isem0, isem1)
    wid = lax.axis_index("s") * _NUM_CORES + lax.axis_index("c")
    blk0 = wid * _NCH * _CB

    iota = lax.iota(jnp.int32, 16)
    s_idx = lax.bitwise_and(iota, 7)
    hi = lax.shift_right_logical(iota, 3)
    t_vec = [2 * q + hi for q in range(4)]
    r2v = [cc * 8 + s_idx for cc in range(_CB)]

    def chunk_pc(k):
      blk = blk0 + k * _CB
      p = lax.shift_right_logical(blk, 5)
      c0 = lax.bitwise_and(blk, 31)
      return p, c0

    def start_idx_load(k, b):
      p, c0 = chunk_pc(k)
      st = p * _BATCH + c0 * _G
      pltpu.async_copy(idx_hbm.at[pl.ds(st, _CROWS)], idx_v.at[b], isems[b])

    def wait_idx_load(b):
      pltpu.make_async_copy(
          idx_hbm.at[pl.ds(0, _CROWS)], idx_v.at[b], isems[b]).wait()

    def start_gathers(b):
      for j in range(_CB):
        pltpu.async_copy(
            table_hbm.at[idx_v.at[b, pl.ds(j * _G, _G)]],
            rows_v.at[b, pl.ds(j * _G, _G)],
            gsems[b])

    def wait_gathers(b):
      pltpu.make_async_copy(
          table_hbm.at[pl.ds(0, _CROWS)], rows_v.at[b], gsems[b]).wait()

    def start_scatters(k, b):
      p, c0 = chunk_pc(k)
      pltpu.async_copy(
          t_v.at[b, :, :, pl.ds(0, _G)],
          out_hbm.at[p, :, pl.ds(c0 * 8, 16), :],
          ssems[b])

    def wait_scatters(b):
      pltpu.make_async_copy(
          t_v.at[b, :, :, pl.ds(0, _G)],
          out_hbm.at[0, :, pl.ds(0, 16), :], ssems[b]).wait()

    def transpose_scale(b):
      for cc in range(_CB):
        @plsc.parallel_loop(0, _G, unroll=16)
        def _body(bb, cc=cc):
          r = cc * _G + bb
          colv = jnp.full((16,), 0, jnp.int32) + bb
          for q in range(4):
            v = rows_v[b, r, pl.ds(q * 16, 16)] * _INV_SCALE
            plsc.store_scatter(t_v.at[b], [t_vec[q], r2v[cc], colv], v)

    start_idx_load(0, 0)
    wait_idx_load(0)
    start_gathers(0)
    start_idx_load(1, 1)

    def outer(i, carry):
      for b in range(2):
        k = 2 * i + b
        nb = 1 - b

        @pl.when(k + 1 < _NCH)
        def _prefetch():
          wait_idx_load(nb)
          start_gathers(nb)

        wait_gathers(b)

        @pl.when(k + 2 < _NCH)
        def _next_idx():
          start_idx_load(k + 2, b)

        @pl.when(k >= 2)
        def _drain_scatter_two_back():
          wait_scatters(b)

        transpose_scale(b)
        start_scatters(k, b)
      return carry

    lax.fori_loop(0, _NCH // 2, outer, 0)
    wait_scatters(0)
    wait_scatters(1)

  return embed


_EMBED = _build()


def kernel(x, table):
  idx2 = x.T.reshape(_POS * _BATCH).astype(jnp.int32)
  out3 = _EMBED(idx2, table)
  out5 = out3.reshape(_POS, 8, _NBB, 8, _G)
  return out5.transpose(2, 4, 0, 1, 3).reshape(_BATCH, _POS, _D)

# --- scband reference (transcript-rebuilt; emitter-appended) ---
"""Pipeline reference for scband-embedding-10342281248791 (READ-ONLY COPY).

The authoritative reference and input builder live on the scoring server;
editing this copy changes nothing except your own understanding.
"""

import math
import jax, jax.numpy as jnp
import numpy as np

NUM_EMBEDDINGS = 1000000
EMBEDDING_DIM = 64
PADDING_IDX = 0
SCALE = math.sqrt(EMBEDDING_DIM)


def setup_inputs(seed: int = 0) -> dict:
    key = jax.random.key(seed)
    k1, k2 = jax.random.split(key)
    x = jax.random.randint(k1, (4096, 200), 0, NUM_EMBEDDINGS)
    table = jax.random.normal(k2, (NUM_EMBEDDINGS, EMBEDDING_DIM), dtype=jnp.float32)
    # nn.Embedding with padding_idx zeros that row at init
    table = table.at[PADDING_IDX].set(0.0)
    return {"x": x, "table": table}


def reference(x, table):
    # gather rows of the embedding table, then scale
    out = jnp.take(table, x, axis=0)
    out = out / SCALE
    return out

if __name__ == "__main__":
    import jax
    _d = setup_inputs()
    print(jax.jit(kernel)(*tuple(_d.values())))

</pallas_src>

<mosaic_0001>
#map = affine_map<(d0, d1) -> (0)>
#map1 = affine_map<(d0, d1) -> (0, 0)>
#map2 = affine_map<(d0, d1) -> (0, 0, 0, 0)>
module attributes {stable_mosaic.version = 14 : i64} {
  func.func @embed(%arg0: i32, %arg1: i32, %arg2: memref<819200xi32, #tpu.memory_space<hbm>>, %arg3: memref<1000000x64xf32, #tpu.memory_space<hbm>>, %arg4: memref<200x8x256x128xf32, #tpu.memory_space<hbm>>, %arg5: memref<2x256xi32, #tpu.memory_space<vmem>>, %arg6: memref<2x256x64xf32, #tpu.memory_space<vmem>>, %arg7: memref<2x8x16x133xf32, #tpu.memory_space<vmem>>, %arg8: memref<!tpu.dma_semaphore, #tpu.memory_space<semaphore_mem>>, %arg9: memref<!tpu.dma_semaphore, #tpu.memory_space<semaphore_mem>>, %arg10: memref<!tpu.dma_semaphore, #tpu.memory_space<semaphore_mem>>, %arg11: memref<!tpu.dma_semaphore, #tpu.memory_space<semaphore_mem>>, %arg12: memref<!tpu.dma_semaphore, #tpu.memory_space<semaphore_mem>>, %arg13: memref<!tpu.dma_semaphore, #tpu.memory_space<semaphore_mem>>) attributes {dimension_semantics = [#tpu.dimension_semantics<core_parallel>, #tpu.dimension_semantics<subcore_parallel>], iteration_bounds = array<i64: 2, 16>, scalar_prefetch = 0 : i64, scratch_operands = 9 : i64, tpu.core_type = #tpu.core_type<sc_vector_subcore>, window_params = [{transform_indices = #map}, {transform_indices = #map1}, {transform_indices = #map2}]} {
    %mul3A = arith.constant 2 : i32
    %mul3A_0 = arith.muli %arg1, %mul3A : i32
    %add3A = arith.addi %mul3A_0, %arg0 : i32
    %mul3A_1 = arith.constant 100 : i32
    %mul3A_2 = arith.muli %add3A, %mul3A_1 : i32
    %mul3A_3 = arith.constant 2 : i32
    %mul3A_4 = arith.muli %mul3A_2, %mul3A_3 : i32
    %iota3A = tpu.iota {dimensions = array<i32: 0>} : vector<16xi32>
    %and3A = arith.constant 7 : i32
    %and3A_5 = vector.broadcast %and3A : i32 to vector<16xi32>
    %and3A_6 = arith.andi %iota3A, %and3A_5 : vector<16xi32>
    %shift_right_logical3A = arith.constant 3 : i32
    %shift_right_logical3A_7 = vector.broadcast %shift_right_logical3A : i32 to vector<16xi32>
    %shift_right_logical3A_8 = arith.shrui %iota3A, %shift_right_logical3A_7 : vector<16xi32>
    %add3A_9 = arith.constant 0 : i32
    %add3A_10 = vector.broadcast %add3A_9 : i32 to vector<16xi32>
    %add3A_11 = arith.addi %add3A_10, %shift_right_logical3A_8 : vector<16xi32>
    %add3A_12 = arith.constant 2 : i32
    %add3A_13 = vector.broadcast %add3A_12 : i32 to vector<16xi32>
    %add3A_14 = arith.addi %add3A_13, %shift_right_logical3A_8 : vector<16xi32>
    %add3A_15 = arith.constant 4 : i32
    %add3A_16 = vector.broadcast %add3A_15 : i32 to vector<16xi32>
    %add3A_17 = arith.addi %add3A_16, %shift_right_logical3A_8 : vector<16xi32>
    %add3A_18 = arith.constant 6 : i32
    %add3A_19 = vector.broadcast %add3A_18 : i32 to vector<16xi32>
    %add3A_20 = arith.addi %add3A_19, %shift_right_logical3A_8 : vector<16xi32>
    %add3A_21 = arith.constant 0 : i32
    %add3A_22 = vector.broadcast %add3A_21 : i32 to vector<16xi32>
    %add3A_23 = arith.addi %add3A_22, %and3A_6 : vector<16xi32>
    %add3A_24 = arith.constant 8 : i32
    %add3A_25 = vector.broadcast %add3A_24 : i32 to vector<16xi32>
    %add3A_26 = arith.addi %add3A_25, %and3A_6 : vector<16xi32>
    %add3A_27 = arith.constant 0 : i32
    %add3A_28 = arith.addi %mul3A_4, %add3A_27 : i32
    %shift_right_logical3A_29 = arith.constant 5 : i32
    %shift_right_logical3A_30 = arith.shrui %add3A_28, %shift_right_logical3A_29 : i32
    %and3A_31 = arith.constant 31 : i32
    %and3A_32 = arith.andi %add3A_28, %and3A_31 : i32
    %mul3A_33 = arith.constant 4096 : i32
    %mul3A_34 = arith.muli %shift_right_logical3A_30, %mul3A_33 : i32
    %mul3A_35 = arith.constant 128 : i32
    %mul3A_36 = arith.muli %and3A_32, %mul3A_35 : i32
    %add3A_37 = arith.addi %mul3A_34, %mul3A_36 : i32
    %dma_start3A = arith.constant 0 : i32
    %dma_start3A_38 = arith.constant 0 : i32
    %dma_start3A_39 = tpu.memref_slice %arg5[%dma_start3A, %dma_start3A_38] : memref<2x256xi32, #tpu.memory_space<vmem>> -> memref<1x256xi32, #tpu.memory_space<vmem>>
    %dma_start3A_40 = tpu.memref_squeeze %dma_start3A_39 : memref<1x256xi32, #tpu.memory_space<vmem>> -> memref<256xi32, #tpu.memory_space<vmem>>
    %dma_start3A_41 = tpu.memref_slice %arg2[%add3A_37] : memref<819200xi32, #tpu.memory_space<hbm>> -> memref<256xi32, #tpu.memory_space<hbm>>
    %dma_start3A_42 = arith.constant 0 : i32
    %dma_start3A_43 = tpu.memref_slice %arg5[%dma_start3A, %dma_start3A_42] : memref<2x256xi32, #tpu.memory_space<vmem>> -> memref<1x256xi32, #tpu.memory_space<vmem>>
    %dma_start3A_44 = tpu.memref_squeeze %dma_start3A_43 : memref<1x256xi32, #tpu.memory_space<vmem>> -> memref<256xi32, #tpu.memory_space<vmem>>
    %dma_start3A_45 = tpu.memref_slice %arg2[%add3A_37] : memref<819200xi32, #tpu.memory_space<hbm>> -> memref<256xi32, #tpu.memory_space<hbm>>
    tpu.enqueue_dma source(%dma_start3A_45 : memref<256xi32, #tpu.memory_space<hbm>>) target(%dma_start3A_44 : memref<256xi32, #tpu.memory_space<vmem>>) target_semaphore(%arg12 : memref<!tpu.dma_semaphore, #tpu.memory_space<semaphore_mem>>)
    %dma_wait3A = arith.constant 0 : i32
    %dma_wait3A_46 = arith.constant 0 : i32
    %dma_wait3A_47 = tpu.memref_slice %arg5[%dma_wait3A, %dma_wait3A_46] : memref<2x256xi32, #tpu.memory_space<vmem>> -> memref<1x256xi32, #tpu.memory_space<vmem>>
    %dma_wait3A_48 = tpu.memref_squeeze %dma_wait3A_47 : memref<1x256xi32, #tpu.memory_space<vmem>> -> memref<256xi32, #tpu.memory_space<vmem>>
    %dma_wait3A_49 = arith.constant 0 : i32
    %dma_wait3A_50 = tpu.memref_slice %arg2[%dma_wait3A_49] : memref<819200xi32, #tpu.memory_space<hbm>> -> memref<256xi32, #tpu.memory_space<hbm>>
    %dma_wait3A_51 = arith.constant 0 : i32
    %dma_wait3A_52 = tpu.memref_slice %arg5[%dma_wait3A, %dma_wait3A_51] : memref<2x256xi32, #tpu.memory_space<vmem>> -> memref<1x256xi32, #tpu.memory_space<vmem>>
    %dma_wait3A_53 = tpu.memref_squeeze %dma_wait3A_52 : memref<1x256xi32, #tpu.memory_space<vmem>> -> memref<256xi32, #tpu.memory_space<vmem>>
    %dma_wait3A_54 = arith.constant 0 : i32
    %dma_wait3A_55 = tpu.memref_slice %arg2[%dma_wait3A_54] : memref<819200xi32, #tpu.memory_space<hbm>> -> memref<256xi32, #tpu.memory_space<hbm>>
    tpu.wait_dma2 semaphore(%arg12 : memref<!tpu.dma_semaphore, #tpu.memory_space<semaphore_mem>>) src(%dma_wait3A_55 : memref<256xi32, #tpu.memory_space<hbm>>) dst(%dma_wait3A_53 : memref<256xi32, #tpu.memory_space<vmem>>)
    %dma_start3A_56 = arith.constant 0 : i32
    %dma_start3A_57 = arith.constant 0 : i32
    %dma_start3A_58 = arith.constant 0 : i32
    %dma_start3A_59 = arith.constant 0 : i32
    %dma_start3A_60 = tpu.memref_slice %arg6[%dma_start3A_57, %dma_start3A_58, %dma_start3A_59] : memref<2x256x64xf32, #tpu.memory_space<vmem>> -> memref<1x128x64xf32, #tpu.memory_space<vmem>>
    %dma_start3A_61 = tpu.memref_squeeze %dma_start3A_60 : memref<1x128x64xf32, #tpu.memory_space<vmem>> -> memref<128x64xf32, #tpu.memory_space<vmem>>
    %dma_start3A_62 = arith.constant 0 : i32
    %dma_start3A_63 = tpu.memref_slice %arg5[%dma_start3A_56, %dma_start3A_62] : memref<2x256xi32, #tpu.memory_space<vmem>> -> memref<1x128xi32, #tpu.memory_space<vmem>>
    %dma_start3A_64 = tpu.memref_squeeze %dma_start3A_63 : memref<1x128xi32, #tpu.memory_space<vmem>> -> memref<128xi32, #tpu.memory_space<vmem>>
    %dma_start3A_65 = arith.constant 0 : i32
    %dma_start3A_66 = arith.constant 0 : i32
    %dma_start3A_67 = tpu.memref_slice %arg3[%dma_start3A_65, %dma_start3A_66] : memref<1000000x64xf32, #tpu.memory_space<hbm>> -> memref<1000000x64xf32, #tpu.memory_space<hbm>>
    tpu.enqueue_indirect_dma source(%dma_start3A_67 : memref<1000000x64xf32, #tpu.memory_space<hbm>>) target(%dma_start3A_61 : memref<128x64xf32, #tpu.memory_space<vmem>>) offsets(%dma_start3A_64 : memref<128xi32, #tpu.memory_space<vmem>>) semaphore(%arg8 : memref<!tpu.dma_semaphore, #tpu.memory_space<semaphore_mem>>)
    %dma_start3A_68 = arith.constant 0 : i32
    %dma_start3A_69 = arith.constant 0 : i32
    %dma_start3A_70 = arith.constant 128 : i32
    %dma_start3A_71 = arith.constant 0 : i32
    %dma_start3A_72 = tpu.memref_slice %arg6[%dma_start3A_69, %dma_start3A_70, %dma_start3A_71] : memref<2x256x64xf32, #tpu.memory_space<vmem>> -> memref<1x128x64xf32, #tpu.memory_space<vmem>>
    %dma_start3A_73 = tpu.memref_squeeze %dma_start3A_72 : memref<1x128x64xf32, #tpu.memory_space<vmem>> -> memref<128x64xf32, #tpu.memory_space<vmem>>
    %dma_start3A_74 = arith.constant 128 : i32
    %dma_start3A_75 = tpu.memref_slice %arg5[%dma_start3A_68, %dma_start3A_74] : memref<2x256xi32, #tpu.memory_space<vmem>> -> memref<1x128xi32, #tpu.memory_space<vmem>>
    %dma_start3A_76 = tpu.memref_squeeze %dma_start3A_75 : memref<1x128xi32, #tpu.memory_space<vmem>> -> memref<128xi32, #tpu.memory_space<vmem>>
    %dma_start3A_77 = arith.constant 0 : i32
    %dma_start3A_78 = arith.constant 0 : i32
    %dma_start3A_79 = tpu.memref_slice %arg3[%dma_start3A_77, %dma_start3A_78] : memref<1000000x64xf32, #tpu.memory_space<hbm>> -> memref<1000000x64xf32, #tpu.memory_space<hbm>>
    tpu.enqueue_indirect_dma source(%dma_start3A_79 : memref<1000000x64xf32, #tpu.memory_space<hbm>>) target(%dma_start3A_73 : memref<128x64xf32, #tpu.memory_space<vmem>>) offsets(%dma_start3A_76 : memref<128xi32, #tpu.memory_space<vmem>>) semaphore(%arg8 : memref<!tpu.dma_semaphore, #tpu.memory_space<semaphore_mem>>)
    %add3A_80 = arith.constant 2 : i32
    %add3A_81 = arith.addi %mul3A_4, %add3A_80 : i32
    %shift_right_logical3A_82 = arith.constant 5 : i32
    %shift_right_logical3A_83 = arith.shrui %add3A_81, %shift_right_logical3A_82 : i32
    %and3A_84 = arith.constant 31 : i32
    %and3A_85 = arith.andi %add3A_81, %and3A_84 : i32
    %mul3A_86 = arith.constant 4096 : i32
    %mul3A_87 = arith.muli %shift_right_logical3A_83, %mul3A_86 : i32
    %mul3A_88 = arith.constant 128 : i32
    %mul3A_89 = arith.muli %and3A_85, %mul3A_88 : i32
    %add3A_90 = arith.addi %mul3A_87, %mul3A_89 : i32
    %dma_start3A_91 = arith.constant 1 : i32
    %dma_start3A_92 = arith.constant 0 : i32
    %dma_start3A_93 = tpu.memref_slice %arg5[%dma_start3A_91, %dma_start3A_92] : memref<2x256xi32, #tpu.memory_space<vmem>> -> memref<1x256xi32, #tpu.memory_space<vmem>>
    %dma_start3A_94 = tpu.memref_squeeze %dma_start3A_93 : memref<1x256xi32, #tpu.memory_space<vmem>> -> memref<256xi32, #tpu.memory_space<vmem>>
    %dma_start3A_95 = tpu.memref_slice %arg2[%add3A_90] : memref<819200xi32, #tpu.memory_space<hbm>> -> memref<256xi32, #tpu.memory_space<hbm>>
    %dma_start3A_96 = arith.constant 0 : i32
    %dma_start3A_97 = tpu.memref_slice %arg5[%dma_start3A_91, %dma_start3A_96] : memref<2x256xi32, #tpu.memory_space<vmem>> -> memref<1x256xi32, #tpu.memory_space<vmem>>
    %dma_start3A_98 = tpu.memref_squeeze %dma_start3A_97 : memref<1x256xi32, #tpu.memory_space<vmem>> -> memref<256xi32, #tpu.memory_space<vmem>>
    %dma_start3A_99 = tpu.memref_slice %arg2[%add3A_90] : memref<819200xi32, #tpu.memory_space<hbm>> -> memref<256xi32, #tpu.memory_space<hbm>>
    tpu.enqueue_dma source(%dma_start3A_99 : memref<256xi32, #tpu.memory_space<hbm>>) target(%dma_start3A_98 : memref<256xi32, #tpu.memory_space<vmem>>) target_semaphore(%arg13 : memref<!tpu.dma_semaphore, #tpu.memory_space<semaphore_mem>>)
    %scan3A = arith.constant 0 : i32
    %scan3A_100 = arith.constant 0 : i32
    %scan3A_101 = arith.constant 50 : i32
    %scan3A_102 = arith.addi %scan3A_100, %scan3A_101 : i32
    %scan3A_103 = arith.constant 1 : i32
    scf.for %scan3A_149 = %scan3A_100 to %scan3A_102 step %scan3A_103  : i32 {
      %mul3A_150 = arith.constant 2 : i32
      %mul3A_151 = arith.muli %mul3A_150, %scan3A_149 : i32
      %add3A_152 = arith.constant 0 : i32
      %add3A_153 = arith.addi %mul3A_151, %add3A_152 : i32
      %add3A_154 = arith.constant 1 : i32
      %add3A_155 = arith.addi %add3A_153, %add3A_154 : i32
      %lt3A = arith.constant 100 : i32
      %lt3A_156 = arith.cmpi slt, %add3A_155, %lt3A : i32
      %convert_element_type3A = arith.extui %lt3A_156 : i1 to i32
      %cond3A = arith.constant 0 : i32
      %cond3A_157 = arith.cmpi ne, %convert_element_type3A, %cond3A : i32
      scf.if %cond3A_157 {
        %dma_wait3A_289 = arith.constant 1 : i32
        %dma_wait3A_290 = arith.constant 0 : i32
        %dma_wait3A_291 = tpu.memref_slice %arg5[%dma_wait3A_289, %dma_wait3A_290] : memref<2x256xi32, #tpu.memory_space<vmem>> -> memref<1x256xi32, #tpu.memory_space<vmem>>
        %dma_wait3A_292 = tpu.memref_squeeze %dma_wait3A_291 : memref<1x256xi32, #tpu.memory_space<vmem>> -> memref<256xi32, #tpu.memory_space<vmem>>
        %dma_wait3A_293 = arith.constant 0 : i32
        %dma_wait3A_294 = tpu.memref_slice %arg2[%dma_wait3A_293] : memref<819200xi32, #tpu.memory_space<hbm>> -> memref<256xi32, #tpu.memory_space<hbm>>
        %dma_wait3A_295 = arith.constant 0 : i32
        %dma_wait3A_296 = tpu.memref_slice %arg5[%dma_wait3A_289, %dma_wait3A_295] : memref<2x256xi32, #tpu.memory_space<vmem>> -> memref<1x256xi32, #tpu.memory_space<vmem>>
        %dma_wait3A_297 = tpu.memref_squeeze %dma_wait3A_296 : memref<1x256xi32, #tpu.memory_space<vmem>> -> memref<256xi32, #tpu.memory_space<vmem>>
        %dma_wait3A_298 = arith.constant 0 : i32
        %dma_wait3A_299 = tpu.memref_slice %arg2[%dma_wait3A_298] : memref<819200xi32, #tpu.memory_space<hbm>> -> memref<256xi32, #tpu.memory_space<hbm>>
        tpu.wait_dma2 semaphore(%arg13 : memref<!tpu.dma_semaphore, #tpu.memory_space<semaphore_mem>>) src(%dma_wait3A_299 : memref<256xi32, #tpu.memory_space<hbm>>) dst(%dma_wait3A_297 : memref<256xi32, #tpu.memory_space<vmem>>)
        %dma_start3A_300 = arith.constant 1 : i32
        %dma_start3A_301 = arith.constant 1 : i32
        %dma_start3A_302 = arith.constant 0 : i32
        %dma_start3A_303 = arith.constant 0 : i32
        %dma_start3A_304 = tpu.memref_slice %arg6[%dma_start3A_301, %dma_start3A_302, %dma_start3A_303] : memref<2x256x64xf32, #tpu.memory_space<vmem>> -> memref<1x128x64xf32, #tpu.memory_space<vmem>>
        %dma_start3A_305 = tpu.memref_squeeze %dma_start3A_304 : memref<1x128x64xf32, #tpu.memory_space<vmem>> -> memref<128x64xf32, #tpu.memory_space<vmem>>
        %dma_start3A_306 = arith.constant 0 : i32
        %dma_start3A_307 = tpu.memref_slice %arg5[%dma_start3A_300, %dma_start3A_306] : memref<2x256xi32, #tpu.memory_space<vmem>> -> memref<1x128xi32, #tpu.memory_space<vmem>>
        %dma_start3A_308 = tpu.memref_squeeze %dma_start3A_307 : memref<1x128xi32, #tpu.memory_space<vmem>> -> memref<128xi32, #tpu.memory_space<vmem>>
        %dma_start3A_309 = arith.constant 0 : i32
        %dma_start3A_310 = arith.constant 0 : i32
        %dma_start3A_311 = tpu.memref_slice %arg3[%dma_start3A_309, %dma_start3A_310] : memref<1000000x64xf32, #tpu.memory_space<hbm>> -> memref<1000000x64xf32, #tpu.memory_space<hbm>>
        tpu.enqueue_indirect_dma source(%dma_start3A_311 : memref<1000000x64xf32, #tpu.memory_space<hbm>>) target(%dma_start3A_305 : memref<128x64xf32, #tpu.memory_space<vmem>>) offsets(%dma_start3A_308 : memref<128xi32, #tpu.memory_space<vmem>>) semaphore(%arg9 : memref<!tpu.dma_semaphore, #tpu.memory_space<semaphore_mem>>)
        %dma_start3A_312 = arith.constant 1 : i32
        %dma_start3A_313 = arith.constant 1 : i32
        %dma_start3A_314 = arith.constant 128 : i32
        %dma_start3A_315 = arith.constant 0 : i32
        %dma_start3A_316 = tpu.memref_slice %arg6[%dma_start3A_313, %dma_start3A_314, %dma_start3A_315] : memref<2x256x64xf32, #tpu.memory_space<vmem>> -> memref<1x128x64xf32, #tpu.memory_space<vmem>>
        %dma_start3A_317 = tpu.memref_squeeze %dma_start3A_316 : memref<1x128x64xf32, #tpu.memory_space<vmem>> -> memref<128x64xf32, #tpu.memory_space<vmem>>
        %dma_start3A_318 = arith.constant 128 : i32
        %dma_start3A_319 = tpu.memref_slice %arg5[%dma_start3A_312, %dma_start3A_318] : memref<2x256xi32, #tpu.memory_space<vmem>> -> memref<1x128xi32, #tpu.memory_space<vmem>>
        %dma_start3A_320 = tpu.memref_squeeze %dma_start3A_319 : memref<1x128xi32, #tpu.memory_space<vmem>> -> memref<128xi32, #tpu.memory_space<vmem>>
        %dma_start3A_321 = arith.constant 0 : i32
        %dma_start3A_322 = arith.constant 0 : i32
        %dma_start3A_323 = tpu.memref_slice %arg3[%dma_start3A_321, %dma_start3A_322] : memref<1000000x64xf32, #tpu.memory_space<hbm>> -> memref<1000000x64xf32, #tpu.memory_space<hbm>>
        tpu.enqueue_indirect_dma source(%dma_start3A_323 : memref<1000000x64xf32, #tpu.memory_space<hbm>>) target(%dma_start3A_317 : memref<128x64xf32, #tpu.memory_space<vmem>>) offsets(%dma_start3A_320 : memref<128xi32, #tpu.memory_space<vmem>>) semaphore(%arg9 : memref<!tpu.dma_semaphore, #tpu.memory_space<semaphore_mem>>)
      } else {
      }
      %dma_wait3A_158 = arith.constant 0 : i32
      %dma_wait3A_159 = arith.constant 0 : i32
      %dma_wait3A_160 = arith.constant 0 : i32
      %dma_wait3A_161 = tpu.memref_slice %arg6[%dma_wait3A_158, %dma_wait3A_159, %dma_wait3A_160] : memref<2x256x64xf32, #tpu.memory_space<vmem>> -> memref<1x256x64xf32, #tpu.memory_space<vmem>>
      %dma_wait3A_162 = tpu.memref_squeeze %dma_wait3A_161 : memref<1x256x64xf32, #tpu.memory_space<vmem>> -> memref<256x64xf32, #tpu.memory_space<vmem>>
      %dma_wait3A_163 = arith.constant 0 : i32
      %dma_wait3A_164 = arith.constant 0 : i32
      %dma_wait3A_165 = tpu.memref_slice %arg3[%dma_wait3A_163, %dma_wait3A_164] : memref<1000000x64xf32, #tpu.memory_space<hbm>> -> memref<256x64xf32, #tpu.memory_space<hbm>>
      %dma_wait3A_166 = arith.constant 0 : i32
      %dma_wait3A_167 = arith.constant 0 : i32
      %dma_wait3A_168 = tpu.memref_slice %arg6[%dma_wait3A_158, %dma_wait3A_166, %dma_wait3A_167] : memref<2x256x64xf32, #tpu.memory_space<vmem>> -> memref<1x256x64xf32, #tpu.memory_space<vmem>>
      %dma_wait3A_169 = tpu.memref_squeeze %dma_wait3A_168 : memref<1x256x64xf32, #tpu.memory_space<vmem>> -> memref<256x64xf32, #tpu.memory_space<vmem>>
      %dma_wait3A_170 = arith.constant 0 : i32
      %dma_wait3A_171 = arith.constant 0 : i32
      %dma_wait3A_172 = tpu.memref_slice %arg3[%dma_wait3A_170, %dma_wait3A_171] : memref<1000000x64xf32, #tpu.memory_space<hbm>> -> memref<256x64xf32, #tpu.memory_space<hbm>>
      tpu.wait_dma2 semaphore(%arg8 : memref<!tpu.dma_semaphore, #tpu.memory_space<semaphore_mem>>) src(%dma_wait3A_172 : memref<256x64xf32, #tpu.memory_space<hbm>>) dst(%dma_wait3A_169 : memref<256x64xf32, #tpu.memory_space<vmem>>)
      %add3A_173 = arith.constant 2 : i32
      %add3A_174 = arith.addi %add3A_153, %add3A_173 : i32
      %lt3A_175 = arith.constant 100 : i32
      %lt3A_176 = arith.cmpi slt, %add3A_174, %lt3A_175 : i32
      %convert_element_type3A_177 = arith.extui %lt3A_176 : i1 to i32
      %cond3A_178 = arith.constant 0 : i32
      %cond3A_179 = arith.cmpi ne, %convert_element_type3A_177, %cond3A_178 : i32
      scf.if %cond3A_179 {
        %add3A_289 = arith.constant 2 : i32
        %add3A_290 = arith.addi %add3A_153, %add3A_289 : i32
        %mul3A_291 = arith.constant 2 : i32
        %mul3A_292 = arith.muli %add3A_290, %mul3A_291 : i32
        %add3A_293 = arith.addi %mul3A_4, %mul3A_292 : i32
        %shift_right_logical3A_294 = arith.constant 5 : i32
        %shift_right_logical3A_295 = arith.shrui %add3A_293, %shift_right_logical3A_294 : i32
        %and3A_296 = arith.constant 31 : i32
        %and3A_297 = arith.andi %add3A_293, %and3A_296 : i32
        %mul3A_298 = arith.constant 4096 : i32
        %mul3A_299 = arith.muli %shift_right_logical3A_295, %mul3A_298 : i32
        %mul3A_300 = arith.constant 128 : i32
        %mul3A_301 = arith.muli %and3A_297, %mul3A_300 : i32
        %add3A_302 = arith.addi %mul3A_299, %mul3A_301 : i32
        %dma_start3A_303 = arith.constant 0 : i32
        %dma_start3A_304 = arith.constant 0 : i32
        %dma_start3A_305 = tpu.memref_slice %arg5[%dma_start3A_303, %dma_start3A_304] : memref<2x256xi32, #tpu.memory_space<vmem>> -> memref<1x256xi32, #tpu.memory_space<vmem>>
        %dma_start3A_306 = tpu.memref_squeeze %dma_start3A_305 : memref<1x256xi32, #tpu.memory_space<vmem>> -> memref<256xi32, #tpu.memory_space<vmem>>
        %dma_start3A_307 = tpu.memref_slice %arg2[%add3A_302] : memref<819200xi32, #tpu.memory_space<hbm>> -> memref<256xi32, #tpu.memory_space<hbm>>
        %dma_start3A_308 = arith.constant 0 : i32
        %dma_start3A_309 = tpu.memref_slice %arg5[%dma_start3A_303, %dma_start3A_308] : memref<2x256xi32, #tpu.memory_space<vmem>> -> memref<1x256xi32, #tpu.memory_space<vmem>>
        %dma_start3A_310 = tpu.memref_squeeze %dma_start3A_309 : memref<1x256xi32, #tpu.memory_space<vmem>> -> memref<256xi32, #tpu.memory_space<vmem>>
        %dma_start3A_311 = tpu.memref_slice %arg2[%add3A_302] : memref<819200xi32, #tpu.memory_space<hbm>> -> memref<256xi32, #tpu.memory_space<hbm>>
        tpu.enqueue_dma source(%dma_start3A_311 : memref<256xi32, #tpu.memory_space<hbm>>) target(%dma_start3A_310 : memref<256xi32, #tpu.memory_space<vmem>>) target_semaphore(%arg12 : memref<!tpu.dma_semaphore, #tpu.memory_space<semaphore_mem>>)
      } else {
      }
      %ge3A = arith.constant 2 : i32
      %ge3A_180 = arith.cmpi sge, %add3A_153, %ge3A : i32
      %convert_element_type3A_181 = arith.extui %ge3A_180 : i1 to i32
      %cond3A_182 = arith.constant 0 : i32
      %cond3A_183 = arith.cmpi ne, %convert_element_type3A_181, %cond3A_182 : i32
      scf.if %cond3A_183 {
        %dma_wait3A_289 = arith.constant 0 : i32
        %dma_wait3A_290 = arith.constant 0 : i32
        %dma_wait3A_291 = arith.constant 0 : i32
        %dma_wait3A_292 = arith.constant 0 : i32
        %dma_wait3A_293 = arith.constant 0 : i32
        %dma_wait3A_294 = tpu.memref_slice %arg7[%dma_wait3A_289, %dma_wait3A_291, %dma_wait3A_292, %dma_wait3A_293] : memref<2x8x16x133xf32, #tpu.memory_space<vmem>> -> memref<1x8x16x128xf32, #tpu.memory_space<vmem>>
        %dma_wait3A_295 = tpu.memref_squeeze %dma_wait3A_294 : memref<1x8x16x128xf32, #tpu.memory_space<vmem>> -> memref<8x16x128xf32, #tpu.memory_space<vmem>>
        %dma_wait3A_296 = arith.constant 0 : i32
        %dma_wait3A_297 = arith.constant 0 : i32
        %dma_wait3A_298 = arith.constant 0 : i32
        %dma_wait3A_299 = tpu.memref_slice %arg4[%dma_wait3A_290, %dma_wait3A_296, %dma_wait3A_297, %dma_wait3A_298] : memref<200x8x256x128xf32, #tpu.memory_space<hbm>> -> memref<1x8x16x128xf32, #tpu.memory_space<hbm>>
        %dma_wait3A_300 = tpu.memref_squeeze %dma_wait3A_299 : memref<1x8x16x128xf32, #tpu.memory_space<hbm>> -> memref<8x16x128xf32, #tpu.memory_space<hbm>>
        %dma_wait3A_301 = arith.constant 0 : i32
        %dma_wait3A_302 = arith.constant 0 : i32
        %dma_wait3A_303 = arith.constant 0 : i32
        %dma_wait3A_304 = tpu.memref_slice %arg4[%dma_wait3A_290, %dma_wait3A_301, %dma_wait3A_302, %dma_wait3A_303] : memref<200x8x256x128xf32, #tpu.memory_space<hbm>> -> memref<1x8x16x128xf32, #tpu.memory_space<hbm>>
        %dma_wait3A_305 = tpu.memref_squeeze %dma_wait3A_304 : memref<1x8x16x128xf32, #tpu.memory_space<hbm>> -> memref<8x16x128xf32, #tpu.memory_space<hbm>>
        %dma_wait3A_306 = arith.constant 0 : i32
        %dma_wait3A_307 = arith.constant 0 : i32
        %dma_wait3A_308 = arith.constant 0 : i32
        %dma_wait3A_309 = tpu.memref_slice %arg7[%dma_wait3A_289, %dma_wait3A_306, %dma_wait3A_307, %dma_wait3A_308] : memref<2x8x16x133xf32, #tpu.memory_space<vmem>> -> memref<1x8x16x128xf32, #tpu.memory_space<vmem>>
        %dma_wait3A_310 = tpu.memref_squeeze %dma_wait3A_309 : memref<1x8x16x128xf32, #tpu.memory_space<vmem>> -> memref<8x16x128xf32, #tpu.memory_space<vmem>>
        tpu.wait_dma2 semaphore(%arg10 : memref<!tpu.dma_semaphore, #tpu.memory_space<semaphore_mem>>) src(%dma_wait3A_310 : memref<8x16x128xf32, #tpu.memory_space<vmem>>) dst(%dma_wait3A_305 : memref<8x16x128xf32, #tpu.memory_space<hbm>>)
      } else {
      }
      %parallel_loop3A = arith.constant 0 : i32
      %parallel_loop3A_184 = arith.constant 128 : i32
      %parallel_loop3A_185 = arith.constant 1 : i32
      scf.for %parallel_loop3A_289 = %parallel_loop3A to %parallel_loop3A_184 step %parallel_loop3A_185  : i32 {
        %parallel_loop3A_290 = arith.constant 0 : i32
        %parallel_loop3A_291 = arith.addi %parallel_loop3A_290, %parallel_loop3A_289 : i32
        %parallel_loop3A_292 = arith.constant 0 : i32
        %parallel_loop3A_293 = vector.broadcast %parallel_loop3A_292 : i32 to vector<16xi32>
        %parallel_loop3A_294 = vector.broadcast %parallel_loop3A_289 : i32 to vector<16xi32>
        %parallel_loop3A_295 = arith.addi %parallel_loop3A_293, %parallel_loop3A_294 : vector<16xi32>
        %parallel_loop3A_296 = arith.constant 0 : i32
        %parallel_loop3A_297 = arith.index_cast %parallel_loop3A_296 : i32 to index
        %parallel_loop3A_298 = arith.index_cast %parallel_loop3A_291 : i32 to index
        %parallel_loop3A_299 = arith.constant 0 : index
        %parallel_loop3A_300 = tpu.vector_load %arg6[%parallel_loop3A_297, %parallel_loop3A_298, %parallel_loop3A_299] {strides = array<i32>} : memref<2x256x64xf32, #tpu.memory_space<vmem>>, vector<16xf32>,
        %parallel_loop3A_301 = arith.constant 1.250000e-01 : f32
        %parallel_loop3A_302 = vector.broadcast %parallel_loop3A_301 : f32 to vector<16xf32>
        %parallel_loop3A_303 = arith.mulf %parallel_loop3A_300, %parallel_loop3A_302 : vector<16xf32>
        %parallel_loop3A_304 = arith.constant 0 : i32
        %parallel_loop3A_305 = arith.constant 0 : i32
        %parallel_loop3A_306 = arith.constant 0 : i32
        %parallel_loop3A_307 = arith.constant 0 : i32
        %parallel_loop3A_308 = tpu.memref_slice %arg7[%parallel_loop3A_304, %parallel_loop3A_305, %parallel_loop3A_306, %parallel_loop3A_307] : memref<2x8x16x133xf32, #tpu.memory_space<vmem>> -> memref<1x8x16x133xf32, #tpu.memory_space<vmem>>
        %parallel_loop3A_309 = tpu.memref_squeeze %parallel_loop3A_308 : memref<1x8x16x133xf32, #tpu.memory_space<vmem>> -> memref<8x16x133xf32, #tpu.memory_space<vmem>>
        tpu.vector_store_idx %parallel_loop3A_309[%add3A_11, %add3A_23, %parallel_loop3A_295], %parallel_loop3A_303 : memref<8x16x133xf32, #tpu.memory_space<vmem>>[vector<16xi32>, vector<16xi32>, vector<16xi32>], vector<16xf32>,
        %parallel_loop3A_310 = arith.constant 0 : i32
        %parallel_loop3A_311 = arith.index_cast %parallel_loop3A_310 : i32 to index
        %parallel_loop3A_312 = arith.index_cast %parallel_loop3A_291 : i32 to index
        %parallel_loop3A_313 = arith.constant 16 : index
        %parallel_loop3A_314 = tpu.vector_load %arg6[%parallel_loop3A_311, %parallel_loop3A_312, %parallel_loop3A_313] {strides = array<i32>} : memref<2x256x64xf32, #tpu.memory_space<vmem>>, vector<16xf32>,
        %parallel_loop3A_315 = arith.constant 1.250000e-01 : f32
        %parallel_loop3A_316 = vector.broadcast %parallel_loop3A_315 : f32 to vector<16xf32>
        %parallel_loop3A_317 = arith.mulf %parallel_loop3A_314, %parallel_loop3A_316 : vector<16xf32>
        %parallel_loop3A_318 = arith.constant 0 : i32
        %parallel_loop3A_319 = arith.constant 0 : i32
        %parallel_loop3A_320 = arith.constant 0 : i32
        %parallel_loop3A_321 = arith.constant 0 : i32
        %parallel_loop3A_322 = tpu.memref_slice %arg7[%parallel_loop3A_318, %parallel_loop3A_319, %parallel_loop3A_320, %parallel_loop3A_321] : memref<2x8x16x133xf32, #tpu.memory_space<vmem>> -> memref<1x8x16x133xf32, #tpu.memory_space<vmem>>
        %parallel_loop3A_323 = tpu.memref_squeeze %parallel_loop3A_322 : memref<1x8x16x133xf32, #tpu.memory_space<vmem>> -> memref<8x16x133xf32, #tpu.memory_space<vmem>>
        tpu.vector_store_idx %parallel_loop3A_323[%add3A_14, %add3A_23, %parallel_loop3A_295], %parallel_loop3A_317 : memref<8x16x133xf32, #tpu.memory_space<vmem>>[vector<16xi32>, vector<16xi32>, vector<16xi32>], vector<16xf32>,
        %parallel_loop3A_324 = arith.constant 0 : i32
        %parallel_loop3A_325 = arith.index_cast %parallel_loop3A_324 : i32 to index
        %parallel_loop3A_326 = arith.index_cast %parallel_loop3A_291 : i32 to index
        %parallel_loop3A_327 = arith.constant 32 : index
        %parallel_loop3A_328 = tpu.vector_load %arg6[%parallel_loop3A_325, %parallel_loop3A_326, %parallel_loop3A_327] {strides = array<i32>} : memref<2x256x64xf32, #tpu.memory_space<vmem>>, vector<16xf32>,
        %parallel_loop3A_329 = arith.constant 1.250000e-01 : f32
        %parallel_loop3A_330 = vector.broadcast %parallel_loop3A_329 : f32 to vector<16xf32>
        %parallel_loop3A_331 = arith.mulf %parallel_loop3A_328, %parallel_loop3A_330 : vector<16xf32>
        %parallel_loop3A_332 = arith.constant 0 : i32
        %parallel_loop3A_333 = arith.constant 0 : i32
        %parallel_loop3A_334 = arith.constant 0 : i32
        %parallel_loop3A_335 = arith.constant 0 : i32
        %parallel_loop3A_336 = tpu.memref_slice %arg7[%parallel_loop3A_332, %parallel_loop3A_333, %parallel_loop3A_334, %parallel_loop3A_335] : memref<2x8x16x133xf32, #tpu.memory_space<vmem>> -> memref<1x8x16x133xf32, #tpu.memory_space<vmem>>
        %parallel_loop3A_337 = tpu.memref_squeeze %parallel_loop3A_336 : memref<1x8x16x133xf32, #tpu.memory_space<vmem>> -> memref<8x16x133xf32, #tpu.memory_space<vmem>>
        tpu.vector_store_idx %parallel_loop3A_337[%add3A_17, %add3A_23, %parallel_loop3A_295], %parallel_loop3A_331 : memref<8x16x133xf32, #tpu.memory_space<vmem>>[vector<16xi32>, vector<16xi32>, vector<16xi32>], vector<16xf32>,
        %parallel_loop3A_338 = arith.constant 0 : i32
        %parallel_loop3A_339 = arith.index_cast %parallel_loop3A_338 : i32 to index
        %parallel_loop3A_340 = arith.index_cast %parallel_loop3A_291 : i32 to index
        %parallel_loop3A_341 = arith.constant 48 : index
        %parallel_loop3A_342 = tpu.vector_load %arg6[%parallel_loop3A_339, %parallel_loop3A_340, %parallel_loop3A_341] {strides = array<i32>} : memref<2x256x64xf32, #tpu.memory_space<vmem>>, vector<16xf32>,
        %parallel_loop3A_343 = arith.constant 1.250000e-01 : f32
        %parallel_loop3A_344 = vector.broadcast %parallel_loop3A_343 : f32 to vector<16xf32>
        %parallel_loop3A_345 = arith.mulf %parallel_loop3A_342, %parallel_loop3A_344 : vector<16xf32>
        %parallel_loop3A_346 = arith.constant 0 : i32
        %parallel_loop3A_347 = arith.constant 0 : i32
        %parallel_loop3A_348 = arith.constant 0 : i32
        %parallel_loop3A_349 = arith.constant 0 : i32
        %parallel_loop3A_350 = tpu.memref_slice %arg7[%parallel_loop3A_346, %parallel_loop3A_347, %parallel_loop3A_348, %parallel_loop3A_349] : memref<2x8x16x133xf32, #tpu.memory_space<vmem>> -> memref<1x8x16x133xf32, #tpu.memory_space<vmem>>
        %parallel_loop3A_351 = tpu.memref_squeeze %parallel_loop3A_350 : memref<1x8x16x133xf32, #tpu.memory_space<vmem>> -> memref<8x16x133xf32, #tpu.memory_space<vmem>>
        tpu.vector_store_idx %parallel_loop3A_351[%add3A_20, %add3A_23, %parallel_loop3A_295], %parallel_loop3A_345 : memref<8x16x133xf32, #tpu.memory_space<vmem>>[vector<16xi32>, vector<16xi32>, vector<16xi32>], vector<16xf32>,
      } {sc.loop_unroll_factor = 16 : i64, sc.parallel_access}
      %parallel_loop3A_186 = arith.constant 0 : i32
      %parallel_loop3A_187 = arith.constant 128 : i32
      %parallel_loop3A_188 = arith.constant 1 : i32
      scf.for %parallel_loop3A_289 = %parallel_loop3A_186 to %parallel_loop3A_187 step %parallel_loop3A_188  : i32 {
        %parallel_loop3A_290 = arith.constant 128 : i32
        %parallel_loop3A_291 = arith.addi %parallel_loop3A_290, %parallel_loop3A_289 : i32
        %parallel_loop3A_292 = arith.constant 0 : i32
        %parallel_loop3A_293 = vector.broadcast %parallel_loop3A_292 : i32 to vector<16xi32>
        %parallel_loop3A_294 = vector.broadcast %parallel_loop3A_289 : i32 to vector<16xi32>
        %parallel_loop3A_295 = arith.addi %parallel_loop3A_293, %parallel_loop3A_294 : vector<16xi32>
        %parallel_loop3A_296 = arith.constant 0 : i32
        %parallel_loop3A_297 = arith.index_cast %parallel_loop3A_296 : i32 to index
        %parallel_loop3A_298 = arith.index_cast %parallel_loop3A_291 : i32 to index
        %parallel_loop3A_299 = arith.constant 0 : index
        %parallel_loop3A_300 = tpu.vector_load %arg6[%parallel_loop3A_297, %parallel_loop3A_298, %parallel_loop3A_299] {strides = array<i32>} : memref<2x256x64xf32, #tpu.memory_space<vmem>>, vector<16xf32>,
        %parallel_loop3A_301 = arith.constant 1.250000e-01 : f32
        %parallel_loop3A_302 = vector.broadcast %parallel_loop3A_301 : f32 to vector<16xf32>
        %parallel_loop3A_303 = arith.mulf %parallel_loop3A_300, %parallel_loop3A_302 : vector<16xf32>
        %parallel_loop3A_304 = arith.constant 0 : i32
        %parallel_loop3A_305 = arith.constant 0 : i32
        %parallel_loop3A_306 = arith.constant 0 : i32
        %parallel_loop3A_307 = arith.constant 0 : i32
        %parallel_loop3A_308 = tpu.memref_slice %arg7[%parallel_loop3A_304, %parallel_loop3A_305, %parallel_loop3A_306, %parallel_loop3A_307] : memref<2x8x16x133xf32, #tpu.memory_space<vmem>> -> memref<1x8x16x133xf32, #tpu.memory_space<vmem>>
        %parallel_loop3A_309 = tpu.memref_squeeze %parallel_loop3A_308 : memref<1x8x16x133xf32, #tpu.memory_space<vmem>> -> memref<8x16x133xf32, #tpu.memory_space<vmem>>
        tpu.vector_store_idx %parallel_loop3A_309[%add3A_11, %add3A_26, %parallel_loop3A_295], %parallel_loop3A_303 : memref<8x16x133xf32, #tpu.memory_space<vmem>>[vector<16xi32>, vector<16xi32>, vector<16xi32>], vector<16xf32>,
        %parallel_loop3A_310 = arith.constant 0 : i32
        %parallel_loop3A_311 = arith.index_cast %parallel_loop3A_310 : i32 to index
        %parallel_loop3A_312 = arith.index_cast %parallel_loop3A_291 : i32 to index
        %parallel_loop3A_313 = arith.constant 16 : index
        %parallel_loop3A_314 = tpu.vector_load %arg6[%parallel_loop3A_311, %parallel_loop3A_312, %parallel_loop3A_313] {strides = array<i32>} : memref<2x256x64xf32, #tpu.memory_space<vmem>>, vector<16xf32>,
        %parallel_loop3A_315 = arith.constant 1.250000e-01 : f32
        %parallel_loop3A_316 = vector.broadcast %parallel_loop3A_315 : f32 to vector<16xf32>
        %parallel_loop3A_317 = arith.mulf %parallel_loop3A_314, %parallel_loop3A_316 : vector<16xf32>
        %parallel_loop3A_318 = arith.constant 0 : i32
        %parallel_loop3A_319 = arith.constant 0 : i32
        %parallel_loop3A_320 = arith.constant 0 : i32
        %parallel_loop3A_321 = arith.constant 0 : i32
        %parallel_loop3A_322 = tpu.memref_slice %arg7[%parallel_loop3A_318, %parallel_loop3A_319, %parallel_loop3A_320, %parallel_loop3A_321] : memref<2x8x16x133xf32, #tpu.memory_space<vmem>> -> memref<1x8x16x133xf32, #tpu.memory_space<vmem>>
        %parallel_loop3A_323 = tpu.memref_squeeze %parallel_loop3A_322 : memref<1x8x16x133xf32, #tpu.memory_space<vmem>> -> memref<8x16x133xf32, #tpu.memory_space<vmem>>
        tpu.vector_store_idx %parallel_loop3A_323[%add3A_14, %add3A_26, %parallel_loop3A_295], %parallel_loop3A_317 : memref<8x16x133xf32, #tpu.memory_space<vmem>>[vector<16xi32>, vector<16xi32>, vector<16xi32>], vector<16xf32>,
        %parallel_loop3A_324 = arith.constant 0 : i32
        %parallel_loop3A_325 = arith.index_cast %parallel_loop3A_324 : i32 to index
        %parallel_loop3A_326 = arith.index_cast %parallel_loop3A_291 : i32 to index
        %parallel_loop3A_327 = arith.constant 32 : index
        %parallel_loop3A_328 = tpu.vector_load %arg6[%parallel_loop3A_325, %parallel_loop3A_326, %parallel_loop3A_327] {strides = array<i32>} : memref<2x256x64xf32, #tpu.memory_space<vmem>>, vector<16xf32>,
        %parallel_loop3A_329 = arith.constant 1.250000e-01 : f32
        %parallel_loop3A_330 = vector.broadcast %parallel_loop3A_329 : f32 to vector<16xf32>
        %parallel_loop3A_331 = arith.mulf %parallel_loop3A_328, %parallel_loop3A_330 : vector<16xf32>
        %parallel_loop3A_332 = arith.constant 0 : i32
        %parallel_loop3A_333 = arith.constant 0 : i32
        %parallel_loop3A_334 = arith.constant 0 : i32
        %parallel_loop3A_335 = arith.constant 0 : i32
        %parallel_loop3A_336 = tpu.memref_slice %arg7[%parallel_loop3A_332, %parallel_loop3A_333, %parallel_loop3A_334, %parallel_loop3A_335] : memref<2x8x16x133xf32, #tpu.memory_space<vmem>> -> memref<1x8x16x133xf32, #tpu.memory_space<vmem>>
        %parallel_loop3A_337 = tpu.memref_squeeze %parallel_loop3A_336 : memref<1x8x16x133xf32, #tpu.memory_space<vmem>> -> memref<8x16x133xf32, #tpu.memory_space<vmem>>
        tpu.vector_store_idx %parallel_loop3A_337[%add3A_17, %add3A_26, %parallel_loop3A_295], %parallel_loop3A_331 : memref<8x16x133xf32, #tpu.memory_space<vmem>>[vector<16xi32>, vector<16xi32>, vector<16xi32>], vector<16xf32>,
        %parallel_loop3A_338 = arith.constant 0 : i32
        %parallel_loop3A_339 = arith.index_cast %parallel_loop3A_338 : i32 to index
        %parallel_loop3A_340 = arith.index_cast %parallel_loop3A_291 : i32 to index
        %parallel_loop3A_341 = arith.constant 48 : index
        %parallel_loop3A_342 = tpu.vector_load %arg6[%parallel_loop3A_339, %parallel_loop3A_340, %parallel_loop3A_341] {strides = array<i32>} : memref<2x256x64xf32, #tpu.memory_space<vmem>>, vector<16xf32>,
        %parallel_loop3A_343 = arith.constant 1.250000e-01 : f32
        %parallel_loop3A_344 = vector.broadcast %parallel_loop3A_343 : f32 to vector<16xf32>
        %parallel_loop3A_345 = arith.mulf %parallel_loop3A_342, %parallel_loop3A_344 : vector<16xf32>
        %parallel_loop3A_346 = arith.constant 0 : i32
        %parallel_loop3A_347 = arith.constant 0 : i32
        %parallel_loop3A_348 = arith.constant 0 : i32
        %parallel_loop3A_349 = arith.constant 0 : i32
        %parallel_loop3A_350 = tpu.memref_slice %arg7[%parallel_loop3A_346, %parallel_loop3A_347, %parallel_loop3A_348, %parallel_loop3A_349] : memref<2x8x16x133xf32, #tpu.memory_space<vmem>> -> memref<1x8x16x133xf32, #tpu.memory_space<vmem>>
        %parallel_loop3A_351 = tpu.memref_squeeze %parallel_loop3A_350 : memref<1x8x16x133xf32, #tpu.memory_space<vmem>> -> memref<8x16x133xf32, #tpu.memory_space<vmem>>
        tpu.vector_store_idx %parallel_loop3A_351[%add3A_20, %add3A_26, %parallel_loop3A_295], %parallel_loop3A_345 : memref<8x16x133xf32, #tpu.memory_space<vmem>>[vector<16xi32>, vector<16xi32>, vector<16xi32>], vector<16xf32>,
      } {sc.loop_unroll_factor = 16 : i64, sc.parallel_access}
      %mul3A_189 = arith.constant 2 : i32
      %mul3A_190 = arith.muli %add3A_153, %mul3A_189 : i32
      %add3A_191 = arith.addi %mul3A_4, %mul3A_190 : i32
      %shift_right_logical3A_192 = arith.constant 5 : i32
      %shift_right_logical3A_193 = arith.shrui %add3A_191, %shift_right_logical3A_192 : i32
      %and3A_194 = arith.constant 31 : i32
      %and3A_195 = arith.andi %add3A_191, %and3A_194 : i32
      %mul3A_196 = arith.constant 8 : i32
      %mul3A_197 = arith.muli %and3A_195, %mul3A_196 : i32
      %dma_start3A_198 = arith.constant 0 : i32
      %dma_start3A_199 = arith.constant 0 : i32
      %dma_start3A_200 = arith.constant 0 : i32
      %dma_start3A_201 = arith.constant 0 : i32
      %dma_start3A_202 = tpu.memref_slice %arg7[%dma_start3A_198, %dma_start3A_199, %dma_start3A_200, %dma_start3A_201] : memref<2x8x16x133xf32, #tpu.memory_space<vmem>> -> memref<1x8x16x128xf32, #tpu.memory_space<vmem>>
      %dma_start3A_203 = tpu.memref_squeeze %dma_start3A_202 : memref<1x8x16x128xf32, #tpu.memory_space<vmem>> -> memref<8x16x128xf32, #tpu.memory_space<vmem>>
      %dma_start3A_204 = arith.constant 0 : i32
      %dma_start3A_205 = arith.constant 0 : i32
      %dma_start3A_206 = tpu.memref_slice %arg4[%shift_right_logical3A_193, %dma_start3A_204, %mul3A_197, %dma_start3A_205] : memref<200x8x256x128xf32, #tpu.memory_space<hbm>> -> memref<1x8x16x128xf32, #tpu.memory_space<hbm>>
      %dma_start3A_207 = tpu.memref_squeeze %dma_start3A_206 : memref<1x8x16x128xf32, #tpu.memory_space<hbm>> -> memref<8x16x128xf32, #tpu.memory_space<hbm>>
      %dma_start3A_208 = arith.constant 0 : i32
      %dma_start3A_209 = arith.constant 0 : i32
      %dma_start3A_210 = tpu.memref_slice %arg4[%shift_right_logical3A_193, %dma_start3A_208, %mul3A_197, %dma_start3A_209] : memref<200x8x256x128xf32, #tpu.memory_space<hbm>> -> memref<1x8x16x128xf32, #tpu.memory_space<hbm>>
      %dma_start3A_211 = tpu.memref_squeeze %dma_start3A_210 : memref<1x8x16x128xf32, #tpu.memory_space<hbm>> -> memref<8x16x128xf32, #tpu.memory_space<hbm>>
      %dma_start3A_212 = arith.constant 0 : i32
      %dma_start3A_213 = arith.constant 0 : i32
      %dma_start3A_214 = arith.constant 0 : i32
      %dma_start3A_215 = tpu.memref_slice %arg7[%dma_start3A_198, %dma_start3A_212, %dma_start3A_213, %dma_start3A_214] : memref<2x8x16x133xf32, #tpu.memory_space<vmem>> -> memref<1x8x16x128xf32, #tpu.memory_space<vmem>>
      %dma_start3A_216 = tpu.memref_squeeze %dma_start3A_215 : memref<1x8x16x128xf32, #tpu.memory_space<vmem>> -> memref<8x16x128xf32, #tpu.memory_space<vmem>>
      tpu.enqueue_dma source(%dma_start3A_216 : memref<8x16x128xf32, #tpu.memory_space<vmem>>) target(%dma_start3A_211 : memref<8x16x128xf32, #tpu.memory_space<hbm>>) target_semaphore(%arg10 : memref<!tpu.dma_semaphore, #tpu.memory_space<semaphore_mem>>)
      %mul3A_217 = arith.constant 2 : i32
      %mul3A_218 = arith.muli %mul3A_217, %scan3A_149 : i32
      %add3A_219 = arith.constant 1 : i32
      %add3A_220 = arith.addi %mul3A_218, %add3A_219 : i32
      %add3A_221 = arith.constant 1 : i32
      %add3A_222 = arith.addi %add3A_220, %add3A_221 : i32
      %lt3A_223 = arith.constant 100 : i32
      %lt3A_224 = arith.cmpi slt, %add3A_222, %lt3A_223 : i32
      %convert_element_type3A_225 = arith.extui %lt3A_224 : i1 to i32
      %cond3A_226 = arith.constant 0 : i32
      %cond3A_227 = arith.cmpi ne, %convert_element_type3A_225, %cond3A_226 : i32
      scf.if %cond3A_227 {
        %dma_wait3A_289 = arith.constant 0 : i32
        %dma_wait3A_290 = arith.constant 0 : i32
        %dma_wait3A_291 = tpu.memref_slice %arg5[%dma_wait3A_289, %dma_wait3A_290] : memref<2x256xi32, #tpu.memory_space<vmem>> -> memref<1x256xi32, #tpu.memory_space<vmem>>
        %dma_wait3A_292 = tpu.memref_squeeze %dma_wait3A_291 : memref<1x256xi32, #tpu.memory_space<vmem>> -> memref<256xi32, #tpu.memory_space<vmem>>
        %dma_wait3A_293 = arith.constant 0 : i32
        %dma_wait3A_294 = tpu.memref_slice %arg2[%dma_wait3A_293] : memref<819200xi32, #tpu.memory_space<hbm>> -> memref<256xi32, #tpu.memory_space<hbm>>
        %dma_wait3A_295 = arith.constant 0 : i32
        %dma_wait3A_296 = tpu.memref_slice %arg5[%dma_wait3A_289, %dma_wait3A_295] : memref<2x256xi32, #tpu.memory_space<vmem>> -> memref<1x256xi32, #tpu.memory_space<vmem>>
        %dma_wait3A_297 = tpu.memref_squeeze %dma_wait3A_296 : memref<1x256xi32, #tpu.memory_space<vmem>> -> memref<256xi32, #tpu.memory_space<vmem>>
        %dma_wait3A_298 = arith.constant 0 : i32
        %dma_wait3A_299 = tpu.memref_slice %arg2[%dma_wait3A_298] : memref<819200xi32, #tpu.memory_space<hbm>> -> memref<256xi32, #tpu.memory_space<hbm>>
        tpu.wait_dma2 semaphore(%arg12 : memref<!tpu.dma_semaphore, #tpu.memory_space<semaphore_mem>>) src(%dma_wait3A_299 : memref<256xi32, #tpu.memory_space<hbm>>) dst(%dma_wait3A_297 : memref<256xi32, #tpu.memory_space<vmem>>)
        %dma_start3A_300 = arith.constant 0 : i32
        %dma_start3A_301 = arith.constant 0 : i32
        %dma_start3A_302 = arith.constant 0 : i32
        %dma_start3A_303 = arith.constant 0 : i32
        %dma_start3A_304 = tpu.memref_slice %arg6[%dma_start3A_301, %dma_start3A_302, %dma_start3A_303] : memref<2x256x64xf32, #tpu.memory_space<vmem>> -> memref<1x128x64xf32, #tpu.memory_space<vmem>>
        %dma_start3A_305 = tpu.memref_squeeze %dma_start3A_304 : memref<1x128x64xf32, #tpu.memory_space<vmem>> -> memref<128x64xf32, #tpu.memory_space<vmem>>
        %dma_start3A_306 = arith.constant 0 : i32
        %dma_start3A_307 = tpu.memref_slice %arg5[%dma_start3A_300, %dma_start3A_306] : memref<2x256xi32, #tpu.memory_space<vmem>> -> memref<1x128xi32, #tpu.memory_space<vmem>>
        %dma_start3A_308 = tpu.memref_squeeze %dma_start3A_307 : memref<1x128xi32, #tpu.memory_space<vmem>> -> memref<128xi32, #tpu.memory_space<vmem>>
        %dma_start3A_309 = arith.constant 0 : i32
        %dma_start3A_310 = arith.constant 0 : i32
        %dma_start3A_311 = tpu.memref_slice %arg3[%dma_start3A_309, %dma_start3A_310] : memref<1000000x64xf32, #tpu.memory_space<hbm>> -> memref<1000000x64xf32, #tpu.memory_space<hbm>>
        tpu.enqueue_indirect_dma source(%dma_start3A_311 : memref<1000000x64xf32, #tpu.memory_space<hbm>>) target(%dma_start3A_305 : memref<128x64xf32, #tpu.memory_space<vmem>>) offsets(%dma_start3A_308 : memref<128xi32, #tpu.memory_space<vmem>>) semaphore(%arg8 : memref<!tpu.dma_semaphore, #tpu.memory_space<semaphore_mem>>)
        %dma_start3A_312 = arith.constant 0 : i32
        %dma_start3A_313 = arith.constant 0 : i32
        %dma_start3A_314 = arith.constant 128 : i32
        %dma_start3A_315 = arith.constant 0 : i32
        %dma_start3A_316 = tpu.memref_slice %arg6[%dma_start3A_313, %dma_start3A_314, %dma_start3A_315] : memref<2x256x64xf32, #tpu.memory_space<vmem>> -> memref<1x128x64xf32, #tpu.memory_space<vmem>>
        %dma_start3A_317 = tpu.memref_squeeze %dma_start3A_316 : memref<1x128x64xf32, #tpu.memory_space<vmem>> -> memref<128x64xf32, #tpu.memory_space<vmem>>
        %dma_start3A_318 = arith.constant 128 : i32
        %dma_start3A_319 = tpu.memref_slice %arg5[%dma_start3A_312, %dma_start3A_318] : memref<2x256xi32, #tpu.memory_space<vmem>> -> memref<1x128xi32, #tpu.memory_space<vmem>>
        %dma_start3A_320 = tpu.memref_squeeze %dma_start3A_319 : memref<1x128xi32, #tpu.memory_space<vmem>> -> memref<128xi32, #tpu.memory_space<vmem>>
        %dma_start3A_321 = arith.constant 0 : i32
        %dma_start3A_322 = arith.constant 0 : i32
        %dma_start3A_323 = tpu.memref_slice %arg3[%dma_start3A_321, %dma_start3A_322] : memref<1000000x64xf32, #tpu.memory_space<hbm>> -> memref<1000000x64xf32, #tpu.memory_space<hbm>>
        tpu.enqueue_indirect_dma source(%dma_start3A_323 : memref<1000000x64xf32, #tpu.memory_space<hbm>>) target(%dma_start3A_317 : memref<128x64xf32, #tpu.memory_space<vmem>>) offsets(%dma_start3A_320 : memref<128xi32, #tpu.memory_space<vmem>>) semaphore(%arg8 : memref<!tpu.dma_semaphore, #tpu.memory_space<semaphore_mem>>)
      } else {
      }
      %dma_wait3A_228 = arith.constant 1 : i32
      %dma_wait3A_229 = arith.constant 0 : i32
      %dma_wait3A_230 = arith.constant 0 : i32
      %dma_wait3A_231 = tpu.memref_slice %arg6[%dma_wait3A_228, %dma_wait3A_229, %dma_wait3A_230] : memref<2x256x64xf32, #tpu.memory_space<vmem>> -> memref<1x256x64xf32, #tpu.memory_space<vmem>>
      %dma_wait3A_232 = tpu.memref_squeeze %dma_wait3A_231 : memref<1x256x64xf32, #tpu.memory_space<vmem>> -> memref<256x64xf32, #tpu.memory_space<vmem>>
      %dma_wait3A_233 = arith.constant 0 : i32
      %dma_wait3A_234 = arith.constant 0 : i32
      %dma_wait3A_235 = tpu.memref_slice %arg3[%dma_wait3A_233, %dma_wait3A_234] : memref<1000000x64xf32, #tpu.memory_space<hbm>> -> memref<256x64xf32, #tpu.memory_space<hbm>>
      %dma_wait3A_236 = arith.constant 0 : i32
      %dma_wait3A_237 = arith.constant 0 : i32
      %dma_wait3A_238 = tpu.memref_slice %arg6[%dma_wait3A_228, %dma_wait3A_236, %dma_wait3A_237] : memref<2x256x64xf32, #tpu.memory_space<vmem>> -> memref<1x256x64xf32, #tpu.memory_space<vmem>>
      %dma_wait3A_239 = tpu.memref_squeeze %dma_wait3A_238 : memref<1x256x64xf32, #tpu.memory_space<vmem>> -> memref<256x64xf32, #tpu.memory_space<vmem>>
      %dma_wait3A_240 = arith.constant 0 : i32
      %dma_wait3A_241 = arith.constant 0 : i32
      %dma_wait3A_242 = tpu.memref_slice %arg3[%dma_wait3A_240, %dma_wait3A_241] : memref<1000000x64xf32, #tpu.memory_space<hbm>> -> memref<256x64xf32, #tpu.memory_space<hbm>>
      tpu.wait_dma2 semaphore(%arg9 : memref<!tpu.dma_semaphore, #tpu.memory_space<semaphore_mem>>) src(%dma_wait3A_242 : memref<256x64xf32, #tpu.memory_space<hbm>>) dst(%dma_wait3A_239 : memref<256x64xf32, #tpu.memory_space<vmem>>)
      %add3A_243 = arith.constant 2 : i32
      %add3A_244 = arith.addi %add3A_220, %add3A_243 : i32
      %lt3A_245 = arith.constant 100 : i32
      %lt3A_246 = arith.cmpi slt, %add3A_244, %lt3A_245 : i32
      %convert_element_type3A_247 = arith.extui %lt3A_246 : i1 to i32
      %cond3A_248 = arith.constant 0 : i32
      %cond3A_249 = arith.cmpi ne, %convert_element_type3A_247, %cond3A_248 : i32
      scf.if %cond3A_249 {
        %add3A_289 = arith.constant 2 : i32
        %add3A_290 = arith.addi %add3A_220, %add3A_289 : i32
        %mul3A_291 = arith.constant 2 : i32
        %mul3A_292 = arith.muli %add3A_290, %mul3A_291 : i32
        %add3A_293 = arith.addi %mul3A_4, %mul3A_292 : i32
        %shift_right_logical3A_294 = arith.constant 5 : i32
        %shift_right_logical3A_295 = arith.shrui %add3A_293, %shift_right_logical3A_294 : i32
        %and3A_296 = arith.constant 31 : i32
        %and3A_297 = arith.andi %add3A_293, %and3A_296 : i32
        %mul3A_298 = arith.constant 4096 : i32
        %mul3A_299 = arith.muli %shift_right_logical3A_295, %mul3A_298 : i32
        %mul3A_300 = arith.constant 128 : i32
        %mul3A_301 = arith.muli %and3A_297, %mul3A_300 : i32
        %add3A_302 = arith.addi %mul3A_299, %mul3A_301 : i32
        %dma_start3A_303 = arith.constant 1 : i32
        %dma_start3A_304 = arith.constant 0 : i32
        %dma_start3A_305 = tpu.memref_slice %arg5[%dma_start3A_303, %dma_start3A_304] : memref<2x256xi32, #tpu.memory_space<vmem>> -> memref<1x256xi32, #tpu.memory_space<vmem>>
        %dma_start3A_306 = tpu.memref_squeeze %dma_start3A_305 : memref<1x256xi32, #tpu.memory_space<vmem>> -> memref<256xi32, #tpu.memory_space<vmem>>
        %dma_start3A_307 = tpu.memref_slice %arg2[%add3A_302] : memref<819200xi32, #tpu.memory_space<hbm>> -> memref<256xi32, #tpu.memory_space<hbm>>
        %dma_start3A_308 = arith.constant 0 : i32
        %dma_start3A_309 = tpu.memref_slice %arg5[%dma_start3A_303, %dma_start3A_308] : memref<2x256xi32, #tpu.memory_space<vmem>> -> memref<1x256xi32, #tpu.memory_space<vmem>>
        %dma_start3A_310 = tpu.memref_squeeze %dma_start3A_309 : memref<1x256xi32, #tpu.memory_space<vmem>> -> memref<256xi32, #tpu.memory_space<vmem>>
        %dma_start3A_311 = tpu.memref_slice %arg2[%add3A_302] : memref<819200xi32, #tpu.memory_space<hbm>> -> memref<256xi32, #tpu.memory_space<hbm>>
        tpu.enqueue_dma source(%dma_start3A_311 : memref<256xi32, #tpu.memory_space<hbm>>) target(%dma_start3A_310 : memref<256xi32, #tpu.memory_space<vmem>>) target_semaphore(%arg13 : memref<!tpu.dma_semaphore, #tpu.memory_space<semaphore_mem>>)
      } else {
      }
      %ge3A_250 = arith.constant 2 : i32
      %ge3A_251 = arith.cmpi sge, %add3A_220, %ge3A_250 : i32
      %convert_element_type3A_252 = arith.extui %ge3A_251 : i1 to i32
      %cond3A_253 = arith.constant 0 : i32
      %cond3A_254 = arith.cmpi ne, %convert_element_type3A_252, %cond3A_253 : i32
      scf.if %cond3A_254 {
        %dma_wait3A_289 = arith.constant 1 : i32
        %dma_wait3A_290 = arith.constant 0 : i32
        %dma_wait3A_291 = arith.constant 0 : i32
        %dma_wait3A_292 = arith.constant 0 : i32
        %dma_wait3A_293 = arith.constant 0 : i32
        %dma_wait3A_294 = tpu.memref_slice %arg7[%dma_wait3A_289, %dma_wait3A_291, %dma_wait3A_292, %dma_wait3A_293] : memref<2x8x16x133xf32, #tpu.memory_space<vmem>> -> memref<1x8x16x128xf32, #tpu.memory_space<vmem>>
        %dma_wait3A_295 = tpu.memref_squeeze %dma_wait3A_294 : memref<1x8x16x128xf32, #tpu.memory_space<vmem>> -> memref<8x16x128xf32, #tpu.memory_space<vmem>>
        %dma_wait3A_296 = arith.constant 0 : i32
        %dma_wait3A_297 = arith.constant 0 : i32
        %dma_wait3A_298 = arith.constant 0 : i32
        %dma_wait3A_299 = tpu.memref_slice %arg4[%dma_wait3A_290, %dma_wait3A_296, %dma_wait3A_297, %dma_wait3A_298] : memref<200x8x256x128xf32, #tpu.memory_space<hbm>> -> memref<1x8x16x128xf32, #tpu.memory_space<hbm>>
        %dma_wait3A_300 = tpu.memref_squeeze %dma_wait3A_299 : memref<1x8x16x128xf32, #tpu.memory_space<hbm>> -> memref<8x16x128xf32, #tpu.memory_space<hbm>>
        %dma_wait3A_301 = arith.constant 0 : i32
        %dma_wait3A_302 = arith.constant 0 : i32
        %dma_wait3A_303 = arith.constant 0 : i32
        %dma_wait3A_304 = tpu.memref_slice %arg4[%dma_wait3A_290, %dma_wait3A_301, %dma_wait3A_302, %dma_wait3A_303] : memref<200x8x256x128xf32, #tpu.memory_space<hbm>> -> memref<1x8x16x128xf32, #tpu.memory_space<hbm>>
        %dma_wait3A_305 = tpu.memref_squeeze %dma_wait3A_304 : memref<1x8x16x128xf32, #tpu.memory_space<hbm>> -> memref<8x16x128xf32, #tpu.memory_space<hbm>>
        %dma_wait3A_306 = arith.constant 0 : i32
        %dma_wait3A_307 = arith.constant 0 : i32
        %dma_wait3A_308 = arith.constant 0 : i32
        %dma_wait3A_309 = tpu.memref_slice %arg7[%dma_wait3A_289, %dma_wait3A_306, %dma_wait3A_307, %dma_wait3A_308] : memref<2x8x16x133xf32, #tpu.memory_space<vmem>> -> memref<1x8x16x128xf32, #tpu.memory_space<vmem>>
        %dma_wait3A_310 = tpu.memref_squeeze %dma_wait3A_309 : memref<1x8x16x128xf32, #tpu.memory_space<vmem>> -> memref<8x16x128xf32, #tpu.memory_space<vmem>>
        tpu.wait_dma2 semaphore(%arg11 : memref<!tpu.dma_semaphore, #tpu.memory_space<semaphore_mem>>) src(%dma_wait3A_310 : memref<8x16x128xf32, #tpu.memory_space<vmem>>) dst(%dma_wait3A_305 : memref<8x16x128xf32, #tpu.memory_space<hbm>>)
      } else {
      }
      %parallel_loop3A_255 = arith.constant 0 : i32
      %parallel_loop3A_256 = arith.constant 128 : i32
      %parallel_loop3A_257 = arith.constant 1 : i32
      scf.for %parallel_loop3A_289 = %parallel_loop3A_255 to %parallel_loop3A_256 step %parallel_loop3A_257  : i32 {
        %parallel_loop3A_290 = arith.constant 0 : i32
        %parallel_loop3A_291 = arith.addi %parallel_loop3A_290, %parallel_loop3A_289 : i32
        %parallel_loop3A_292 = arith.constant 0 : i32
        %parallel_loop3A_293 = vector.broadcast %parallel_loop3A_292 : i32 to vector<16xi32>
        %parallel_loop3A_294 = vector.broadcast %parallel_loop3A_289 : i32 to vector<16xi32>
        %parallel_loop3A_295 = arith.addi %parallel_loop3A_293, %parallel_loop3A_294 : vector<16xi32>
        %parallel_loop3A_296 = arith.constant 1 : i32
        %parallel_loop3A_297 = arith.index_cast %parallel_loop3A_296 : i32 to index
        %parallel_loop3A_298 = arith.index_cast %parallel_loop3A_291 : i32 to index
        %parallel_loop3A_299 = arith.constant 0 : index
        %parallel_loop3A_300 = tpu.vector_load %arg6[%parallel_loop3A_297, %parallel_loop3A_298, %parallel_loop3A_299] {strides = array<i32>} : memref<2x256x64xf32, #tpu.memory_space<vmem>>, vector<16xf32>,
        %parallel_loop3A_301 = arith.constant 1.250000e-01 : f32
        %parallel_loop3A_302 = vector.broadcast %parallel_loop3A_301 : f32 to vector<16xf32>
        %parallel_loop3A_303 = arith.mulf %parallel_loop3A_300, %parallel_loop3A_302 : vector<16xf32>
        %parallel_loop3A_304 = arith.constant 1 : i32
        %parallel_loop3A_305 = arith.constant 0 : i32
        %parallel_loop3A_306 = arith.constant 0 : i32
        %parallel_loop3A_307 = arith.constant 0 : i32
        %parallel_loop3A_308 = tpu.memref_slice %arg7[%parallel_loop3A_304, %parallel_loop3A_305, %parallel_loop3A_306, %parallel_loop3A_307] : memref<2x8x16x133xf32, #tpu.memory_space<vmem>> -> memref<1x8x16x133xf32, #tpu.memory_space<vmem>>
        %parallel_loop3A_309 = tpu.memref_squeeze %parallel_loop3A_308 : memref<1x8x16x133xf32, #tpu.memory_space<vmem>> -> memref<8x16x133xf32, #tpu.memory_space<vmem>>
        tpu.vector_store_idx %parallel_loop3A_309[%add3A_11, %add3A_23, %parallel_loop3A_295], %parallel_loop3A_303 : memref<8x16x133xf32, #tpu.memory_space<vmem>>[vector<16xi32>, vector<16xi32>, vector<16xi32>], vector<16xf32>,
        %parallel_loop3A_310 = arith.constant 1 : i32
        %parallel_loop3A_311 = arith.index_cast %parallel_loop3A_310 : i32 to index
        %parallel_loop3A_312 = arith.index_cast %parallel_loop3A_291 : i32 to index
        %parallel_loop3A_313 = arith.constant 16 : index
        %parallel_loop3A_314 = tpu.vector_load %arg6[%parallel_loop3A_311, %parallel_loop3A_312, %parallel_loop3A_313] {strides = array<i32>} : memref<2x256x64xf32, #tpu.memory_space<vmem>>, vector<16xf32>,
        %parallel_loop3A_315 = arith.constant 1.250000e-01 : f32
        %parallel_loop3A_316 = vector.broadcast %parallel_loop3A_315 : f32 to vector<16xf32>
        %parallel_loop3A_317 = arith.mulf %parallel_loop3A_314, %parallel_loop3A_316 : vector<16xf32>
        %parallel_loop3A_318 = arith.constant 1 : i32
        %parallel_loop3A_319 = arith.constant 0 : i32
        %parallel_loop3A_320 = arith.constant 0 : i32
        %parallel_loop3A_321 = arith.constant 0 : i32
        %parallel_loop3A_322 = tpu.memref_slice %arg7[%parallel_loop3A_318, %parallel_loop3A_319, %parallel_loop3A_320, %parallel_loop3A_321] : memref<2x8x16x133xf32, #tpu.memory_space<vmem>> -> memref<1x8x16x133xf32, #tpu.memory_space<vmem>>
        %parallel_loop3A_323 = tpu.memref_squeeze %parallel_loop3A_322 : memref<1x8x16x133xf32, #tpu.memory_space<vmem>> -> memref<8x16x133xf32, #tpu.memory_space<vmem>>
        tpu.vector_store_idx %parallel_loop3A_323[%add3A_14, %add3A_23, %parallel_loop3A_295], %parallel_loop3A_317 : memref<8x16x133xf32, #tpu.memory_space<vmem>>[vector<16xi32>, vector<16xi32>, vector<16xi32>], vector<16xf32>,
        %parallel_loop3A_324 = arith.constant 1 : i32
        %parallel_loop3A_325 = arith.index_cast %parallel_loop3A_324 : i32 to index
        %parallel_loop3A_326 = arith.index_cast %parallel_loop3A_291 : i32 to index
        %parallel_loop3A_327 = arith.constant 32 : index
        %parallel_loop3A_328 = tpu.vector_load %arg6[%parallel_loop3A_325, %parallel_loop3A_326, %parallel_loop3A_327] {strides = array<i32>} : memref<2x256x64xf32, #tpu.memory_space<vmem>>, vector<16xf32>,
        %parallel_loop3A_329 = arith.constant 1.250000e-01 : f32
        %parallel_loop3A_330 = vector.broadcast %parallel_loop3A_329 : f32 to vector<16xf32>
        %parallel_loop3A_331 = arith.mulf %parallel_loop3A_328, %parallel_loop3A_330 : vector<16xf32>
        %parallel_loop3A_332 = arith.constant 1 : i32
        %parallel_loop3A_333 = arith.constant 0 : i32
        %parallel_loop3A_334 = arith.constant 0 : i32
        %parallel_loop3A_335 = arith.constant 0 : i32
        %parallel_loop3A_336 = tpu.memref_slice %arg7[%parallel_loop3A_332, %parallel_loop3A_333, %parallel_loop3A_334, %parallel_loop3A_335] : memref<2x8x16x133xf32, #tpu.memory_space<vmem>> -> memref<1x8x16x133xf32, #tpu.memory_space<vmem>>
        %parallel_loop3A_337 = tpu.memref_squeeze %parallel_loop3A_336 : memref<1x8x16x133xf32, #tpu.memory_space<vmem>> -> memref<8x16x133xf32, #tpu.memory_space<vmem>>
        tpu.vector_store_idx %parallel_loop3A_337[%add3A_17, %add3A_23, %parallel_loop3A_295], %parallel_loop3A_331 : memref<8x16x133xf32, #tpu.memory_space<vmem>>[vector<16xi32>, vector<16xi32>, vector<16xi32>], vector<16xf32>,
        %parallel_loop3A_338 = arith.constant 1 : i32
        %parallel_loop3A_339 = arith.index_cast %parallel_loop3A_338 : i32 to index
        %parallel_loop3A_340 = arith.index_cast %parallel_loop3A_291 : i32 to index
        %parallel_loop3A_341 = arith.constant 48 : index
        %parallel_loop3A_342 = tpu.vector_load %arg6[%parallel_loop3A_339, %parallel_loop3A_340, %parallel_loop3A_341] {strides = array<i32>} : memref<2x256x64xf32, #tpu.memory_space<vmem>>, vector<16xf32>,
        %parallel_loop3A_343 = arith.constant 1.250000e-01 : f32
        %parallel_loop3A_344 = vector.broadcast %parallel_loop3A_343 : f32 to vector<16xf32>
        %parallel_loop3A_345 = arith.mulf %parallel_loop3A_342, %parallel_loop3A_344 : vector<16xf32>
        %parallel_loop3A_346 = arith.constant 1 : i32
        %parallel_loop3A_347 = arith.constant 0 : i32
        %parallel_loop3A_348 = arith.constant 0 : i32
        %parallel_loop3A_349 = arith.constant 0 : i32
        %parallel_loop3A_350 = tpu.memref_slice %arg7[%parallel_loop3A_346, %parallel_loop3A_347, %parallel_loop3A_348, %parallel_loop3A_349] : memref<2x8x16x133xf32, #tpu.memory_space<vmem>> -> memref<1x8x16x133xf32, #tpu.memory_space<vmem>>
        %parallel_loop3A_351 = tpu.memref_squeeze %parallel_loop3A_350 : memref<1x8x16x133xf32, #tpu.memory_space<vmem>> -> memref<8x16x133xf32, #tpu.memory_space<vmem>>
        tpu.vector_store_idx %parallel_loop3A_351[%add3A_20, %add3A_23, %parallel_loop3A_295], %parallel_loop3A_345 : memref<8x16x133xf32, #tpu.memory_space<vmem>>[vector<16xi32>, vector<16xi32>, vector<16xi32>], vector<16xf32>,
      } {sc.loop_unroll_factor = 16 : i64, sc.parallel_access}
      %parallel_loop3A_258 = arith.constant 0 : i32
      %parallel_loop3A_259 = arith.constant 128 : i32
      %parallel_loop3A_260 = arith.constant 1 : i32
      scf.for %parallel_loop3A_289 = %parallel_loop3A_258 to %parallel_loop3A_259 step %parallel_loop3A_260  : i32 {
        %parallel_loop3A_290 = arith.constant 128 : i32
        %parallel_loop3A_291 = arith.addi %parallel_loop3A_290, %parallel_loop3A_289 : i32
        %parallel_loop3A_292 = arith.constant 0 : i32
        %parallel_loop3A_293 = vector.broadcast %parallel_loop3A_292 : i32 to vector<16xi32>
        %parallel_loop3A_294 = vector.broadcast %parallel_loop3A_289 : i32 to vector<16xi32>
        %parallel_loop3A_295 = arith.addi %parallel_loop3A_293, %parallel_loop3A_294 : vector<16xi32>
        %parallel_loop3A_296 = arith.constant 1 : i32
        %parallel_loop3A_297 = arith.index_cast %parallel_loop3A_296 : i32 to index
        %parallel_loop3A_298 = arith.index_cast %parallel_loop3A_291 : i32 to index
        %parallel_loop3A_299 = arith.constant 0 : index
        %parallel_loop3A_300 = tpu.vector_load %arg6[%parallel_loop3A_297, %parallel_loop3A_298, %parallel_loop3A_299] {strides = array<i32>} : memref<2x256x64xf32, #tpu.memory_space<vmem>>, vector<16xf32>,
        %parallel_loop3A_301 = arith.constant 1.250000e-01 : f32
        %parallel_loop3A_302 = vector.broadcast %parallel_loop3A_301 : f32 to vector<16xf32>
        %parallel_loop3A_303 = arith.mulf %parallel_loop3A_300, %parallel_loop3A_302 : vector<16xf32>
        %parallel_loop3A_304 = arith.constant 1 : i32
        %parallel_loop3A_305 = arith.constant 0 : i32
        %parallel_loop3A_306 = arith.constant 0 : i32
        %parallel_loop3A_307 = arith.constant 0 : i32
        %parallel_loop3A_308 = tpu.memref_slice %arg7[%parallel_loop3A_304, %parallel_loop3A_305, %parallel_loop3A_306, %parallel_loop3A_307] : memref<2x8x16x133xf32, #tpu.memory_space<vmem>> -> memref<1x8x16x133xf32, #tpu.memory_space<vmem>>
        %parallel_loop3A_309 = tpu.memref_squeeze %parallel_loop3A_308 : memref<1x8x16x133xf32, #tpu.memory_space<vmem>> -> memref<8x16x133xf32, #tpu.memory_space<vmem>>
        tpu.vector_store_idx %parallel_loop3A_309[%add3A_11, %add3A_26, %parallel_loop3A_295], %parallel_loop3A_303 : memref<8x16x133xf32, #tpu.memory_space<vmem>>[vector<16xi32>, vector<16xi32>, vector<16xi32>], vector<16xf32>,
        %parallel_loop3A_310 = arith.constant 1 : i32
        %parallel_loop3A_311 = arith.index_cast %parallel_loop3A_310 : i32 to index
        %parallel_loop3A_312 = arith.index_cast %parallel_loop3A_291 : i32 to index
        %parallel_loop3A_313 = arith.constant 16 : index
        %parallel_loop3A_314 = tpu.vector_load %arg6[%parallel_loop3A_311, %parallel_loop3A_312, %parallel_loop3A_313] {strides = array<i32>} : memref<2x256x64xf32, #tpu.memory_space<vmem>>, vector<16xf32>,
        %parallel_loop3A_315 = arith.constant 1.250000e-01 : f32
        %parallel_loop3A_316 = vector.broadcast %parallel_loop3A_315 : f32 to vector<16xf32>
        %parallel_loop3A_317 = arith.mulf %parallel_loop3A_314, %parallel_loop3A_316 : vector<16xf32>
        %parallel_loop3A_318 = arith.constant 1 : i32
        %parallel_loop3A_319 = arith.constant 0 : i32
        %parallel_loop3A_320 = arith.constant 0 : i32
        %parallel_loop3A_321 = arith.constant 0 : i32
        %parallel_loop3A_322 = tpu.memref_slice %arg7[%parallel_loop3A_318, %parallel_loop3A_319, %parallel_loop3A_320, %parallel_loop3A_321] : memref<2x8x16x133xf32, #tpu.memory_space<vmem>> -> memref<1x8x16x133xf32, #tpu.memory_space<vmem>>
        %parallel_loop3A_323 = tpu.memref_squeeze %parallel_loop3A_322 : memref<1x8x16x133xf32, #tpu.memory_space<vmem>> -> memref<8x16x133xf32, #tpu.memory_space<vmem>>
        tpu.vector_store_idx %parallel_loop3A_323[%add3A_14, %add3A_26, %parallel_loop3A_295], %parallel_loop3A_317 : memref<8x16x133xf32, #tpu.memory_space<vmem>>[vector<16xi32>, vector<16xi32>, vector<16xi32>], vector<16xf32>,
        %parallel_loop3A_324 = arith.constant 1 : i32
        %parallel_loop3A_325 = arith.index_cast %parallel_loop3A_324 : i32 to index
        %parallel_loop3A_326 = arith.index_cast %parallel_loop3A_291 : i32 to index
        %parallel_loop3A_327 = arith.constant 32 : index
        %parallel_loop3A_328 = tpu.vector_load %arg6[%parallel_loop3A_325, %parallel_loop3A_326, %parallel_loop3A_327] {strides = array<i32>} : memref<2x256x64xf32, #tpu.memory_space<vmem>>, vector<16xf32>,
        %parallel_loop3A_329 = arith.constant 1.250000e-01 : f32
        %parallel_loop3A_330 = vector.broadcast %parallel_loop3A_329 : f32 to vector<16xf32>
        %parallel_loop3A_331 = arith.mulf %parallel_loop3A_328, %parallel_loop3A_330 : vector<16xf32>
        %parallel_loop3A_332 = arith.constant 1 : i32
        %parallel_loop3A_333 = arith.constant 0 : i32
        %parallel_loop3A_334 = arith.constant 0 : i32
        %parallel_loop3A_335 = arith.constant 0 : i32
        %parallel_loop3A_336 = tpu.memref_slice %arg7[%parallel_loop3A_332, %parallel_loop3A_333, %parallel_loop3A_334, %parallel_loop3A_335] : memref<2x8x16x133xf32, #tpu.memory_space<vmem>> -> memref<1x8x16x133xf32, #tpu.memory_space<vmem>>
        %parallel_loop3A_337 = tpu.memref_squeeze %parallel_loop3A_336 : memref<1x8x16x133xf32, #tpu.memory_space<vmem>> -> memref<8x16x133xf32, #tpu.memory_space<vmem>>
        tpu.vector_store_idx %parallel_loop3A_337[%add3A_17, %add3A_26, %parallel_loop3A_295], %parallel_loop3A_331 : memref<8x16x133xf32, #tpu.memory_space<vmem>>[vector<16xi32>, vector<16xi32>, vector<16xi32>], vector<16xf32>,
        %parallel_loop3A_338 = arith.constant 1 : i32
        %parallel_loop3A_339 = arith.index_cast %parallel_loop3A_338 : i32 to index
        %parallel_loop3A_340 = arith.index_cast %parallel_loop3A_291 : i32 to index
        %parallel_loop3A_341 = arith.constant 48 : index
        %parallel_loop3A_342 = tpu.vector_load %arg6[%parallel_loop3A_339, %parallel_loop3A_340, %parallel_loop3A_341] {strides = array<i32>} : memref<2x256x64xf32, #tpu.memory_space<vmem>>, vector<16xf32>,
        %parallel_loop3A_343 = arith.constant 1.250000e-01 : f32
        %parallel_loop3A_344 = vector.broadcast %parallel_loop3A_343 : f32 to vector<16xf32>
        %parallel_loop3A_345 = arith.mulf %parallel_loop3A_342, %parallel_loop3A_344 : vector<16xf32>
        %parallel_loop3A_346 = arith.constant 1 : i32
        %parallel_loop3A_347 = arith.constant 0 : i32
        %parallel_loop3A_348 = arith.constant 0 : i32
        %parallel_loop3A_349 = arith.constant 0 : i32
        %parallel_loop3A_350 = tpu.memref_slice %arg7[%parallel_loop3A_346, %parallel_loop3A_347, %parallel_loop3A_348, %parallel_loop3A_349] : memref<2x8x16x133xf32, #tpu.memory_space<vmem>> -> memref<1x8x16x133xf32, #tpu.memory_space<vmem>>
        %parallel_loop3A_351 = tpu.memref_squeeze %parallel_loop3A_350 : memref<1x8x16x133xf32, #tpu.memory_space<vmem>> -> memref<8x16x133xf32, #tpu.memory_space<vmem>>
        tpu.vector_store_idx %parallel_loop3A_351[%add3A_20, %add3A_26, %parallel_loop3A_295], %parallel_loop3A_345 : memref<8x16x133xf32, #tpu.memory_space<vmem>>[vector<16xi32>, vector<16xi32>, vector<16xi32>], vector<16xf32>,
      } {sc.loop_unroll_factor = 16 : i64, sc.parallel_access}
      %mul3A_261 = arith.constant 2 : i32
      %mul3A_262 = arith.muli %add3A_220, %mul3A_261 : i32
      %add3A_263 = arith.addi %mul3A_4, %mul3A_262 : i32
      %shift_right_logical3A_264 = arith.constant 5 : i32
      %shift_right_logical3A_265 = arith.shrui %add3A_263, %shift_right_logical3A_264 : i32
      %and3A_266 = arith.constant 31 : i32
      %and3A_267 = arith.andi %add3A_263, %and3A_266 : i32
      %mul3A_268 = arith.constant 8 : i32
      %mul3A_269 = arith.muli %and3A_267, %mul3A_268 : i32
      %dma_start3A_270 = arith.constant 1 : i32
      %dma_start3A_271 = arith.constant 0 : i32
      %dma_start3A_272 = arith.constant 0 : i32
      %dma_start3A_273 = arith.constant 0 : i32
      %dma_start3A_274 = tpu.memref_slice %arg7[%dma_start3A_270, %dma_start3A_271, %dma_start3A_272, %dma_start3A_273] : memref<2x8x16x133xf32, #tpu.memory_space<vmem>> -> memref<1x8x16x128xf32, #tpu.memory_space<vmem>>
      %dma_start3A_275 = tpu.memref_squeeze %dma_start3A_274 : memref<1x8x16x128xf32, #tpu.memory_space<vmem>> -> memref<8x16x128xf32, #tpu.memory_space<vmem>>
      %dma_start3A_276 = arith.constant 0 : i32
      %dma_start3A_277 = arith.constant 0 : i32
      %dma_start3A_278 = tpu.memref_slice %arg4[%shift_right_logical3A_265, %dma_start3A_276, %mul3A_269, %dma_start3A_277] : memref<200x8x256x128xf32, #tpu.memory_space<hbm>> -> memref<1x8x16x128xf32, #tpu.memory_space<hbm>>
      %dma_start3A_279 = tpu.memref_squeeze %dma_start3A_278 : memref<1x8x16x128xf32, #tpu.memory_space<hbm>> -> memref<8x16x128xf32, #tpu.memory_space<hbm>>
      %dma_start3A_280 = arith.constant 0 : i32
      %dma_start3A_281 = arith.constant 0 : i32
      %dma_start3A_282 = tpu.memref_slice %arg4[%shift_right_logical3A_265, %dma_start3A_280, %mul3A_269, %dma_start3A_281] : memref<200x8x256x128xf32, #tpu.memory_space<hbm>> -> memref<1x8x16x128xf32, #tpu.memory_space<hbm>>
      %dma_start3A_283 = tpu.memref_squeeze %dma_start3A_282 : memref<1x8x16x128xf32, #tpu.memory_space<hbm>> -> memref<8x16x128xf32, #tpu.memory_space<hbm>>
      %dma_start3A_284 = arith.constant 0 : i32
      %dma_start3A_285 = arith.constant 0 : i32
      %dma_start3A_286 = arith.constant 0 : i32
      %dma_start3A_287 = tpu.memref_slice %arg7[%dma_start3A_270, %dma_start3A_284, %dma_start3A_285, %dma_start3A_286] : memref<2x8x16x133xf32, #tpu.memory_space<vmem>> -> memref<1x8x16x128xf32, #tpu.memory_space<vmem>>
      %dma_start3A_288 = tpu.memref_squeeze %dma_start3A_287 : memref<1x8x16x128xf32, #tpu.memory_space<vmem>> -> memref<8x16x128xf32, #tpu.memory_space<vmem>>
      tpu.enqueue_dma source(%dma_start3A_288 : memref<8x16x128xf32, #tpu.memory_space<vmem>>) target(%dma_start3A_283 : memref<8x16x128xf32, #tpu.memory_space<hbm>>) target_semaphore(%arg11 : memref<!tpu.dma_semaphore, #tpu.memory_space<semaphore_mem>>)
    }
    %scan3A_104 = arith.constant 50 : i32
    %dma_wait3A_105 = arith.constant 0 : i32
    %dma_wait3A_106 = arith.constant 0 : i32
    %dma_wait3A_107 = arith.constant 0 : i32
    %dma_wait3A_108 = arith.constant 0 : i32
    %dma_wait3A_109 = arith.constant 0 : i32
    %dma_wait3A_110 = tpu.memref_slice %arg7[%dma_wait3A_105, %dma_wait3A_107, %dma_wait3A_108, %dma_wait3A_109] : memref<2x8x16x133xf32, #tpu.memory_space<vmem>> -> memref<1x8x16x128xf32, #tpu.memory_space<vmem>>
    %dma_wait3A_111 = tpu.memref_squeeze %dma_wait3A_110 : memref<1x8x16x128xf32, #tpu.memory_space<vmem>> -> memref<8x16x128xf32, #tpu.memory_space<vmem>>
    %dma_wait3A_112 = arith.constant 0 : i32
    %dma_wait3A_113 = arith.constant 0 : i32
    %dma_wait3A_114 = arith.constant 0 : i32
    %dma_wait3A_115 = tpu.memref_slice %arg4[%dma_wait3A_106, %dma_wait3A_112, %dma_wait3A_113, %dma_wait3A_114] : memref<200x8x256x128xf32, #tpu.memory_space<hbm>> -> memref<1x8x16x128xf32, #tpu.memory_space<hbm>>
    %dma_wait3A_116 = tpu.memref_squeeze %dma_wait3A_115 : memref<1x8x16x128xf32, #tpu.memory_space<hbm>> -> memref<8x16x128xf32, #tpu.memory_space<hbm>>
    %dma_wait3A_117 = arith.constant 0 : i32
    %dma_wait3A_118 = arith.constant 0 : i32
    %dma_wait3A_119 = arith.constant 0 : i32
    %dma_wait3A_120 = tpu.memref_slice %arg4[%dma_wait3A_106, %dma_wait3A_117, %dma_wait3A_118, %dma_wait3A_119] : memref<200x8x256x128xf32, #tpu.memory_space<hbm>> -> memref<1x8x16x128xf32, #tpu.memory_space<hbm>>
    %dma_wait3A_121 = tpu.memref_squeeze %dma_wait3A_120 : memref<1x8x16x128xf32, #tpu.memory_space<hbm>> -> memref<8x16x128xf32, #tpu.memory_space<hbm>>
    %dma_wait3A_122 = arith.constant 0 : i32
    %dma_wait3A_123 = arith.constant 0 : i32
    %dma_wait3A_124 = arith.constant 0 : i32
    %dma_wait3A_125 = tpu.memref_slice %arg7[%dma_wait3A_105, %dma_wait3A_122, %dma_wait3A_123, %dma_wait3A_124] : memref<2x8x16x133xf32, #tpu.memory_space<vmem>> -> memref<1x8x16x128xf32, #tpu.memory_space<vmem>>
    %dma_wait3A_126 = tpu.memref_squeeze %dma_wait3A_125 : memref<1x8x16x128xf32, #tpu.memory_space<vmem>> -> memref<8x16x128xf32, #tpu.memory_space<vmem>>
    tpu.wait_dma2 semaphore(%arg10 : memref<!tpu.dma_semaphore, #tpu.memory_space<semaphore_mem>>) src(%dma_wait3A_126 : memref<8x16x128xf32, #tpu.memory_space<vmem>>) dst(%dma_wait3A_121 : memref<8x16x128xf32, #tpu.memory_space<hbm>>)
    %dma_wait3A_127 = arith.constant 1 : i32
    %dma_wait3A_128 = arith.constant 0 : i32
    %dma_wait3A_129 = arith.constant 0 : i32
    %dma_wait3A_130 = arith.constant 0 : i32
    %dma_wait3A_131 = arith.constant 0 : i32
    %dma_wait3A_132 = tpu.memref_slice %arg7[%dma_wait3A_127, %dma_wait3A_129, %dma_wait3A_130, %dma_wait3A_131] : memref<2x8x16x133xf32, #tpu.memory_space<vmem>> -> memref<1x8x16x128xf32, #tpu.memory_space<vmem>>
    %dma_wait3A_133 = tpu.memref_squeeze %dma_wait3A_132 : memref<1x8x16x128xf32, #tpu.memory_space<vmem>> -> memref<8x16x128xf32, #tpu.memory_space<vmem>>
    %dma_wait3A_134 = arith.constant 0 : i32
    %dma_wait3A_135 = arith.constant 0 : i32
    %dma_wait3A_136 = arith.constant 0 : i32
    %dma_wait3A_137 = tpu.memref_slice %arg4[%dma_wait3A_128, %dma_wait3A_134, %dma_wait3A_135, %dma_wait3A_136] : memref<200x8x256x128xf32, #tpu.memory_space<hbm>> -> memref<1x8x16x128xf32, #tpu.memory_space<hbm>>
    %dma_wait3A_138 = tpu.memref_squeeze %dma_wait3A_137 : memref<1x8x16x128xf32, #tpu.memory_space<hbm>> -> memref<8x16x128xf32, #tpu.memory_space<hbm>>
    %dma_wait3A_139 = arith.constant 0 : i32
    %dma_wait3A_140 = arith.constant 0 : i32
    %dma_wait3A_141 = arith.constant 0 : i32
    %dma_wait3A_142 = tpu.memref_slice %arg4[%dma_wait3A_128, %dma_wait3A_139, %dma_wait3A_140, %dma_wait3A_141] : memref<200x8x256x128xf32, #tpu.memory_space<hbm>> -> memref<1x8x16x128xf32, #tpu.memory_space<hbm>>
    %dma_wait3A_143 = tpu.memref_squeeze %dma_wait3A_142 : memref<1x8x16x128xf32, #tpu.memory_space<hbm>> -> memref<8x16x128xf32, #tpu.memory_space<hbm>>
    %dma_wait3A_144 = arith.constant 0 : i32
    %dma_wait3A_145 = arith.constant 0 : i32
    %dma_wait3A_146 = arith.constant 0 : i32
    %dma_wait3A_147 = tpu.memref_slice %arg7[%dma_wait3A_127, %dma_wait3A_144, %dma_wait3A_145, %dma_wait3A_146] : memref<2x8x16x133xf32, #tpu.memory_space<vmem>> -> memref<1x8x16x128xf32, #tpu.memory_space<vmem>>
    %dma_wait3A_148 = tpu.memref_squeeze %dma_wait3A_147 : memref<1x8x16x128xf32, #tpu.memory_space<vmem>> -> memref<8x16x128xf32, #tpu.memory_space<vmem>>
    tpu.wait_dma2 semaphore(%arg11 : memref<!tpu.dma_semaphore, #tpu.memory_space<semaphore_mem>>) src(%dma_wait3A_148 : memref<8x16x128xf32, #tpu.memory_space<vmem>>) dst(%dma_wait3A_143 : memref<8x16x128xf32, #tpu.memory_space<hbm>>)
    return
  }
}

</mosaic_0001>

<sc_bundles>
// kernel: kernel.3.cloned.1.call-start
scs
__scs_entry_jumppad:
0x0: {  	(pc) =	sbr.rel $0x88, $3  }
0x1: {  	(tag) =	ssettag $0x0;
	lr =	simm.s32 $0x1  }
0x2: {  	[smem:$0x3F9F] =	sst lr;
	_ =	strace $0xD0000000  }
0x3: {  	_ = 	snop  }
0x4: {  	_ = 	snop  }
0x5: {  	_ = 	snop  }
0x6: {  	_ = 	snop  }
0x7: {  	_ = 	snop  }
__scs_overlays_trampoline_lowered:
0x8: {  	[smem:$0x3FAE] =	sst s0  }
0x9: {  	[smem:$0x3FAF] =	sst s1  }
0xa: {  	[smem:$0x3FB0] =	sst s2  }
0xb: {  	[smem:$0x3FB1] =	sst s3  }
0xc: {  	[smem:$0x3FB2] =	sst s4  }
0xd: {  	[smem:$0x3FB3] =	sst s5  }
0xe: {  	[smem:$0x3FB4] =	sst s6  }
0xf: {  	[smem:$0x3FB5] =	sst s7  }
0x10: {  	[smem:$0x3FB6] =	sst s8  }
0x11: {  	[smem:$0x3FB7] =	sst s9;
	s0 =	simm.s32 @!p0 $0x0  }
0x12: {  	s1 =	sld [smem:$0x3F9D];
	s0 =	simm.s32 @p0 $0x1  }
0x13: {  	[smem:$0x3FB8] =	sst s0;
	s0 =	simm.s32 @!p1 $0x0  }
0x14: {  	s2 =	sld [smem:$0x3F9C];
	s0 =	simm.s32 @p1 $0x1  }
0x15: {  	[smem:$0x3FB9] =	sst s0;
	s0 =	simm.s32 @!p2 $0x0  }
0x16: {  	s3 =	sld [smem:$0x3FDB];
	s0 =	simm.s32 @p2 $0x1  }
0x17: {  	s4 =	simm.s32 $0x1BF5;
	[smem:$0x3FBB] =	sst s0  }
0x18: {  	s0 =	sld [smem:$0x3F9E];
	_ =	swait.ge [sflag:s4], $0x0  }
0x19: {  	s7 =	sld [smem:$0x3F9F]  }
0x1a: {  	s8 =	sadd.s32 $0xFFFFE003, lr  }
0x1b: {  	s9 =	sadd.s32 $0xFFFFFEF7, lr;
	s5 =	simm.s32 $0xFFFFFFFF;
	p2 =	slt.u32 s8, $0xFFFFF086  }
0x1c: {  	p1 =	slt.u32 s9, $0xF7A;
	s5 =	simm.s32 @!p2 $0x0  }
0x1d: {  	s5 =	simm.s32 @p1 $0x1;
	p0 =	seq.s32 s7, s2  }
0x1e: {  	s7 =	smul.u32 @!p0 $0xF7A, s2;
	p2 =	seq.s32 @!p0 s5, $0x0  }
0x1f: {  	s9 =	smul.u32 $0xF7A, s1;
	s8 =	simm.s32 @!p0 $0x1BF5;
	p2 =	por !p2, p0  }
0x20: {  	[sflag:s8] =	ssyncset.s32 @!p0 $0xFFFFF086;
	s6 =	sadd.s32 @!p0 s3, s7;
	s7 =	simm.s32 @!p0 $0x108  }
0x21: {  	s3 =	sadd.s32 s3, s9;
	s6 =	sadd.s32 @!p0 $0x88, s6;
	s7 =	simm.s32 @p2 $0x1082  }
0x22: {  	[simem:s7], [sflag:s8] =	dma.local @!p0 [hbm:s6], $0xF7A  }
0x23: {  	s9 =	sor.u32 $0xD0000000, s2;
	s6 =	simm.s32 $0x108;
	_ =	swait.ge @!p0 [sflag:s8], $0x0  }
0x24: {  	s3 =	sadd.s32 $0x88, s3;
	s6 =	simm.s32 @!p1 $0x1082;
	[sflag:s4] =	ssyncset.s32 $0xFFFFF086  }
0x25: {  	[simem:s6], [sflag:s4] =	dma.local [hbm:s3], $0xF7A  }
0x26: {  	[smem:$0x3F9F] =	sst s1;
	(tag) =	ssettag s2;
	_ =	strace s9  }
0x27: {  	s1 =	sld [smem:$0x3FAF]  }
0x28: {  	s2 =	sld [smem:$0x3FB0]  }
0x29: {  	s4 =	sld [smem:$0x3FB2]  }
0x2a: {  	p0 =	seq.s32 s5, $0x0;
	s5 =	sld [smem:$0x3FB3]  }
0x2b: {  	s6 =	sld [smem:$0x3FB4]  }
0x2c: {  	s7 =	sld [smem:$0x3FB5]  }
0x2d: {  	s3 =	simm.s32 $0x108;
	s8 =	sld [smem:$0x3FB6]  }
0x2e: {  	s3 =	simm.s32 @!p0 $0x1082;
	s9 =	sld [smem:$0x3FB7]  }
0x2f: {  	lr =	sadd.s32 s0, s3;
	s0 =	sld [smem:$0x3FAE]  }
0x30: {  	s3 =	sld [smem:$0x3FB1]  }
0x31: {  	[smem:$0x3FBA] =	sst s10  }
0x32: {  	s10 =	sld [smem:$0x3FB8];
	_ =	sdelay $0x3  }
0x33: {  	p0 =	seq.s32 s10, $0x1;
	s10 =	sld [smem:$0x3FBA];
	_ =	sdelay $0x3  }
0x34: {  	[smem:$0x3FBA] =	sst s10  }
0x35: {  	s10 =	sld [smem:$0x3FB9];
	_ =	sdelay $0x3  }
0x36: {  	p1 =	seq.s32 s10, $0x1;
	s10 =	sld [smem:$0x3FBA];
	_ =	sdelay $0x3  }
0x37: {  	[smem:$0x3FBA] =	sst s10  }
0x38: {  	s10 =	sld [smem:$0x3FBB]  }
0x39: {  	_ = 	snop;
	(pc) =	sbr.ind lr, $3  }
0x3a: {  	_ = 	snop  }
0x3b: {  	_ = 	snop  }
0x3c: {  	p2 =	seq.s32 s10, $0x1;
	s10 =	sld [smem:$0x3FBA]  }
0x3d: {  	_ =	shalt  }
0x3e: {  	_ =	shalt  }
0x3f: {  	_ =	shalt  }
0x40: {  	_ =	shalt  }
0x41: {  	_ =	shalt  }
0x42: {  	_ =	shalt  }
0x43: {  	_ =	shalt  }
0x44: {  	_ =	shalt  }
0x45: {  	_ =	shalt  }
0x46: {  	_ =	shalt  }
0x47: {  	_ =	shalt  }
0x48: {  	_ =	shalt  }
0x49: {  	_ =	shalt  }
0x4a: {  	_ =	shalt  }
0x4b: {  	_ =	shalt  }
0x4c: {  	_ =	shalt  }
0x4d: {  	_ =	shalt  }
0x4e: {  	_ =	shalt  }
0x4f: {  	_ =	shalt  }
0x50: {  	_ =	shalt  }
0x51: {  	_ =	shalt  }
0x52: {  	_ =	shalt  }
0x53: {  	_ =	shalt  }
0x54: {  	_ =	shalt  }
0x55: {  	_ =	shalt  }
0x56: {  	_ =	shalt  }
0x57: {  	_ =	shalt  }
0x58: {  	_ =	shalt  }
0x59: {  	_ =	shalt  }
0x5a: {  	_ =	shalt  }
0x5b: {  	_ =	shalt  }
0x5c: {  	_ =	shalt  }
0x5d: {  	_ =	shalt  }
0x5e: {  	_ =	shalt  }
0x5f: {  	_ =	shalt  }
0x60: {  	_ =	shalt  }
0x61: {  	_ =	shalt  }
0x62: {  	_ =	shalt  }
0x63: {  	_ =	shalt  }
0x64: {  	_ =	shalt  }
0x65: {  	_ =	shalt  }
0x66: {  	_ =	shalt  }
0x67: {  	_ =	shalt  }
0x68: {  	_ =	shalt  }
0x69: {  	_ =	shalt  }
0x6a: {  	_ =	shalt  }
0x6b: {  	_ =	shalt  }
0x6c: {  	_ =	shalt  }
0x6d: {  	_ =	shalt  }
0x6e: {  	_ =	shalt  }
0x6f: {  	_ =	shalt  }
0x70: {  	_ =	shalt  }
0x71: {  	_ =	shalt  }
0x72: {  	_ =	shalt  }
0x73: {  	_ =	shalt  }
0x74: {  	_ =	shalt  }
0x75: {  	_ =	shalt  }
0x76: {  	_ =	shalt  }
0x77: {  	_ =	shalt  }
0x78: {  	_ =	shalt  }
0x79: {  	_ =	shalt  }
0x7a: {  	_ =	shalt  }
0x7b: {  	_ =	shalt  }
0x7c: {  	_ =	shalt  }
0x7d: {  	_ =	shalt  }
0x7e: {  	_ =	shalt  }
0x7f: {  	_ =	shalt  }
0x80: {  	_ =	shalt  }
0x81: {  	_ =	shalt  }
0x82: {  	_ =	shalt  }
0x83: {  	_ =	shalt  }
0x84: {  	_ =	shalt  }
0x85: {  	_ =	shalt  }
0x86: {  	_ =	shalt  }
0x87: {  	_ =	shalt  }
.Lfunc_end0:
.L_simem_size_0:
called_computation_lowered:
.L_overlay_start_0:
0x88: {  	s2 =	sld [smem:$0x3FD9]  }
0x89: {  	s3 =	sld [smem:$0x3FFE];
	_ =	sdelay $0x1  }
0x8a: {  	s1 =	srdreg.scid  }
0x8b: {  	s0 =	sand.u32 $0x1, s1  }
0x8c: {  	s17 =	sshll.u32 s0, $0xA;
	s2 =	sadd.s32 s3, s2  }
0x8d: {  	s2 =	sadd.s32 s2, s17  }
0x8e: {  	[smem:$0x3FC6] =	sst s2  }
0x8f: {  	_ = 	snop  }
0x90: {  	s2 =	sld [smem:$0x3FD0];
	(tm) =	ssettm $0x1  }
0x91: {  	s18 =	sld [smem:$0x3FFB];
	_ =	sdelay $0x3  }
0x92: {  	_ =	strace s18  }
0x93: {  	s3 =	sld [smem:$0x3FFC];
	_ =	sdelay $0x3  }
0x94: {  	_ =	strace s3  }
0x95: {  	s3 =	sld [smem:$0x3FFD];
	_ =	sdelay $0x3  }
0x96: {  	_ =	strace s3  }
0x97: {  	_ =	strace $0x8FFFFFFF  }
0x98: {  	s19 =	sld [smem:$0x3FDB];
	_ =	sdelay $0x1  }
0x99: {  	s4 =	simm.s32 $_scs_section_size  }
0x9a: {  	s5 =	simm.s32 $_size__tile_overlayer_lowered;
	s6 =	simm.s32 $_tile_overlayer_lowered  }
0x9b: {  	s22 =	simm.s32 $0x1BFF;
	s21 =	sshll.u32 s6, $0x1;
	s3 =	sadd.s32 s4, s19  }
0x9c: {  	s7 =	simm.s32 $0x0;
	s20 =	sshll.u32 s5, $0x1;
	s5 =	sadd.s32 s21, s3  }
0x9d: {  	[timem:s7], [sflag:s22] =	dma.local [hbm:s5], s20  }
0x9e: {  	_ =	swait.ge [sflag:s22], s20  }
0x9f: {  	s4 =	ssub.s32 $0x0, s20;
	[sflag:s22] =	ssyncset.done $0x0  }
0xa0: {  	[sflag:s22] =	ssyncadd.s32 s4;
	_ =	sdelay $0x1  }
0xa1: {  	s23 =	simm.s32 $0x1B8B  }
0xa2: {  	_ =	swait.ge [sflag:s23], $0x1  }
0xa3: {  	[sflag:s23] =	ssyncset.done $0x0  }
0xa4: {  	s25 =	simm.s32 $0x1B8E;
	s24 =	sld [smem:$0x3FFE];
	[sflag:s23] =	ssyncadd.s32 $0xFFFFFFFF  }
0xa5: {  	s26 =	simm.s32 $execute0_lowered;
	[smem:$0x3FD2] =	sst s25  }
0xa6: {  	s5 =	sshll.u32 s26, $0x1;
	_ =	strace $0x80000046;
	[dreg:$0x1] =	wrdreg $0xFFFFFFFF  }
0xa7: {  	s28 =	simm.s32 $_size_execute0_lowered;
	s3 =	sadd.s32 s3, s5;
	[dreg:$0x0] =	wrdreg $0x0  }
0xa8: {  	s5 =	sshll.u32 s28, $0x1;
	[dreg:$0x2] =	wrdreg s3  }
0xa9: {  	[dreg:$0x3] =	wrdreg s5  }
0xaa: {  	[dreg:$0x4] =	wrdreg $0xC0  }
0xab: {  	_ =	task [dreg:s7], $0x5FFFF  }
0xac: {  	[dreg:$0x1] =	wrdreg $0xFFFFFFFF  }
0xad: {  	[dreg:$0x0] =	wrdreg $0x60  }
0xae: {  	[dreg:$0x2] =	wrdreg s24  }
0xaf: {  	[dreg:$0x3] =	wrdreg s2  }
0xb0: {  	[dreg:$0x4] =	wrdreg $0x9  }
0xb1: {  	_ =	task.clear_ibuf [dreg:s7], $0x5FFFF;
	_ =	strace $0x90000046  }
0xb2: {  	s29 =	simm.s32 $0x9;
	_ =	strace $0x80000048  }
0xb3: {  	_ =	swait.ge [sflag:s29], $0x1  }
0xb4: {  	[sflag:s29] =	ssyncadd.s32 $0xFFFFFFFF  }
0xb5: {  	_ =	strace $0x90000048  }
0xb6: {  	_ =	sfence  }
0xb7: {  	s30 =	sld [smem:$0x0];
	_ =	sdelay $0x2  }
0xb8: {  	s31 =	sshll.u32 s1, $0xD;
	s1 =	sshrl.u32 s1, $0x2  }
0xb9: {  	s3 =	sand.u32 $0x4000, s31;
	s1 =	sadd.s32 s1, s30  }
0xba: {  	s0 =	sor.u32 s3, s0;
	s1 =	sshll.u32 s1, $0x11  }
0xbb: {  	s0 =	sor.u32 s1, s0  }
0xbc: {  	s0 =	sadd.s32 $0x8F2B, s0  }
0xbd: {  	[sflag:s0] =	ssyncadd.remote.s32 $0x1  }
0xbe: {  	_ =	sfence.sel $0xFFFF  }
0xbf: {  	[dreg:$0x0] =	wrdreg $0xFFFFFFFF;
	(pc) =	sbr.abs _section_cstart, $3  }
0xc0: {  	[dreg:$0x1] =	wrdreg $0xFFFFFFFF  }
0xc1: {  	_ =	task.clear_ibuf [dreg:s7], $0x2FFFF;
	_ =	strace $0x9FFFFFFF  }
0xc2: {  	(tm) =	ssettm $0x7FFFFFFF  }
0xc3: {  	_ =	shalt  }
tec
execute0_lowered:
.L_overlay_start_1:
0x0: {  	(tag) =	ssettag $0x1  }
0x1: {  	vm14 =	vcmask $0x300;
	v0 =	vimm.s32 $0xC38  }
0x2: {  	vm13 =	vcmask $0x704;
	v0 =	vsel vm14, $0x0, v0  }
0x3: {  	vm12 =	vcmask $0xB08;
	v0 =	vsel vm13, $0x88, v0  }
0x4: {  	vm11 =	vcmask $0xF0C;
	v0 =	vsel vm12, $0x110, v0  }
0x5: {  	vm10 =	vcmask $0x1310;
	v0 =	vsel vm11, $0x198, v0  }
0x6: {  	vm9 =	vcmask $0x1714;
	v0 =	vsel vm10, $0x220, v0  }
0x7: {  	vm8 =	vcmask $0x1B18;
	v0 =	vsel vm9, $0x2A8, v0  }
0x8: {  	vm7 =	vcmask $0x1F1C;
	v0 =	vsel vm8, $0x330, v0  }
0x9: {  	vm6 =	vcmask $0x2320;
	v0 =	vsel vm7, $0x3B8, v0  }
0xa: {  	vm5 =	vcmask $0x2724;
	v0 =	vsel vm6, $0x880, v0  }
0xb: {  	vm4 =	vcmask $0x2B28;
	v0 =	vsel vm5, $0x908, v0  }
0xc: {  	vm3 =	vcmask $0x2F2C;
	v0 =	vsel vm4, $0x990, v0  }
0xd: {  	vm2 =	vcmask $0x3330;
	v0 =	vsel vm3, $0xA18, v0  }
0xe: {  	vm1 =	vcmask $0x3734;
	v0 =	vsel vm2, $0xAA0, v0  }
0xf: {  	v1 =	vimm.s32 $0x0;
	vm0 =	vcmask $0x3B38;
	v2 =	vsel vm1, $0xB28, v0  }
0x10: {  	v0 =	vsel vm14, $0x3, v1;
	v1 =	vsel vm0, $0xBB0, v2  }
0x11: {  	[tilespmem:$0x1FC00] =	vst v1;
	v1 =	vimm.s32 $0x1D38  }
0x12: {  	v2 =	vimm.s32 $0x2E38;
	v1 =	vsel vm14, $0x1100, v1  }
0x13: {  	v3 =	vimm.s32 $0x3F38;
	v2 =	vsel vm14, $0x2200, v2;
	v1 =	vsel vm13, $0x1188, v1  }
0x14: {  	v3 =	vsel vm14, $0x3300, v3;
	v2 =	vsel vm13, $0x2288, v2;
	v1 =	vsel vm12, $0x1210, v1  }
0x15: {  	v3 =	vsel vm13, $0x3388, v3;
	v2 =	vsel vm12, $0x2310, v2;
	v1 =	vsel vm11, $0x1298, v1  }
0x16: {  	v3 =	vsel vm12, $0x3410, v3;
	v2 =	vsel vm11, $0x2398, v2;
	v1 =	vsel vm10, $0x1320, v1  }
0x17: {  	v3 =	vsel vm11, $0x3498, v3;
	v2 =	vsel vm10, $0x2420, v2;
	v1 =	vsel vm9, $0x13A8, v1  }
0x18: {  	v3 =	vsel vm10, $0x3520, v3;
	v2 =	vsel vm9, $0x24A8, v2;
	v1 =	vsel vm8, $0x1430, v1  }
0x19: {  	v3 =	vsel vm9, $0x35A8, v3;
	v2 =	vsel vm8, $0x2530, v2;
	v1 =	vsel vm7, $0x14B8, v1  }
0x1a: {  	v3 =	vsel vm8, $0x3630, v3;
	v2 =	vsel vm7, $0x25B8, v2;
	v1 =	vsel vm6, $0x1980, v1  }
0x1b: {  	v3 =	vsel vm7, $0x36B8, v3;
	v2 =	vsel vm6, $0x2A80, v2;
	v1 =	vsel vm5, $0x1A08, v1  }
0x1c: {  	v3 =	vsel vm6, $0x3B80, v3;
	v2 =	vsel vm5, $0x2B08, v2;
	v1 =	vsel vm4, $0x1A90, v1  }
0x1d: {  	v3 =	vsel vm5, $0x3C08, v3;
	v2 =	vsel vm4, $0x2B90, v2;
	v1 =	vsel vm3, $0x1B18, v1  }
0x1e: {  	v3 =	vsel vm4, $0x3C90, v3;
	v2 =	vsel vm3, $0x2C18, v2;
	v1 =	vsel vm2, $0x1BA0, v1  }
0x1f: {  	v3 =	vsel vm3, $0x3D18, v3;
	v2 =	vsel vm2, $0x2CA0, v2;
	v1 =	vsel vm1, $0x1C28, v1  }
0x20: {  	v3 =	vsel vm2, $0x3DA0, v3;
	v2 =	vsel vm1, $0x2D28, v2;
	v1 =	vsel vm0, $0x1CB0, v1  }
0x21: {  	v3 =	vsel vm1, $0x3E28, v3;
	[tilespmem:$0x1FC10] =	vst v1;
	v1 =	vsel vm0, $0x2DB0, v2  }
0x22: {  	[tilespmem:$0x1FC20] =	vst v1;
	v1 =	vsel vm0, $0x3EB0, v3  }
0x23: {  	v2 =	vimm.s32 $0x1D39;
	[tilespmem:$0x1FC30] =	vst v1;
	v1 =	vimm.s32 $0xC39  }
0x24: {  	v3 =	vimm.s32 $0x2E39;
	v2 =	vsel vm14, $0x1101, v2;
	v1 =	vsel vm14, $0x1, v1  }
0x25: {  	v3 =	vsel vm14, $0x2201, v3;
	v2 =	vsel vm13, $0x1189, v2;
	v1 =	vsel vm13, $0x89, v1  }
0x26: {  	v3 =	vsel vm13, $0x2289, v3;
	v2 =	vsel vm12, $0x1211, v2;
	v1 =	vsel vm12, $0x111, v1  }
0x27: {  	v3 =	vsel vm12, $0x2311, v3;
	v2 =	vsel vm11, $0x1299, v2;
	v1 =	vsel vm11, $0x199, v1  }
0x28: {  	v3 =	vsel vm11, $0x2399, v3;
	v2 =	vsel vm10, $0x1321, v2;
	v1 =	vsel vm10, $0x221, v1  }
0x29: {  	v3 =	vsel vm10, $0x2421, v3;
	v2 =	vsel vm9, $0x13A9, v2;
	v1 =	vsel vm9, $0x2A9, v1  }
0x2a: {  	v3 =	vsel vm9, $0x24A9, v3;
	v2 =	vsel vm8, $0x1431, v2;
	v1 =	vsel vm8, $0x331, v1  }
0x2b: {  	v3 =	vsel vm8, $0x2531, v3;
	v2 =	vsel vm7, $0x14B9, v2;
	v1 =	vsel vm7, $0x3B9, v1  }
0x2c: {  	v3 =	vsel vm7, $0x25B9, v3;
	v2 =	vsel vm6, $0x1981, v2;
	v1 =	vsel vm6, $0x881, v1  }
0x2d: {  	v3 =	vsel vm6, $0x2A81, v3;
	v2 =	vsel vm5, $0x1A09, v2;
	v1 =	vsel vm5, $0x909, v1  }
0x2e: {  	v3 =	vsel vm5, $0x2B09, v3;
	v2 =	vsel vm4, $0x1A91, v2;
	v1 =	vsel vm4, $0x991, v1  }
0x2f: {  	v3 =	vsel vm4, $0x2B91, v3;
	v2 =	vsel vm3, $0x1B19, v2;
	v1 =	vsel vm3, $0xA19, v1  }
0x30: {  	v3 =	vsel vm3, $0x2C19, v3;
	v2 =	vsel vm2, $0x1BA1, v2;
	v1 =	vsel vm2, $0xAA1, v1  }
0x31: {  	v3 =	vsel vm2, $0x2CA1, v3;
	v2 =	vsel vm1, $0x1C29, v2;
	v1 =	vsel vm1, $0xB29, v1  }
0x32: {  	v3 =	vsel vm1, $0x2D29, v3;
	v48 =	vsel vm0, $0xBB1, v1;
	v1 =	vsel vm0, $0x1CB1, v2  }
0x33: {  	[tilespmem:$0x1FC40] =	vst v1;
	v1 =	vsel vm0, $0x2DB1, v3  }
0x34: {  	v2 =	vimm.s32 $0xC3A;
	[tilespmem:$0x1FC50] =	vst v1;
	v1 =	vimm.s32 $0x3F39  }
0x35: {  	v3 =	vimm.s32 $0x1D3A;
	v2 =	vsel vm14, $0x2, v2;
	v1 =	vsel vm14, $0x3301, v1  }
0x36: {  	v3 =	vsel vm14, $0x1102, v3;
	v2 =	vsel vm13, $0x8A, v2;
	v1 =	vsel vm13, $0x3389, v1  }
0x37: {  	v3 =	vsel vm13, $0x118A, v3;
	v2 =	vsel vm12, $0x112, v2;
	v1 =	vsel vm12, $0x3411, v1  }
0x38: {  	v3 =	vsel vm12, $0x1212, v3;
	v2 =	vsel vm11, $0x19A, v2;
	v1 =	vsel vm11, $0x3499, v1  }
0x39: {  	v3 =	vsel vm11, $0x129A, v3;
	v2 =	vsel vm10, $0x222, v2;
	v1 =	vsel vm10, $0x3521, v1  }
0x3a: {  	v3 =	vsel vm10, $0x1322, v3;
	v2 =	vsel vm9, $0x2AA, v2;
	v1 =	vsel vm9, $0x35A9, v1  }
0x3b: {  	v3 =	vsel vm9, $0x13AA, v3;
	v2 =	vsel vm8, $0x332, v2;
	v1 =	vsel vm8, $0x3631, v1  }
0x3c: {  	v3 =	vsel vm8, $0x1432, v3;
	v2 =	vsel vm7, $0x3BA, v2;
	v1 =	vsel vm7, $0x36B9, v1  }
0x3d: {  	v3 =	vsel vm7, $0x14BA, v3;
	v2 =	vsel vm6, $0x882, v2;
	v1 =	vsel vm6, $0x3B81, v1  }
0x3e: {  	v3 =	vsel vm6, $0x1982, v3;
	v2 =	vsel vm5, $0x90A, v2;
	v1 =	vsel vm5, $0x3C09, v1  }
0x3f: {  	v3 =	vsel vm5, $0x1A0A, v3;
	v2 =	vsel vm4, $0x992, v2;
	v1 =	vsel vm4, $0x3C91, v1  }
0x40: {  	v3 =	vsel vm4, $0x1A92, v3;
	v2 =	vsel vm3, $0xA1A, v2;
	v1 =	vsel vm3, $0x3D19, v1  }
0x41: {  	v3 =	vsel vm3, $0x1B1A, v3;
	v2 =	vsel vm2, $0xAA2, v2;
	v1 =	vsel vm2, $0x3DA1, v1  }
0x42: {  	v3 =	vsel vm2, $0x1BA2, v3;
	v2 =	vsel vm1, $0xB2A, v2;
	v1 =	vsel vm1, $0x3E29, v1  }
0x43: {  	v3 =	vsel vm1, $0x1C2A, v3;
	v7 =	vsel vm0, $0x3EB1, v1;
	v1 =	vsel vm0, $0xBB2, v2  }
0x44: {  	v2 =	vimm.s32 $0x3F3A;
	[tilespmem:$0x1FC60] =	vst v1;
	v1 =	vsel vm0, $0x1CB2, v3;
	v3 =	vimm.s32 $0xC3B  }
0x45: {  	v2 =	vsel vm14, $0x3302, v2;
	[tilespmem:$0x1FC70] =	vst v1;
	v1 =	vimm.s32 $0x2E3A;
	v3 =	vsel vm14, $0x3, v3  }
0x46: {  	v2 =	vsel vm13, $0x338A, v2;
	v1 =	vsel vm14, $0x2202, v1;
	v3 =	vsel vm13, $0x8B, v3  }
0x47: {  	v2 =	vsel vm12, $0x3412, v2;
	v1 =	vsel vm13, $0x228A, v1;
	v3 =	vsel vm12, $0x113, v3  }
0x48: {  	v2 =	vsel vm11, $0x349A, v2;
	v1 =	vsel vm12, $0x2312, v1;
	v3 =	vsel vm11, $0x19B, v3  }
0x49: {  	v2 =	vsel vm10, $0x3522, v2;
	v1 =	vsel vm11, $0x239A, v1;
	v3 =	vsel vm10, $0x223, v3  }
0x4a: {  	v2 =	vsel vm9, $0x35AA, v2;
	v1 =	vsel vm10, $0x2422, v1;
	v3 =	vsel vm9, $0x2AB, v3  }
0x4b: {  	v2 =	vsel vm8, $0x3632, v2;
	v1 =	vsel vm9, $0x24AA, v1;
	v3 =	vsel vm8, $0x333, v3  }
0x4c: {  	v2 =	vsel vm7, $0x36BA, v2;
	v1 =	vsel vm8, $0x2532, v1;
	v3 =	vsel vm7, $0x3BB, v3  }
0x4d: {  	v2 =	vsel vm6, $0x3B82, v2;
	v1 =	vsel vm7, $0x25BA, v1;
	v3 =	vsel vm6, $0x883, v3  }
0x4e: {  	v2 =	vsel vm5, $0x3C0A, v2;
	v1 =	vsel vm6, $0x2A82, v1;
	v3 =	vsel vm5, $0x90B, v3  }
0x4f: {  	v2 =	vsel vm4, $0x3C92, v2;
	v1 =	vsel vm5, $0x2B0A, v1;
	v3 =	vsel vm4, $0x993, v3  }
0x50: {  	v2 =	vsel vm3, $0x3D1A, v2;
	v1 =	vsel vm4, $0x2B92, v1;
	v3 =	vsel vm3, $0xA1B, v3  }
0x51: {  	v2 =	vsel vm2, $0x3DA2, v2;
	v1 =	vsel vm3, $0x2C1A, v1;
	v3 =	vsel vm2, $0xAA3, v3  }
0x52: {  	v2 =	vsel vm1, $0x3E2A, v2;
	v1 =	vsel vm2, $0x2CA2, v1;
	v3 =	vsel vm1, $0xB2B, v3  }
0x53: {  	v8 =	vsel vm0, $0x3EB2, v2;
	v2 =	vimm.s32 $0x2E3B;
	v1 =	vsel vm1, $0x2D2A, v1  }
0x54: {  	v60 =	vsel vm0, $0xBB3, v3;
	v3 =	vimm.s32 $0x3F3B;
	v2 =	vsel vm14, $0x2203, v2  }
0x55: {  	v56 =	vsel vm0, $0x2DB2, v1;
	v1 =	vimm.s32 $0x1D3B;
	v3 =	vsel vm14, $0x3303, v3  }
0x56: {  	v2 =	vsel vm13, $0x228B, v2;
	v1 =	vsel vm14, $0x1103, v1;
	v3 =	vsel vm13, $0x338B, v3  }
0x57: {  	v2 =	vsel vm12, $0x2313, v2;
	v1 =	vsel vm13, $0x118B, v1;
	v3 =	vsel vm12, $0x3413, v3  }
0x58: {  	v2 =	vsel vm11, $0x239B, v2;
	v1 =	vsel vm12, $0x1213, v1;
	v3 =	vsel vm11, $0x349B, v3  }
0x59: {  	v2 =	vsel vm10, $0x2423, v2;
	v1 =	vsel vm11, $0x129B, v1;
	v3 =	vsel vm10, $0x3523, v3  }
0x5a: {  	v2 =	vsel vm9, $0x24AB, v2;
	v1 =	vsel vm10, $0x1323, v1;
	v3 =	vsel vm9, $0x35AB, v3  }
0x5b: {  	v2 =	vsel vm8, $0x2533, v2;
	v1 =	vsel vm9, $0x13AB, v1;
	v3 =	vsel vm8, $0x3633, v3  }
0x5c: {  	v2 =	vsel vm7, $0x25BB, v2;
	v1 =	vsel vm8, $0x1433, v1;
	v3 =	vsel vm7, $0x36BB, v3  }
0x5d: {  	v2 =	vsel vm6, $0x2A83, v2;
	v1 =	vsel vm7, $0x14BB, v1;
	v3 =	vsel vm6, $0x3B83, v3  }
0x5e: {  	v2 =	vsel vm5, $0x2B0B, v2;
	v1 =	vsel vm6, $0x1983, v1;
	v3 =	vsel vm5, $0x3C0B, v3  }
0x5f: {  	v2 =	vsel vm4, $0x2B93, v2;
	v1 =	vsel vm5, $0x1A0B, v1;
	v3 =	vsel vm4, $0x3C93, v3  }
0x60: {  	v2 =	vsel vm3, $0x2C1B, v2;
	v1 =	vsel vm4, $0x1A93, v1;
	v3 =	vsel vm3, $0x3D1B, v3  }
0x61: {  	v2 =	vsel vm2, $0x2CA3, v2;
	v1 =	vsel vm3, $0x1B1B, v1;
	v3 =	vsel vm2, $0x3DA3, v3  }
0x62: {  	v2 =	vsel vm1, $0x2D2B, v2;
	v1 =	vsel vm2, $0x1BA3, v1;
	v3 =	vsel vm1, $0x3E2B, v3  }
0x63: {  	v61 =	vsel vm0, $0x2DB3, v2;
	v2 =	vimm.s32 $0x1D3C;
	v1 =	vsel vm1, $0x1C2B, v1  }
0x64: {  	v6 =	vsel vm0, $0x3EB3, v3;
	v32 =	vsel vm0, $0x1CB3, v1;
	v1 =	vimm.s32 $0xC3C  }
0x65: {  	v3 =	vimm.s32 $0x2E3C;
	v2 =	vsel vm14, $0x1104, v2;
	v1 =	vsel vm14, $0x4, v1  }
0x66: {  	v3 =	vsel vm14, $0x2204, v3;
	v2 =	vsel vm13, $0x118C, v2;
	v1 =	vsel vm13, $0x8C, v1  }
0x67: {  	v3 =	vsel vm13, $0x228C, v3;
	v2 =	vsel vm12, $0x1214, v2;
	v1 =	vsel vm12, $0x114, v1  }
0x68: {  	v3 =	vsel vm12, $0x2314, v3;
	v2 =	vsel vm11, $0x129C, v2;
	v1 =	vsel vm11, $0x19C, v1  }
0x69: {  	v3 =	vsel vm11, $0x239C, v3;
	v2 =	vsel vm10, $0x1324, v2;
	v1 =	vsel vm10, $0x224, v1  }
0x6a: {  	v3 =	vsel vm10, $0x2424, v3;
	v2 =	vsel vm9, $0x13AC, v2;
	v1 =	vsel vm9, $0x2AC, v1  }
0x6b: {  	v3 =	vsel vm9, $0x24AC, v3;
	v2 =	vsel vm8, $0x1434, v2;
	v1 =	vsel vm8, $0x334, v1  }
0x6c: {  	v3 =	vsel vm8, $0x2534, v3;
	v2 =	vsel vm7, $0x14BC, v2;
	v1 =	vsel vm7, $0x3BC, v1  }
0x6d: {  	v3 =	vsel vm7, $0x25BC, v3;
	v2 =	vsel vm6, $0x1984, v2;
	v1 =	vsel vm6, $0x884, v1  }
0x6e: {  	v3 =	vsel vm6, $0x2A84, v3;
	v2 =	vsel vm5, $0x1A0C, v2;
	v1 =	vsel vm5, $0x90C, v1  }
0x6f: {  	v3 =	vsel vm5, $0x2B0C, v3;
	v2 =	vsel vm4, $0x1A94, v2;
	v1 =	vsel vm4, $0x994, v1  }
0x70: {  	v3 =	vsel vm4, $0x2B94, v3;
	v2 =	vsel vm3, $0x1B1C, v2;
	v1 =	vsel vm3, $0xA1C, v1  }
0x71: {  	v3 =	vsel vm3, $0x2C1C, v3;
	v2 =	vsel vm2, $0x1BA4, v2;
	v1 =	vsel vm2, $0xAA4, v1  }
0x72: {  	v3 =	vsel vm2, $0x2CA4, v3;
	v2 =	vsel vm1, $0x1C2C, v2;
	v1 =	vsel vm1, $0xB2C, v1  }
0x73: {  	v3 =	vsel vm1, $0x2D2C, v3;
	v44 =	vsel vm0, $0xBB4, v1;
	v1 =	vsel vm0, $0x1CB4, v2  }
0x74: {  	v2 =	vimm.s32 $0xC3D;
	[tilespmem:$0x1FC80] =	vst v1;
	v1 =	vsel vm0, $0x2DB4, v3;
	v3 =	vimm.s32 $0x1D3D  }
0x75: {  	v2 =	vsel vm14, $0x5, v2;
	[tilespmem:$0x1FC90] =	vst v1;
	v1 =	vimm.s32 $0x3F3C;
	v3 =	vsel vm14, $0x1105, v3  }
0x76: {  	v2 =	vsel vm13, $0x8D, v2;
	v1 =	vsel vm14, $0x3304, v1;
	v3 =	vsel vm13, $0x118D, v3  }
0x77: {  	v2 =	vsel vm12, $0x115, v2;
	v1 =	vsel vm13, $0x338C, v1;
	v3 =	vsel vm12, $0x1215, v3  }
0x78: {  	v2 =	vsel vm11, $0x19D, v2;
	v1 =	vsel vm12, $0x3414, v1;
	v3 =	vsel vm11, $0x129D, v3  }
0x79: {  	v2 =	vsel vm10, $0x225, v2;
	v1 =	vsel vm11, $0x349C, v1;
	v3 =	vsel vm10, $0x1325, v3  }
0x7a: {  	v2 =	vsel vm9, $0x2AD, v2;
	v1 =	vsel vm10, $0x3524, v1;
	v3 =	vsel vm9, $0x13AD, v3  }
0x7b: {  	v2 =	vsel vm8, $0x335, v2;
	v1 =	vsel vm9, $0x35AC, v1;
	v3 =	vsel vm8, $0x1435, v3  }
0x7c: {  	v2 =	vsel vm7, $0x3BD, v2;
	v1 =	vsel vm8, $0x3634, v1;
	v3 =	vsel vm7, $0x14BD, v3  }
0x7d: {  	v2 =	vsel vm6, $0x885, v2;
	v1 =	vsel vm7, $0x36BC, v1;
	v3 =	vsel vm6, $0x1985, v3  }
0x7e: {  	v2 =	vsel vm5, $0x90D, v2;
	v1 =	vsel vm6, $0x3B84, v1;
	v3 =	vsel vm5, $0x1A0D, v3  }
0x7f: {  	v2 =	vsel vm4, $0x995, v2;
	v1 =	vsel vm5, $0x3C0C, v1;
	v3 =	vsel vm4, $0x1A95, v3  }
0x80: {  	v2 =	vsel vm3, $0xA1D, v2;
	v1 =	vsel vm4, $0x3C94, v1;
	v3 =	vsel vm3, $0x1B1D, v3  }
0x81: {  	v2 =	vsel vm2, $0xAA5, v2;
	v1 =	vsel vm3, $0x3D1C, v1;
	v3 =	vsel vm2, $0x1BA5, v3  }
0x82: {  	v2 =	vsel vm1, $0xB2D, v2;
	v1 =	vsel vm2, $0x3DA4, v1;
	v3 =	vsel vm1, $0x1C2D, v3  }
0x83: {  	v49 =	vsel vm0, $0xBB5, v2;
	v2 =	vimm.s32 $0x3F3D;
	v1 =	vsel vm1, $0x3E2C, v1  }
0x84: {  	v20 =	vsel vm0, $0x1CB5, v3;
	v3 =	vimm.s32 $0xC3E;
	v2 =	vsel vm14, $0x3305, v2  }
0x85: {  	v47 =	vsel vm0, $0x3EB4, v1;
	v1 =	vimm.s32 $0x2E3D;
	v3 =	vsel vm14, $0x6, v3  }
0x86: {  	v2 =	vsel vm13, $0x338D, v2;
	v1 =	vsel vm14, $0x2205, v1;
	v3 =	vsel vm13, $0x8E, v3  }
0x87: {  	v2 =	vsel vm12, $0x3415, v2;
	v1 =	vsel vm13, $0x228D, v1;
	v3 =	vsel vm12, $0x116, v3  }
0x88: {  	v2 =	vsel vm11, $0x349D, v2;
	v1 =	vsel vm12, $0x2315, v1;
	v3 =	vsel vm11, $0x19E, v3  }
0x89: {  	v2 =	vsel vm10, $0x3525, v2;
	v1 =	vsel vm11, $0x239D, v1;
	v3 =	vsel vm10, $0x226, v3  }
0x8a: {  	v2 =	vsel vm9, $0x35AD, v2;
	v1 =	vsel vm10, $0x2425, v1;
	v3 =	vsel vm9, $0x2AE, v3  }
0x8b: {  	v2 =	vsel vm8, $0x3635, v2;
	v1 =	vsel vm9, $0x24AD, v1;
	v3 =	vsel vm8, $0x336, v3  }
0x8c: {  	v2 =	vsel vm7, $0x36BD, v2;
	v1 =	vsel vm8, $0x2535, v1;
	v3 =	vsel vm7, $0x3BE, v3  }
0x8d: {  	v2 =	vsel vm6, $0x3B85, v2;
	v1 =	vsel vm7, $0x25BD, v1;
	v3 =	vsel vm6, $0x886, v3  }
0x8e: {  	v2 =	vsel vm5, $0x3C0D, v2;
	v1 =	vsel vm6, $0x2A85, v1;
	v3 =	vsel vm5, $0x90E, v3  }
0x8f: {  	v2 =	vsel vm4, $0x3C95, v2;
	v1 =	vsel vm5, $0x2B0D, v1;
	v3 =	vsel vm4, $0x996, v3  }
0x90: {  	v2 =	vsel vm3, $0x3D1D, v2;
	v1 =	vsel vm4, $0x2B95, v1;
	v3 =	vsel vm3, $0xA1E, v3  }
0x91: {  	v2 =	vsel vm2, $0x3DA5, v2;
	v1 =	vsel vm3, $0x2C1D, v1;
	v3 =	vsel vm2, $0xAA6, v3  }
0x92: {  	v2 =	vsel vm1, $0x3E2D, v2;
	v1 =	vsel vm2, $0x2CA5, v1;
	v3 =	vsel vm1, $0xB2E, v3  }
0x93: {  	v1 =	vsel vm1, $0x2D2D, v1;
	v63 =	vsel vm0, $0xBB6, v3;
	v3 =	vimm.s32 $0x3F3E  }
0x94: {  	v19 =	vsel vm0, $0x2DB5, v1;
	v1 =	vsel vm0, $0x3EB5, v2;
	v2 =	vimm.s32 $0x2E3E  }
0x95: {  	v3 =	vsel vm14, $0x3306, v3;
	[tilespmem:$0x1FCA0] =	vst v1;
	v1 =	vimm.s32 $0x1D3E;
	v2 =	vsel vm14, $0x2206, v2  }
0x96: {  	v3 =	vsel vm13, $0x338E, v3;
	v1 =	vsel vm14, $0x1106, v1;
	v2 =	vsel vm13, $0x228E, v2  }
0x97: {  	v3 =	vsel vm12, $0x3416, v3;
	v1 =	vsel vm13, $0x118E, v1;
	v2 =	vsel vm12, $0x2316, v2  }
0x98: {  	v3 =	vsel vm11, $0x349E, v3;
	v1 =	vsel vm12, $0x1216, v1;
	v2 =	vsel vm11, $0x239E, v2  }
0x99: {  	v3 =	vsel vm10, $0x3526, v3;
	v1 =	vsel vm11, $0x129E, v1;
	v2 =	vsel vm10, $0x2426, v2  }
0x9a: {  	v3 =	vsel vm9, $0x35AE, v3;
	v1 =	vsel vm10, $0x1326, v1;
	v2 =	vsel vm9, $0x24AE, v2  }
0x9b: {  	v3 =	vsel vm8, $0x3636, v3;
	v1 =	vsel vm9, $0x13AE, v1;
	v2 =	vsel vm8, $0x2536, v2  }
0x9c: {  	v3 =	vsel vm7, $0x36BE, v3;
	v1 =	vsel vm8, $0x1436, v1;
	v2 =	vsel vm7, $0x25BE, v2  }
0x9d: {  	v3 =	vsel vm6, $0x3B86, v3;
	v1 =	vsel vm7, $0x14BE, v1;
	v2 =	vsel vm6, $0x2A86, v2  }
0x9e: {  	v3 =	vsel vm5, $0x3C0E, v3;
	v1 =	vsel vm6, $0x1986, v1;
	v2 =	vsel vm5, $0x2B0E, v2  }
0x9f: {  	v3 =	vsel vm4, $0x3C96, v3;
	v1 =	vsel vm5, $0x1A0E, v1;
	v2 =	vsel vm4, $0x2B96, v2  }
0xa0: {  	v3 =	vsel vm3, $0x3D1E, v3;
	v1 =	vsel vm4, $0x1A96, v1;
	v2 =	vsel vm3, $0x2C1E, v2  }
0xa1: {  	v3 =	vsel vm2, $0x3DA6, v3;
	v1 =	vsel vm3, $0x1B1E, v1;
	v2 =	vsel vm2, $0x2CA6, v2  }
0xa2: {  	v3 =	vsel vm1, $0x3E2E, v3;
	v1 =	vsel vm2, $0x1BA6, v1;
	v2 =	vsel vm1, $0x2D2E, v2  }
0xa3: {  	v10 =	vsel vm0, $0x3EB6, v3;
	v3 =	vimm.s32 $0x2E3F;
	v1 =	vsel vm1, $0x1C2E, v1  }
0xa4: {  	v43 =	vsel vm0, $0x2DB6, v2;
	v55 =	vsel vm0, $0x1CB6, v1;
	v1 =	vimm.s32 $0xC3F  }
0xa5: {  	v2 =	vimm.s32 $0x1D3F;
	v3 =	vsel vm14, $0x2207, v3;
	v1 =	vsel vm14, $0x7, v1  }
0xa6: {  	v2 =	vsel vm14, $0x1107, v2;
	v3 =	vsel vm13, $0x228F, v3;
	v1 =	vsel vm13, $0x8F, v1  }
0xa7: {  	v2 =	vsel vm13, $0x118F, v2;
	v3 =	vsel vm12, $0x2317, v3;
	v1 =	vsel vm12, $0x117, v1  }
0xa8: {  	v2 =	vsel vm12, $0x1217, v2;
	v3 =	vsel vm11, $0x239F, v3;
	v1 =	vsel vm11, $0x19F, v1  }
0xa9: {  	v2 =	vsel vm11, $0x129F, v2;
	v3 =	vsel vm10, $0x2427, v3;
	v1 =	vsel vm10, $0x227, v1  }
0xaa: {  	v2 =	vsel vm10, $0x1327, v2;
	v3 =	vsel vm9, $0x24AF, v3;
	v1 =	vsel vm9, $0x2AF, v1  }
0xab: {  	v2 =	vsel vm9, $0x13AF, v2;
	v3 =	vsel vm8, $0x2537, v3;
	v1 =	vsel vm8, $0x337, v1  }
0xac: {  	v2 =	vsel vm8, $0x1437, v2;
	v3 =	vsel vm7, $0x25BF, v3;
	v1 =	vsel vm7, $0x3BF, v1  }
0xad: {  	v2 =	vsel vm7, $0x14BF, v2;
	v3 =	vsel vm6, $0x2A87, v3;
	v1 =	vsel vm6, $0x887, v1  }
0xae: {  	v2 =	vsel vm6, $0x1987, v2;
	v3 =	vsel vm5, $0x2B0F, v3;
	v1 =	vsel vm5, $0x90F, v1  }
0xaf: {  	v2 =	vsel vm5, $0x1A0F, v2;
	v3 =	vsel vm4, $0x2B97, v3;
	v1 =	vsel vm4, $0x997, v1  }
0xb0: {  	v2 =	vsel vm4, $0x1A97, v2;
	v3 =	vsel vm3, $0x2C1F, v3;
	v1 =	vsel vm3, $0xA1F, v1  }
0xb1: {  	v2 =	vsel vm3, $0x1B1F, v2;
	v3 =	vsel vm2, $0x2CA7, v3;
	v1 =	vsel vm2, $0xAA7, v1  }
0xb2: {  	v2 =	vsel vm2, $0x1BA7, v2;
	v3 =	vsel vm1, $0x2D2F, v3;
	v1 =	vsel vm1, $0xB2F, v1  }
0xb3: {  	v2 =	vsel vm1, $0x1C2F, v2;
	v39 =	vsel vm0, $0xBB7, v1;
	v1 =	vsel vm0, $0x2DB7, v3  }
0xb4: {  	v38 =	vsel vm0, $0x1CB7, v2;
	v2 =	vimm.s32 $0x1078;
	[tilespmem:$0x1FCB0] =	vst v1;
	v1 =	vimm.s32 $0x3F3F  }
0xb5: {  	v3 =	vimm.s32 $0x2178;
	v2 =	vsel vm14, $0x440, v2;
	v1 =	vsel vm14, $0x3307, v1  }
0xb6: {  	v3 =	vsel vm14, $0x1540, v3;
	v2 =	vsel vm13, $0x4C8, v2;
	v1 =	vsel vm13, $0x338F, v1  }
0xb7: {  	v3 =	vsel vm13, $0x15C8, v3;
	v2 =	vsel vm12, $0x550, v2;
	v1 =	vsel vm12, $0x3417, v1  }
0xb8: {  	v3 =	vsel vm12, $0x1650, v3;
	v2 =	vsel vm11, $0x5D8, v2;
	v1 =	vsel vm11, $0x349F, v1  }
0xb9: {  	v3 =	vsel vm11, $0x16D8, v3;
	v2 =	vsel vm10, $0x660, v2;
	v1 =	vsel vm10, $0x3527, v1  }
0xba: {  	v3 =	vsel vm10, $0x1760, v3;
	v2 =	vsel vm9, $0x6E8, v2;
	v1 =	vsel vm9, $0x35AF, v1  }
0xbb: {  	v3 =	vsel vm9, $0x17E8, v3;
	v2 =	vsel vm8, $0x770, v2;
	v1 =	vsel vm8, $0x3637, v1  }
0xbc: {  	v3 =	vsel vm8, $0x1870, v3;
	v2 =	vsel vm7, $0x7F8, v2;
	v1 =	vsel vm7, $0x36BF, v1  }
0xbd: {  	v3 =	vsel vm7, $0x18F8, v3;
	v2 =	vsel vm6, $0xCC0, v2;
	v1 =	vsel vm6, $0x3B87, v1  }
0xbe: {  	v3 =	vsel vm6, $0x1DC0, v3;
	v2 =	vsel vm5, $0xD48, v2;
	v1 =	vsel vm5, $0x3C0F, v1  }
0xbf: {  	v3 =	vsel vm5, $0x1E48, v3;
	v2 =	vsel vm4, $0xDD0, v2;
	v1 =	vsel vm4, $0x3C97, v1  }
0xc0: {  	v3 =	vsel vm4, $0x1ED0, v3;
	v2 =	vsel vm3, $0xE58, v2;
	v1 =	vsel vm3, $0x3D1F, v1  }
0xc1: {  	v3 =	vsel vm3, $0x1F58, v3;
	v2 =	vsel vm2, $0xEE0, v2;
	v1 =	vsel vm2, $0x3DA7, v1  }
0xc2: {  	v3 =	vsel vm2, $0x1FE0, v3;
	v2 =	vsel vm1, $0xF68, v2;
	v1 =	vsel vm1, $0x3E2F, v1  }
0xc3: {  	v3 =	vsel vm1, $0x2068, v3;
	v40 =	vsel vm0, $0x3EB7, v1;
	v1 =	vsel vm0, $0xFF0, v2  }
0xc4: {  	[tilespmem:$0x1FCC0] =	vst v1;
	v1 =	vsel vm0, $0x20F0, v3  }
0xc5: {  	[tilespmem:$0x1FCD0] =	vst v1;
	v1 =	vimm.s32 $0x3278  }
0xc6: {  	v2 =	vimm.s32 $0x4378;
	v1 =	vsel vm14, $0x2640, v1  }
0xc7: {  	v3 =	vimm.s32 $0x1079;
	v2 =	vsel vm14, $0x3740, v2;
	v1 =	vsel vm13, $0x26C8, v1  }
0xc8: {  	v3 =	vsel vm14, $0x441, v3;
	v2 =	vsel vm13, $0x37C8, v2;
	v1 =	vsel vm12, $0x2750, v1  }
0xc9: {  	v3 =	vsel vm13, $0x4C9, v3;
	v2 =	vsel vm12, $0x3850, v2;
	v1 =	vsel vm11, $0x27D8, v1  }
0xca: {  	v3 =	vsel vm12, $0x551, v3;
	v2 =	vsel vm11, $0x38D8, v2;
	v1 =	vsel vm10, $0x2860, v1  }
0xcb: {  	v3 =	vsel vm11, $0x5D9, v3;
	v2 =	vsel vm10, $0x3960, v2;
	v1 =	vsel vm9, $0x28E8, v1  }
0xcc: {  	v3 =	vsel vm10, $0x661, v3;
	v2 =	vsel vm9, $0x39E8, v2;
	v1 =	vsel vm8, $0x2970, v1  }
0xcd: {  	v3 =	vsel vm9, $0x6E9, v3;
	v2 =	vsel vm8, $0x3A70, v2;
	v1 =	vsel vm7, $0x29F8, v1  }
0xce: {  	v3 =	vsel vm8, $0x771, v3;
	v2 =	vsel vm7, $0x3AF8, v2;
	v1 =	vsel vm6, $0x2EC0, v1  }
0xcf: {  	v3 =	vsel vm7, $0x7F9, v3;
	v2 =	vsel vm6, $0x3FC0, v2;
	v1 =	vsel vm5, $0x2F48, v1  }
0xd0: {  	v3 =	vsel vm6, $0xCC1, v3;
	v2 =	vsel vm5, $0x4048, v2;
	v1 =	vsel vm4, $0x2FD0, v1  }
0xd1: {  	v3 =	vsel vm5, $0xD49, v3;
	v2 =	vsel vm4, $0x40D0, v2;
	v1 =	vsel vm3, $0x3058, v1  }
0xd2: {  	v3 =	vsel vm4, $0xDD1, v3;
	v2 =	vsel vm3, $0x4158, v2;
	v1 =	vsel vm2, $0x30E0, v1  }
0xd3: {  	v3 =	vsel vm3, $0xE59, v3;
	v2 =	vsel vm2, $0x41E0, v2;
	v1 =	vsel vm1, $0x3168, v1  }
0xd4: {  	v3 =	vsel vm2, $0xEE1, v3;
	v2 =	vsel vm1, $0x4268, v2;
	v1 =	vsel vm0, $0x31F0, v1  }
0xd5: {  	v3 =	vsel vm1, $0xF69, v3;
	[tilespmem:$0x1FCE0] =	vst v1;
	v1 =	vsel vm0, $0x42F0, v2  }
0xd6: {  	[tilespmem:$0x1FCF0] =	vst v1;
	v1 =	vsel vm0, $0xFF1, v3  }
0xd7: {  	[tilespmem:$0x1FD00] =	vst v1;
	v1 =	vimm.s32 $0x2179  }
0xd8: {  	v2 =	vimm.s32 $0x3279;
	v1 =	vsel vm14, $0x1541, v1  }
0xd9: {  	v3 =	vimm.s32 $0x4379;
	v2 =	vsel vm14, $0x2641, v2;
	v1 =	vsel vm13, $0x15C9, v1  }
0xda: {  	v3 =	vsel vm14, $0x3741, v3;
	v2 =	vsel vm13, $0x26C9, v2;
	v1 =	vsel vm12, $0x1651, v1  }
0xdb: {  	v3 =	vsel vm13, $0x37C9, v3;
	v2 =	vsel vm12, $0x2751, v2;
	v1 =	vsel vm11, $0x16D9, v1  }
0xdc: {  	v3 =	vsel vm12, $0x3851, v3;
	v2 =	vsel vm11, $0x27D9, v2;
	v1 =	vsel vm10, $0x1761, v1  }
0xdd: {  	v3 =	vsel vm11, $0x38D9, v3;
	v2 =	vsel vm10, $0x2861, v2;
	v1 =	vsel vm9, $0x17E9, v1  }
0xde: {  	v3 =	vsel vm10, $0x3961, v3;
	v2 =	vsel vm9, $0x28E9, v2;
	v1 =	vsel vm8, $0x1871, v1  }
0xdf: {  	v3 =	vsel vm9, $0x39E9, v3;
	v2 =	vsel vm8, $0x2971, v2;
	v1 =	vsel vm7, $0x18F9, v1  }
0xe0: {  	v3 =	vsel vm8, $0x3A71, v3;
	v2 =	vsel vm7, $0x29F9, v2;
	v1 =	vsel vm6, $0x1DC1, v1  }
0xe1: {  	v3 =	vsel vm7, $0x3AF9, v3;
	v2 =	vsel vm6, $0x2EC1, v2;
	v1 =	vsel vm5, $0x1E49, v1  }
0xe2: {  	v3 =	vsel vm6, $0x3FC1, v3;
	v2 =	vsel vm5, $0x2F49, v2;
	v1 =	vsel vm4, $0x1ED1, v1  }
0xe3: {  	v3 =	vsel vm5, $0x4049, v3;
	v2 =	vsel vm4, $0x2FD1, v2;
	v1 =	vsel vm3, $0x1F59, v1  }
0xe4: {  	v3 =	vsel vm4, $0x40D1, v3;
	v2 =	vsel vm3, $0x3059, v2;
	v1 =	vsel vm2, $0x1FE1, v1  }
0xe5: {  	v3 =	vsel vm3, $0x4159, v3;
	v2 =	vsel vm2, $0x30E1, v2;
	v1 =	vsel vm1, $0x2069, v1  }
0xe6: {  	v3 =	vsel vm2, $0x41E1, v3;
	v2 =	vsel vm1, $0x3169, v2;
	v1 =	vsel vm0, $0x20F1, v1  }
0xe7: {  	v3 =	vsel vm1, $0x4269, v3;
	[tilespmem:$0x1FD10] =	vst v1;
	v1 =	vsel vm0, $0x31F1, v2  }
0xe8: {  	[tilespmem:$0x1FD20] =	vst v1;
	v1 =	vsel vm0, $0x42F1, v3  }
0xe9: {  	[tilespmem:$0x1FD30] =	vst v1;
	v1 =	vimm.s32 $0x107A  }
0xea: {  	v2 =	vimm.s32 $0x217A;
	v1 =	vsel vm14, $0x442, v1  }
0xeb: {  	v3 =	vimm.s32 $0x327A;
	v2 =	vsel vm14, $0x1542, v2;
	v1 =	vsel vm13, $0x4CA, v1  }
0xec: {  	v3 =	vsel vm14, $0x2642, v3;
	v2 =	vsel vm13, $0x15CA, v2;
	v1 =	vsel vm12, $0x552, v1  }
0xed: {  	v3 =	vsel vm13, $0x26CA, v3;
	v2 =	vsel vm12, $0x1652, v2;
	v1 =	vsel vm11, $0x5DA, v1  }
0xee: {  	v3 =	vsel vm12, $0x2752, v3;
	v2 =	vsel vm11, $0x16DA, v2;
	v1 =	vsel vm10, $0x662, v1  }
0xef: {  	v3 =	vsel vm11, $0x27DA, v3;
	v2 =	vsel vm10, $0x1762, v2;
	v1 =	vsel vm9, $0x6EA, v1  }
0xf0: {  	v3 =	vsel vm10, $0x2862, v3;
	v2 =	vsel vm9, $0x17EA, v2;
	v1 =	vsel vm8, $0x772, v1  }
0xf1: {  	v3 =	vsel vm9, $0x28EA, v3;
	v2 =	vsel vm8, $0x1872, v2;
	v1 =	vsel vm7, $0x7FA, v1  }
0xf2: {  	v3 =	vsel vm8, $0x2972, v3;
	v2 =	vsel vm7, $0x18FA, v2;
	v1 =	vsel vm6, $0xCC2, v1  }
0xf3: {  	v3 =	vsel vm7, $0x29FA, v3;
	v2 =	vsel vm6, $0x1DC2, v2;
	v1 =	vsel vm5, $0xD4A, v1  }
0xf4: {  	v3 =	vsel vm6, $0x2EC2, v3;
	v2 =	vsel vm5, $0x1E4A, v2;
	v1 =	vsel vm4, $0xDD2, v1  }
0xf5: {  	v3 =	vsel vm5, $0x2F4A, v3;
	v2 =	vsel vm4, $0x1ED2, v2;
	v1 =	vsel vm3, $0xE5A, v1  }
0xf6: {  	v3 =	vsel vm4, $0x2FD2, v3;
	v2 =	vsel vm3, $0x1F5A, v2;
	v1 =	vsel vm2, $0xEE2, v1  }
0xf7: {  	v3 =	vsel vm3, $0x305A, v3;
	v2 =	vsel vm2, $0x1FE2, v2;
	v1 =	vsel vm1, $0xF6A, v1  }
0xf8: {  	v3 =	vsel vm2, $0x30E2, v3;
	v2 =	vsel vm1, $0x206A, v2;
	v1 =	vsel vm0, $0xFF2, v1  }
0xf9: {  	v3 =	vsel vm1, $0x316A, v3;
	[tilespmem:$0x1FD40] =	vst v1;
	v1 =	vsel vm0, $0x20F2, v2  }
0xfa: {  	[tilespmem:$0x1FD50] =	vst v1;
	v1 =	vsel vm0, $0x31F2, v3  }
0xfb: {  	[tilespmem:$0x1FD60] =	vst v1;
	v1 =	vimm.s32 $0x437A  }
0xfc: {  	v2 =	vimm.s32 $0x107B;
	v1 =	vsel vm14, $0x3742, v1  }
0xfd: {  	v3 =	vimm.s32 $0x217B;
	v2 =	vsel vm14, $0x443, v2;
	v1 =	vsel vm13, $0x37CA, v1  }
0xfe: {  	v3 =	vsel vm14, $0x1543, v3;
	v2 =	vsel vm13, $0x4CB, v2;
	v1 =	vsel vm12, $0x3852, v1  }
0xff: {  	v3 =	vsel vm13, $0x15CB, v3;
	v2 =	vsel vm12, $0x553, v2;
	v1 =	vsel vm11, $0x38DA, v1  }
0x100: {  	v3 =	vsel vm12, $0x1653, v3;
	v2 =	vsel vm11, $0x5DB, v2;
	v1 =	vsel vm10, $0x3962, v1  }
0x101: {  	v3 =	vsel vm11, $0x16DB, v3;
	v2 =	vsel vm10, $0x663, v2;
	v1 =	vsel vm9, $0x39EA, v1  }
0x102: {  	v3 =	vsel vm10, $0x1763, v3;
	v2 =	vsel vm9, $0x6EB, v2;
	v1 =	vsel vm8, $0x3A72, v1  }
0x103: {  	v3 =	vsel vm9, $0x17EB, v3;
	v2 =	vsel vm8, $0x773, v2;
	v1 =	vsel vm7, $0x3AFA, v1  }
0x104: {  	v3 =	vsel vm8, $0x1873, v3;
	v2 =	vsel vm7, $0x7FB, v2;
	v1 =	vsel vm6, $0x3FC2, v1  }
0x105: {  	v3 =	vsel vm7, $0x18FB, v3;
	v2 =	vsel vm6, $0xCC3, v2;
	v1 =	vsel vm5, $0x404A, v1  }
0x106: {  	v3 =	vsel vm6, $0x1DC3, v3;
	v2 =	vsel vm5, $0xD4B, v2;
	v1 =	vsel vm4, $0x40D2, v1  }
0x107: {  	v3 =	vsel vm5, $0x1E4B, v3;
	v2 =	vsel vm4, $0xDD3, v2;
	v1 =	vsel vm3, $0x415A, v1  }
0x108: {  	v3 =	vsel vm4, $0x1ED3, v3;
	v2 =	vsel vm3, $0xE5B, v2;
	v1 =	vsel vm2, $0x41E2, v1  }
0x109: {  	v3 =	vsel vm3, $0x1F5B, v3;
	v2 =	vsel vm2, $0xEE3, v2;
	v1 =	vsel vm1, $0x426A, v1  }
0x10a: {  	v3 =	vsel vm2, $0x1FE3, v3;
	v2 =	vsel vm1, $0xF6B, v2;
	v1 =	vsel vm0, $0x42F2, v1  }
0x10b: {  	v3 =	vsel vm1, $0x206B, v3;
	[tilespmem:$0x1FD70] =	vst v1;
	v1 =	vsel vm0, $0xFF3, v2  }
0x10c: {  	[tilespmem:$0x1FD80] =	vst v1;
	v1 =	vsel vm0, $0x20F3, v3  }
0x10d: {  	[tilespmem:$0x1FD90] =	vst v1;
	v1 =	vimm.s32 $0x327B  }
0x10e: {  	v2 =	vimm.s32 $0x437B;
	v1 =	vsel vm14, $0x2643, v1  }
0x10f: {  	v3 =	vimm.s32 $0x107C;
	v2 =	vsel vm14, $0x3743, v2;
	v1 =	vsel vm13, $0x26CB, v1  }
0x110: {  	v3 =	vsel vm14, $0x444, v3;
	v2 =	vsel vm13, $0x37CB, v2;
	v1 =	vsel vm12, $0x2753, v1  }
0x111: {  	v3 =	vsel vm13, $0x4CC, v3;
	v2 =	vsel vm12, $0x3853, v2;
	v1 =	vsel vm11, $0x27DB, v1  }
0x112: {  	v3 =	vsel vm12, $0x554, v3;
	v2 =	vsel vm11, $0x38DB, v2;
	v1 =	vsel vm10, $0x2863, v1  }
0x113: {  	v3 =	vsel vm11, $0x5DC, v3;
	v2 =	vsel vm10, $0x3963, v2;
	v1 =	vsel vm9, $0x28EB, v1  }
0x114: {  	v3 =	vsel vm10, $0x664, v3;
	v2 =	vsel vm9, $0x39EB, v2;
	v1 =	vsel vm8, $0x2973, v1  }
0x115: {  	v3 =	vsel vm9, $0x6EC, v3;
	v2 =	vsel vm8, $0x3A73, v2;
	v1 =	vsel vm7, $0x29FB, v1  }
0x116: {  	v3 =	vsel vm8, $0x774, v3;
	v2 =	vsel vm7, $0x3AFB, v2;
	v1 =	vsel vm6, $0x2EC3, v1  }
0x117: {  	v3 =	vsel vm7, $0x7FC, v3;
	v2 =	vsel vm6, $0x3FC3, v2;
	v1 =	vsel vm5, $0x2F4B, v1  }
0x118: {  	v3 =	vsel vm6, $0xCC4, v3;
	v2 =	vsel vm5, $0x404B, v2;
	v1 =	vsel vm4, $0x2FD3, v1  }
0x119: {  	v3 =	vsel vm5, $0xD4C, v3;
	v2 =	vsel vm4, $0x40D3, v2;
	v1 =	vsel vm3, $0x305B, v1  }
0x11a: {  	v3 =	vsel vm4, $0xDD4, v3;
	v2 =	vsel vm3, $0x415B, v2;
	v1 =	vsel vm2, $0x30E3, v1  }
0x11b: {  	v3 =	vsel vm3, $0xE5C, v3;
	v2 =	vsel vm2, $0x41E3, v2;
	v1 =	vsel vm1, $0x316B, v1  }
0x11c: {  	v3 =	vsel vm2, $0xEE4, v3;
	v2 =	vsel vm1, $0x426B, v2;
	v1 =	vsel vm0, $0x31F3, v1  }
0x11d: {  	v3 =	vsel vm1, $0xF6C, v3;
	[tilespmem:$0x1FDA0] =	vst v1;
	v1 =	vsel vm0, $0x42F3, v2  }
0x11e: {  	[tilespmem:$0x1FDB0] =	vst v1;
	v1 =	vsel vm0, $0xFF4, v3  }
0x11f: {  	[tilespmem:$0x1FDC0] =	vst v1;
	v1 =	vimm.s32 $0x217C  }
0x120: {  	v2 =	vimm.s32 $0x327C;
	v1 =	vsel vm14, $0x1544, v1  }
0x121: {  	v3 =	vimm.s32 $0x437C;
	v2 =	vsel vm14, $0x2644, v2;
	v1 =	vsel vm13, $0x15CC, v1  }
0x122: {  	v3 =	vsel vm14, $0x3744, v3;
	v2 =	vsel vm13, $0x26CC, v2;
	v1 =	vsel vm12, $0x1654, v1  }
0x123: {  	v3 =	vsel vm13, $0x37CC, v3;
	v2 =	vsel vm12, $0x2754, v2;
	v1 =	vsel vm11, $0x16DC, v1  }
0x124: {  	v3 =	vsel vm12, $0x3854, v3;
	v2 =	vsel vm11, $0x27DC, v2;
	v1 =	vsel vm10, $0x1764, v1  }
0x125: {  	v3 =	vsel vm11, $0x38DC, v3;
	v2 =	vsel vm10, $0x2864, v2;
	v1 =	vsel vm9, $0x17EC, v1  }
0x126: {  	v3 =	vsel vm10, $0x3964, v3;
	v2 =	vsel vm9, $0x28EC, v2;
	v1 =	vsel vm8, $0x1874, v1  }
0x127: {  	v3 =	vsel vm9, $0x39EC, v3;
	v2 =	vsel vm8, $0x2974, v2;
	v1 =	vsel vm7, $0x18FC, v1  }
0x128: {  	v3 =	vsel vm8, $0x3A74, v3;
	v2 =	vsel vm7, $0x29FC, v2;
	v1 =	vsel vm6, $0x1DC4, v1  }
0x129: {  	v3 =	vsel vm7, $0x3AFC, v3;
	v2 =	vsel vm6, $0x2EC4, v2;
	v1 =	vsel vm5, $0x1E4C, v1  }
0x12a: {  	v3 =	vsel vm6, $0x3FC4, v3;
	v2 =	vsel vm5, $0x2F4C, v2;
	v1 =	vsel vm4, $0x1ED4, v1  }
0x12b: {  	v3 =	vsel vm5, $0x404C, v3;
	v2 =	vsel vm4, $0x2FD4, v2;
	v1 =	vsel vm3, $0x1F5C, v1  }
0x12c: {  	v3 =	vsel vm4, $0x40D4, v3;
	v2 =	vsel vm3, $0x305C, v2;
	v1 =	vsel vm2, $0x1FE4, v1  }
0x12d: {  	v3 =	vsel vm3, $0x415C, v3;
	v2 =	vsel vm2, $0x30E4, v2;
	v1 =	vsel vm1, $0x206C, v1  }
0x12e: {  	v3 =	vsel vm2, $0x41E4, v3;
	v2 =	vsel vm1, $0x316C, v2;
	v1 =	vsel vm0, $0x20F4, v1  }
0x12f: {  	v3 =	vsel vm1, $0x426C, v3;
	[tilespmem:$0x1FDD0] =	vst v1;
	v1 =	vsel vm0, $0x31F4, v2  }
0x130: {  	v2 =	vimm.s32 $0x217D;
	[tilespmem:$0x1FDE0] =	vst v1;
	v1 =	vsel vm0, $0x42F4, v3  }
0x131: {  	v3 =	vimm.s32 $0x327D;
	v2 =	vsel vm14, $0x1545, v2;
	[tilespmem:$0x1FDF0] =	vst v1;
	v1 =	vimm.s32 $0x107D  }
0x132: {  	v3 =	vsel vm14, $0x2645, v3;
	v2 =	vsel vm13, $0x15CD, v2;
	v1 =	vsel vm14, $0x445, v1  }
0x133: {  	v3 =	vsel vm13, $0x26CD, v3;
	v2 =	vsel vm12, $0x1655, v2;
	v1 =	vsel vm13, $0x4CD, v1  }
0x134: {  	v3 =	vsel vm12, $0x2755, v3;
	v2 =	vsel vm11, $0x16DD, v2;
	v1 =	vsel vm12, $0x555, v1  }
0x135: {  	v3 =	vsel vm11, $0x27DD, v3;
	v2 =	vsel vm10, $0x1765, v2;
	v1 =	vsel vm11, $0x5DD, v1  }
0x136: {  	v3 =	vsel vm10, $0x2865, v3;
	v2 =	vsel vm9, $0x17ED, v2;
	v1 =	vsel vm10, $0x665, v1  }
0x137: {  	v3 =	vsel vm9, $0x28ED, v3;
	v2 =	vsel vm8, $0x1875, v2;
	v1 =	vsel vm9, $0x6ED, v1  }
0x138: {  	v3 =	vsel vm8, $0x2975, v3;
	v2 =	vsel vm7, $0x18FD, v2;
	v1 =	vsel vm8, $0x775, v1  }
0x139: {  	v3 =	vsel vm7, $0x29FD, v3;
	v2 =	vsel vm6, $0x1DC5, v2;
	v1 =	vsel vm7, $0x7FD, v1  }
0x13a: {  	v3 =	vsel vm6, $0x2EC5, v3;
	v2 =	vsel vm5, $0x1E4D, v2;
	v1 =	vsel vm6, $0xCC5, v1  }
0x13b: {  	v3 =	vsel vm5, $0x2F4D, v3;
	v2 =	vsel vm4, $0x1ED5, v2;
	v1 =	vsel vm5, $0xD4D, v1  }
0x13c: {  	v3 =	vsel vm4, $0x2FD5, v3;
	v2 =	vsel vm3, $0x1F5D, v2;
	v1 =	vsel vm4, $0xDD5, v1  }
0x13d: {  	v3 =	vsel vm3, $0x305D, v3;
	v2 =	vsel vm2, $0x1FE5, v2;
	v1 =	vsel vm3, $0xE5D, v1  }
0x13e: {  	v3 =	vsel vm2, $0x30E5, v3;
	v2 =	vsel vm1, $0x206D, v2;
	v1 =	vsel vm2, $0xEE5, v1  }
0x13f: {  	v46 =	vsel vm0, $0x20F5, v2;
	v2 =	vimm.s32 $0x107E;
	v1 =	vsel vm1, $0xF6D, v1  }
0x140: {  	v3 =	vsel vm1, $0x316D, v3;
	v2 =	vsel vm14, $0x446, v2;
	v1 =	vsel vm0, $0xFF5, v1  }
0x141: {  	v2 =	vsel vm13, $0x4CE, v2;
	[tilespmem:$0x1FE00] =	vst v1;
	v1 =	vsel vm0, $0x31F5, v3  }
0x142: {  	v3 =	vimm.s32 $0x217E;
	v2 =	vsel vm12, $0x556, v2;
	[tilespmem:$0x1FE10] =	vst v1;
	v1 =	vimm.s32 $0x437D  }
0x143: {  	v3 =	vsel vm14, $0x1546, v3;
	v2 =	vsel vm11, $0x5DE, v2;
	v1 =	vsel vm14, $0x3745, v1  }
0x144: {  	v3 =	vsel vm13, $0x15CE, v3;
	v2 =	vsel vm10, $0x666, v2;
	v1 =	vsel vm13, $0x37CD, v1  }
0x145: {  	v3 =	vsel vm12, $0x1656, v3;
	v2 =	vsel vm9, $0x6EE, v2;
	v1 =	vsel vm12, $0x3855, v1  }
0x146: {  	v3 =	vsel vm11, $0x16DE, v3;
	v2 =	vsel vm8, $0x776, v2;
	v1 =	vsel vm11, $0x38DD, v1  }
0x147: {  	v3 =	vsel vm10, $0x1766, v3;
	v2 =	vsel vm7, $0x7FE, v2;
	v1 =	vsel vm10, $0x3965, v1  }
0x148: {  	v3 =	vsel vm9, $0x17EE, v3;
	v2 =	vsel vm6, $0xCC6, v2;
	v1 =	vsel vm9, $0x39ED, v1  }
0x149: {  	v3 =	vsel vm8, $0x1876, v3;
	v2 =	vsel vm5, $0xD4E, v2;
	v1 =	vsel vm8, $0x3A75, v1  }
0x14a: {  	v3 =	vsel vm7, $0x18FE, v3;
	v2 =	vsel vm4, $0xDD6, v2;
	v1 =	vsel vm7, $0x3AFD, v1  }
0x14b: {  	v3 =	vsel vm6, $0x1DC6, v3;
	v2 =	vsel vm3, $0xE5E, v2;
	v1 =	vsel vm6, $0x3FC5, v1  }
0x14c: {  	v3 =	vsel vm5, $0x1E4E, v3;
	v2 =	vsel vm2, $0xEE6, v2;
	v1 =	vsel vm5, $0x404D, v1  }
0x14d: {  	v3 =	vsel vm4, $0x1ED6, v3;
	v2 =	vsel vm1, $0xF6E, v2;
	v1 =	vsel vm4, $0x40D5, v1  }
0x14e: {  	v3 =	vsel vm3, $0x1F5E, v3;
	v4 =	vsel vm0, $0xFF6, v2;
	v2 =	vimm.s32 $0x437E  }
0x14f: {  	v1 =	vsel vm3, $0x415D, v1;
	v3 =	vsel vm2, $0x1FE6, v3;
	v2 =	vsel vm14, $0x3746, v2  }
0x150: {  	v1 =	vsel vm2, $0x41E5, v1;
	v3 =	vsel vm1, $0x206E, v3;
	v2 =	vsel vm13, $0x37CE, v2  }
0x151: {  	v1 =	vsel vm1, $0x426D, v1;
	v53 =	vsel vm0, $0x20F6, v3;
	v3 =	vimm.s32 $0x107F  }
0x152: {  	v2 =	vsel vm12, $0x3856, v2;
	v1 =	vsel vm0, $0x42F5, v1;
	v3 =	vsel vm14, $0x447, v3  }
0x153: {  	v2 =	vsel vm11, $0x38DE, v2;
	[tilespmem:$0x1FE20] =	vst v1;
	v1 =	vimm.s32 $0x327E;
	v3 =	vsel vm13, $0x4CF, v3  }
0x154: {  	s6 =	rddreg [dreg:$0x0];
	s3 =	simm.s32 $0x0;
	v2 =	vsel vm10, $0x3966, v2;
	v1 =	vsel vm14, $0x2646, v1;
	v3 =	vsel vm12, $0x557, v3  }
0x155: {  	[smem:$0x7FF] =	sst s3;
	v2 =	vsel vm9, $0x39EE, v2;
	v1 =	vsel vm13, $0x26CE, v1;
	v3 =	vsel vm11, $0x5DF, v3  }
0x156: {  	s2 =	rddreg [dreg:$0x1];
	_ =	strace $0x80000047;
	[tilespmem:$0x1FE40] =	vst v43;
	v2 =	vsel vm8, $0x3A76, v2;
	v1 =	vsel vm12, $0x2756, v1;
	v3 =	vsel vm10, $0x667, v3  }
0x157: {  	[tilespmem:$0x1FE50] =	vst v10;
	v2 =	vsel vm7, $0x3AFE, v2;
	v1 =	vsel vm11, $0x27DE, v1;
	v3 =	vsel vm9, $0x6EF, v3  }
0x158: {  	[tilespmem:$0x1FE60] =	vst v48;
	v2 =	vsel vm6, $0x3FC6, v2;
	v1 =	vsel vm10, $0x2866, v1;
	v3 =	vsel vm8, $0x777, v3  }
0x159: {  	[tilespmem:$0x1FE70] =	vst v8;
	v2 =	vsel vm5, $0x404E, v2;
	v1 =	vsel vm9, $0x28EE, v1;
	v3 =	vsel vm7, $0x7FF, v3  }
0x15a: {  	[tilespmem:$0x1FE80] =	vst v47;
	v2 =	vsel vm4, $0x40D6, v2;
	v1 =	vsel vm8, $0x2976, v1;
	v3 =	vsel vm6, $0xCC7, v3  }
0x15b: {  	[tilespmem:$0x1FE90] =	vst v63;
	v2 =	vsel vm3, $0x415E, v2;
	v1 =	vsel vm7, $0x29FE, v1;
	v3 =	vsel vm5, $0xD4F, v3  }
0x15c: {  	[tilespmem:$0x1FEA0] =	vst v7;
	v2 =	vsel vm2, $0x41E6, v2;
	v1 =	vsel vm6, $0x2EC6, v1;
	v3 =	vsel vm4, $0xDD7, v3  }
0x15d: {  	[tilespmem:$0x1FEB0] =	vst v19;
	v2 =	vsel vm1, $0x426E, v2;
	v1 =	vsel vm5, $0x2F4E, v1;
	v3 =	vsel vm3, $0xE5F, v3  }
0x15e: {  	[tilespmem:$0x1FEC0] =	vst v55;
	v54 =	vsel vm0, $0x42F6, v2;
	v2 =	vimm.s32 $0x327F;
	v1 =	vsel vm4, $0x2FD6, v1  }
0x15f: {  	[tilespmem:$0x1FED0] =	vst v40;
	v3 =	vsel vm2, $0xEE7, v3;
	v2 =	vsel vm14, $0x2647, v2;
	v1 =	vsel vm3, $0x305E, v1  }
0x160: {  	[tilespmem:$0x1FEE0] =	vst v39;
	v3 =	vsel vm1, $0xF6F, v3;
	v2 =	vsel vm13, $0x26CF, v2;
	v1 =	vsel vm2, $0x30E6, v1  }
0x161: {  	[tilespmem:$0x1FEF0] =	vst v60;
	v5 =	vsel vm0, $0xFF7, v3;
	v3 =	vimm.s32 $0x437F;
	v1 =	vsel vm1, $0x316E, v1  }
0x162: {  	[tilespmem:$0x1FF00] =	vst v38;
	v3 =	vsel vm14, $0x3747, v3;
	v50 =	vsel vm0, $0x31F6, v1;
	v1 =	vimm.s32 $0x217F  }
0x163: {  	[tilespmem:$0x1FF10] =	vst v32;
	v2 =	vsel vm12, $0x2757, v2;
	v3 =	vsel vm13, $0x37CF, v3;
	v1 =	vsel vm14, $0x1547, v1  }
0x164: {  	[tilespmem:$0x1FF20] =	vst v61;
	v2 =	vsel vm11, $0x27DF, v2;
	v3 =	vsel vm12, $0x3857, v3;
	v1 =	vsel vm13, $0x15CF, v1  }
0x165: {  	s0 =	srdreg.scid;
	s1 =	stileid.u32;
	[tilespmem:$0x1FF30] =	vst v46;
	v2 =	vsel vm10, $0x2867, v2;
	v3 =	vsel vm11, $0x38DF, v3;
	v1 =	vsel vm12, $0x1657, v1  }
0x166: {  	s12 =	simm.s32 $0x5;
	s13 =	simm.s32 $0x80;
	s14 =	simm.s32 $0x200;
	[tilespmem:$0x1FF40] =	vst v4;
	v2 =	vsel vm9, $0x28EF, v2;
	v3 =	vsel vm10, $0x3967, v3;
	v1 =	vsel vm11, $0x16DF, v1  }
0x167: {  	s15 =	simm.s32 $0x2200;
	s16 =	simm.s32 $0x100;
	s17 =	simm.s32 $0x6;
	[tilespmem:$0x1FF50] =	vst v53;
	v2 =	vsel vm8, $0x2977, v2;
	v3 =	vsel vm9, $0x39EF, v3;
	v1 =	vsel vm10, $0x1767, v1  }
0x168: {  	s18 =	simm.s32 $0x4200;
	s0 =	sand.u32 $0x1, s0;
	s1 =	sshll.u32 s1, $0x1;
	[tilespmem:$0x1FFB0] =	vst v6;
	v2 =	vsel vm7, $0x29FF, v2;
	v3 =	vsel vm8, $0x3A77, v3;
	v1 =	vsel vm9, $0x17EF, v1  }
0x169: {  	s19 =	simm.s32 $0x180;
	s20 =	simm.s32 $0x6200;
	s1 =	sor.u32 s0, s1;
	[tilespmem:$0x1FFC0] =	vst v44;
	v2 =	vsel vm6, $0x2EC7, v2;
	v3 =	vsel vm7, $0x3AFF, v3;
	v1 =	vsel vm8, $0x1877, v1  }
0x16a: {  	s21 =	simm.s32 $0x1;
	s22 =	simm.s32 $0x8200;
	s4 =	smul.u32 $0x6400, s1;
	[tilespmem:$0x1FFD0] =	vst v49;
	v2 =	vsel vm5, $0x2F4F, v2;
	v3 =	vsel vm6, $0x3FC7, v3;
	v1 =	vsel vm7, $0x18FF, v1  }
0x16b: {  	s23 =	simm.s32 $0x2;
	s25 =	simm.s32 $0xC600;
	s5 =	sshll.u32 s1, $0xA;
	[tilespmem:$0x1FFE0] =	vst v56;
	v2 =	vsel vm4, $0x2FD7, v2;
	v3 =	vsel vm5, $0x404F, v3;
	v1 =	vsel vm6, $0x1DC7, v1  }
0x16c: {  	s24 =	simm.s32 $0x4;
	s5 =	sand.u32 $0xC00, s5;
	s7 =	sand.u32 $0xFF000, s4;
	[tilespmem:$0x1FFF0] =	vst v20;
	v2 =	vsel vm3, $0x305F, v2;
	v3 =	vsel vm4, $0x40D7, v3;
	v1 =	vsel vm5, $0x1E4F, v1  }
0x16d: {  	s26 =	simm.s32 $0x3;
	s0 =	ssub.s32 $0x2, s0;
	s7 =	sor.u32 s5, s7;
	[tilespmem:$0x1FF70] =	vst v54;
	v2 =	vsel vm2, $0x30E7, v2;
	v3 =	vsel vm3, $0x415F, v3;
	v1 =	vsel vm4, $0x1ED7, v1  }
0x16e: {  	s31 =	sshrl.u32 s0, $0x1;
	s4 =	sadd.s32 $0x600, s6;
	s30 =	sshrl.u32 s7, $0x3;
	[tilespmem:$0x1FF80] =	vst v5;
	v2 =	vsel vm1, $0x316F, v2;
	v3 =	vsel vm2, $0x41E7, v3;
	v1 =	vsel vm3, $0x1F5F, v1  }
0x16f: {  	s0 =	ssub.s32 s0, s31;
	s5 =	smul.u32 $0xC8, s1;
	s1 =	sadd.s32 s4, s30;
	[tilespmem:$0x1FF60] =	vst v50;
	v2 =	vsel vm0, $0x31F7, v2;
	v3 =	vsel vm1, $0x426F, v3;
	v1 =	vsel vm2, $0x1FE7, v1  }
0x170: {  	s6 =	sadd.s32 $0xF42A00, s6;
	s0 =	smax.u32 s0, $0x1;
	[dreg:$0x3] =	wrdreg s1;
	[tilespmem:$0x1FE30] =	vst v2;
	v52 =	vsel vm0, $0x42F7, v3;
	v1 =	vsel vm1, $0x206F, v1  }
0x171: {  	s9 =	sor.u32 $0x4, s5;
	s1 =	sadd.s32 $0x20, s1;
	[dreg:$0x5] =	wrdreg s0;
	[tilespmem:$0x1FFA0] =	vst v52;
	v1 =	vsel vm0, $0x20F7, v1  }
0x172: {  	s10 =	sor.u32 $0x6, s5;
	[dreg:$0x4] =	wrdreg s1;
	s1 =	simm.s32 $0x0;
	[tilespmem:$0x1FF90] =	vst v1  }
.LBB2_1:
0x173: {  	[dreg:$0x6] =	wrdreg s1  }
0x174: {  	s0 =	rddreg [dreg:$0x3]  }
0x175: {  	[tilespmem:s3], [sflag:$0x5] =	stream.linear.gather [hbm4b:s0+s3], $0x100, $0x38;
	[tilespmem:$0x10A00] =	vst v63  }
0x176: {  	_ =	swait.ge [sflag:s12], $0x100  }
0x177: {  	[sflag:s12] =	ssyncset.done $0x0  }
0x178: {  	[sflag:s12] =	ssyncadd.s32 $0xFFFFFF00  }
0x179: {  	[tilespmem:s14], [sflag:$0x1] =	stream.indirect.gather [hbm4b:s6+s13], $0x40, s3, s13, $0xb8;
	[tilespmem:$0x10A00] =	vst v63  }
0x17a: {  	_ = 	snop  }
0x17b: {  	[tilespmem:s15], [sflag:$0x1] =	stream.indirect.gather [hbm4b:s6+s13], $0x40, s13, s13, $0xb8;
	[tilespmem:$0x10A00] =	vst v63  }
0x17c: {  	s29 =	simm.s32 $0x0;
	s31 =	rddreg [dreg:$0x4]  }
0x17d: {  	[tilespmem:s16], [sflag:$0x6] =	stream.linear.gather [hbm4b:s31+s3], $0x100, $0x38;
	[tilespmem:$0x10A00] =	vst v63  }
.LBB2_2:
0x17e: {  	_ =	swait.ge [sflag:s17], $0x100  }
0x17f: {  	p0 =	seq.s32 s29, $0x31;
	[sflag:s17] =	ssyncset.done $0x0  }
0x180: {  	p1 =	seq.s32 @!p0 s29, $0x0;
	[sflag:s17] =	ssyncadd.s32 $0xFFFFFF00  }
0x181: {  	[tilespmem:s18], [sflag:$0x2] =	stream.indirect.gather [hbm4b:s6+s13], $0x40, s16, s13, $0xb8;
	[tilespmem:$0x10A00] =	vst v63  }
0x182: {  	s31 =	sshll.u32 s29, $0x2;
	p1 =	por p0, !p1  }
0x183: {  	[tilespmem:s20], [sflag:$0x2] =	stream.indirect.gather [hbm4b:s6+s13], $0x40, s19, s13, $0xb8;
	[tilespmem:$0x10A00] =	vst v63  }
.Ltmp0:
0x184: {  	s0 =	sadd.s32 @!p0 s31, s9;
	(pc) =	sbr.rel @!p1 .LBB2_3-.Ltmp0, $4  }
0x185: {  	s0 =	sshll.u32 @!p0 s0, $0x4;
	_ =	swait.ge [sflag:s21], $0x4000  }
0x186: {  	s0 =	sand.u32 @!p0 $0xFFFFFC0, s0;
	[sflag:s21] =	ssyncset.done $0x0  }
0x187: {  	s1 =	simm.s32 @!p0 $0x0;
	s0 =	sadd.s32 @!p0 s4, s0;
	[sflag:s21] =	ssyncadd.s32 $0xFFFFC000  }
0x188: {  	[tilespmem:s1], [sflag:$0x5] =	stream.linear.gather @!p0 [hbm4b:s0+s1], $0x100, $0x38;
	[tilespmem:$0x10A00] =	vst v63  }
.Ltmp1:
0x189: {  	(pc) =	sbr.rel .LBB2_5-.Ltmp1, $4  }
0x18a: {  	_ = 	snop  }
0x18b: {  	_ =	swait.ge [sflag:s26], $0x4000  }
0x18c: {  	[sflag:s26] =	ssyncset.done $0x0  }
0x18d: {  	p0 =	por $0x0, $0x0;
	v51 =	vld [tilespmem:$0x1FC90];
	[sflag:s26] =	ssyncadd.s32 $0xFFFFC000  }
.LBB2_3:
0x18e: {  	p0 =	por @!p0 $0x1, $0x1;
	v51 =	vld [tilespmem:$0x1FC90]  }
.LBB2_5:
0x18f: {  	s0 =	simm.s32 $0x0;
	s11 =	simm.s32 $0x1  }
0x190: {  	s28 =	simm.s32 $0x2;
	s1 =	simm.s32 $0x3;
	s7 =	simm.s32 $0x4;
	v2 =	vmov s0;
	v3 =	vmov s11  }
0x191: {  	s8 =	simm.s32 $0x5;
	v4 =	vmov s28;
	v5 =	vmov s1;
	v6 =	vmov s7;
	s11 =	simm.s32 $0x6  }
0x192: {  	s28 =	simm.s32 $0x7;
	v7 =	vmov s8;
	s8 =	simm.s32 $0x8;
	s1 =	simm.s32 $0xE;
	v2 =	vshrl.u32 v2, $0x3;
	v8 =	vmov s11  }
0x193: {  	v9 =	vmov s28;
	v10 =	vmov s8;
	v16 =	vmov s1  }
0x194: {  	s11 =	simm.s32 $0x9;
	v3 =	vshrl.u32 v3, $0x3;
	v4 =	vshrl.u32 v4, $0x3;
	v5 =	vshrl.u32 v5, $0x3  }
0x195: {  	s28 =	simm.s32 $0xA;
	s8 =	simm.s32 $0xB;
	v6 =	vshrl.u32 v6, $0x3;
	v7 =	vshrl.u32 v7, $0x3;
	v11 =	vmov s11  }
0x196: {  	v12 =	vmov s28;
	s28 =	simm.s32 $0xD;
	v13 =	vmov s8;
	v2 =	vshll.u32 v2, v0  }
0x197: {  	s7 =	simm.s32 $0xF;
	v8 =	vshrl.u32 v8, $0x3;
	v3 =	vshll.u32 v3, v0;
	v15 =	vmov s28  }
0x198: {  	v1 =	vld [tilespmem:$0x1FC00];
	v4 =	vshll.u32 v4, v0;
	v22 =	vshrl.u32 v15, $0x3;
	v15 =	vmov s7  }
0x199: {  	v18 =	vld [tilespmem:$0x1FC60];
	s1 =	simm.s32 $0x400;
	v5 =	vshll.u32 v5, v0;
	v6 =	vshll.u32 v6, v0;
	v15 =	vshrl.u32 v15, $0x3  }
0x19a: {  	s11 =	simm.s32 $0xC;
	v7 =	vshll.u32 v7, v0;
	v23 =	vld [tilespmem:s1+$0xFFFFFE40];
	v59 =	vbroadcast v3, $0x0;
	v15 =	vshll.u32 v15, v0  }
0x19b: {  	v17 =	vld [tilespmem:s1+$0x1C0];
	v14 =	vmov s11;
	v13 =	vshrl.u32 v13, $0x3;
	v34 =	vbroadcast v15, $0x0  }
0x19c: {  	v2 =	vbroadcast v2, $0x0;
	v14 =	vshrl.u32 v14, $0x3;
	v54 =	vadd.s32 v48, v59;
	v15 =	vld [tilespmem:s1+$0xFFFFFE00]  }
0x19d: {  	v57 =	vbroadcast v5, $0x0;
	v30 =	vshll.u32 v14, v0;
	v14 =	vld [tilespmem:s1+$0xFFFFFEC0];
	v3 =	vadd.s32 v39, v34  }
0x19e: {  	v24 =	vld [tilespmem:s1+$0xFFFFFE80];
	v21 =	vbroadcast v4, $0x0;
	v31 =	vshll.u32 v13, v0;
	v13 =	vadd.s32 v1, v2  }
0x19f: {  	v28 =	vld [tilespmem:s1+$0xFFFFFF40];
	v62 =	vbroadcast v7, $0x0;
	v27 =	vadd.s32 v60, v57;
	v36 =	vmul.f32 $1.250000000e-01, v23  }
0x1a0: {  	v25 =	vld [tilespmem:s1+$0xFFFFFF00];
	v58 =	vbroadcast v6, $0x0;
	v33 =	vadd.s32 v18, v21;
	v35 =	vmul.f32 $1.250000000e-01, v17  }
0x1a1: {  	v8 =	vshll.u32 v8, v0;
	v37 =	vadd.s32 v49, v62;
	[tilespmem:v54+s22+$0x0] =	vst.idx.msk $0xffff, v36;
	v26 =	vmul.f32 $1.250000000e-01, v15  }
0x1a2: {  	v29 =	vld [tilespmem:s1+$0xFFFFFF80];
	v45 =	vbroadcast v8, $0x0;
	v23 =	vadd.s32 v44, v58;
	v46 =	vmul.f32 $1.250000000e-01, v14;
	[tilespmem:v3+s22+$0x0] =	vst.idx.msk $0xffff, v35  }
0x1a3: {  	[tilespmem:v13+s22+$0x0] =	vst.idx.msk $0xffff, v26;
	v3 =	vmul.f32 $1.250000000e-01, v24;
	v13 =	vld [tilespmem:s1+$0xFFFFFFC0]  }
0x1a4: {  	v9 =	vshrl.u32 v9, $0x3;
	v47 =	vadd.s32 v63, v45;
	[tilespmem:v27+s22+$0x0] =	vst.idx.msk $0xffff, v46;
	v35 =	vmul.f32 $1.250000000e-01, v28;
	v24 =	vld [tilespmem:s1+$0x40]  }
0x1a5: {  	v10 =	vshrl.u32 v10, $0x3;
	v9 =	vshll.u32 v9, v0;
	v8 =	vld [tilespmem:s1+$0x1D0];
	[tilespmem:v33+s22+$0x0] =	vst.idx.msk $0xffff, v3;
	v3 =	vmul.f32 $1.250000000e-01, v25  }
0x1a6: {  	v11 =	vshrl.u32 v11, $0x3;
	v10 =	vshll.u32 v10, v0;
	v42 =	vbroadcast v9, $0x0;
	v33 =	vld [tilespmem:s1+$0x0];
	[tilespmem:v37+s22+$0x0] =	vst.idx.msk $0xffff, v35  }
0x1a7: {  	v50 =	vbroadcast v10, $0x0;
	v9 =	vadd.s32 v38, v34;
	v25 =	vld [tilespmem:s1+$0x80];
	[tilespmem:v23+s22+$0x0] =	vst.idx.msk $0xffff, v3;
	v3 =	vmul.f32 $1.250000000e-01, v29  }
0x1a8: {  	v12 =	vshrl.u32 v12, $0x3;
	v11 =	vshll.u32 v11, v0;
	v14 =	vadd.s32 v39, v42;
	v37 =	vld [tilespmem:s1+$0xC0];
	[tilespmem:$0x1FB10] =	vst v31  }
0x1a9: {  	v12 =	vshll.u32 v12, v0;
	v52 =	vbroadcast v11, $0x0;
	v23 =	vadd.s32 v1, v50;
	[tilespmem:v47+s22+$0x0] =	vst.idx.msk $0xffff, v3  }
0x1aa: {  	v53 =	vbroadcast v12, $0x0;
	v15 =	vshll.u32 v22, v0;
	v8 =	vmul.f32 $1.250000000e-01, v8;
	v26 =	vld [tilespmem:s1+$0x100];
	[tilespmem:$0x1FB20] =	vst v30  }
0x1ab: {  	v11 =	vbroadcast v31, $0x0;
	v36 =	vadd.s32 v48, v52;
	v3 =	vmul.f32 $1.250000000e-01, v13;
	v28 =	vld [tilespmem:s1+$0x140];
	[tilespmem:$0x1FB30] =	vst v15  }
0x1ac: {  	v39 =	vadd.s32 v18, v53;
	v5 =	vmul.f32 $1.250000000e-01, v33;
	[tilespmem:v9+s22+$0x0] =	vst.idx.msk $0xffff, v8  }
0x1ad: {  	v16 =	vshrl.u32 v16, $0x3;
	v12 =	vbroadcast v30, $0x0;
	v27 =	vadd.s32 v60, v11;
	[tilespmem:v14+s22+$0x0] =	vst.idx.msk $0xffff, v3  }
0x1ae: {  	v10 =	vbroadcast v15, $0x0;
	v1 =	vshll.u32 v16, v0;
	v3 =	vmul.f32 $1.250000000e-01, v24;
	[tilespmem:v23+s22+$0x0] =	vst.idx.msk $0xffff, v5;
	v16 =	vld [tilespmem:s1+$0x180]  }
0x1af: {  	v41 =	vmul.f32 $1.250000000e-01, v25;
	v8 =	vadd.s32 v44, v12;
	v9 =	vld [tilespmem:s1+$0x1E0];
	[tilespmem:$0x1FB40] =	vst v1  }
0x1b0: {  	v14 =	vadd.s32 v49, v10;
	[tilespmem:v36+s22+$0x0] =	vst.idx.msk $0xffff, v3;
	v3 =	vmul.f32 $1.250000000e-01, v37  }
0x1b1: {  	v46 =	vld [tilespmem:$0x1FCB0];
	[tilespmem:v39+s22+$0x0] =	vst.idx.msk $0xffff, v41  }
0x1b2: {  	v35 =	vmul.f32 $1.250000000e-01, v26;
	v17 =	vld [tilespmem:$0x1FC40];
	[tilespmem:v27+s22+$0x0] =	vst.idx.msk $0xffff, v3  }
0x1b3: {  	s8 =	simm.s32 $0x10;
	v13 =	vbroadcast v1, $0x0;
	v3 =	vmul.f32 $1.250000000e-01, v28;
	v18 =	vld [tilespmem:$0x1FC70]  }
0x1b4: {  	v23 =	vmov s8;
	v24 =	vld [tilespmem:s1+$0xFFFFFE50];
	[tilespmem:v8+s22+$0x0] =	vst.idx.msk $0xffff, v35  }
0x1b5: {  	v6 =	vshrl.u32 v23, $0x3;
	v23 =	vld [tilespmem:s1+$0xFFFFFE90];
	v36 =	vadd.s32 v63, v13;
	[tilespmem:v14+s22+$0x0] =	vst.idx.msk $0xffff, v3  }
0x1b6: {  	v1 =	vld [tilespmem:$0x1FC80];
	v54 =	vadd.s32 v46, v34  }
0x1b7: {  	v26 =	vadd.s32 v17, v59  }
0x1b8: {  	v29 =	vld [tilespmem:s1+$0xFFFFFED0];
	v3 =	vmul.f32 $1.250000000e-01, v16;
	v28 =	vadd.s32 v18, v21  }
0x1b9: {  	v30 =	vld [tilespmem:s1+$0xFFFFFF10];
	v37 =	vmul.f32 $1.250000000e-01, v9  }
0x1ba: {  	v31 =	vld [tilespmem:s1+$0xFFFFFF50];
	v9 =	vadd.s32 v32, v57;
	v16 =	vmul.f32 $1.250000000e-01, v24;
	[tilespmem:v36+s22+$0x0] =	vst.idx.msk $0xffff, v3  }
0x1bb: {  	v39 =	vld [tilespmem:s1+$0xFFFFFF90];
	v47 =	vmul.f32 $1.250000000e-01, v23;
	v24 =	vadd.s32 v1, v58;
	[tilespmem:v54+s22+$0x0] =	vst.idx.msk $0xffff, v37  }
0x1bc: {  	v3 =	vld [tilespmem:s1+$0x1F0];
	[tilespmem:v26+s22+$0x0] =	vst.idx.msk $0xffff, v16  }
0x1bd: {  	v16 =	vmul.f32 $1.250000000e-01, v29;
	v26 =	vld [tilespmem:s1+$0xFFFFFFD0];
	[tilespmem:v28+s22+$0x0] =	vst.idx.msk $0xffff, v47  }
0x1be: {  	v41 =	vmul.f32 $1.250000000e-01, v30;
	v28 =	vld [tilespmem:s1+$0x10];
	[tilespmem:$0x1FB50] =	vst v34  }
0x1bf: {  	[tilespmem:v9+s22+$0x0] =	vst.idx.msk $0xffff, v16  }
0x1c0: {  	[tilespmem:v24+s22+$0x0] =	vst.idx.msk $0xffff, v41  }
0x1c1: {  	v15 =	vld [tilespmem:$0x1FC10]  }
0x1c2: {  	v54 =	vadd.s32 v20, v62  }
0x1c3: {  	v23 =	vadd.s32 v55, v45  }
0x1c4: {  	v30 =	vadd.s32 v40, v34  }
0x1c5: {  	v9 =	vmul.f32 $1.250000000e-01, v31;
	v16 =	vadd.s32 v38, v42;
	v31 =	vld [tilespmem:s1+$0x50]  }
0x1c6: {  	v22 =	vmov v32;
	v47 =	vmul.f32 $1.250000000e-01, v39;
	v32 =	vld [tilespmem:s1+$0x90];
	v24 =	vadd.s32 v15, v50  }
0x1c7: {  	[tilespmem:v54+s22+$0x0] =	vst.idx.msk $0xffff, v9;
	v9 =	vadd.s32 v17, v52;
	v3 =	vmul.f32 $1.250000000e-01, v3  }
0x1c8: {  	v37 =	vld [tilespmem:s1+$0xD0];
	[tilespmem:v23+s22+$0x0] =	vst.idx.msk $0xffff, v47;
	v23 =	vadd.s32 v18, v53;
	v54 =	vmul.f32 $1.250000000e-01, v26  }
0x1c9: {  	v39 =	vld [tilespmem:s1+$0x150];
	v47 =	vmul.f32 $1.250000000e-01, v28;
	[tilespmem:v30+s22+$0x0] =	vst.idx.msk $0xffff, v3  }
0x1ca: {  	v41 =	vld [tilespmem:s1+$0xFFFFFEA0];
	[tilespmem:v16+s22+$0x0] =	vst.idx.msk $0xffff, v54;
	v16 =	vmul.f32 $1.250000000e-01, v31  }
0x1cb: {  	v26 =	vld [tilespmem:s1+$0x110];
	[tilespmem:v24+s22+$0x0] =	vst.idx.msk $0xffff, v47;
	v24 =	vmul.f32 $1.250000000e-01, v32  }
0x1cc: {  	v28 =	vadd.s32 v22, v11;
	v31 =	vld [tilespmem:s1+$0x190];
	[tilespmem:v9+s22+$0x0] =	vst.idx.msk $0xffff, v16  }
0x1cd: {  	v30 =	vadd.s32 v1, v12;
	v54 =	vmov v40;
	v40 =	vld [tilespmem:s1+$0xFFFFFE10];
	[tilespmem:v23+s22+$0x0] =	vst.idx.msk $0xffff, v24  }
0x1ce: {  	s28 =	simm.s32 $0x12;
	v16 =	vadd.s32 v55, v13;
	v55 =	vadd.s32 v15, v2;
	v15 =	vld [tilespmem:$0x1FC50]  }
0x1cf: {  	s7 =	simm.s32 $0x13;
	v27 =	vmov s28;
	v9 =	vmul.f32 $1.250000000e-01, v37;
	v32 =	vadd.s32 v20, v10;
	v47 =	vld [tilespmem:s1+$0xFFFFFE60]  }
0x1d0: {  	v8 =	vmov s7;
	v23 =	vmul.f32 $1.250000000e-01, v26;
	v24 =	vshrl.u32 v27, $0x3;
	v27 =	vld [tilespmem:s1+$0xFFFFFEE0]  }
0x1d1: {  	s8 =	simm.s32 $0x14;
	v20 =	vshrl.u32 v8, $0x3;
	v8 =	vmul.f32 $1.250000000e-01, v31;
	[tilespmem:v28+s22+$0x0] =	vst.idx.msk $0xffff, v9;
	v28 =	vadd.s32 v56, v21  }
0x1d2: {  	v14 =	vmov s8;
	v9 =	vmul.f32 $1.250000000e-01, v39;
	[tilespmem:v30+s22+$0x0] =	vst.idx.msk $0xffff, v23;
	v30 =	vadd.s32 v61, v57  }
0x1d3: {  	[tilespmem:v16+s22+$0x0] =	vst.idx.msk $0xffff, v8;
	v23 =	vshrl.u32 v14, $0x3;
	v14 =	vmul.f32 $1.250000000e-01, v40;
	v26 =	vadd.s32 v15, v59  }
0x1d4: {  	s11 =	simm.s32 $0x11;
	v5 =	vshll.u32 v6, v0;
	[tilespmem:v32+s22+$0x0] =	vst.idx.msk $0xffff, v9;
	v6 =	vmul.f32 $1.250000000e-01, v47;
	v47 =	vmul.f32 $1.250000000e-01, v41  }
0x1d5: {  	v25 =	vmov s11;
	s11 =	simm.s32 $0x15;
	v39 =	vld [tilespmem:s1+$0xFFFFFF20];
	[tilespmem:v55+s22+$0x0] =	vst.idx.msk $0xffff, v14;
	v55 =	vmul.f32 $1.250000000e-01, v27  }
0x1d6: {  	v33 =	vmov s11;
	v31 =	vld [tilespmem:s1+$0xFFFFFF60];
	[tilespmem:v28+s22+$0x0] =	vst.idx.msk $0xffff, v47  }
0x1d7: {  	s7 =	simm.s32 $0x17;
	v37 =	vld [tilespmem:s1+$0x60];
	v32 =	vshrl.u32 v33, $0x3;
	v33 =	vadd.s32 v51, v58;
	[tilespmem:v30+s22+$0x0] =	vst.idx.msk $0xffff, v55  }
0x1d8: {  	s28 =	simm.s32 $0x16;
	s8 =	simm.s32 $0x18;
	v29 =	vmov s7;
	s7 =	simm.s32 $0x1B;
	v40 =	vld [tilespmem:s1+$0xFFFFFFA0];
	v14 =	vadd.s32 v19, v62;
	[tilespmem:v26+s22+$0x0] =	vst.idx.msk $0xffff, v6  }
0x1d9: {  	v7 =	vmov s28;
	v34 =	vmov s8;
	v38 =	vmov s7;
	v1 =	vld [tilespmem:$0x1FC20]  }
0x1da: {  	v22 =	vshrl.u32 v7, $0x3;
	v16 =	vld [tilespmem:s1+$0xFFFFFFE0];
	v41 =	vmul.f32 $1.250000000e-01, v39;
	v26 =	vadd.s32 v43, v45  }
0x1db: {  	v7 =	vshrl.u32 v38, $0x3;
	v38 =	vadd.s32 v56, v53;
	v56 =	vld [tilespmem:s1+$0x120];
	v28 =	vmul.f32 $1.250000000e-01, v31  }
0x1dc: {  	s8 =	simm.s32 $0x1C;
	v8 =	vshrl.u32 v34, $0x3;
	v34 =	vadd.s32 v46, v42;
	v27 =	vld [tilespmem:s1+$0x20];
	[tilespmem:v33+s22+$0x0] =	vst.idx.msk $0xffff, v41  }
0x1dd: {  	s11 =	simm.s32 $0x19;
	v17 =	vmov s8;
	v31 =	vld [tilespmem:s1+$0xA0];
	v47 =	vmul.f32 $1.250000000e-01, v40;
	[tilespmem:v14+s22+$0x0] =	vst.idx.msk $0xffff, v28  }
0x1de: {  	v35 =	vmov s11;
	s11 =	simm.s32 $0x1D;
	v55 =	vld [tilespmem:s1+$0xE0];
	[tilespmem:$0x1FB60] =	vst v17;
	v30 =	vadd.s32 v1, v50  }
0x1df: {  	s28 =	simm.s32 $0x1A;
	v3 =	vmov s11;
	v14 =	vmul.f32 $1.250000000e-01, v16;
	[tilespmem:v26+s22+$0x0] =	vst.idx.msk $0xffff, v47  }
0x1e0: {  	v36 =	vmov s28;
	s28 =	simm.s32 $0x1E;
	v9 =	vshrl.u32 v35, $0x3;
	v35 =	vadd.s32 v15, v52;
	v46 =	vld [tilespmem:s1+$0x160];
	[tilespmem:$0x1FB70] =	vst v3  }
0x1e1: {  	v4 =	vmov s28;
	v26 =	vmul.f32 $1.250000000e-01, v27;
	[tilespmem:v34+s22+$0x0] =	vst.idx.msk $0xffff, v14  }
0x1e2: {  	v61 =	vadd.s32 v61, v11;
	v28 =	vshrl.u32 v17, $0x3;
	v17 =	vld [tilespmem:s1+$0x1A0];
	[tilespmem:$0x1FB80] =	vst v4  }
0x1e3: {  	v47 =	vmul.f32 $1.250000000e-01, v37;
	[tilespmem:v30+s22+$0x0] =	vst.idx.msk $0xffff, v26  }
0x1e4: {  	v15 =	vadd.s32 v51, v12;
	v18 =	vld [tilespmem:s1+$0xFFFFFE20];
	v26 =	vmul.f32 $1.250000000e-01, v31;
	[tilespmem:$0x1FB90] =	vst v5  }
0x1e5: {  	v51 =	vmul.f32 $1.250000000e-01, v55;
	[tilespmem:v35+s22+$0x0] =	vst.idx.msk $0xffff, v47  }
0x1e6: {  	[tilespmem:v38+s22+$0x0] =	vst.idx.msk $0xffff, v26  }
0x1e7: {  	v56 =	vmul.f32 $1.250000000e-01, v56;
	v31 =	vld [tilespmem:s1+$0xFFFFFE70];
	[tilespmem:v61+s22+$0x0] =	vst.idx.msk $0xffff, v51  }
0x1e8: {  	v30 =	vadd.s32 v19, v10;
	v51 =	vld [tilespmem:$0x1FEA0]  }
0x1e9: {  	v25 =	vshrl.u32 v25, $0x3;
	v26 =	vld [tilespmem:s1+$0xFFFFFEB0];
	[tilespmem:v15+s22+$0x0] =	vst.idx.msk $0xffff, v56  }
0x1ea: {  	v39 =	vshll.u32 v25, v0;
	v16 =	vshrl.u32 v4, $0x3;
	v55 =	vadd.s32 v43, v13;
	v4 =	vld [tilespmem:$0x1FE70]  }
0x1eb: {  	v27 =	vshrl.u32 v3, $0x3;
	v25 =	vadd.s32 v1, v2;
	v47 =	vmul.f32 $1.250000000e-01, v46;
	v3 =	vld [tilespmem:$0x1FFB0]  }
0x1ec: {  	v37 =	vshll.u32 v24, v0;
	v61 =	vld [tilespmem:s1+$0xFFFFFEF0]  }
0x1ed: {  	v17 =	vmul.f32 $1.250000000e-01, v17;
	v38 =	vshll.u32 v20, v0;
	v20 =	vld [tilespmem:s1+$0xFFFFFF30];
	[tilespmem:v30+s22+$0x0] =	vst.idx.msk $0xffff, v47;
	v24 =	vadd.s32 v51, v59  }
0x1ee: {  	v18 =	vmul.f32 $1.250000000e-01, v18;
	v19 =	vld [tilespmem:$0x1FE80]  }
0x1ef: {  	v6 =	vshrl.u32 v36, $0x3;
	v41 =	vld [tilespmem:s1+$0xFFFFFF70];
	[tilespmem:v55+s22+$0x0] =	vst.idx.msk $0xffff, v17;
	v15 =	vadd.s32 v4, v21  }
0x1f0: {  	v36 =	vshll.u32 v23, v0;
	v46 =	vld [tilespmem:s1+$0xFFFFFFB0];
	[tilespmem:v25+s22+$0x0] =	vst.idx.msk $0xffff, v18;
	v23 =	vadd.s32 v3, v57;
	v21 =	vmul.f32 $1.250000000e-01, v31  }
0x1f1: {  	v55 =	vld [tilespmem:$0x1FCA0]  }
0x1f2: {  	v17 =	vmul.f32 $1.250000000e-01, v26;
	v57 =	vld [tilespmem:s1+$0xFFFFFFF0];
	[tilespmem:v24+s22+$0x0] =	vst.idx.msk $0xffff, v21  }
0x1f3: {  	v18 =	vmul.f32 $1.250000000e-01, v61;
	v19 =	vadd.s32 v19, v58;
	v21 =	vld [tilespmem:s1+$0x30];
	[tilespmem:$0x1FBA0] =	vst v8  }
0x1f4: {  	v58 =	vld [tilespmem:$0x1FE50];
	[tilespmem:v15+s22+$0x0] =	vst.idx.msk $0xffff, v17  }
0x1f5: {  	[tilespmem:v23+s22+$0x0] =	vst.idx.msk $0xffff, v18  }
0x1f6: {  	v35 =	vshll.u32 v22, v0;
	v26 =	vadd.s32 v55, v62;
	v15 =	vmul.f32 $1.250000000e-01, v20;
	v22 =	vld [tilespmem:s1+$0x70];
	[tilespmem:$0x1FBB0] =	vst v50  }
0x1f7: {  	v18 =	vld [tilespmem:s1+$0xB0];
	[tilespmem:$0x1FBC0] =	vst v6  }
0x1f8: {  	v29 =	vshrl.u32 v29, $0x3;
	v1 =	vld [tilespmem:$0x1FC30];
	[tilespmem:v19+s22+$0x0] =	vst.idx.msk $0xffff, v15  }
0x1f9: {  	v29 =	vshll.u32 v29, v0;
	v33 =	vshll.u32 v7, v0;
	v20 =	vmul.f32 $1.250000000e-01, v41;
	[tilespmem:$0x1FBD0] =	vst v52  }
0x1fa: {  	v34 =	vshll.u32 v32, v0;
	v32 =	vshll.u32 v8, v0;
	v30 =	vshll.u32 v9, v0;
	v17 =	vld [tilespmem:s1+$0xF0];
	[tilespmem:$0x1FBE0] =	vst v7  }
0x1fb: {  	v14 =	vbroadcast v5, $0x0;
	v25 =	vadd.s32 v54, v42;
	v31 =	vshll.u32 v6, v0;
	[tilespmem:v26+s22+$0x0] =	vst.idx.msk $0xffff, v20  }
0x1fc: {  	v59 =	vmovc v44;
	v41 =	vmul.f32 $1.250000000e-01, v46;
	v23 =	vadd.s32 v4, v53;
	v19 =	vadd.s32 v51, v52;
	[tilespmem:$0x1FBF0] =	vst v53;
	v62 =	vld [tilespmem:$0x1FF10]  }
0x1fd: {  	s30 =	sor.u32 $0x2, s31;
	s0 =	simm.s32 $0x20;
	s8 =	simm.s32 $0x1F;
	v51 =	vmovc v55;
	v40 =	vadd.s32 v58, v45;
	v15 =	vmovc v2;
	v24 =	vadd.s32 v1, v50;
	v26 =	vmul.f32 $1.250000000e-01, v57;
	v20 =	vld [tilespmem:s1+$0x130]  }
.LBB2_6:
0x1fe: {  	v56 =	vld [tilespmem:$0x1FC50]  }
0x1ff: {  	v55 =	vld [tilespmem:$0x1FC20]  }
0x200: {  	v54 =	vld [tilespmem:$0x1FC70]  }
0x201: {  	v53 =	vld [tilespmem:$0x1FC10]  }
0x202: {  	v45 =	vld [tilespmem:$0x1FC60]  }
0x203: {  	v50 =	vld [tilespmem:$0x1FC40]  }
0x204: {  	v44 =	vld [tilespmem:$0x1FC30]  }
0x205: {  	v43 =	vld [tilespmem:$0x1FC00]  }
0x206: {  	v57 =	vld [tilespmem:$0x1FFB0]  }
0x207: {  	v58 =	vld [tilespmem:s1+$0x170]  }
0x208: {  	v4 =	vld [tilespmem:$0x1FE80]  }
0x209: {  	v46 =	vld [tilespmem:s1+$0xFFFFFE30]  }
0x20a: {  	v5 =	vld [tilespmem:$0x1FE50]  }
0x20b: {  	v1 =	vld [tilespmem:$0x1FEE0]  }
0x20c: {  	v3 =	vld [tilespmem:$0x1FED0]  }
0x20d: {  	v8 =	vld [tilespmem:$0x1FF20]  }
0x20e: {  	v42 =	vmov s8;
	[tilespmem:v25+s22+$0x0] =	vst.idx.msk $0xffff, v26;
	v25 =	vld [tilespmem:s1+$0x1B0];
	s1 =	sadd.s32 $0x400, s1  }
0x20f: {  	v10 =	vadd.s32 v51, v10;
	v51 =	vld [tilespmem:s1+$0xFFFFFE80];
	v21 =	vmul.f32 $1.250000000e-01, v21;
	v11 =	vadd.s32 v57, v11  }
0x210: {  	[tilespmem:v40+s22+$0x0] =	vst.idx.msk $0xffff, v41;
	v61 =	vshrl.u32 v42, $0x3;
	v52 =	vld [tilespmem:s1+$0xFFFFFEC0];
	v22 =	vmul.f32 $1.250000000e-01, v22;
	v12 =	vadd.s32 v4, v12  }
0x211: {  	v26 =	vshll.u32 v61, v0;
	v6 =	vld [tilespmem:s1+$0xFFFFFF40];
	v18 =	vmul.f32 $1.250000000e-01, v18;
	[tilespmem:v24+s22+$0x0] =	vst.idx.msk $0xffff, v21  }
0x212: {  	v40 =	vbroadcast v26, $0x0;
	v13 =	vadd.s32 v5, v13;
	v21 =	vld [tilespmem:s1+$0x1C0];
	[tilespmem:v19+s22+$0x0] =	vst.idx.msk $0xffff, v22;
	v19 =	vmul.f32 $1.250000000e-01, v17  }
0x213: {  	v26 =	vadd.s32 v44, v15;
	v24 =	vld [tilespmem:s1+$0xFFFFFE00];
	[tilespmem:v23+s22+$0x0] =	vst.idx.msk $0xffff, v18;
	v18 =	vmul.f32 $1.250000000e-01, v20  }
0x214: {  	v47 =	vadd.s32 v1, v40;
	v15 =	vmovc v14;
	v23 =	vld [tilespmem:s1+$0xFFFFFE40];
	v17 =	vbroadcast v39, $0x0;
	[tilespmem:v11+s22+$0x0] =	vst.idx.msk $0xffff, v19;
	v11 =	vmul.f32 $1.250000000e-01, v58  }
0x215: {  	v7 =	vld [tilespmem:s1+$0xFFFFFF80];
	v14 =	vadd.s32 v43, v15;
	[tilespmem:v12+s22+$0x0] =	vst.idx.msk $0xffff, v18;
	v12 =	vmul.f32 $1.250000000e-01, v25  }
0x216: {  	v22 =	vbroadcast v37, $0x0;
	v25 =	vadd.s32 v48, v17;
	v58 =	vmul.f32 $1.250000000e-01, v46;
	v46 =	vld [tilespmem:$0x1FF00];
	[tilespmem:v10+s22+$0x0] =	vst.idx.msk $0xffff, v11  }
0x217: {  	v18 =	vbroadcast v38, $0x0;
	v61 =	vmul.f32 $1.250000000e-01, v21;
	v44 =	vld [tilespmem:s1+$0x100];
	[tilespmem:v13+s22+$0x0] =	vst.idx.msk $0xffff, v12  }
0x218: {  	v19 =	vbroadcast v36, $0x0;
	v10 =	vadd.s32 v45, v22;
	v11 =	vld [tilespmem:s1+$0xFFFFFF00];
	v12 =	vmul.f32 $1.250000000e-01, v24;
	[tilespmem:v26+s22+$0x0] =	vst.idx.msk $0xffff, v58  }
0x219: {  	v20 =	vbroadcast v34, $0x0;
	v23 =	vmul.f32 $1.250000000e-01, v23;
	v13 =	vadd.s32 v60, v18;
	v58 =	vld [tilespmem:s1+$0xFFFFFFC0];
	[tilespmem:v47+s22+$0x0] =	vst.idx.msk $0xffff, v61  }
0x21a: {  	v21 =	vbroadcast v35, $0x0;
	v34 =	vadd.s32 v59, v19;
	[tilespmem:v14+s22+$0x0] =	vst.idx.msk $0xffff, v12;
	v12 =	vmul.f32 $1.250000000e-01, v51;
	v51 =	vld [tilespmem:s1+$0x1D0]  }
0x21b: {  	v28 =	vshll.u32 v28, v0;
	v14 =	vadd.s32 v49, v20;
	[tilespmem:v25+s22+$0x0] =	vst.idx.msk $0xffff, v23;
	v25 =	vbroadcast v29, $0x0;
	v29 =	vld [tilespmem:s1+$0x0]  }
0x21c: {  	v24 =	vbroadcast v32, $0x0;
	v23 =	vmul.f32 $1.250000000e-01, v52;
	v52 =	vadd.s32 v63, v21;
	v47 =	vld [tilespmem:s1+$0xFFFFFE50]  }
0x21d: {  	v61 =	vadd.s32 v46, v40;
	[tilespmem:v10+s22+$0x0] =	vst.idx.msk $0xffff, v12;
	v10 =	vmul.f32 $1.250000000e-01, v11;
	v11 =	vmul.f32 $1.250000000e-01, v6;
	v6 =	vld [tilespmem:s1+$0x40]  }
0x21e: {  	v26 =	vbroadcast v30, $0x0;
	[tilespmem:v13+s22+$0x0] =	vst.idx.msk $0xffff, v23;
	v13 =	vadd.s32 v1, v25;
	v23 =	vbroadcast v31, $0x0;
	v31 =	vld [tilespmem:s1+$0xC0]  }
0x21f: {  	v27 =	vshll.u32 v27, v0;
	v30 =	vadd.s32 v43, v24;
	[tilespmem:v34+s22+$0x0] =	vst.idx.msk $0xffff, v10;
	v10 =	vmul.f32 $1.250000000e-01, v7;
	v7 =	vld [tilespmem:s1+$0x80]  }
0x220: {  	v1 =	vld [tilespmem:$0x1FFF0];
	[tilespmem:v14+s22+$0x0] =	vst.idx.msk $0xffff, v11;
	v14 =	vadd.s32 v48, v26;
	v11 =	vbroadcast v33, $0x0;
	v41 =	vmul.f32 $1.250000000e-01, v51  }
0x221: {  	v42 =	vmul.f32 $1.250000000e-01, v58;
	v12 =	vbroadcast v28, $0x0;
	v43 =	vadd.s32 v45, v23;
	v51 =	vld [tilespmem:s1+$0x140];
	[tilespmem:v52+s22+$0x0] =	vst.idx.msk $0xffff, v10  }
0x222: {  	v28 =	vmul.f32 $1.250000000e-01, v29;
	v29 =	vadd.s32 v60, v11;
	v10 =	vbroadcast v27, $0x0;
	[tilespmem:v61+s22+$0x0] =	vst.idx.msk $0xffff, v41;
	v61 =	vld [tilespmem:$0x1FCB0]  }
0x223: {  	v58 =	vld [tilespmem:s1+$0xFFFFFED0];
	v52 =	vadd.s32 v59, v12;
	[tilespmem:v13+s22+$0x0] =	vst.idx.msk $0xffff, v42;
	v27 =	vmul.f32 $1.250000000e-01, v6  }
0x224: {  	[tilespmem:v30+s22+$0x0] =	vst.idx.msk $0xffff, v28;
	v30 =	vadd.s32 v49, v10;
	v28 =	vmul.f32 $1.250000000e-01, v7;
	v7 =	vld [tilespmem:s1+$0x180]  }
0x225: {  	v13 =	vshll.u32 v16, v0;
	v16 =	vld [tilespmem:s1+$0x1E0];
	[tilespmem:v14+s22+$0x0] =	vst.idx.msk $0xffff, v27;
	v14 =	vmul.f32 $1.250000000e-01, v31  }
0x226: {  	v48 =	vld [tilespmem:s1+$0xFFFFFE90];
	v6 =	vadd.s32 v50, v17;
	v13 =	vbroadcast v13, $0x0;
	[tilespmem:v43+s22+$0x0] =	vst.idx.msk $0xffff, v28;
	v28 =	vmul.f32 $1.250000000e-01, v44  }
0x227: {  	v42 =	vld [tilespmem:s1+$0xFFFFFF10];
	v27 =	vadd.s32 v61, v40;
	[tilespmem:v29+s22+$0x0] =	vst.idx.msk $0xffff, v14;
	v14 =	vmul.f32 $1.250000000e-01, v51  }
0x228: {  	v36 =	vadd.s32 v63, v13;
	v63 =	vld [tilespmem:s1+$0xFFFFFF50];
	[tilespmem:v52+s22+$0x0] =	vst.idx.msk $0xffff, v28  }
0x229: {  	[tilespmem:v30+s22+$0x0] =	vst.idx.msk $0xffff, v14;
	v52 =	vld [tilespmem:$0x1FC80];
	v14 =	vmul.f32 $1.250000000e-01, v7;
	v7 =	vmul.f32 $1.250000000e-01, v47  }
0x22a: {  	v44 =	vld [tilespmem:s1+$0xFFFFFF90];
	v16 =	vmul.f32 $1.250000000e-01, v16  }
0x22b: {  	v38 =	vadd.s32 v54, v22;
	[tilespmem:v6+s22+$0x0] =	vst.idx.msk $0xffff, v7;
	v6 =	vmul.f32 $1.250000000e-01, v58;
	v58 =	vld [tilespmem:$0x1FEC0]  }
0x22c: {  	v32 =	vadd.s32 v62, v18;
	v43 =	vld [tilespmem:s1+$0x50];
	[tilespmem:v27+s22+$0x0] =	vst.idx.msk $0xffff, v16  }
0x22d: {  	v27 =	vmul.f32 $1.250000000e-01, v48;
	v48 =	vadd.s32 v1, v20;
	[tilespmem:v36+s22+$0x0] =	vst.idx.msk $0xffff, v14;
	v14 =	vld [tilespmem:s1+$0x1F0]  }
0x22e: {  	v34 =	vld [tilespmem:s1+$0xD0];
	v35 =	vadd.s32 v52, v19  }
0x22f: {  	v40 =	vadd.s32 v3, v40;
	v7 =	vld [tilespmem:s1+$0xFFFFFFD0]  }
0x230: {  	v51 =	vmul.f32 $1.250000000e-01, v63;
	[tilespmem:v38+s22+$0x0] =	vst.idx.msk $0xffff, v27;
	v38 =	vld [tilespmem:s1+$0x10];
	v39 =	vadd.s32 v58, v21  }
0x231: {  	v27 =	vmul.f32 $1.250000000e-01, v42;
	[tilespmem:v32+s22+$0x0] =	vst.idx.msk $0xffff, v6;
	v6 =	vld [tilespmem:s1+$0x90]  }
0x232: {  	v33 =	vadd.s32 v46, v25;
	v41 =	vld [tilespmem:s1+$0xFFFFFEE0];
	[tilespmem:v48+s22+$0x0] =	vst.idx.msk $0xffff, v51;
	v14 =	vmul.f32 $1.250000000e-01, v14  }
0x233: {  	v51 =	vld [tilespmem:s1+$0x150];
	[tilespmem:v35+s22+$0x0] =	vst.idx.msk $0xffff, v27;
	v27 =	vmul.f32 $1.250000000e-01, v44;
	v35 =	vadd.s32 v53, v24  }
0x234: {  	s7 =	sadd.s32 $0x1, s0;
	v32 =	vadd.s32 v50, v26;
	v44 =	vld [tilespmem:s1+$0xFFFFFE60];
	[tilespmem:v40+s22+$0x0] =	vst.idx.msk $0xffff, v14  }
0x235: {  	v37 =	vmov s7;
	v45 =	vmov s0;
	v40 =	vld [tilespmem:s1+$0x190];
	[tilespmem:v39+s22+$0x0] =	vst.idx.msk $0xffff, v27;
	v27 =	vmul.f32 $1.250000000e-01, v7  }
0x236: {  	v31 =	vshrl.u32 v45, $0x3;
	v38 =	vmul.f32 $1.250000000e-01, v38;
	v39 =	vadd.s32 v54, v23;
	v7 =	vld [tilespmem:s1+$0x110]  }
0x237: {  	s28 =	sadd.s32 $0x2, s0;
	v50 =	vadd.s32 v62, v11;
	[tilespmem:v33+s22+$0x0] =	vst.idx.msk $0xffff, v27;
	v27 =	vmul.f32 $1.250000000e-01, v43;
	v33 =	vadd.s32 v52, v12;
	v52 =	vld [tilespmem:s1+$0xFFFFFE10]  }
0x238: {  	v29 =	vmov s28;
	v6 =	vmul.f32 $1.250000000e-01, v6;
	[tilespmem:v35+s22+$0x0] =	vst.idx.msk $0xffff, v38;
	v38 =	vadd.s32 v1, v10;
	v1 =	vld [tilespmem:$0x1FFE0]  }
0x239: {  	s8 =	sadd.s32 $0x3, s0;
	s11 =	sadd.s32 $0x4, s0;
	[tilespmem:v32+s22+$0x0] =	vst.idx.msk $0xffff, v27;
	v27 =	vmul.f32 $1.250000000e-01, v34;
	v34 =	vshrl.u32 v37, $0x3;
	v37 =	vadd.s32 v53, v15;
	v53 =	vld [tilespmem:s1+$0xFFFFFEA0]  }
0x23a: {  	v28 =	vmov s8;
	v30 =	vmov s11;
	s8 =	sadd.s32 $0x6, s0;
	s11 =	sadd.s32 $0x7, s0;
	v32 =	vadd.s32 v58, v13;
	v58 =	vld [tilespmem:$0x1FC90]  }
0x23b: {  	s28 =	sadd.s32 $0x5, s0;
	v45 =	vmov s11;
	v36 =	vmov s8;
	s8 =	sadd.s32 $0x9, s0;
	[tilespmem:v39+s22+$0x0] =	vst.idx.msk $0xffff, v6;
	v7 =	vmul.f32 $1.250000000e-01, v7;
	v6 =	vld [tilespmem:$0x1FE40]  }
0x23c: {  	v16 =	vmov s28;
	v46 =	vmov s8;
	[tilespmem:v50+s22+$0x0] =	vst.idx.msk $0xffff, v27;
	v27 =	vmul.f32 $1.250000000e-01, v51;
	v51 =	vld [tilespmem:s1+$0xFFFFFF20]  }
0x23d: {  	v54 =	vshrl.u32 v16, $0x3;
	v16 =	vmul.f32 $1.250000000e-01, v44;
	v39 =	vadd.s32 v56, v17;
	[tilespmem:v33+s22+$0x0] =	vst.idx.msk $0xffff, v7;
	v7 =	vld [tilespmem:$0x1FEB0]  }
0x23e: {  	v44 =	vshrl.u32 v45, $0x3;
	v45 =	vshrl.u32 v46, $0x3;
	v46 =	vld [tilespmem:s1+$0xA0];
	v33 =	vmul.f32 $1.250000000e-01, v40  }
0x23f: {  	s28 =	sadd.s32 $0x8, s0;
	v50 =	vshrl.u32 v28, $0x3;
	v28 =	vadd.s32 v1, v22;
	v35 =	vmul.f32 $1.250000000e-01, v52;
	v52 =	vld [tilespmem:s1+$0xFFFFFF60];
	[tilespmem:v38+s22+$0x0] =	vst.idx.msk $0xffff, v27  }
0x240: {  	v42 =	vmov s28;
	v40 =	vadd.s32 v8, v18;
	v38 =	vld [tilespmem:s1+$0xFFFFFFA0];
	[tilespmem:v32+s22+$0x0] =	vst.idx.msk $0xffff, v33  }
0x241: {  	v27 =	vadd.s32 v58, v19;
	v32 =	vshrl.u32 v36, $0x3;
	[tilespmem:v37+s22+$0x0] =	vst.idx.msk $0xffff, v35;
	v53 =	vmul.f32 $1.250000000e-01, v53;
	v36 =	vld [tilespmem:s1+$0xFFFFFFE0]  }
0x242: {  	s11 =	sadd.s32 $0xA, s0;
	s8 =	sadd.s32 $0xC, s0;
	[tilespmem:v39+s22+$0x0] =	vst.idx.msk $0xffff, v16;
	v16 =	vmul.f32 $1.250000000e-01, v41;
	v41 =	vshrl.u32 v42, $0x3;
	v42 =	vld [tilespmem:s1+$0x60];
	v35 =	vadd.s32 v7, v20  }
0x243: {  	v31 =	vshll.u32 v31, v0;
	v63 =	vmovc v49;
	v47 =	vmov s11;
	s28 =	sadd.s32 $0xB, s0;
	v49 =	vmov s8;
	v39 =	vld [tilespmem:s1+$0x20]  }
0x244: {  	s11 =	sadd.s32 $0xD, s0;
	v48 =	vmov s28;
	v33 =	vadd.s32 v61, v25;
	[tilespmem:v28+s22+$0x0] =	vst.idx.msk $0xffff, v53;
	v28 =	vmul.f32 $1.250000000e-01, v51;
	v51 =	vld [tilespmem:s1+$0xE0]  }
0x245: {  	v14 =	vmov s11;
	v37 =	vadd.s32 v6, v21;
	[tilespmem:v40+s22+$0x0] =	vst.idx.msk $0xffff, v16;
	v16 =	vmul.f32 $1.250000000e-01, v52;
	v52 =	vld [tilespmem:s1+$0x160]  }
0x246: {  	v40 =	vadd.s32 v55, v24;
	v53 =	vld [tilespmem:s1+$0x1A0];
	[tilespmem:v27+s22+$0x0] =	vst.idx.msk $0xffff, v28;
	v27 =	vmul.f32 $1.250000000e-01, v38;
	v38 =	vadd.s32 v56, v26  }
0x247: {  	s28 =	sadd.s32 $0xE, s0;
	v56 =	vmul.f32 $1.250000000e-01, v42;
	v42 =	vadd.s32 v58, v12;
	v58 =	vld [tilespmem:$0x1FEA0];
	[tilespmem:v35+s22+$0x0] =	vst.idx.msk $0xffff, v16;
	v16 =	vmul.f32 $1.250000000e-01, v36  }
0x248: {  	v43 =	vmov s28;
	v28 =	vshrl.u32 v49, $0x3;
	v49 =	vadd.s32 v8, v11;
	v36 =	vld [tilespmem:s1+$0x120]  }
0x249: {  	v61 =	vmul.f32 $1.250000000e-01, v39;
	v35 =	vadd.s32 v1, v23;
	[tilespmem:v33+s22+$0x0] =	vst.idx.msk $0xffff, v16;
	v16 =	vshrl.u32 v43, $0x3;
	v43 =	vld [tilespmem:s1+$0xFFFFFE20]  }
0x24a: {  	[tilespmem:v37+s22+$0x0] =	vst.idx.msk $0xffff, v27;
	v27 =	vshrl.u32 v14, $0x3;
	v14 =	vbroadcast v31, $0x0;
	v31 =	vld [tilespmem:s1+$0xFFFFFE70]  }
0x24b: {  	[tilespmem:v40+s22+$0x0] =	vst.idx.msk $0xffff, v61;
	v40 =	vadd.s32 v7, v10;
	v7 =	vmul.f32 $1.250000000e-01, v51;
	v51 =	vadd.s32 v55, v15;
	v55 =	vld [tilespmem:s1+$0xFFFFFEB0]  }
0x24c: {  	v61 =	vmul.f32 $1.250000000e-01, v46;
	v1 =	vld [tilespmem:$0x1FE70];
	[tilespmem:v38+s22+$0x0] =	vst.idx.msk $0xffff, v56  }
0x24d: {  	v30 =	vshrl.u32 v30, $0x3;
	v56 =	vld [tilespmem:s1+$0xFFFFFEF0];
	[tilespmem:v49+s22+$0x0] =	vst.idx.msk $0xffff, v7  }
0x24e: {  	v49 =	vld [tilespmem:$0x1FC30];
	[tilespmem:v35+s22+$0x0] =	vst.idx.msk $0xffff, v61;
	v61 =	vmul.f32 $1.250000000e-01, v36;
	v36 =	vshll.u32 v30, v0;
	v30 =	vmul.f32 $1.250000000e-01, v43  }
0x24f: {  	v33 =	vld [tilespmem:s1+$0xFFFFFF30]  }
0x250: {  	v29 =	vshrl.u32 v29, $0x3;
	v18 =	vadd.s32 v57, v18;
	v17 =	vadd.s32 v58, v17;
	[tilespmem:v51+s22+$0x0] =	vst.idx.msk $0xffff, v30;
	v51 =	vld [tilespmem:$0x1FCA0]  }
0x251: {  	v19 =	vadd.s32 v4, v19;
	v37 =	vshll.u32 v29, v0;
	v29 =	vmul.f32 $1.250000000e-01, v52;
	v57 =	vld [tilespmem:s1+$0xFFFFFFB0]  }
0x252: {  	v47 =	vshrl.u32 v47, $0x3;
	v25 =	vadd.s32 v3, v25;
	v39 =	vshll.u32 v34, v0;
	v7 =	vld [tilespmem:s1+$0xFFFFFF70]  }
0x253: {  	v46 =	vadd.s32 v6, v13;
	v31 =	vmul.f32 $1.250000000e-01, v31;
	[tilespmem:v40+s22+$0x0] =	vst.idx.msk $0xffff, v29;
	v40 =	vadd.s32 v5, v21;
	v21 =	vld [tilespmem:s1+$0x30]  }
0x254: {  	v22 =	vadd.s32 v1, v22;
	[tilespmem:v42+s22+$0x0] =	vst.idx.msk $0xffff, v61;
	v61 =	vld [tilespmem:s1+$0xFFFFFFF0];
	v33 =	vmul.f32 $1.250000000e-01, v33;
	v24 =	vadd.s32 v49, v24  }
0x255: {  	p1 =	slt.u32 s0, $0x70;
	v48 =	vshrl.u32 v48, $0x3;
	v49 =	vmovc v63;
	v63 =	vld [tilespmem:$0x1FE90];
	[tilespmem:v17+s22+$0x0] =	vst.idx.msk $0xffff, v31;
	v17 =	vmul.f32 $1.250000000e-01, v56;
	v20 =	vadd.s32 v51, v20  }
.Ltmp2:
0x256: {  	v34 =	vshll.u32 v54, v0;
	v6 =	vmul.f32 $1.250000000e-01, v53;
	[tilespmem:v19+s22+$0x0] =	vst.idx.msk $0xffff, v33;
	v33 =	vshll.u32 v48, v0;
	v48 =	vld [tilespmem:$0x1FE60];
	(pc) =	sbr.rel @p1 .LBB2_6-.Ltmp2, $4  }
0x257: {  	v38 =	vshll.u32 v50, v0;
	v35 =	vshll.u32 v32, v0;
	v30 =	vmul.f32 $1.250000000e-01, v55;
	[tilespmem:v18+s22+$0x0] =	vst.idx.msk $0xffff, v17;
	v18 =	vld [tilespmem:s1+$0xB0]  }
0x258: {  	[tilespmem:v46+s22+$0x0] =	vst.idx.msk $0xffff, v6;
	v29 =	vshll.u32 v44, v0;
	v32 =	vshll.u32 v41, v0;
	v42 =	vmul.f32 $1.250000000e-01, v7;
	v17 =	vld [tilespmem:s1+$0xF0]  }
0x259: {  	v41 =	vmul.f32 $1.250000000e-01, v57;
	v23 =	vadd.s32 v1, v23;
	v31 =	vshll.u32 v47, v0;
	[tilespmem:v22+s22+$0x0] =	vst.idx.msk $0xffff, v30;
	v22 =	vld [tilespmem:s1+$0x70]  }
0x25a: {  	s8 =	sadd.s32 $0xF, s0;
	s0 =	sadd.s32 $0x10, s0;
	v19 =	vadd.s32 v58, v26;
	v30 =	vshll.u32 v45, v0;
	v26 =	vmul.f32 $1.250000000e-01, v61;
	[tilespmem:v20+s22+$0x0] =	vst.idx.msk $0xffff, v42;
	v20 =	vld [tilespmem:s1+$0x130]  }
0x25b: {  	_ =	sdelay $0x3  }
0x25c: {  	[tilespmem:v40+s22+$0x0] =	vst.idx.msk $0xffff, v41;
	v21 =	vmul.f32 $1.250000000e-01, v21  }
0x25d: {  	v8 =	vld [tilespmem:$0x1FFB0];
	[tilespmem:v25+s22+$0x0] =	vst.idx.msk $0xffff, v26;
	v22 =	vmul.f32 $1.250000000e-01, v22  }
0x25e: {  	v3 =	vld [tilespmem:$0x1FE80];
	[tilespmem:v24+s22+$0x0] =	vst.idx.msk $0xffff, v21  }
0x25f: {  	[tilespmem:v19+s22+$0x0] =	vst.idx.msk $0xffff, v22  }
0x260: {  	v5 =	vld [tilespmem:$0x1FE50];
	_ =	sdelay $0x1  }
0x261: {  	v45 =	vld [tilespmem:s1+$0x170];
	v11 =	vadd.s32 v8, v11  }
0x262: {  	v47 =	vld [tilespmem:s1+$0x1B0];
	v12 =	vadd.s32 v3, v12  }
0x263: {  	v52 =	vadd.s32 v51, v10;
	v18 =	vmul.f32 $1.250000000e-01, v18  }
0x264: {  	v10 =	vmul.f32 $1.250000000e-01, v17;
	v13 =	vadd.s32 v5, v13  }
0x265: {  	v50 =	vld [tilespmem:s1+$0xFFFFFE30];
	[tilespmem:v23+s22+$0x0] =	vst.idx.msk $0xffff, v18;
	v18 =	vmul.f32 $1.250000000e-01, v20  }
0x266: {  	v22 =	vmul.f32 $1.250000000e-01, v45;
	v42 =	vld [tilespmem:$0x1FC30];
	[tilespmem:v11+s22+$0x0] =	vst.idx.msk $0xffff, v10  }
0x267: {  	v26 =	vmul.f32 $1.250000000e-01, v47;
	v1 =	vld [tilespmem:$0x1FEE0];
	[tilespmem:v12+s22+$0x0] =	vst.idx.msk $0xffff, v18  }
0x268: {  	v44 =	vmov s8;
	s0 =	sadd.s32 $0x400, s1;
	v10 =	vbroadcast v39, $0x0;
	v39 =	vld [tilespmem:$0x1FC00];
	[tilespmem:v52+s22+$0x0] =	vst.idx.msk $0xffff, v22  }
0x269: {  	v46 =	vshrl.u32 v44, $0x3;
	v20 =	vld [tilespmem:s0+$0xFFFFFE40];
	[tilespmem:v13+s22+$0x0] =	vst.idx.msk $0xffff, v26  }
0x26a: {  	v21 =	vshll.u32 v46, v0;
	v41 =	vld [tilespmem:$0x1FC60]  }
0x26b: {  	v40 =	vbroadcast v21, $0x0;
	v19 =	vld [tilespmem:s0+$0x1C0];
	v15 =	vadd.s32 v42, v15  }
0x26c: {  	v17 =	vld [tilespmem:s0+$0xFFFFFE00];
	v22 =	vadd.s32 v48, v10  }
0x26d: {  	v23 =	vshll.u32 v28, v0;
	v28 =	vld [tilespmem:s0+$0xFFFFFE80];
	v11 =	vbroadcast v37, $0x0;
	v21 =	vadd.s32 v1, v40  }
0x26e: {  	v24 =	vmul.f32 $1.250000000e-01, v50;
	v18 =	vadd.s32 v39, v14  }
0x26f: {  	v20 =	vmul.f32 $1.250000000e-01, v20;
	v54 =	vadd.s32 v41, v11  }
0x270: {  	v19 =	vmul.f32 $1.250000000e-01, v19;
	[tilespmem:v15+s22+$0x0] =	vst.idx.msk $0xffff, v24  }
0x271: {  	v56 =	vmul.f32 $1.250000000e-01, v17;
	[tilespmem:v22+s22+$0x0] =	vst.idx.msk $0xffff, v20  }
0x272: {  	v53 =	vld [tilespmem:s0+$0xFFFFFEC0];
	[tilespmem:v21+s22+$0x0] =	vst.idx.msk $0xffff, v19;
	v19 =	vmul.f32 $1.250000000e-01, v28  }
0x273: {  	v55 =	vld [tilespmem:s0+$0xFFFFFF00];
	v12 =	vbroadcast v38, $0x0;
	[tilespmem:v18+s22+$0x0] =	vst.idx.msk $0xffff, v56  }
0x274: {  	v58 =	vld [tilespmem:s0+$0xFFFFFF40];
	v13 =	vbroadcast v36, $0x0;
	[tilespmem:v54+s22+$0x0] =	vst.idx.msk $0xffff, v19  }
0x275: {  	v57 =	vadd.s32 v60, v12;
	v15 =	vbroadcast v34, $0x0;
	v4 =	vld [tilespmem:$0x1FF00]  }
0x276: {  	v61 =	vld [tilespmem:s0+$0xFFFFFF80];
	v17 =	vbroadcast v35, $0x0;
	v21 =	vadd.s32 v59, v13  }
0x277: {  	v45 =	vld [tilespmem:s0+$0xFFFFFFC0];
	v28 =	vadd.s32 v49, v15;
	v18 =	vbroadcast v29, $0x0  }
0x278: {  	v44 =	vadd.s32 v63, v17;
	v20 =	vmul.f32 $1.250000000e-01, v53;
	v43 =	vld [tilespmem:s0+$0x1D0]  }
0x279: {  	v46 =	vld [tilespmem:s0+$0x0];
	v22 =	vmul.f32 $1.250000000e-01, v55;
	v50 =	vadd.s32 v1, v18;
	v19 =	vbroadcast v32, $0x0  }
0x27a: {  	v47 =	vmul.f32 $1.250000000e-01, v58;
	v52 =	vld [tilespmem:s0+$0x40];
	[tilespmem:v57+s22+$0x0] =	vst.idx.msk $0xffff, v20;
	v20 =	vbroadcast v30, $0x0;
	v29 =	vadd.s32 v4, v40  }
0x27b: {  	[tilespmem:v21+s22+$0x0] =	vst.idx.msk $0xffff, v22;
	v30 =	vmul.f32 $1.250000000e-01, v61;
	v53 =	vadd.s32 v39, v19  }
0x27c: {  	v56 =	vmul.f32 $1.250000000e-01, v45;
	[tilespmem:v28+s22+$0x0] =	vst.idx.msk $0xffff, v47;
	v28 =	vadd.s32 v48, v20  }
0x27d: {  	v22 =	vbroadcast v33, $0x0;
	v55 =	vmul.f32 $1.250000000e-01, v43;
	[tilespmem:v44+s22+$0x0] =	vst.idx.msk $0xffff, v30  }
0x27e: {  	v26 =	vmul.f32 $1.250000000e-01, v46;
	[tilespmem:v50+s22+$0x0] =	vst.idx.msk $0xffff, v56  }
0x27f: {  	v54 =	vld [tilespmem:s0+$0x80];
	v21 =	vbroadcast v31, $0x0;
	[tilespmem:v29+s22+$0x0] =	vst.idx.msk $0xffff, v55;
	v29 =	vadd.s32 v60, v22;
	v60 =	vmul.f32 $1.250000000e-01, v52  }
0x280: {  	v31 =	vld [tilespmem:s0+$0xC0];
	[tilespmem:v53+s22+$0x0] =	vst.idx.msk $0xffff, v26  }
0x281: {  	v23 =	vbroadcast v23, $0x0;
	v57 =	vld [tilespmem:s0+$0x100];
	v30 =	vadd.s32 v41, v21;
	[tilespmem:v28+s22+$0x0] =	vst.idx.msk $0xffff, v60  }
0x282: {  	v43 =	vld [tilespmem:$0x1FCB0]  }
0x283: {  	v27 =	vshll.u32 v27, v0;
	v61 =	vadd.s32 v59, v23  }
0x284: {  	v58 =	vld [tilespmem:s0+$0x140];
	v24 =	vbroadcast v27, $0x0;
	v46 =	vmul.f32 $1.250000000e-01, v54  }
0x285: {  	v45 =	vld [tilespmem:s0+$0x1E0];
	v28 =	vmul.f32 $1.250000000e-01, v31  }
0x286: {  	v47 =	vadd.s32 v49, v24;
	[tilespmem:v30+s22+$0x0] =	vst.idx.msk $0xffff, v46;
	v30 =	vmul.f32 $1.250000000e-01, v57  }
0x287: {  	[tilespmem:v29+s22+$0x0] =	vst.idx.msk $0xffff, v28;
	v31 =	vadd.s32 v43, v40  }
0x288: {  	v54 =	vld [tilespmem:$0x1FC40];
	[tilespmem:v61+s22+$0x0] =	vst.idx.msk $0xffff, v30  }
0x289: {  	v16 =	vshll.u32 v16, v0;
	v35 =	vmul.f32 $1.250000000e-01, v58;
	v41 =	vld [tilespmem:$0x1FC70]  }
0x28a: {  	v16 =	vbroadcast v16, $0x0;
	v49 =	vld [tilespmem:s0+$0x180];
	v32 =	vmul.f32 $1.250000000e-01, v45  }
0x28b: {  	v50 =	vld [tilespmem:s0+$0xFFFFFE50];
	[tilespmem:v47+s22+$0x0] =	vst.idx.msk $0xffff, v35  }
0x28c: {  	v53 =	vadd.s32 v63, v16;
	v52 =	vld [tilespmem:s0+$0xFFFFFE90];
	[tilespmem:v31+s22+$0x0] =	vst.idx.msk $0xffff, v32  }
0x28d: {  	v28 =	vadd.s32 v54, v10;
	v38 =	vld [tilespmem:$0x1FC80]  }
0x28e: {  	v55 =	vadd.s32 v41, v11  }
0x28f: {  	v36 =	vmul.f32 $1.250000000e-01, v49;
	v29 =	vld [tilespmem:s0+$0xFFFFFED0]  }
0x290: {  	v25 =	vmul.f32 $1.250000000e-01, v50;
	v30 =	vld [tilespmem:s0+$0xFFFFFF10]  }
0x291: {  	v56 =	vadd.s32 v62, v12;
	v26 =	vmul.f32 $1.250000000e-01, v52;
	[tilespmem:v53+s22+$0x0] =	vst.idx.msk $0xffff, v36  }
0x292: {  	v6 =	vld [tilespmem:$0x1FFF0];
	[tilespmem:v28+s22+$0x0] =	vst.idx.msk $0xffff, v25;
	v31 =	vadd.s32 v38, v13  }
0x293: {  	v7 =	vld [tilespmem:$0x1FEC0];
	[tilespmem:v55+s22+$0x0] =	vst.idx.msk $0xffff, v26  }
0x294: {  	v61 =	vmul.f32 $1.250000000e-01, v29;
	v1 =	vld [tilespmem:$0x1FED0]  }
0x295: {  	v58 =	vld [tilespmem:s0+$0xFFFFFF90];
	v37 =	vmul.f32 $1.250000000e-01, v30  }
0x296: {  	v57 =	vld [tilespmem:s0+$0xFFFFFF50];
	[tilespmem:v56+s22+$0x0] =	vst.idx.msk $0xffff, v61  }
0x297: {  	v60 =	vld [tilespmem:s0+$0x1F0];
	[tilespmem:v31+s22+$0x0] =	vst.idx.msk $0xffff, v37  }
0x298: {  	v59 =	vadd.s32 v6, v15;
	v50 =	vld [tilespmem:$0x1FC10]  }
0x299: {  	v29 =	vld [tilespmem:s0+$0xFFFFFFD0];
	v30 =	vadd.s32 v1, v40  }
0x29a: {  	v47 =	vld [tilespmem:s0+$0x50];
	v28 =	vadd.s32 v7, v17  }
0x29b: {  	v44 =	vld [tilespmem:s0+$0x10];
	v46 =	vadd.s32 v4, v18;
	v45 =	vmul.f32 $1.250000000e-01, v57  }
0x29c: {  	v53 =	vadd.s32 v54, v20;
	v54 =	vld [tilespmem:s0+$0xD0];
	v36 =	vmul.f32 $1.250000000e-01, v60  }
0x29d: {  	v49 =	vmul.f32 $1.250000000e-01, v58;
	v52 =	vld [tilespmem:s0+$0x90];
	[tilespmem:v59+s22+$0x0] =	vst.idx.msk $0xffff, v45;
	v31 =	vadd.s32 v50, v19  }
0x29e: {  	v55 =	vmul.f32 $1.250000000e-01, v29;
	v29 =	vld [tilespmem:s0+$0x110];
	[tilespmem:v30+s22+$0x0] =	vst.idx.msk $0xffff, v36;
	v30 =	vadd.s32 v62, v22  }
0x29f: {  	v57 =	vmul.f32 $1.250000000e-01, v47;
	v56 =	vld [tilespmem:s0+$0x150];
	[tilespmem:v28+s22+$0x0] =	vst.idx.msk $0xffff, v49;
	v28 =	vadd.s32 v41, v21  }
0x2a0: {  	v27 =	vmul.f32 $1.250000000e-01, v44;
	v58 =	vadd.s32 v38, v23;
	[tilespmem:v46+s22+$0x0] =	vst.idx.msk $0xffff, v55  }
0x2a1: {  	v61 =	vadd.s32 v6, v24;
	[tilespmem:v53+s22+$0x0] =	vst.idx.msk $0xffff, v57;
	v41 =	vmul.f32 $1.250000000e-01, v54  }
0x2a2: {  	v59 =	vld [tilespmem:s0+$0x190];
	[tilespmem:v31+s22+$0x0] =	vst.idx.msk $0xffff, v27;
	v31 =	vmul.f32 $1.250000000e-01, v52  }
0x2a3: {  	v60 =	vld [tilespmem:s0+$0xFFFFFE10];
	v29 =	vmul.f32 $1.250000000e-01, v29;
	[tilespmem:v30+s22+$0x0] =	vst.idx.msk $0xffff, v41  }
0x2a4: {  	v44 =	vadd.s32 v7, v16;
	v62 =	vld [tilespmem:s0+$0xFFFFFE60];
	v36 =	vmul.f32 $1.250000000e-01, v56;
	[tilespmem:v28+s22+$0x0] =	vst.idx.msk $0xffff, v31  }
0x2a5: {  	v28 =	vadd.s32 v50, v14;
	v45 =	vld [tilespmem:$0x1FC50];
	[tilespmem:v58+s22+$0x0] =	vst.idx.msk $0xffff, v29  }
0x2a6: {  	v39 =	vld [tilespmem:$0x1FFE0];
	[tilespmem:v61+s22+$0x0] =	vst.idx.msk $0xffff, v36  }
0x2a7: {  	v35 =	vmul.f32 $1.250000000e-01, v59;
	v7 =	vld [tilespmem:$0x1FF20]  }
0x2a8: {  	v30 =	vld [tilespmem:s0+$0xFFFFFEE0];
	v27 =	vmul.f32 $1.250000000e-01, v60  }
0x2a9: {  	v31 =	vld [tilespmem:s0+$0xFFFFFEA0];
	[tilespmem:v44+s22+$0x0] =	vst.idx.msk $0xffff, v35  }
0x2aa: {  	v52 =	vld [tilespmem:$0x1FC90];
	[tilespmem:v28+s22+$0x0] =	vst.idx.msk $0xffff, v27;
	v46 =	vadd.s32 v45, v10  }
0x2ab: {  	v6 =	vld [tilespmem:$0x1FEB0];
	v29 =	vadd.s32 v39, v11  }
0x2ac: {  	v47 =	vld [tilespmem:s0+$0xFFFFFF20];
	v49 =	vadd.s32 v7, v12  }
0x2ad: {  	v56 =	vld [tilespmem:s0+$0xFFFFFFA0];
	v25 =	vmul.f32 $1.250000000e-01, v62  }
0x2ae: {  	v50 =	vld [tilespmem:s0+$0xFFFFFF60];
	v57 =	vmul.f32 $1.250000000e-01, v31  }
0x2af: {  	v58 =	vmul.f32 $1.250000000e-01, v30;
	v61 =	vld [tilespmem:s0+$0x60];
	[tilespmem:v46+s22+$0x0] =	vst.idx.msk $0xffff, v25  }
0x2b0: {  	v28 =	vadd.s32 v6, v15;
	v4 =	vld [tilespmem:$0x1FE40];
	[tilespmem:v29+s22+$0x0] =	vst.idx.msk $0xffff, v57  }
0x2b1: {  	v31 =	vld [tilespmem:s0+$0xFFFFFFE0];
	[tilespmem:v49+s22+$0x0] =	vst.idx.msk $0xffff, v58  }
0x2b2: {  	v55 =	vadd.s32 v52, v13;
	v40 =	vld [tilespmem:$0x1FC20]  }
0x2b3: {  	v62 =	vmul.f32 $1.250000000e-01, v50;
	v45 =	vadd.s32 v45, v20;
	v29 =	vadd.s32 v43, v18;
	v43 =	vld [tilespmem:s0+$0xA0];
	_ =	sdelay $0x1  }
0x2b4: {  	v60 =	vmul.f32 $1.250000000e-01, v47;
	v30 =	vld [tilespmem:s0+$0x20];
	[tilespmem:v28+s22+$0x0] =	vst.idx.msk $0xffff, v62;
	v28 =	vadd.s32 v39, v21  }
0x2b5: {  	v53 =	vmul.f32 $1.250000000e-01, v61;
	v46 =	vld [tilespmem:s0+$0xE0];
	v59 =	vadd.s32 v4, v17  }
0x2b6: {  	v47 =	vmul.f32 $1.250000000e-01, v31;
	v31 =	vld [tilespmem:s0+$0x120];
	[tilespmem:v55+s22+$0x0] =	vst.idx.msk $0xffff, v60;
	v41 =	vadd.s32 v40, v19  }
0x2b7: {  	v44 =	vmul.f32 $1.250000000e-01, v56;
	v50 =	vadd.s32 v7, v22;
	[tilespmem:v45+s22+$0x0] =	vst.idx.msk $0xffff, v53;
	v56 =	vmul.f32 $1.250000000e-01, v43  }
0x2b8: {  	[tilespmem:v29+s22+$0x0] =	vst.idx.msk $0xffff, v47;
	v29 =	vadd.s32 v52, v23  }
0x2b9: {  	v49 =	vmul.f32 $1.250000000e-01, v30;
	[tilespmem:v28+s22+$0x0] =	vst.idx.msk $0xffff, v56  }
0x2ba: {  	[tilespmem:v59+s22+$0x0] =	vst.idx.msk $0xffff, v44;
	v59 =	vmul.f32 $1.250000000e-01, v46  }
0x2bb: {  	v54 =	vld [tilespmem:s0+$0x1A0];
	v31 =	vmul.f32 $1.250000000e-01, v31;
	[tilespmem:v41+s22+$0x0] =	vst.idx.msk $0xffff, v49  }
0x2bc: {  	v30 =	vld [tilespmem:s0+$0x160];
	[tilespmem:v50+s22+$0x0] =	vst.idx.msk $0xffff, v59  }
0x2bd: {  	v33 =	vld [tilespmem:$0x1FEA0];
	[tilespmem:v29+s22+$0x0] =	vst.idx.msk $0xffff, v31  }
0x2be: {  	v60 =	vadd.s32 v4, v16;
	v4 =	vld [tilespmem:$0x1FE70]  }
0x2bf: {  	v57 =	vadd.s32 v6, v24;
	v55 =	vld [tilespmem:s0+$0xFFFFFE20]  }
0x2c0: {  	v58 =	vld [tilespmem:s0+$0xFFFFFE70]  }
0x2c1: {  	v61 =	vld [tilespmem:s0+$0xFFFFFEB0];
	v28 =	vadd.s32 v40, v14  }
0x2c2: {  	v62 =	vld [tilespmem:s0+$0xFFFFFEF0];
	v30 =	vmul.f32 $1.250000000e-01, v30;
	v10 =	vadd.s32 v33, v10  }
0x2c3: {  	v29 =	vld [tilespmem:s0+$0xFFFFFF30];
	v31 =	vmul.f32 $1.250000000e-01, v54;
	v11 =	vadd.s32 v4, v11  }
0x2c4: {  	v12 =	vadd.s32 v8, v12;
	v26 =	vmul.f32 $1.250000000e-01, v55;
	[tilespmem:v57+s22+$0x0] =	vst.idx.msk $0xffff, v30;
	v30 =	vld [tilespmem:s0+$0xFFFFFF70]  }
0x2c5: {  	v13 =	vadd.s32 v3, v13;
	v25 =	vmul.f32 $1.250000000e-01, v58;
	[tilespmem:v60+s22+$0x0] =	vst.idx.msk $0xffff, v31;
	v31 =	vld [tilespmem:s0+$0xFFFFFFB0]  }
0x2c6: {  	v15 =	vadd.s32 v51, v15;
	v34 =	vmul.f32 $1.250000000e-01, v61;
	[tilespmem:v28+s22+$0x0] =	vst.idx.msk $0xffff, v26;
	v28 =	vld [tilespmem:s0+$0xFFFFFFF0]  }
0x2c7: {  	v17 =	vadd.s32 v5, v17;
	v35 =	vld [tilespmem:s0+$0x30];
	[tilespmem:v10+s22+$0x0] =	vst.idx.msk $0xffff, v25;
	v10 =	vmul.f32 $1.250000000e-01, v62  }
0x2c8: {  	v18 =	vadd.s32 v1, v18;
	v36 =	vld [tilespmem:s0+$0x70];
	[tilespmem:v11+s22+$0x0] =	vst.idx.msk $0xffff, v34;
	v11 =	vmul.f32 $1.250000000e-01, v29  }
0x2c9: {  	[tilespmem:v12+s22+$0x0] =	vst.idx.msk $0xffff, v10;
	v10 =	vmul.f32 $1.250000000e-01, v30;
	v12 =	vadd.s32 v42, v19;
	v19 =	vld [tilespmem:s0+$0xB0]  }
0x2ca: {  	[tilespmem:v13+s22+$0x0] =	vst.idx.msk $0xffff, v11;
	v11 =	vmul.f32 $1.250000000e-01, v31;
	v13 =	vadd.s32 v33, v20;
	v20 =	vld [tilespmem:s0+$0xF0]  }
0x2cb: {  	[tilespmem:v15+s22+$0x0] =	vst.idx.msk $0xffff, v10;
	v10 =	vmul.f32 $1.250000000e-01, v28;
	v15 =	vadd.s32 v4, v21;
	v21 =	vld [tilespmem:s0+$0x130]  }
0x2cc: {  	[tilespmem:v17+s22+$0x0] =	vst.idx.msk $0xffff, v11;
	v11 =	vmul.f32 $1.250000000e-01, v35;
	v17 =	vadd.s32 v8, v22;
	v22 =	vld [tilespmem:s0+$0x170]  }
0x2cd: {  	[tilespmem:v18+s22+$0x0] =	vst.idx.msk $0xffff, v10;
	v10 =	vmul.f32 $1.250000000e-01, v36;
	v18 =	vadd.s32 v3, v23;
	v23 =	vld [tilespmem:s0+$0x1B0]  }
0x2ce: {  	[tilespmem:v12+s22+$0x0] =	vst.idx.msk $0xffff, v11;
	v11 =	vld [tilespmem:s0+$0xFFFFFE30];
	v12 =	vmul.f32 $1.250000000e-01, v19;
	v19 =	vadd.s32 v51, v24  }
0x2cf: {  	[tilespmem:v13+s22+$0x0] =	vst.idx.msk $0xffff, v10;
	v10 =	vmul.f32 $1.250000000e-01, v20;
	v13 =	vadd.s32 v5, v16  }
0x2d0: {  	v14 =	vadd.s32 v42, v14;
	[tilespmem:v15+s22+$0x0] =	vst.idx.msk $0xffff, v12;
	v12 =	vmul.f32 $1.250000000e-01, v21  }
0x2d1: {  	[tilespmem:v17+s22+$0x0] =	vst.idx.msk $0xffff, v10;
	v10 =	vmul.f32 $1.250000000e-01, v22  }
0x2d2: {  	[tilespmem:v18+s22+$0x0] =	vst.idx.msk $0xffff, v12;
	v12 =	vmul.f32 $1.250000000e-01, v23  }
0x2d3: {  	v11 =	vmul.f32 $1.250000000e-01, v11;
	[tilespmem:v19+s22+$0x0] =	vst.idx.msk $0xffff, v10  }
0x2d4: {  	[tilespmem:v13+s22+$0x0] =	vst.idx.msk $0xffff, v12  }
0x2d5: {  	[tilespmem:v14+s22+$0x0] =	vst.idx.msk $0xffff, v11  }
0x2d6: {  	v47 =	vld [tilespmem:$0x1FF80]  }
0x2d7: {  	v29 =	vld [tilespmem:$0x1FB50]  }
0x2d8: {  	s1 =	simm.s32 $0x25F0;
	v33 =	vld [tilespmem:$0x1FCC0]  }
0x2d9: {  	v10 =	vld [tilespmem:s1+$0xFFFFFFD0]  }
0x2da: {  	v59 =	vld [tilespmem:$0x1FD00]  }
0x2db: {  	v11 =	vld [tilespmem:s1+$0xFFFFFC10]  }
0x2dc: {  	v13 =	vadd.s32 v47, v29  }
0x2dd: {  	v12 =	vld [tilespmem:s1+$0xFFFFFC50];
	v14 =	vadd.s32 v33, v2  }
0x2de: {  	v15 =	vld [tilespmem:s1+$0xFFFFFC90]  }
0x2df: {  	v51 =	vld [tilespmem:$0x1FD40];
	v16 =	vadd.s32 v59, v2;
	v10 =	vmul.f32 $1.250000000e-01, v10  }
0x2e0: {  	v17 =	vld [tilespmem:s1+$0xFFFFFCD0];
	v11 =	vmul.f32 $1.250000000e-01, v11  }
0x2e1: {  	v31 =	vld [tilespmem:$0x1FD80];
	[tilespmem:v13+s22+$0x0] =	vst.idx.msk $0xffff, v10  }
0x2e2: {  	v12 =	vmul.f32 $1.250000000e-01, v12;
	v40 =	vld [tilespmem:$0x1FDC0];
	[tilespmem:v14+s22+$0x0] =	vst.idx.msk $0xffff, v11  }
0x2e3: {  	v1 =	vld [tilespmem:$0x1FE00]  }
0x2e4: {  	v19 =	vld [tilespmem:s1+$0xFFFFFD10];
	v18 =	vadd.s32 v51, v2;
	[tilespmem:v16+s22+$0x0] =	vst.idx.msk $0xffff, v12  }
0x2e5: {  	v55 =	vld [tilespmem:$0x1FF40]  }
0x2e6: {  	v21 =	vld [tilespmem:s1+$0xFFFFFD50];
	v20 =	vadd.s32 v31, v2  }
0x2e7: {  	v11 =	vmul.f32 $1.250000000e-01, v15;
	v10 =	vadd.s32 v40, v2  }
0x2e8: {  	v13 =	vld [tilespmem:s1+$0xFFFFFD90];
	v14 =	vadd.s32 v1, v2  }
0x2e9: {  	v12 =	vmul.f32 $1.250000000e-01, v17;
	[tilespmem:v18+s22+$0x0] =	vst.idx.msk $0xffff, v11  }
0x2ea: {  	v11 =	vmul.f32 $1.250000000e-01, v19;
	v56 =	vld [tilespmem:$0x1FF90];
	v16 =	vadd.s32 v55, v2  }
0x2eb: {  	[tilespmem:v20+s22+$0x0] =	vst.idx.msk $0xffff, v12;
	v12 =	vmul.f32 $1.250000000e-01, v21  }
0x2ec: {  	v15 =	vld [tilespmem:s1+$0xFFFFFFE0];
	[tilespmem:v10+s22+$0x0] =	vst.idx.msk $0xffff, v11  }
0x2ed: {  	v10 =	vmul.f32 $1.250000000e-01, v13;
	v26 =	vld [tilespmem:$0x1FBB0];
	[tilespmem:v14+s22+$0x0] =	vst.idx.msk $0xffff, v12  }
0x2ee: {  	v27 =	vld [tilespmem:$0x1FBD0]  }
0x2ef: {  	v19 =	vadd.s32 v56, v29;
	v11 =	vld [tilespmem:$0x1FB10];
	[tilespmem:v16+s22+$0x0] =	vst.idx.msk $0xffff, v10  }
0x2f0: {  	v10 =	vld [tilespmem:$0x1FB20];
	_ =	sdelay $0x1  }
0x2f1: {  	v17 =	vld [tilespmem:s1+$0xFFFFFDD0];
	v15 =	vmul.f32 $1.250000000e-01, v15  }
0x2f2: {  	v18 =	vld [tilespmem:s1+$0xFFFFFE10]  }
0x2f3: {  	v28 =	vld [tilespmem:$0x1FBF0];
	[tilespmem:v19+s22+$0x0] =	vst.idx.msk $0xffff, v15  }
0x2f4: {  	v12 =	vbroadcast v10, $0x0;
	v10 =	vld [tilespmem:$0x1FB30]  }
0x2f5: {  	v20 =	vadd.s32 v47, v2;
	v21 =	vld [tilespmem:s1+$0xFFFFFE50]  }
0x2f6: {  	v22 =	vld [tilespmem:s1+$0xFFFFFE90];
	v13 =	vadd.s32 v33, v26  }
0x2f7: {  	v23 =	vld [tilespmem:s1+$0xFFFFFED0];
	v14 =	vadd.s32 v59, v27;
	v11 =	vbroadcast v11, $0x0  }
0x2f8: {  	v37 =	vld [tilespmem:s1+$0xFFFFFF10];
	v16 =	vmul.f32 $1.250000000e-01, v17;
	v17 =	vadd.s32 v51, v28  }
0x2f9: {  	v18 =	vmul.f32 $1.250000000e-01, v18;
	v19 =	vld [tilespmem:s1+$0xFFFFFF50];
	v15 =	vadd.s32 v31, v11;
	v10 =	vbroadcast v10, $0x0  }
0x2fa: {  	[tilespmem:v20+s22+$0x0] =	vst.idx.msk $0xffff, v16;
	v16 =	vmul.f32 $1.250000000e-01, v21;
	v20 =	vadd.s32 v40, v12  }
0x2fb: {  	v38 =	vld [tilespmem:s1+$0xFFFFFF90];
	[tilespmem:v13+s22+$0x0] =	vst.idx.msk $0xffff, v18;
	v18 =	vmul.f32 $1.250000000e-01, v22;
	v22 =	vadd.s32 v1, v10  }
0x2fc: {  	v13 =	vld [tilespmem:$0x1FB40];
	[tilespmem:v14+s22+$0x0] =	vst.idx.msk $0xffff, v16;
	v16 =	vmul.f32 $1.250000000e-01, v23  }
0x2fd: {  	v42 =	vld [tilespmem:$0x1FE30];
	[tilespmem:v17+s22+$0x0] =	vst.idx.msk $0xffff, v18;
	v18 =	vmul.f32 $1.250000000e-01, v37  }
0x2fe: {  	v21 =	vld [tilespmem:s1+$0xFFFFFFF0];
	v19 =	vmul.f32 $1.250000000e-01, v19;
	[tilespmem:v15+s22+$0x0] =	vst.idx.msk $0xffff, v16  }
0x2ff: {  	v35 =	vld [tilespmem:$0x1FCD0];
	[tilespmem:v20+s22+$0x0] =	vst.idx.msk $0xffff, v18  }
0x300: {  	v60 =	vld [tilespmem:$0x1FD10];
	[tilespmem:v22+s22+$0x0] =	vst.idx.msk $0xffff, v19  }
0x301: {  	v13 =	vbroadcast v13, $0x0;
	v44 =	vld [tilespmem:$0x1FD50]  }
0x302: {  	v14 =	vld [tilespmem:s1+$0xFFFFFE20];
	v23 =	vadd.s32 v42, v29  }
0x303: {  	v17 =	vld [tilespmem:s1+$0xFFFFFE60];
	v39 =	vadd.s32 v55, v13  }
0x304: {  	v16 =	vld [tilespmem:s1+$0xFFFFFEA0];
	v15 =	vadd.s32 v35, v26  }
0x305: {  	v21 =	vmul.f32 $1.250000000e-01, v21;
	v18 =	vadd.s32 v60, v27  }
0x306: {  	v25 =	vmul.f32 $1.250000000e-01, v38;
	v20 =	vld [tilespmem:s1+$0xFFFFFEE0];
	v19 =	vadd.s32 v44, v28  }
0x307: {  	v14 =	vmul.f32 $1.250000000e-01, v14;
	v22 =	vld [tilespmem:s1+$0xFFFFFF20];
	[tilespmem:v23+s22+$0x0] =	vst.idx.msk $0xffff, v21  }
0x308: {  	v17 =	vmul.f32 $1.250000000e-01, v17;
	v32 =	vld [tilespmem:$0x1FD90];
	[tilespmem:v39+s22+$0x0] =	vst.idx.msk $0xffff, v25  }
0x309: {  	v37 =	vld [tilespmem:$0x1FDD0];
	[tilespmem:v15+s22+$0x0] =	vst.idx.msk $0xffff, v14;
	v14 =	vmul.f32 $1.250000000e-01, v16  }
0x30a: {  	v45 =	vld [tilespmem:$0x1FF30];
	[tilespmem:v18+s22+$0x0] =	vst.idx.msk $0xffff, v17  }
0x30b: {  	v49 =	vld [tilespmem:$0x1FFA0];
	[tilespmem:v19+s22+$0x0] =	vst.idx.msk $0xffff, v14  }
0x30c: {  	v53 =	vld [tilespmem:$0x1FF50]  }
0x30d: {  	v23 =	vld [tilespmem:s1+$0xFFFFFF60];
	v21 =	vadd.s32 v32, v11  }
0x30e: {  	v43 =	vld [tilespmem:s1+$0x0];
	v41 =	vadd.s32 v37, v12  }
0x30f: {  	v16 =	vld [tilespmem:s1+$0xFFFFFFA0];
	v15 =	vadd.s32 v45, v10  }
0x310: {  	v17 =	vld [tilespmem:s1+$0xFFFFFC20];
	v18 =	vmul.f32 $1.250000000e-01, v20;
	v20 =	vadd.s32 v49, v29  }
0x311: {  	v14 =	vld [tilespmem:s1+$0xFFFFFC60];
	v19 =	vmul.f32 $1.250000000e-01, v22;
	v22 =	vadd.s32 v53, v13  }
0x312: {  	v23 =	vmul.f32 $1.250000000e-01, v23;
	[tilespmem:v21+s22+$0x0] =	vst.idx.msk $0xffff, v18;
	v18 =	vadd.s32 v35, v2;
	v21 =	vld [tilespmem:s1+$0xFFFFFCA0]  }
0x313: {  	v52 =	vld [tilespmem:s1+$0xFFFFFCE0];
	v25 =	vmul.f32 $1.250000000e-01, v43;
	[tilespmem:v41+s22+$0x0] =	vst.idx.msk $0xffff, v19;
	v19 =	vadd.s32 v60, v2  }
0x314: {  	v16 =	vmul.f32 $1.250000000e-01, v16;
	[tilespmem:v15+s22+$0x0] =	vst.idx.msk $0xffff, v23;
	v15 =	vadd.s32 v44, v2;
	v23 =	vld [tilespmem:s1+$0xFFFFFD20]  }
0x315: {  	v17 =	vmul.f32 $1.250000000e-01, v17;
	[tilespmem:v20+s22+$0x0] =	vst.idx.msk $0xffff, v25;
	v20 =	vadd.s32 v32, v2  }
0x316: {  	v14 =	vmul.f32 $1.250000000e-01, v14;
	[tilespmem:v22+s22+$0x0] =	vst.idx.msk $0xffff, v16;
	v16 =	vadd.s32 v37, v2  }
0x317: {  	[tilespmem:v18+s22+$0x0] =	vst.idx.msk $0xffff, v17;
	v17 =	vmul.f32 $1.250000000e-01, v21  }
0x318: {  	[tilespmem:v19+s22+$0x0] =	vst.idx.msk $0xffff, v14;
	v14 =	vmul.f32 $1.250000000e-01, v52  }
0x319: {  	v54 =	vld [tilespmem:s1+$0xFFFFFD60];
	[tilespmem:v15+s22+$0x0] =	vst.idx.msk $0xffff, v17;
	v15 =	vmul.f32 $1.250000000e-01, v23  }
0x31a: {  	v22 =	vld [tilespmem:s1+$0xFFFFFDA0];
	[tilespmem:v20+s22+$0x0] =	vst.idx.msk $0xffff, v14  }
0x31b: {  	v36 =	vld [tilespmem:$0x1FCE0];
	[tilespmem:v16+s22+$0x0] =	vst.idx.msk $0xffff, v15  }
0x31c: {  	v61 =	vld [tilespmem:$0x1FD20]  }
0x31d: {  	v18 =	vadd.s32 v45, v2;
	v21 =	vld [tilespmem:s1+$0xFFFFFDE0]  }
0x31e: {  	v57 =	vld [tilespmem:s1+$0xFFFFFE30];
	v19 =	vadd.s32 v53, v2  }
0x31f: {  	v17 =	vadd.s32 v56, v2;
	v23 =	vld [tilespmem:s1+$0xFFFFFE70]  }
0x320: {  	v14 =	vmul.f32 $1.250000000e-01, v54;
	v20 =	vadd.s32 v36, v26  }
0x321: {  	v58 =	vld [tilespmem:s1+$0xFFFFFEB0];
	v15 =	vmul.f32 $1.250000000e-01, v22;
	v16 =	vadd.s32 v61, v27  }
0x322: {  	v22 =	vld [tilespmem:s1+$0xFFFFFEF0];
	[tilespmem:v18+s22+$0x0] =	vst.idx.msk $0xffff, v14;
	v14 =	vmul.f32 $1.250000000e-01, v21  }
0x323: {  	v30 =	vld [tilespmem:$0x1FD60];
	[tilespmem:v19+s22+$0x0] =	vst.idx.msk $0xffff, v15;
	v15 =	vmul.f32 $1.250000000e-01, v57  }
0x324: {  	v43 =	vld [tilespmem:$0x1FDA0];
	[tilespmem:v17+s22+$0x0] =	vst.idx.msk $0xffff, v14;
	v14 =	vmul.f32 $1.250000000e-01, v23  }
0x325: {  	v38 =	vld [tilespmem:$0x1FDE0];
	[tilespmem:v20+s22+$0x0] =	vst.idx.msk $0xffff, v15  }
0x326: {  	v46 =	vld [tilespmem:$0x1FE10];
	[tilespmem:v16+s22+$0x0] =	vst.idx.msk $0xffff, v14  }
0x327: {  	v50 =	vld [tilespmem:$0x1FF60]  }
0x328: {  	v21 =	vld [tilespmem:s1+$0xFFFFFF30];
	v18 =	vadd.s32 v30, v28  }
0x329: {  	v62 =	vld [tilespmem:s1+$0xFFFFFF70];
	v19 =	vadd.s32 v43, v11  }
0x32a: {  	v23 =	vld [tilespmem:s1+$0xFFFFFFB0];
	v17 =	vadd.s32 v38, v12  }
0x32b: {  	v15 =	vld [tilespmem:s1+$0xFFFFFC30];
	v20 =	vmul.f32 $1.250000000e-01, v58;
	v34 =	vadd.s32 v46, v10  }
0x32c: {  	v14 =	vld [tilespmem:s1+$0xFFFFFC70];
	v16 =	vmul.f32 $1.250000000e-01, v22;
	v22 =	vadd.s32 v50, v13  }
0x32d: {  	v21 =	vmul.f32 $1.250000000e-01, v21;
	[tilespmem:v18+s22+$0x0] =	vst.idx.msk $0xffff, v20;
	v18 =	vadd.s32 v36, v2;
	v20 =	vld [tilespmem:s1+$0xFFFFFCB0]  }
0x32e: {  	v24 =	vmul.f32 $1.250000000e-01, v62;
	[tilespmem:v19+s22+$0x0] =	vst.idx.msk $0xffff, v16;
	v16 =	vadd.s32 v61, v2;
	v19 =	vld [tilespmem:s1+$0xFFFFFCF0]  }
0x32f: {  	v23 =	vmul.f32 $1.250000000e-01, v23;
	[tilespmem:v17+s22+$0x0] =	vst.idx.msk $0xffff, v21;
	v17 =	vadd.s32 v30, v2;
	v21 =	vld [tilespmem:s1+$0xFFFFFD30]  }
0x330: {  	v39 =	vadd.s32 v43, v2;
	v15 =	vmul.f32 $1.250000000e-01, v15;
	[tilespmem:v34+s22+$0x0] =	vst.idx.msk $0xffff, v24  }
0x331: {  	v41 =	vld [tilespmem:s1+$0xFFFFFD70];
	v14 =	vmul.f32 $1.250000000e-01, v14;
	[tilespmem:v22+s22+$0x0] =	vst.idx.msk $0xffff, v23;
	v22 =	vadd.s32 v38, v2  }
0x332: {  	[tilespmem:v18+s22+$0x0] =	vst.idx.msk $0xffff, v15;
	v15 =	vmul.f32 $1.250000000e-01, v20;
	v23 =	vld [tilespmem:s1+$0xFFFFFDB0]  }
0x333: {  	v18 =	vadd.s32 v46, v2;
	[tilespmem:v16+s22+$0x0] =	vst.idx.msk $0xffff, v14;
	v14 =	vmul.f32 $1.250000000e-01, v19  }
0x334: {  	v20 =	vld [tilespmem:s1+$0xFFFFFDF0];
	v16 =	vadd.s32 v50, v2;
	[tilespmem:v17+s22+$0x0] =	vst.idx.msk $0xffff, v15;
	v15 =	vmul.f32 $1.250000000e-01, v21  }
0x335: {  	v19 =	vld [tilespmem:s1+$0xFFFFFE40];
	[tilespmem:v39+s22+$0x0] =	vst.idx.msk $0xffff, v14  }
0x336: {  	v14 =	vmul.f32 $1.250000000e-01, v41;
	v58 =	vld [tilespmem:$0x1FCF0];
	[tilespmem:v22+s22+$0x0] =	vst.idx.msk $0xffff, v15  }
0x337: {  	v17 =	vadd.s32 v42, v2;
	v15 =	vmul.f32 $1.250000000e-01, v23;
	v62 =	vld [tilespmem:$0x1FD30]  }
0x338: {  	v21 =	vld [tilespmem:s1+$0xFFFFFE80];
	[tilespmem:v18+s22+$0x0] =	vst.idx.msk $0xffff, v14  }
0x339: {  	v34 =	vld [tilespmem:$0x1FD70];
	[tilespmem:v16+s22+$0x0] =	vst.idx.msk $0xffff, v15  }
0x33a: {  	v14 =	vmul.f32 $1.250000000e-01, v20;
	v39 =	vld [tilespmem:$0x1FDB0]  }
0x33b: {  	v52 =	vadd.s32 v58, v26  }
0x33c: {  	v54 =	vld [tilespmem:s1+$0xFFFFFEC0];
	[tilespmem:v17+s22+$0x0] =	vst.idx.msk $0xffff, v14;
	v22 =	vadd.s32 v62, v27  }
0x33d: {  	v57 =	vld [tilespmem:$0x1FDF0]  }
0x33e: {  	v29 =	vld [tilespmem:s1+$0xFFFFFFC0];
	v15 =	vmul.f32 $1.250000000e-01, v19  }
0x33f: {  	v23 =	vld [tilespmem:s1+$0xFFFFFF00];
	v16 =	vadd.s32 v39, v11;
	v11 =	vmul.f32 $1.250000000e-01, v21  }
0x340: {  	v18 =	vld [tilespmem:s1+$0xFFFFFC40];
	[tilespmem:v52+s22+$0x0] =	vst.idx.msk $0xffff, v15  }
0x341: {  	v27 =	vld [tilespmem:s1+$0xFFFFFF40];
	v26 =	vadd.s32 v34, v28;
	[tilespmem:v22+s22+$0x0] =	vst.idx.msk $0xffff, v11  }
0x342: {  	v17 =	vadd.s32 v57, v12;
	v12 =	vmul.f32 $1.250000000e-01, v54;
	v54 =	vld [tilespmem:$0x1FF70]  }
0x343: {  	v41 =	vld [tilespmem:$0x1FE20]  }
0x344: {  	v14 =	vld [tilespmem:s1+$0xFFFFFC80]  }
0x345: {  	v28 =	vld [tilespmem:s1+$0xFFFFFF80];
	v21 =	vmul.f32 $1.250000000e-01, v23  }
0x346: {  	v11 =	vld [tilespmem:s1+$0xFFFFFCC0];
	[tilespmem:v26+s22+$0x0] =	vst.idx.msk $0xffff, v12  }
0x347: {  	v22 =	vmul.f32 $1.250000000e-01, v27;
	[tilespmem:v16+s22+$0x0] =	vst.idx.msk $0xffff, v21;
	v15 =	vadd.s32 v54, v13;
	v13 =	vld [tilespmem:s1+$0xFFFFFD00]  }
0x348: {  	v20 =	vadd.s32 v41, v10;
	v10 =	vld [tilespmem:$0x1FB60]  }
0x349: {  	[tilespmem:v17+s22+$0x0] =	vst.idx.msk $0xffff, v22;
	v17 =	vld [tilespmem:s1+$0xFFFFFD40]  }
0x34a: {  	v3 =	vld [tilespmem:$0x1FB70]  }
0x34b: {  	v4 =	vld [tilespmem:$0x1FB80]  }
0x34c: {  	v5 =	vld [tilespmem:$0x1FB90]  }
0x34d: {  	v6 =	vld [tilespmem:$0x1FBC0]  }
0x34e: {  	v19 =	vadd.s32 v58, v2;
	v12 =	vadd.s32 v62, v2;
	v21 =	vmul.f32 $1.250000000e-01, v28;
	v7 =	vld [tilespmem:$0x1FBE0]  }
0x34f: {  	s7 =	simm.s32 $0x1F;
	s0 =	simm.s32 $0x20;
	v16 =	vadd.s32 v34, v2;
	v22 =	vmul.f32 $1.250000000e-01, v29;
	v8 =	vld [tilespmem:$0x1FBA0];
	v10 =	vshrl.u32 v10, $0x3  }
.LBB2_8:
0x350: {  	_ =	sdelay $0x1  }
0x351: {  	v23 =	vmov s7;
	v24 =	vadd.s32 v39, v2;
	v25 =	vld [tilespmem:s1+$0xFFFFFD80];
	[tilespmem:v20+s22+$0x0] =	vst.idx.msk $0xffff, v21;
	v18 =	vmul.f32 $1.250000000e-01, v18  }
0x352: {  	v20 =	vshrl.u32 v23, $0x3;
	v21 =	vadd.s32 v57, v2;
	v23 =	vld [tilespmem:s1+$0xFFFFFDC0];
	[tilespmem:v15+s22+$0x0] =	vst.idx.msk $0xffff, v22;
	v14 =	vmul.f32 $1.250000000e-01, v14  }
0x353: {  	v15 =	vshll.u32 v20, v0;
	v20 =	vld [tilespmem:s1+$0xFFFFFE00];
	s1 =	sadd.s32 $0x400, s1;
	[tilespmem:v19+s22+$0x0] =	vst.idx.msk $0xffff, v18;
	v18 =	vmul.f32 $1.250000000e-01, v11;
	v19 =	vadd.s32 v41, v2  }
0x354: {  	v22 =	vld [tilespmem:s1+$0xFFFFFFD0];
	v11 =	vbroadcast v15, $0x0;
	[tilespmem:v12+s22+$0x0] =	vst.idx.msk $0xffff, v14;
	v12 =	vmul.f32 $1.250000000e-01, v13;
	v13 =	vadd.s32 v54, v2  }
0x355: {  	v15 =	vmul.f32 $1.250000000e-01, v17;
	v14 =	vld [tilespmem:s1+$0xFFFFFC10];
	[tilespmem:v16+s22+$0x0] =	vst.idx.msk $0xffff, v18;
	v16 =	vadd.s32 v49, v2;
	v2 =	vbroadcast v5, $0x0  }
0x356: {  	v3 =	vshrl.u32 v3, $0x3;
	v5 =	vld [tilespmem:s1+$0xFFFFFC50];
	v17 =	vadd.s32 v47, v11;
	[tilespmem:v24+s22+$0x0] =	vst.idx.msk $0xffff, v12;
	v12 =	vmul.f32 $1.250000000e-01, v25  }
0x357: {  	v25 =	vshrl.u32 v4, $0x3;
	[tilespmem:v21+s22+$0x0] =	vst.idx.msk $0xffff, v15;
	v4 =	vmul.f32 $1.250000000e-01, v23;
	v52 =	vld [tilespmem:s1+$0xFFFFFC90];
	v18 =	vadd.s32 v33, v2  }
0x358: {  	v8 =	vshll.u32 v8, v0;
	v21 =	vld [tilespmem:s1+$0xFFFFFCD0];
	v15 =	vadd.s32 v59, v2;
	[tilespmem:v19+s22+$0x0] =	vst.idx.msk $0xffff, v12;
	v12 =	vmul.f32 $1.250000000e-01, v20  }
0x359: {  	v9 =	vshll.u32 v9, v0;
	v22 =	vmul.f32 $1.250000000e-01, v22;
	v19 =	vadd.s32 v51, v2;
	v20 =	vld [tilespmem:s1+$0xFFFFFD10];
	[tilespmem:v13+s22+$0x0] =	vst.idx.msk $0xffff, v4  }
0x35a: {  	v6 =	vshll.u32 v6, v0;
	v13 =	vadd.s32 v31, v2;
	v4 =	vmul.f32 $1.250000000e-01, v14;
	v14 =	vld [tilespmem:s1+$0xFFFFFD50];
	[tilespmem:v16+s22+$0x0] =	vst.idx.msk $0xffff, v12  }
0x35b: {  	v7 =	vshll.u32 v7, v0;
	v5 =	vmul.f32 $1.250000000e-01, v5;
	v12 =	vadd.s32 v40, v2;
	v16 =	vld [tilespmem:s1+$0xFFFFFD90];
	[tilespmem:v17+s22+$0x0] =	vst.idx.msk $0xffff, v22  }
0x35c: {  	v10 =	vshll.u32 v10, v0;
	v17 =	vadd.s32 v1, v2;
	[tilespmem:v18+s22+$0x0] =	vst.idx.msk $0xffff, v4;
	v4 =	vmul.f32 $1.250000000e-01, v52;
	v18 =	vld [tilespmem:s1+$0xFFFFFFE0]  }
0x35d: {  	v22 =	vshll.u32 v3, v0;
	[tilespmem:v15+s22+$0x0] =	vst.idx.msk $0xffff, v5;
	v5 =	vmul.f32 $1.250000000e-01, v21;
	v15 =	vadd.s32 v55, v2;
	v21 =	vld [tilespmem:s1+$0xFFFFFDD0]  }
0x35e: {  	v3 =	vbroadcast v8, $0x0;
	[tilespmem:v19+s22+$0x0] =	vst.idx.msk $0xffff, v4;
	v4 =	vmul.f32 $1.250000000e-01, v20;
	v19 =	vld [tilespmem:s1+$0xFFFFFE10];
	v20 =	vadd.s32 v56, v11  }
0x35f: {  	v8 =	vbroadcast v9, $0x0;
	[tilespmem:v13+s22+$0x0] =	vst.idx.msk $0xffff, v5;
	v5 =	vmul.f32 $1.250000000e-01, v14;
	v13 =	vadd.s32 v47, v2;
	v14 =	vld [tilespmem:s1+$0xFFFFFE50]  }
0x360: {  	v9 =	vmul.f32 $1.250000000e-01, v16;
	v16 =	vld [tilespmem:s1+$0xFFFFFE90];
	[tilespmem:v12+s22+$0x0] =	vst.idx.msk $0xffff, v4;
	v12 =	vadd.s32 v33, v3;
	v4 =	vbroadcast v6, $0x0  }
0x361: {  	v23 =	vld [tilespmem:s1+$0xFFFFFED0];
	[tilespmem:v17+s22+$0x0] =	vst.idx.msk $0xffff, v5;
	v17 =	vadd.s32 v59, v8;
	v5 =	vbroadcast v7, $0x0;
	v18 =	vmul.f32 $1.250000000e-01, v18  }
0x362: {  	v7 =	vbroadcast v10, $0x0;
	[tilespmem:v15+s22+$0x0] =	vst.idx.msk $0xffff, v9;
	v9 =	vmul.f32 $1.250000000e-01, v21;
	v21 =	vld [tilespmem:s1+$0xFFFFFF10];
	v15 =	vadd.s32 v51, v4  }
0x363: {  	v52 =	vld [tilespmem:s1+$0xFFFFFF50];
	v6 =	vbroadcast v22, $0x0;
	v10 =	vmul.f32 $1.250000000e-01, v19;
	v19 =	vadd.s32 v31, v5;
	[tilespmem:v20+s22+$0x0] =	vst.idx.msk $0xffff, v18  }
0x364: {  	[tilespmem:v13+s22+$0x0] =	vst.idx.msk $0xffff, v9;
	v9 =	vmul.f32 $1.250000000e-01, v14;
	v13 =	vadd.s32 v40, v7;
	v14 =	vshll.u32 v25, v0;
	v18 =	vld [tilespmem:s1+$0xFFFFFFF0]  }
0x365: {  	v20 =	vld [tilespmem:s1+$0xFFFFFF90];
	[tilespmem:v12+s22+$0x0] =	vst.idx.msk $0xffff, v10;
	v12 =	vmul.f32 $1.250000000e-01, v16;
	v16 =	vadd.s32 v1, v6;
	v10 =	vbroadcast v14, $0x0  }
0x366: {  	[tilespmem:v17+s22+$0x0] =	vst.idx.msk $0xffff, v9;
	v9 =	vmul.f32 $1.250000000e-01, v23;
	v17 =	vadd.s32 v42, v11;
	v14 =	vld [tilespmem:s1+$0xFFFFFE20]  }
0x367: {  	v22 =	vld [tilespmem:s1+$0xFFFFFE60];
	[tilespmem:v15+s22+$0x0] =	vst.idx.msk $0xffff, v12;
	v12 =	vmul.f32 $1.250000000e-01, v21;
	v15 =	vadd.s32 v55, v10  }
0x368: {  	v21 =	vadd.s32 v35, v3;
	v23 =	vld [tilespmem:s1+$0xFFFFFEA0];
	[tilespmem:v19+s22+$0x0] =	vst.idx.msk $0xffff, v9;
	v9 =	vmul.f32 $1.250000000e-01, v52  }
0x369: {  	v19 =	vadd.s32 v60, v8;
	v52 =	vld [tilespmem:s1+$0xFFFFFEE0];
	[tilespmem:v13+s22+$0x0] =	vst.idx.msk $0xffff, v12;
	v12 =	vmul.f32 $1.250000000e-01, v18  }
0x36a: {  	v13 =	vadd.s32 v44, v4;
	v18 =	vld [tilespmem:s1+$0xFFFFFF20];
	[tilespmem:v16+s22+$0x0] =	vst.idx.msk $0xffff, v9;
	v9 =	vmul.f32 $1.250000000e-01, v20  }
0x36b: {  	v16 =	vadd.s32 v32, v5;
	v14 =	vmul.f32 $1.250000000e-01, v14;
	v20 =	vld [tilespmem:s1+$0xFFFFFF60];
	[tilespmem:v17+s22+$0x0] =	vst.idx.msk $0xffff, v12  }
0x36c: {  	v12 =	vmul.f32 $1.250000000e-01, v22;
	v17 =	vadd.s32 v37, v7;
	[tilespmem:v15+s22+$0x0] =	vst.idx.msk $0xffff, v9;
	v9 =	vld [tilespmem:s1+$0x0]  }
0x36d: {  	v15 =	vadd.s32 v45, v6;
	[tilespmem:v21+s22+$0x0] =	vst.idx.msk $0xffff, v14;
	v14 =	vmul.f32 $1.250000000e-01, v23;
	v21 =	vld [tilespmem:s1+$0xFFFFFFA0]  }
0x36e: {  	v11 =	vadd.s32 v49, v11;
	v22 =	vld [tilespmem:s1+$0xFFFFFC20];
	[tilespmem:v19+s22+$0x0] =	vst.idx.msk $0xffff, v12;
	v12 =	vmul.f32 $1.250000000e-01, v52  }
0x36f: {  	v19 =	vld [tilespmem:s1+$0xFFFFFC60];
	[tilespmem:v13+s22+$0x0] =	vst.idx.msk $0xffff, v14;
	v13 =	vmul.f32 $1.250000000e-01, v18;
	v14 =	vadd.s32 v53, v10  }
0x370: {  	v23 =	vld [tilespmem:s1+$0xFFFFFCA0];
	v18 =	vadd.s32 v35, v2;
	[tilespmem:v16+s22+$0x0] =	vst.idx.msk $0xffff, v12;
	v12 =	vmul.f32 $1.250000000e-01, v20  }
0x371: {  	v16 =	vadd.s32 v60, v2;
	v20 =	vld [tilespmem:s1+$0xFFFFFCE0];
	[tilespmem:v17+s22+$0x0] =	vst.idx.msk $0xffff, v13;
	v9 =	vmul.f32 $1.250000000e-01, v9  }
0x372: {  	v13 =	vadd.s32 v44, v2;
	v17 =	vld [tilespmem:s1+$0xFFFFFD20];
	[tilespmem:v15+s22+$0x0] =	vst.idx.msk $0xffff, v12;
	v12 =	vmul.f32 $1.250000000e-01, v21  }
0x373: {  	v15 =	vmul.f32 $1.250000000e-01, v22;
	v21 =	vadd.s32 v32, v2;
	v22 =	vld [tilespmem:s1+$0xFFFFFD60];
	[tilespmem:v11+s22+$0x0] =	vst.idx.msk $0xffff, v9  }
0x374: {  	v9 =	vmul.f32 $1.250000000e-01, v19;
	v19 =	vld [tilespmem:s1+$0xFFFFFDA0];
	[tilespmem:v14+s22+$0x0] =	vst.idx.msk $0xffff, v12  }
0x375: {  	[tilespmem:v18+s22+$0x0] =	vst.idx.msk $0xffff, v15;
	v12 =	vmul.f32 $1.250000000e-01, v23;
	v15 =	vld [tilespmem:s1+$0xFFFFFDE0]  }
0x376: {  	v11 =	vadd.s32 v37, v2;
	v18 =	vld [tilespmem:s1+$0xFFFFFE30];
	[tilespmem:v16+s22+$0x0] =	vst.idx.msk $0xffff, v9;
	v9 =	vmul.f32 $1.250000000e-01, v20  }
0x377: {  	v14 =	vadd.s32 v45, v2;
	[tilespmem:v13+s22+$0x0] =	vst.idx.msk $0xffff, v12;
	v12 =	vmul.f32 $1.250000000e-01, v17;
	v17 =	vld [tilespmem:s1+$0xFFFFFE70]  }
0x378: {  	v16 =	vadd.s32 v53, v2;
	[tilespmem:v21+s22+$0x0] =	vst.idx.msk $0xffff, v9;
	v21 =	vld [tilespmem:s1+$0xFFFFFEB0]  }
0x379: {  	v13 =	vadd.s32 v56, v2;
	v9 =	vmul.f32 $1.250000000e-01, v22;
	v22 =	vld [tilespmem:s1+$0xFFFFFC30]  }
0x37a: {  	v20 =	vadd.s32 v36, v3;
	v23 =	vld [tilespmem:s1+$0xFFFFFCB0]  }
0x37b: {  	[tilespmem:v11+s22+$0x0] =	vst.idx.msk $0xffff, v12;
	v11 =	vmul.f32 $1.250000000e-01, v19;
	v12 =	vadd.s32 v61, v8;
	v19 =	vld [tilespmem:s1+$0xFFFFFEF0]  }
0x37c: {  	[tilespmem:v14+s22+$0x0] =	vst.idx.msk $0xffff, v9;
	v9 =	vmul.f32 $1.250000000e-01, v15;
	v14 =	vadd.s32 v30, v4;
	v15 =	vld [tilespmem:s1+$0xFFFFFF30]  }
0x37d: {  	[tilespmem:v16+s22+$0x0] =	vst.idx.msk $0xffff, v11;
	v11 =	vmul.f32 $1.250000000e-01, v18;
	v16 =	vadd.s32 v43, v5;
	v18 =	vld [tilespmem:s1+$0xFFFFFF70]  }
0x37e: {  	v32 =	vld [tilespmem:s1+$0xFFFFFD70];
	[tilespmem:v13+s22+$0x0] =	vst.idx.msk $0xffff, v9;
	v9 =	vmul.f32 $1.250000000e-01, v17  }
0x37f: {  	v13 =	vadd.s32 v38, v7;
	v17 =	vld [tilespmem:s1+$0xFFFFFFB0];
	[tilespmem:v20+s22+$0x0] =	vst.idx.msk $0xffff, v11;
	v11 =	vmul.f32 $1.250000000e-01, v21  }
0x380: {  	v20 =	vadd.s32 v46, v6;
	v21 =	vld [tilespmem:s1+$0xFFFFFC70];
	[tilespmem:v12+s22+$0x0] =	vst.idx.msk $0xffff, v9;
	v9 =	vmul.f32 $1.250000000e-01, v19  }
0x381: {  	v19 =	vadd.s32 v36, v2;
	[tilespmem:v14+s22+$0x0] =	vst.idx.msk $0xffff, v11;
	v11 =	vmul.f32 $1.250000000e-01, v15;
	v15 =	vld [tilespmem:s1+$0xFFFFFCF0]  }
0x382: {  	v12 =	vadd.s32 v50, v10;
	[tilespmem:v16+s22+$0x0] =	vst.idx.msk $0xffff, v9;
	v9 =	vmul.f32 $1.250000000e-01, v18;
	v18 =	vld [tilespmem:s1+$0xFFFFFD30]  }
0x383: {  	v14 =	vadd.s32 v61, v2;
	v16 =	vadd.s32 v30, v2;
	v24 =	vld [tilespmem:s1+$0xFFFFFEC0]  }
0x384: {  	[tilespmem:v13+s22+$0x0] =	vst.idx.msk $0xffff, v11;
	v11 =	vmul.f32 $1.250000000e-01, v17;
	v13 =	vmov s0;
	v17 =	vmul.f32 $1.250000000e-01, v22;
	v28 =	vld [tilespmem:s1+$0xFFFFFF00]  }
0x385: {  	v22 =	vadd.s32 v43, v2;
	[tilespmem:v20+s22+$0x0] =	vst.idx.msk $0xffff, v9;
	v9 =	vshrl.u32 v13, $0x3;
	v13 =	vmul.f32 $1.250000000e-01, v21;
	v21 =	vld [tilespmem:s1+$0xFFFFFDB0]  }
0x386: {  	v20 =	vadd.s32 v38, v2;
	[tilespmem:v19+s22+$0x0] =	vst.idx.msk $0xffff, v17;
	v19 =	vld [tilespmem:s1+$0xFFFFFDF0]  }
0x387: {  	s11 =	sadd.s32 $0xA, s0;
	v29 =	vadd.s32 v39, v5;
	[tilespmem:v12+s22+$0x0] =	vst.idx.msk $0xffff, v11;
	v12 =	vmul.f32 $1.250000000e-01, v23;
	v17 =	vadd.s32 v46, v2;
	v30 =	vld [tilespmem:s1+$0xFFFFFF80]  }
0x388: {  	v25 =	vmov s11;
	[tilespmem:v14+s22+$0x0] =	vst.idx.msk $0xffff, v13;
	v13 =	vmul.f32 $1.250000000e-01, v15;
	v14 =	vadd.s32 v50, v2;
	v15 =	vld [tilespmem:s1+$0xFFFFFE40]  }
0x389: {  	s28 =	sadd.s32 $0x8, s0;
	v31 =	vadd.s32 v57, v7;
	[tilespmem:v16+s22+$0x0] =	vst.idx.msk $0xffff, v12;
	v12 =	vmul.f32 $1.250000000e-01, v18;
	v16 =	vadd.s32 v42, v2;
	v18 =	vld [tilespmem:s1+$0xFFFFFE80]  }
0x38a: {  	s8 =	sadd.s32 $0x9, s0;
	v11 =	vmov s28;
	v52 =	vld [tilespmem:s1+$0xFFFFFFC0];
	[tilespmem:v22+s22+$0x0] =	vst.idx.msk $0xffff, v13;
	v13 =	vmul.f32 $1.250000000e-01, v32;
	v22 =	vadd.s32 v58, v3  }
0x38b: {  	v23 =	vmov s8;
	v32 =	vld [tilespmem:$0x1FD90];
	[tilespmem:v20+s22+$0x0] =	vst.idx.msk $0xffff, v12;
	v12 =	vmul.f32 $1.250000000e-01, v21;
	v21 =	vadd.s32 v62, v8  }
0x38c: {  	s28 =	sadd.s32 $0xB, s0;
	s8 =	sadd.s32 $0xC, s0;
	v5 =	vshll.u32 v9, v0;
	[tilespmem:v17+s22+$0x0] =	vst.idx.msk $0xffff, v13;
	v8 =	vmul.f32 $1.250000000e-01, v19;
	v13 =	vadd.s32 v34, v4;
	v17 =	vld [tilespmem:s1+$0xFFFFFF40]  }
0x38d: {  	v26 =	vmov s28;
	v27 =	vmov s8;
	[tilespmem:v14+s22+$0x0] =	vst.idx.msk $0xffff, v12;
	v12 =	vmul.f32 $1.250000000e-01, v15;
	v14 =	vld [tilespmem:s1+$0xFFFFFC80]  }
0x38e: {  	p1 =	slt.u32 s0, $0x70;
	s11 =	sadd.s32 $0xD, s0;
	v9 =	vshrl.u32 v23, $0x3;
	v7 =	vmul.f32 $1.250000000e-01, v24;
	[tilespmem:v16+s22+$0x0] =	vst.idx.msk $0xffff, v8;
	v15 =	vmul.f32 $1.250000000e-01, v18;
	v18 =	vld [tilespmem:s1+$0xFFFFFC40]  }
.Ltmp3:
0x38f: {  	v3 =	vmov s11;
	v20 =	vadd.s32 v41, v6;
	v8 =	vshrl.u32 v11, $0x3;
	v11 =	vld [tilespmem:s1+$0xFFFFFCC0];
	[tilespmem:v22+s22+$0x0] =	vst.idx.msk $0xffff, v12;
	(pc) =	sbr.rel @p1 .LBB2_8-.Ltmp3, $4  }
0x390: {  	s28 =	sadd.s32 $0xE, s0;
	v6 =	vshrl.u32 v25, $0x3;
	v16 =	vmul.f32 $1.250000000e-01, v28;
	[tilespmem:v21+s22+$0x0] =	vst.idx.msk $0xffff, v15;
	v21 =	vmul.f32 $1.250000000e-01, v30;
	v30 =	vld [tilespmem:$0x1FD60]  }
0x391: {  	v4 =	vmov s28;
	v19 =	vadd.s32 v58, v2;
	[tilespmem:v13+s22+$0x0] =	vst.idx.msk $0xffff, v7;
	v22 =	vmul.f32 $1.250000000e-01, v17;
	v13 =	vld [tilespmem:s1+$0xFFFFFD00]  }
0x392: {  	v12 =	vadd.s32 v62, v2;
	v15 =	vadd.s32 v54, v10;
	[tilespmem:v29+s22+$0x0] =	vst.idx.msk $0xffff, v16;
	v10 =	vshrl.u32 v27, $0x3;
	v17 =	vld [tilespmem:s1+$0xFFFFFD40]  }
0x393: {  	s7 =	sadd.s32 $0xF, s0;
	s0 =	sadd.s32 $0x10, s0;
	v16 =	vadd.s32 v34, v2;
	v7 =	vshrl.u32 v26, $0x3;
	[tilespmem:v31+s22+$0x0] =	vst.idx.msk $0xffff, v22;
	v31 =	vld [tilespmem:$0x1FD80];
	v22 =	vmul.f32 $1.250000000e-01, v52  }
0x394: {  	_ =	sdelay $0x2  }
0x395: {  	v23 =	vmov s7  }
0x396: {  	v18 =	vmul.f32 $1.250000000e-01, v18;
	v24 =	vadd.s32 v39, v2;
	v25 =	vld [tilespmem:s1+$0xFFFFFD80];
	[tilespmem:v20+s22+$0x0] =	vst.idx.msk $0xffff, v21;
	v14 =	vmul.f32 $1.250000000e-01, v14  }
0x397: {  	v21 =	vadd.s32 v57, v2;
	v11 =	vmul.f32 $1.250000000e-01, v11;
	v26 =	vshrl.u32 v23, $0x3;
	v23 =	vld [tilespmem:s1+$0xFFFFFDC0];
	[tilespmem:v15+s22+$0x0] =	vst.idx.msk $0xffff, v22  }
0x398: {  	s0 =	sadd.s32 $0x400, s1;
	v5 =	vbroadcast v5, $0x0;
	v27 =	vshll.u32 v26, v0;
	[tilespmem:v19+s22+$0x0] =	vst.idx.msk $0xffff, v18;
	v18 =	vadd.s32 v41, v2;
	v19 =	vld [tilespmem:s1+$0xFFFFFE00]  }
0x399: {  	v20 =	vld [tilespmem:s0+$0xFFFFFFD0];
	[tilespmem:v12+s22+$0x0] =	vst.idx.msk $0xffff, v14;
	v28 =	vmul.f32 $1.250000000e-01, v13;
	v13 =	vadd.s32 v54, v2;
	v15 =	vbroadcast v27, $0x0  }
0x39a: {  	v3 =	vshrl.u32 v3, $0x3;
	v14 =	vld [tilespmem:s0+$0xFFFFFC10];
	[tilespmem:v16+s22+$0x0] =	vst.idx.msk $0xffff, v11;
	v2 =	vadd.s32 v49, v2;
	v29 =	vmul.f32 $1.250000000e-01, v17  }
0x39b: {  	v8 =	vshll.u32 v8, v0;
	v16 =	vld [tilespmem:s0+$0xFFFFFC50];
	v17 =	vadd.s32 v47, v15;
	[tilespmem:v24+s22+$0x0] =	vst.idx.msk $0xffff, v28;
	v52 =	vmul.f32 $1.250000000e-01, v25  }
0x39c: {  	v9 =	vshll.u32 v9, v0;
	v22 =	vadd.s32 v33, v5;
	v24 =	vld [tilespmem:s0+$0xFFFFFC90];
	[tilespmem:v21+s22+$0x0] =	vst.idx.msk $0xffff, v29;
	v27 =	vmul.f32 $1.250000000e-01, v23  }
0x39d: {  	v6 =	vshll.u32 v6, v0;
	v11 =	vadd.s32 v59, v5;
	v21 =	vld [tilespmem:s0+$0xFFFFFCD0];
	[tilespmem:v18+s22+$0x0] =	vst.idx.msk $0xffff, v52;
	v28 =	vmul.f32 $1.250000000e-01, v19  }
0x39e: {  	v7 =	vshll.u32 v7, v0;
	v20 =	vmul.f32 $1.250000000e-01, v20;
	v18 =	vadd.s32 v51, v5;
	v19 =	vld [tilespmem:s0+$0xFFFFFD10];
	[tilespmem:v13+s22+$0x0] =	vst.idx.msk $0xffff, v27  }
0x39f: {  	v10 =	vshll.u32 v10, v0;
	v26 =	vld [tilespmem:s0+$0xFFFFFD50];
	v29 =	vmul.f32 $1.250000000e-01, v14;
	v52 =	vadd.s32 v31, v5;
	[tilespmem:v2+s22+$0x0] =	vst.idx.msk $0xffff, v28  }
0x3a0: {  	v12 =	vadd.s32 v40, v5;
	v25 =	vshrl.u32 v4, $0x3;
	v2 =	vmul.f32 $1.250000000e-01, v16;
	v16 =	vld [tilespmem:s0+$0xFFFFFD90];
	[tilespmem:v17+s22+$0x0] =	vst.idx.msk $0xffff, v20  }
0x3a1: {  	v4 =	vbroadcast v6, $0x0;
	[tilespmem:v22+s22+$0x0] =	vst.idx.msk $0xffff, v29;
	v27 =	vmul.f32 $1.250000000e-01, v24;
	v17 =	vadd.s32 v1, v5;
	v20 =	vld [tilespmem:s0+$0xFFFFFFE0]  }
0x3a2: {  	v28 =	vmul.f32 $1.250000000e-01, v21;
	v21 =	vadd.s32 v55, v5;
	v24 =	vld [tilespmem:s0+$0xFFFFFE10];
	[tilespmem:v11+s22+$0x0] =	vst.idx.msk $0xffff, v2;
	v2 =	vbroadcast v8, $0x0  }
0x3a3: {  	v23 =	vshll.u32 v3, v0;
	v22 =	vld [tilespmem:s0+$0xFFFFFDD0];
	[tilespmem:v18+s22+$0x0] =	vst.idx.msk $0xffff, v27;
	v29 =	vmul.f32 $1.250000000e-01, v19;
	v19 =	vadd.s32 v56, v15  }
0x3a4: {  	v3 =	vbroadcast v9, $0x0;
	v26 =	vmul.f32 $1.250000000e-01, v26;
	[tilespmem:v52+s22+$0x0] =	vst.idx.msk $0xffff, v28;
	v52 =	vld [tilespmem:s0+$0xFFFFFE50];
	v28 =	vadd.s32 v33, v2  }
0x3a5: {  	v11 =	vadd.s32 v47, v5;
	v47 =	vld [tilespmem:s0+$0xFFFFFF10];
	v8 =	vbroadcast v10, $0x0;
	[tilespmem:v12+s22+$0x0] =	vst.idx.msk $0xffff, v29;
	v27 =	vmul.f32 $1.250000000e-01, v16  }
0x3a6: {  	v6 =	vbroadcast v7, $0x0;
	v29 =	vld [tilespmem:s0+$0xFFFFFE90];
	v16 =	vadd.s32 v59, v3;
	[tilespmem:v17+s22+$0x0] =	vst.idx.msk $0xffff, v26;
	v20 =	vmul.f32 $1.250000000e-01, v20  }
0x3a7: {  	v59 =	vadd.s32 v40, v8;
	v17 =	vld [tilespmem:s0+$0xFFFFFED0];
	[tilespmem:v21+s22+$0x0] =	vst.idx.msk $0xffff, v27;
	v21 =	vadd.s32 v51, v4;
	v51 =	vmul.f32 $1.250000000e-01, v24  }
0x3a8: {  	v33 =	vmul.f32 $1.250000000e-01, v22;
	v24 =	vld [tilespmem:s0+$0xFFFFFF50];
	[tilespmem:v19+s22+$0x0] =	vst.idx.msk $0xffff, v20  }
0x3a9: {  	v7 =	vbroadcast v23, $0x0;
	v18 =	vadd.s32 v31, v6;
	v52 =	vmul.f32 $1.250000000e-01, v52;
	[tilespmem:v28+s22+$0x0] =	vst.idx.msk $0xffff, v51;
	v28 =	vld [tilespmem:s0+$0xFFFFFF90]  }
0x3aa: {  	[tilespmem:v11+s22+$0x0] =	vst.idx.msk $0xffff, v33;
	v40 =	vmul.f32 $1.250000000e-01, v47;
	v19 =	vld [tilespmem:s0+$0xFFFFFFF0]  }
0x3ab: {  	v12 =	vadd.s32 v1, v7;
	v26 =	vshll.u32 v25, v0;
	v27 =	vmul.f32 $1.250000000e-01, v29;
	v29 =	vld [tilespmem:s0+$0xFFFFFE20];
	[tilespmem:v16+s22+$0x0] =	vst.idx.msk $0xffff, v52  }
0x3ac: {  	v9 =	vbroadcast v26, $0x0;
	v16 =	vadd.s32 v42, v15;
	[tilespmem:v59+s22+$0x0] =	vst.idx.msk $0xffff, v40;
	v31 =	vmul.f32 $1.250000000e-01, v17;
	v33 =	vld [tilespmem:s0+$0xFFFFFE60]  }
0x3ad: {  	v51 =	vadd.s32 v35, v2;
	v26 =	vld [tilespmem:s0+$0xFFFFFF20];
	[tilespmem:v21+s22+$0x0] =	vst.idx.msk $0xffff, v27  }
0x3ae: {  	v47 =	vadd.s32 v55, v9;
	v55 =	vmul.f32 $1.250000000e-01, v24;
	v52 =	vld [tilespmem:s0+$0xFFFFFEA0];
	[tilespmem:v18+s22+$0x0] =	vst.idx.msk $0xffff, v31  }
0x3af: {  	v18 =	vadd.s32 v60, v3;
	v24 =	vld [tilespmem:s0+$0xFFFFFEE0];
	v59 =	vmul.f32 $1.250000000e-01, v19  }
0x3b0: {  	v25 =	vadd.s32 v44, v4;
	[tilespmem:v12+s22+$0x0] =	vst.idx.msk $0xffff, v55;
	v27 =	vmul.f32 $1.250000000e-01, v28;
	v55 =	vld [tilespmem:s0+$0xFFFFFC20];
	v28 =	vmul.f32 $1.250000000e-01, v29  }
0x3b1: {  	v29 =	vadd.s32 v32, v6;
	v31 =	vld [tilespmem:s0+$0xFFFFFF60];
	[tilespmem:v16+s22+$0x0] =	vst.idx.msk $0xffff, v59  }
0x3b2: {  	v40 =	vadd.s32 v37, v8;
	v33 =	vmul.f32 $1.250000000e-01, v33;
	[tilespmem:v51+s22+$0x0] =	vst.idx.msk $0xffff, v28;
	v28 =	vld [tilespmem:s0+$0xFFFFFCA0]  }
0x3b3: {  	[tilespmem:v47+s22+$0x0] =	vst.idx.msk $0xffff, v27;
	v47 =	vld [tilespmem:s0+$0x0];
	v51 =	vmul.f32 $1.250000000e-01, v52;
	v52 =	vadd.s32 v45, v7  }
0x3b4: {  	v27 =	vadd.s32 v35, v5;
	v35 =	vadd.s32 v44, v5;
	v21 =	vld [tilespmem:s0+$0xFFFFFFA0];
	[tilespmem:v18+s22+$0x0] =	vst.idx.msk $0xffff, v33;
	v59 =	vmul.f32 $1.250000000e-01, v24  }
0x3b5: {  	v15 =	vadd.s32 v49, v15;
	v33 =	vld [tilespmem:s0+$0xFFFFFCE0];
	[tilespmem:v25+s22+$0x0] =	vst.idx.msk $0xffff, v51;
	v25 =	vmul.f32 $1.250000000e-01, v26  }
0x3b6: {  	v24 =	vld [tilespmem:s0+$0xFFFFFC60];
	v26 =	vadd.s32 v53, v9;
	[tilespmem:v29+s22+$0x0] =	vst.idx.msk $0xffff, v59;
	v29 =	vmul.f32 $1.250000000e-01, v31  }
0x3b7: {  	v31 =	vadd.s32 v60, v5;
	v60 =	vld [tilespmem:s0+$0xFFFFFDA0];
	[tilespmem:v40+s22+$0x0] =	vst.idx.msk $0xffff, v25;
	v23 =	vmul.f32 $1.250000000e-01, v28  }
0x3b8: {  	v40 =	vld [tilespmem:s0+$0xFFFFFD20];
	v11 =	vmul.f32 $1.250000000e-01, v47;
	[tilespmem:v52+s22+$0x0] =	vst.idx.msk $0xffff, v29  }
0x3b9: {  	v51 =	vadd.s32 v32, v5;
	v44 =	vmul.f32 $1.250000000e-01, v21;
	v28 =	vld [tilespmem:s0+$0xFFFFFE30];
	[tilespmem:v35+s22+$0x0] =	vst.idx.msk $0xffff, v23  }
0x3ba: {  	v59 =	vadd.s32 v37, v5;
	v47 =	vmul.f32 $1.250000000e-01, v55;
	v52 =	vld [tilespmem:s0+$0xFFFFFD60];
	[tilespmem:v15+s22+$0x0] =	vst.idx.msk $0xffff, v11  }
0x3bb: {  	v25 =	vld [tilespmem:s0+$0xFFFFFDE0];
	v55 =	vmul.f32 $1.250000000e-01, v24;
	v35 =	vadd.s32 v36, v2;
	[tilespmem:v26+s22+$0x0] =	vst.idx.msk $0xffff, v44  }
0x3bc: {  	v24 =	vadd.s32 v45, v5;
	[tilespmem:v27+s22+$0x0] =	vst.idx.msk $0xffff, v47;
	v26 =	vmul.f32 $1.250000000e-01, v33  }
0x3bd: {  	v32 =	vld [tilespmem:s0+$0xFFFFFE70];
	v27 =	vadd.s32 v53, v5;
	[tilespmem:v31+s22+$0x0] =	vst.idx.msk $0xffff, v55;
	v29 =	vmul.f32 $1.250000000e-01, v40  }
0x3be: {  	v37 =	vld [tilespmem:s0+$0xFFFFFEB0];
	v31 =	vadd.s32 v56, v5;
	[tilespmem:v51+s22+$0x0] =	vst.idx.msk $0xffff, v26;
	v53 =	vmul.f32 $1.250000000e-01, v28  }
0x3bf: {  	v45 =	vld [tilespmem:s0+$0xFFFFFEF0];
	v44 =	vadd.s32 v61, v3;
	v33 =	vmul.f32 $1.250000000e-01, v52;
	[tilespmem:v59+s22+$0x0] =	vst.idx.msk $0xffff, v29  }
0x3c0: {  	v40 =	vmul.f32 $1.250000000e-01, v60;
	v47 =	vmul.f32 $1.250000000e-01, v25;
	v51 =	vadd.s32 v30, v4;
	v25 =	vld [tilespmem:s0+$0xFFFFFC30];
	[tilespmem:v35+s22+$0x0] =	vst.idx.msk $0xffff, v53  }
0x3c1: {  	v55 =	vadd.s32 v43, v6;
	v28 =	vld [tilespmem:s0+$0xFFFFFC70];
	[tilespmem:v24+s22+$0x0] =	vst.idx.msk $0xffff, v33  }
0x3c2: {  	v52 =	vld [tilespmem:s0+$0xFFFFFF30];
	v59 =	vmul.f32 $1.250000000e-01, v32;
	v32 =	vadd.s32 v36, v5;
	[tilespmem:v27+s22+$0x0] =	vst.idx.msk $0xffff, v40  }
0x3c3: {  	v56 =	vld [tilespmem:s0+$0xFFFFFF70];
	v26 =	vmul.f32 $1.250000000e-01, v37;
	v36 =	vadd.s32 v61, v5;
	[tilespmem:v31+s22+$0x0] =	vst.idx.msk $0xffff, v47  }
0x3c4: {  	v60 =	vadd.s32 v38, v8;
	v29 =	vmul.f32 $1.250000000e-01, v45;
	v24 =	vld [tilespmem:s0+$0xFFFFFFB0];
	[tilespmem:v44+s22+$0x0] =	vst.idx.msk $0xffff, v59  }
0x3c5: {  	v27 =	vadd.s32 v46, v7;
	v33 =	vld [tilespmem:s0+$0xFFFFFCB0];
	[tilespmem:v51+s22+$0x0] =	vst.idx.msk $0xffff, v26;
	v51 =	vmul.f32 $1.250000000e-01, v25  }
0x3c6: {  	v45 =	vld [tilespmem:s0+$0xFFFFFD30];
	v31 =	vadd.s32 v50, v9;
	[tilespmem:v55+s22+$0x0] =	vst.idx.msk $0xffff, v29;
	v55 =	vmul.f32 $1.250000000e-01, v28  }
0x3c7: {  	v37 =	vld [tilespmem:s0+$0xFFFFFCF0];
	v44 =	vadd.s32 v30, v5;
	v35 =	vmul.f32 $1.250000000e-01, v52;
	[tilespmem:v32+s22+$0x0] =	vst.idx.msk $0xffff, v51  }
0x3c8: {  	v40 =	vmul.f32 $1.250000000e-01, v56;
	v53 =	vld [tilespmem:s0+$0xFFFFFD70];
	v56 =	vadd.s32 v38, v5;
	[tilespmem:v36+s22+$0x0] =	vst.idx.msk $0xffff, v55  }
0x3c9: {  	v59 =	vld [tilespmem:s0+$0xFFFFFDB0];
	v52 =	vadd.s32 v43, v5;
	[tilespmem:v60+s22+$0x0] =	vst.idx.msk $0xffff, v35;
	v47 =	vmul.f32 $1.250000000e-01, v24  }
0x3ca: {  	v61 =	vadd.s32 v46, v5;
	v23 =	vld [tilespmem:s0+$0xFFFFFDF0];
	[tilespmem:v27+s22+$0x0] =	vst.idx.msk $0xffff, v40;
	v60 =	vmul.f32 $1.250000000e-01, v33  }
0x3cb: {  	v25 =	vadd.s32 v50, v5;
	v29 =	vld [tilespmem:s0+$0xFFFFFE80];
	v27 =	vmul.f32 $1.250000000e-01, v45;
	[tilespmem:v31+s22+$0x0] =	vst.idx.msk $0xffff, v47  }
0x3cc: {  	v26 =	vld [tilespmem:s0+$0xFFFFFE40];
	v28 =	vadd.s32 v42, v5;
	v24 =	vmul.f32 $1.250000000e-01, v37;
	[tilespmem:v44+s22+$0x0] =	vst.idx.msk $0xffff, v60  }
0x3cd: {  	v3 =	vadd.s32 v62, v3;
	v33 =	vld [tilespmem:s0+$0xFFFFFF00];
	v30 =	vmul.f32 $1.250000000e-01, v53;
	[tilespmem:v56+s22+$0x0] =	vst.idx.msk $0xffff, v27  }
0x3ce: {  	v2 =	vadd.s32 v58, v2;
	v43 =	vld [tilespmem:s0+$0xFFFFFC40];
	v32 =	vmul.f32 $1.250000000e-01, v59;
	[tilespmem:v52+s22+$0x0] =	vst.idx.msk $0xffff, v24  }
0x3cf: {  	v6 =	vadd.s32 v39, v6;
	v31 =	vld [tilespmem:s0+$0xFFFFFEC0];
	v35 =	vmul.f32 $1.250000000e-01, v23;
	[tilespmem:v61+s22+$0x0] =	vst.idx.msk $0xffff, v30  }
0x3d0: {  	v45 =	vadd.s32 v58, v5;
	v38 =	vld [tilespmem:s0+$0xFFFFFF80];
	v40 =	vmul.f32 $1.250000000e-01, v29;
	[tilespmem:v25+s22+$0x0] =	vst.idx.msk $0xffff, v32  }
0x3d1: {  	v4 =	vadd.s32 v34, v4;
	v36 =	vld [tilespmem:s0+$0xFFFFFF40];
	v37 =	vmul.f32 $1.250000000e-01, v26;
	[tilespmem:v28+s22+$0x0] =	vst.idx.msk $0xffff, v35  }
0x3d2: {  	v7 =	vadd.s32 v41, v7;
	v44 =	vld [tilespmem:s0+$0xFFFFFC80];
	[tilespmem:v3+s22+$0x0] =	vst.idx.msk $0xffff, v40;
	v3 =	vmul.f32 $1.250000000e-01, v33  }
0x3d3: {  	v8 =	vadd.s32 v57, v8;
	v42 =	vld [tilespmem:s0+$0xFFFFFFC0];
	[tilespmem:v2+s22+$0x0] =	vst.idx.msk $0xffff, v37;
	v53 =	vmul.f32 $1.250000000e-01, v43  }
0x3d4: {  	v47 =	vadd.s32 v62, v5;
	v50 =	vld [tilespmem:s0+$0xFFFFFD00];
	v2 =	vmul.f32 $1.250000000e-01, v31;
	[tilespmem:v6+s22+$0x0] =	vst.idx.msk $0xffff, v3  }
0x3d5: {  	v9 =	vadd.s32 v54, v9;
	v46 =	vld [tilespmem:s0+$0xFFFFFCC0];
	v3 =	vmul.f32 $1.250000000e-01, v38;
	[tilespmem:v45+s22+$0x0] =	vst.idx.msk $0xffff, v53  }
0x3d6: {  	v55 =	vadd.s32 v39, v5;
	v56 =	vld [tilespmem:s0+$0xFFFFFD80];
	[tilespmem:v4+s22+$0x0] =	vst.idx.msk $0xffff, v2;
	v2 =	vmul.f32 $1.250000000e-01, v36  }
0x3d7: {  	v51 =	vadd.s32 v34, v5;
	v52 =	vld [tilespmem:s0+$0xFFFFFD40];
	[tilespmem:v7+s22+$0x0] =	vst.idx.msk $0xffff, v3;
	v3 =	vmul.f32 $1.250000000e-01, v44  }
0x3d8: {  	v60 =	vadd.s32 v41, v5;
	v61 =	vld [tilespmem:s0+$0xFFFFFE00];
	[tilespmem:v8+s22+$0x0] =	vst.idx.msk $0xffff, v2;
	v2 =	vmul.f32 $1.250000000e-01, v42  }
0x3d9: {  	v58 =	vadd.s32 v57, v5;
	v59 =	vld [tilespmem:s0+$0xFFFFFDC0];
	[tilespmem:v47+s22+$0x0] =	vst.idx.msk $0xffff, v3;
	v3 =	vmul.f32 $1.250000000e-01, v50  }
0x3da: {  	v62 =	vadd.s32 v54, v5;
	v5 =	vadd.s32 v49, v5;
	[tilespmem:v9+s22+$0x0] =	vst.idx.msk $0xffff, v2;
	v2 =	vmul.f32 $1.250000000e-01, v46  }
0x3db: {  	[tilespmem:v55+s22+$0x0] =	vst.idx.msk $0xffff, v3;
	v3 =	vmul.f32 $1.250000000e-01, v56  }
0x3dc: {  	s8 =	sadd.s32 s5, s31;
	[tilespmem:v51+s22+$0x0] =	vst.idx.msk $0xffff, v2;
	v2 =	vmul.f32 $1.250000000e-01, v52  }
0x3dd: {  	s11 =	sshll.u32 s8, $0x7;
	[tilespmem:v60+s22+$0x0] =	vst.idx.msk $0xffff, v3;
	v3 =	vmul.f32 $1.250000000e-01, v61  }
0x3de: {  	s1 =	sand.u32 $0xE00, s11;
	s0 =	sshll.u32 s8, $0xA;
	[tilespmem:v58+s22+$0x0] =	vst.idx.msk $0xffff, v2;
	v2 =	vmul.f32 $1.250000000e-01, v59  }
0x3df: {  	s1 =	sadd.s32 s2, s1;
	s0 =	sand.u32 $0xFFF8000, s0;
	[tilespmem:v5+s22+$0x0] =	vst.idx.msk $0xffff, v3  }
0x3e0: {  	s7 =	simm.s32 $0x8200;
	s1 =	sadd.s32 s0, s1;
	[tilespmem:v62+s22+$0x0] =	vst.idx.msk $0xffff, v2  }
0x3e1: {  	[hbm4b:s1+s3] =	stream.linear.scatter [tilespmem:s7], [sflag:$0x3], $0x80, $0x38;
	[tilespmem:$0x10A00] =	vst v63  }
0x3e2: {  	s8 =	simm.s32 $0x8288;
	s11 =	sadd.s32 $0x10, s1  }
0x3e3: {  	[hbm4b:s11+s3] =	stream.linear.scatter [tilespmem:s8], [sflag:$0x3], $0x80, $0x38;
	[tilespmem:$0x10A00] =	vst v63  }
0x3e4: {  	s8 =	simm.s32 $0x8310;
	s11 =	sadd.s32 $0x20, s1  }
0x3e5: {  	[hbm4b:s11+s3] =	stream.linear.scatter [tilespmem:s8], [sflag:$0x3], $0x80, $0x38;
	[tilespmem:$0x10A00] =	vst v63  }
0x3e6: {  	s8 =	simm.s32 $0x8398;
	s11 =	sadd.s32 $0x30, s1  }
0x3e7: {  	[hbm4b:s11+s3] =	stream.linear.scatter [tilespmem:s8], [sflag:$0x3], $0x80, $0x38;
	[tilespmem:$0x10A00] =	vst v63  }
0x3e8: {  	s8 =	simm.s32 $0x8420;
	s11 =	sadd.s32 $0x40, s1  }
0x3e9: {  	[hbm4b:s11+s3] =	stream.linear.scatter [tilespmem:s8], [sflag:$0x3], $0x80, $0x38;
	[tilespmem:$0x10A00] =	vst v63  }
0x3ea: {  	s8 =	simm.s32 $0x84A8;
	s11 =	sadd.s32 $0x50, s1  }
0x3eb: {  	[hbm4b:s11+s3] =	stream.linear.scatter [tilespmem:s8], [sflag:$0x3], $0x80, $0x38;
	[tilespmem:$0x10A00] =	vst v63  }
0x3ec: {  	s8 =	simm.s32 $0x8530;
	s11 =	sadd.s32 $0x60, s1  }
0x3ed: {  	[hbm4b:s11+s3] =	stream.linear.scatter [tilespmem:s8], [sflag:$0x3], $0x80, $0x38;
	[tilespmem:$0x10A00] =	vst v63  }
0x3ee: {  	s8 =	simm.s32 $0x85B8;
	s11 =	sadd.s32 $0x70, s1  }
0x3ef: {  	[hbm4b:s11+s3] =	stream.linear.scatter [tilespmem:s8], [sflag:$0x3], $0x80, $0x38;
	[tilespmem:$0x10A00] =	vst v63  }
0x3f0: {  	s8 =	simm.s32 $0x8640;
	s11 =	sadd.s32 $0x80, s1  }
0x3f1: {  	[hbm4b:s11+s3] =	stream.linear.scatter [tilespmem:s8], [sflag:$0x3], $0x80, $0x38;
	[tilespmem:$0x10A00] =	vst v63  }
0x3f2: {  	s8 =	simm.s32 $0x86C8;
	s11 =	sadd.s32 $0x90, s1  }
0x3f3: {  	[hbm4b:s11+s3] =	stream.linear.scatter [tilespmem:s8], [sflag:$0x3], $0x80, $0x38;
	[tilespmem:$0x10A00] =	vst v63  }
0x3f4: {  	s8 =	simm.s32 $0x8750;
	s11 =	sadd.s32 $0xA0, s1  }
0x3f5: {  	[hbm4b:s11+s3] =	stream.linear.scatter [tilespmem:s8], [sflag:$0x3], $0x80, $0x38;
	[tilespmem:$0x10A00] =	vst v63  }
0x3f6: {  	s8 =	simm.s32 $0x87D8;
	s11 =	sadd.s32 $0xB0, s1  }
0x3f7: {  	[hbm4b:s11+s3] =	stream.linear.scatter [tilespmem:s8], [sflag:$0x3], $0x80, $0x38;
	[tilespmem:$0x10A00] =	vst v63  }
0x3f8: {  	s8 =	simm.s32 $0x8860;
	s11 =	sadd.s32 $0xC0, s1  }
0x3f9: {  	[hbm4b:s11+s3] =	stream.linear.scatter [tilespmem:s8], [sflag:$0x3], $0x80, $0x38;
	[tilespmem:$0x10A00] =	vst v63  }
0x3fa: {  	s0 =	simm.s32 $0x880;
	s8 =	simm.s32 $0x88E8;
	s11 =	sadd.s32 $0xD0, s1  }
0x3fb: {  	[hbm4b:s11+s3] =	stream.linear.scatter [tilespmem:s8], [sflag:$0x3], $0x80, $0x38;
	[tilespmem:$0x10A00] =	vst v63  }
0x3fc: {  	s28 =	sadd.s32 $0xF0, s1;
	s8 =	simm.s32 $0x8970;
	s11 =	sadd.s32 $0xE0, s1  }
0x3fd: {  	[hbm4b:s11+s3] =	stream.linear.scatter [tilespmem:s8], [sflag:$0x3], $0x80, $0x38;
	[tilespmem:$0x10A00] =	vst v63  }
0x3fe: {  	s1 =	sadd.s32 $0x1000, s1;
	s11 =	simm.s32 $0x4400;
	s8 =	simm.s32 $0x89F8  }
.LBB2_10:
0x3ff: {  	[hbm4b:s28+s3] =	stream.linear.scatter [tilespmem:s8], [sflag:$0x3], $0x80, $0x38;
	[tilespmem:$0x10A00] =	vst v63  }
0x400: {  	s8 =	smov.u32 s0;
	s0 =	smov.u32 s11  }
0x401: {  	s7 =	sadd.s32 $0x2200, s11;
	s0 =	sshra.s32 s0, $0x2;
	s28 =	sadd.s32 $0x8200, s8  }
0x402: {  	[hbm4b:s1+s3] =	stream.linear.scatter [tilespmem:s28], [sflag:$0x3], $0x80, $0x38;
	[tilespmem:$0x10A00] =	vst v63  }
0x403: {  	p1 =	sne.s32 s11, $0xEE00;
	s11 =	sadd.s32 $0x8288, s8;
	s28 =	sadd.s32 $0x10, s1  }
0x404: {  	[hbm4b:s28+s3] =	stream.linear.scatter [tilespmem:s11], [sflag:$0x3], $0x80, $0x38;
	[tilespmem:$0x10A00] =	vst v63  }
0x405: {  	s11 =	sadd.s32 $0x8310, s8;
	s28 =	sadd.s32 $0x20, s1  }
0x406: {  	[hbm4b:s28+s3] =	stream.linear.scatter [tilespmem:s11], [sflag:$0x3], $0x80, $0x38;
	[tilespmem:$0x10A00] =	vst v63  }
0x407: {  	s11 =	sadd.s32 $0x8398, s8;
	s28 =	sadd.s32 $0x30, s1  }
0x408: {  	[hbm4b:s28+s3] =	stream.linear.scatter [tilespmem:s11], [sflag:$0x3], $0x80, $0x38;
	[tilespmem:$0x10A00] =	vst v63  }
0x409: {  	s11 =	sadd.s32 $0x8420, s8;
	s28 =	sadd.s32 $0x40, s1  }
0x40a: {  	[hbm4b:s28+s3] =	stream.linear.scatter [tilespmem:s11], [sflag:$0x3], $0x80, $0x38;
	[tilespmem:$0x10A00] =	vst v63  }
0x40b: {  	s11 =	sadd.s32 $0x84A8, s8;
	s28 =	sadd.s32 $0x50, s1  }
0x40c: {  	[hbm4b:s28+s3] =	stream.linear.scatter [tilespmem:s11], [sflag:$0x3], $0x80, $0x38;
	[tilespmem:$0x10A00] =	vst v63  }
0x40d: {  	s11 =	sadd.s32 $0x8530, s8;
	s28 =	sadd.s32 $0x60, s1  }
0x40e: {  	[hbm4b:s28+s3] =	stream.linear.scatter [tilespmem:s11], [sflag:$0x3], $0x80, $0x38;
	[tilespmem:$0x10A00] =	vst v63  }
0x40f: {  	s11 =	sadd.s32 $0x85B8, s8;
	s28 =	sadd.s32 $0x70, s1  }
0x410: {  	[hbm4b:s28+s3] =	stream.linear.scatter [tilespmem:s11], [sflag:$0x3], $0x80, $0x38;
	[tilespmem:$0x10A00] =	vst v63  }
0x411: {  	s11 =	sadd.s32 $0x8640, s8;
	s28 =	sadd.s32 $0x80, s1  }
0x412: {  	[hbm4b:s28+s3] =	stream.linear.scatter [tilespmem:s11], [sflag:$0x3], $0x80, $0x38;
	[tilespmem:$0x10A00] =	vst v63  }
0x413: {  	s11 =	sadd.s32 $0x86C8, s8;
	s28 =	sadd.s32 $0x90, s1  }
0x414: {  	[hbm4b:s28+s3] =	stream.linear.scatter [tilespmem:s11], [sflag:$0x3], $0x80, $0x38;
	[tilespmem:$0x10A00] =	vst v63  }
0x415: {  	s11 =	sadd.s32 $0x8750, s8;
	s28 =	sadd.s32 $0xA0, s1  }
0x416: {  	[hbm4b:s28+s3] =	stream.linear.scatter [tilespmem:s11], [sflag:$0x3], $0x80, $0x38;
	[tilespmem:$0x10A00] =	vst v63  }
0x417: {  	s11 =	sadd.s32 $0x87D8, s8;
	s28 =	sadd.s32 $0xB0, s1  }
0x418: {  	[hbm4b:s28+s3] =	stream.linear.scatter [tilespmem:s11], [sflag:$0x3], $0x80, $0x38;
	[tilespmem:$0x10A00] =	vst v63  }
0x419: {  	s11 =	sadd.s32 $0x8860, s8;
	s28 =	sadd.s32 $0xC0, s1  }
0x41a: {  	[hbm4b:s28+s3] =	stream.linear.scatter [tilespmem:s11], [sflag:$0x3], $0x80, $0x38;
	[tilespmem:$0x10A00] =	vst v63  }
.Ltmp4:
0x41b: {  	s11 =	sadd.s32 $0x88E8, s8;
	s28 =	sadd.s32 $0xD0, s1;
	(pc) =	sbr.rel @p1 .LBB2_10-.Ltmp4, $4  }
0x41c: {  	[hbm4b:s28+s3] =	stream.linear.scatter [tilespmem:s11], [sflag:$0x3], $0x80, $0x38;
	[tilespmem:$0x10A00] =	vst v63  }
0x41d: {  	s11 =	sadd.s32 $0x8970, s8;
	s28 =	sadd.s32 $0xE0, s1;
	s8 =	sadd.s32 $0x89F8, s8  }
0x41e: {  	[hbm4b:s28+s3] =	stream.linear.scatter [tilespmem:s11], [sflag:$0x3], $0x80, $0x38;
	[tilespmem:$0x10A00] =	vst v63  }
0x41f: {  	s28 =	sadd.s32 $0xF0, s1;
	s1 =	sadd.s32 $0x1000, s1;
	s11 =	smov.u32 s7  }
0x420: {  	[hbm4b:s28+s3] =	stream.linear.scatter [tilespmem:s8], [sflag:$0x3], $0x80, $0x38;
	[tilespmem:$0x10A00] =	vst v63  }
0x421: {  	s7 =	sadd.s32 $0x8200, s0  }
0x422: {  	[hbm4b:s1+s3] =	stream.linear.scatter [tilespmem:s7], [sflag:$0x3], $0x80, $0x38;
	[tilespmem:$0x10A00] =	vst v63  }
0x423: {  	s11 =	sadd.s32 $0x8288, s0;
	s28 =	sadd.s32 $0x10, s1  }
0x424: {  	[hbm4b:s28+s3] =	stream.linear.scatter [tilespmem:s11], [sflag:$0x3], $0x80, $0x38;
	[tilespmem:$0x10A00] =	vst v63  }
0x425: {  	s11 =	sadd.s32 $0x8310, s0;
	s28 =	sadd.s32 $0x20, s1  }
0x426: {  	[hbm4b:s28+s3] =	stream.linear.scatter [tilespmem:s11], [sflag:$0x3], $0x80, $0x38;
	[tilespmem:$0x10A00] =	vst v63  }
0x427: {  	s11 =	sadd.s32 $0x8398, s0;
	s28 =	sadd.s32 $0x30, s1  }
0x428: {  	[hbm4b:s28+s3] =	stream.linear.scatter [tilespmem:s11], [sflag:$0x3], $0x80, $0x38;
	[tilespmem:$0x10A00] =	vst v63  }
0x429: {  	s11 =	sadd.s32 $0x8420, s0;
	s28 =	sadd.s32 $0x40, s1  }
0x42a: {  	[hbm4b:s28+s3] =	stream.linear.scatter [tilespmem:s11], [sflag:$0x3], $0x80, $0x38;
	[tilespmem:$0x10A00] =	vst v63  }
0x42b: {  	s11 =	sadd.s32 $0x84A8, s0;
	s28 =	sadd.s32 $0x50, s1  }
0x42c: {  	[hbm4b:s28+s3] =	stream.linear.scatter [tilespmem:s11], [sflag:$0x3], $0x80, $0x38;
	[tilespmem:$0x10A00] =	vst v63  }
0x42d: {  	s11 =	sadd.s32 $0x8530, s0;
	s28 =	sadd.s32 $0x60, s1  }
0x42e: {  	[hbm4b:s28+s3] =	stream.linear.scatter [tilespmem:s11], [sflag:$0x3], $0x80, $0x38;
	[tilespmem:$0x10A00] =	vst v63  }
0x42f: {  	s11 =	sadd.s32 $0x85B8, s0;
	s28 =	sadd.s32 $0x70, s1  }
0x430: {  	[hbm4b:s28+s3] =	stream.linear.scatter [tilespmem:s11], [sflag:$0x3], $0x80, $0x38;
	[tilespmem:$0x10A00] =	vst v63  }
0x431: {  	s11 =	sadd.s32 $0x8640, s0;
	s28 =	sadd.s32 $0x80, s1  }
0x432: {  	[hbm4b:s28+s3] =	stream.linear.scatter [tilespmem:s11], [sflag:$0x3], $0x80, $0x38;
	[tilespmem:$0x10A00] =	vst v63  }
0x433: {  	s11 =	sadd.s32 $0x86C8, s0;
	s28 =	sadd.s32 $0x90, s1  }
0x434: {  	[hbm4b:s28+s3] =	stream.linear.scatter [tilespmem:s11], [sflag:$0x3], $0x80, $0x38;
	[tilespmem:$0x10A00] =	vst v63  }
0x435: {  	s11 =	sadd.s32 $0x8750, s0;
	s28 =	sadd.s32 $0xA0, s1  }
0x436: {  	[hbm4b:s28+s3] =	stream.linear.scatter [tilespmem:s11], [sflag:$0x3], $0x80, $0x38;
	[tilespmem:$0x10A00] =	vst v63  }
0x437: {  	s11 =	sadd.s32 $0x87D8, s0;
	s28 =	sadd.s32 $0xB0, s1  }
0x438: {  	[hbm4b:s28+s3] =	stream.linear.scatter [tilespmem:s11], [sflag:$0x3], $0x80, $0x38;
	[tilespmem:$0x10A00] =	vst v63  }
0x439: {  	s11 =	sadd.s32 $0x8860, s0;
	s28 =	sadd.s32 $0xC0, s1  }
0x43a: {  	[hbm4b:s28+s3] =	stream.linear.scatter [tilespmem:s11], [sflag:$0x3], $0x80, $0x38;
	[tilespmem:$0x10A00] =	vst v63  }
0x43b: {  	p1 =	sne.s32 s29, $0x31;
	s11 =	sadd.s32 $0x88E8, s0;
	s28 =	sadd.s32 $0xD0, s1  }
0x43c: {  	v47 =	vld [tilespmem:$0x1FEF0];
	[hbm4b:s28+s3] =	stream.linear.scatter [tilespmem:s11], [sflag:$0x3], $0x80, $0x38  }
.Ltmp5:
0x43d: {  	v50 =	vld [tilespmem:$0x1FF10];
	(pc) =	sbr.rel @p1 .LBB2_13-.Ltmp5, $4  }
0x43e: {  	v45 =	vld [tilespmem:$0x1FF20];
	s11 =	sadd.s32 $0x8970, s0;
	s28 =	sadd.s32 $0xE0, s1  }
0x43f: {  	v56 =	vld [tilespmem:$0x1FFB0];
	[hbm4b:s28+s3] =	stream.linear.scatter [tilespmem:s11], [sflag:$0x3], $0x80, $0x38  }
0x440: {  	v62 =	vld [tilespmem:$0x1FFC0];
	s11 =	sadd.s32 $0x89F8, s0;
	s28 =	sadd.s32 $0xF0, s1  }
0x441: {  	v59 =	vld [tilespmem:$0x1FFD0];
	[hbm4b:s28+s3] =	stream.linear.scatter [tilespmem:s11], [sflag:$0x3], $0x80, $0x38  }
.Ltmp6:
0x442: {  	(pc) =	sbr.rel .LBB2_14-.Ltmp6, $4  }
0x443: {  	_ = 	snop  }
0x444: {  	_ =	swait.ge [sflag:s23], $0x4000  }
0x445: {  	[sflag:s23] =	ssyncset.done $0x0;
	v31 =	vld [tilespmem:$0x1FEE0]  }
0x446: {  	v35 =	vld [tilespmem:$0x1FF00];
	[sflag:s23] =	ssyncadd.s32 $0xFFFFC000  }
.LBB2_13:
0x447: {  	_ =	swait.ge [sflag:s12], $0x100  }
0x448: {  	[sflag:s12] =	ssyncset.done $0x0  }
0x449: {  	[sflag:s12] =	ssyncadd.s32 $0xFFFFFF00  }
0x44a: {  	[tilespmem:s14], [sflag:$0x1] =	stream.indirect.gather [hbm4b:s6+s13], $0x40, s3, s13, $0xb8;
	[tilespmem:$0x10A00] =	vst v63  }
0x44b: {  	_ = 	snop  }
0x44c: {  	[tilespmem:s15], [sflag:$0x1] =	stream.indirect.gather [hbm4b:s6+s13], $0x40, s13, s13, $0xb8;
	[tilespmem:$0x10A00] =	vst v63  }
.Ltmp7:
0x44d: {  	s0 =	sadd.s32 s31, s10;
	(pc) =	sbr.rel @p0 .LBB2_15-.Ltmp7, $4  }
0x44e: {  	s0 =	sshll.u32 s0, $0x4;
	_ =	swait.ge [sflag:s23], $0x4000  }
0x44f: {  	s0 =	sand.u32 $0xFFFFFE0, s0;
	[sflag:s23] =	ssyncset.done $0x0  }
0x450: {  	s0 =	sadd.s32 s4, s0;
	v31 =	vld [tilespmem:$0x1FEE0];
	[sflag:s23] =	ssyncadd.s32 $0xFFFFC000  }
0x451: {  	v35 =	vld [tilespmem:$0x1FF00];
	[tilespmem:s16], [sflag:$0x6] =	stream.linear.gather [hbm4b:s0+s3], $0x100, $0x38  }
.LBB2_14:
0x452: {  	_ =	swait.ge [sflag:s24], $0x4000  }
0x453: {  	[sflag:s24] =	ssyncset.done $0x0  }
0x454: {  	[sflag:s24] =	ssyncadd.s32 $0xFFFFC000  }
.LBB2_15:
0x455: {  	s0 =	simm.s32 $0x0  }
0x456: {  	s28 =	simm.s32 $0x1;
	s31 =	simm.s32 $0x2;
	s1 =	simm.s32 $0x3;
	v2 =	vmov s0  }
0x457: {  	s7 =	simm.s32 $0x4;
	s8 =	simm.s32 $0x7;
	s11 =	simm.s32 $0x8;
	v3 =	vmov s28;
	v4 =	vmov s31;
	v5 =	vmov s1  }
0x458: {  	v6 =	vmov s7;
	s1 =	simm.s32 $0x5;
	s7 =	simm.s32 $0x6;
	v9 =	vmov s8;
	v10 =	vmov s11  }
0x459: {  	s28 =	simm.s32 $0x9;
	s8 =	simm.s32 $0xB;
	s11 =	simm.s32 $0xC;
	v2 =	vshrl.u32 v2, $0x3;
	v7 =	vmov s1;
	v8 =	vmov s7  }
0x45a: {  	v11 =	vmov s28;
	v13 =	vmov s8;
	v14 =	vmov s11  }
0x45b: {  	s28 =	simm.s32 $0xD;
	v3 =	vshrl.u32 v3, $0x3;
	v4 =	vshrl.u32 v4, $0x3;
	v5 =	vshrl.u32 v5, $0x3  }
0x45c: {  	v6 =	vshrl.u32 v6, $0x3;
	v15 =	vmov s28;
	v2 =	vshll.u32 v2, v0  }
0x45d: {  	v1 =	vld [tilespmem:$0x1FC00];
	s1 =	simm.s32 $0xF;
	v7 =	vshrl.u32 v7, $0x3;
	v13 =	vshrl.u32 v13, $0x3;
	v14 =	vshrl.u32 v14, $0x3  }
0x45e: {  	v30 =	vld [tilespmem:$0x1FC60];
	v3 =	vshll.u32 v3, v0;
	v22 =	vshrl.u32 v15, $0x3;
	v15 =	vmov s1;
	s1 =	simm.s32 $0x45F0  }
0x45f: {  	v4 =	vshll.u32 v4, v0;
	v5 =	vshll.u32 v5, v0;
	v15 =	vshrl.u32 v15, $0x3;
	v17 =	vld [tilespmem:s1+$0xFFFFFFD0]  }
0x460: {  	v6 =	vshll.u32 v6, v0;
	v20 =	vbroadcast v3, $0x0;
	v23 =	vld [tilespmem:s1+$0xFFFFFC50];
	v15 =	vshll.u32 v15, v0  }
0x461: {  	v2 =	vbroadcast v2, $0x0;
	v7 =	vshll.u32 v7, v0;
	v34 =	vbroadcast v15, $0x0  }
0x462: {  	v33 =	vshll.u32 v13, v0;
	v21 =	vbroadcast v4, $0x0;
	v4 =	vadd.s32 v48, v20;
	v15 =	vld [tilespmem:s1+$0xFFFFFC10]  }
0x463: {  	v32 =	vshll.u32 v14, v0;
	v19 =	vbroadcast v5, $0x0;
	v24 =	vld [tilespmem:s1+$0xFFFFFC90];
	v3 =	vadd.s32 v31, v34  }
0x464: {  	v18 =	vbroadcast v6, $0x0;
	v14 =	vld [tilespmem:s1+$0xFFFFFCD0];
	v13 =	vadd.s32 v1, v2;
	v6 =	vmul.f32 $1.250000000e-01, v17  }
0x465: {  	v25 =	vld [tilespmem:s1+$0xFFFFFD10];
	v5 =	vadd.s32 v30, v21;
	v17 =	vbroadcast v7, $0x0;
	v7 =	vmul.f32 $1.250000000e-01, v23  }
0x466: {  	v8 =	vshrl.u32 v8, $0x3;
	v28 =	vld [tilespmem:s1+$0xFFFFFD50];
	v27 =	vadd.s32 v47, v19  }
0x467: {  	v8 =	vshll.u32 v8, v0;
	v23 =	vadd.s32 v62, v18;
	v26 =	vmul.f32 $1.250000000e-01, v15;
	[tilespmem:v4+s25+$0x0] =	vst.idx.msk $0xffff, v7  }
0x468: {  	v29 =	vld [tilespmem:s1+$0xFFFFFD90];
	v15 =	vbroadcast v8, $0x0;
	[tilespmem:v3+s25+$0x0] =	vst.idx.msk $0xffff, v6;
	v3 =	vmul.f32 $1.250000000e-01, v24;
	v6 =	vadd.s32 v59, v17  }
0x469: {  	v9 =	vshrl.u32 v9, $0x3;
	v4 =	vmul.f32 $1.250000000e-01, v14;
	[tilespmem:v13+s25+$0x0] =	vst.idx.msk $0xffff, v26;
	v13 =	vld [tilespmem:s1+$0xFFFFFDD0]  }
0x46a: {  	v10 =	vshrl.u32 v10, $0x3;
	v7 =	vadd.s32 v63, v15;
	v24 =	vld [tilespmem:s1+$0xFFFFFE50];
	[tilespmem:v5+s25+$0x0] =	vst.idx.msk $0xffff, v3;
	v3 =	vmul.f32 $1.250000000e-01, v25  }
0x46b: {  	v11 =	vshrl.u32 v11, $0x3;
	v9 =	vshll.u32 v9, v0;
	[tilespmem:v27+s25+$0x0] =	vst.idx.msk $0xffff, v4;
	v4 =	vmul.f32 $1.250000000e-01, v28;
	v8 =	vld [tilespmem:s1+$0xFFFFFFE0]  }
0x46c: {  	v10 =	vshll.u32 v10, v0;
	v36 =	vshll.u32 v22, v0;
	v22 =	vbroadcast v9, $0x0;
	v5 =	vld [tilespmem:s1+$0xFFFFFE10];
	[tilespmem:v23+s25+$0x0] =	vst.idx.msk $0xffff, v3  }
0x46d: {  	v49 =	vbroadcast v10, $0x0;
	v9 =	vadd.s32 v35, v34;
	v25 =	vld [tilespmem:s1+$0xFFFFFE90];
	v3 =	vmul.f32 $1.250000000e-01, v29;
	[tilespmem:v6+s25+$0x0] =	vst.idx.msk $0xffff, v4  }
0x46e: {  	s31 =	simm.s32 $0xA;
	v11 =	vshll.u32 v11, v0;
	v14 =	vadd.s32 v31, v22;
	v6 =	vld [tilespmem:s1+$0xFFFFFED0];
	[tilespmem:$0x1FA60] =	vst v33  }
0x46f: {  	v12 =	vmov s31;
	v53 =	vbroadcast v11, $0x0;
	v23 =	vadd.s32 v1, v49;
	[tilespmem:v7+s25+$0x0] =	vst.idx.msk $0xffff, v3  }
0x470: {  	v12 =	vshrl.u32 v12, $0x3;
	v8 =	vmul.f32 $1.250000000e-01, v8;
	v26 =	vld [tilespmem:s1+$0xFFFFFF10];
	[tilespmem:$0x1FA70] =	vst v32  }
0x471: {  	s31 =	simm.s32 $0xE;
	v12 =	vshll.u32 v12, v0;
	v4 =	vadd.s32 v48, v53;
	v3 =	vmul.f32 $1.250000000e-01, v13;
	v28 =	vld [tilespmem:s1+$0xFFFFFF50];
	[tilespmem:$0x1FA80] =	vst v36  }
0x472: {  	v16 =	vmov s31;
	v54 =	vbroadcast v12, $0x0;
	v5 =	vmul.f32 $1.250000000e-01, v5;
	[tilespmem:v9+s25+$0x0] =	vst.idx.msk $0xffff, v8  }
0x473: {  	v16 =	vshrl.u32 v16, $0x3;
	v11 =	vbroadcast v33, $0x0;
	[tilespmem:v14+s25+$0x0] =	vst.idx.msk $0xffff, v3  }
0x474: {  	v1 =	vshll.u32 v16, v0;
	v7 =	vadd.s32 v30, v54;
	v3 =	vmul.f32 $1.250000000e-01, v24;
	[tilespmem:v23+s25+$0x0] =	vst.idx.msk $0xffff, v5;
	v16 =	vld [tilespmem:s1+$0xFFFFFF90]  }
0x475: {  	v12 =	vbroadcast v32, $0x0;
	v27 =	vadd.s32 v47, v11;
	v9 =	vld [tilespmem:s1+$0xFFFFFFF0];
	[tilespmem:$0x1FA90] =	vst v1  }
0x476: {  	v10 =	vbroadcast v36, $0x0;
	[tilespmem:v4+s25+$0x0] =	vst.idx.msk $0xffff, v3  }
0x477: {  	v8 =	vadd.s32 v62, v12;
	v5 =	vmul.f32 $1.250000000e-01, v25;
	v42 =	vld [tilespmem:$0x1FCB0]  }
0x478: {  	v14 =	vadd.s32 v59, v10;
	v3 =	vmul.f32 $1.250000000e-01, v6  }
0x479: {  	v24 =	vld [tilespmem:s1+$0xFFFFFC60];
	[tilespmem:v7+s25+$0x0] =	vst.idx.msk $0xffff, v5  }
0x47a: {  	s7 =	simm.s32 $0x10;
	v5 =	vmul.f32 $1.250000000e-01, v26;
	v37 =	vld [tilespmem:$0x1FC40];
	[tilespmem:v27+s25+$0x0] =	vst.idx.msk $0xffff, v3  }
0x47b: {  	v23 =	vmov s7;
	v3 =	vmul.f32 $1.250000000e-01, v28;
	v39 =	vld [tilespmem:$0x1FC70]  }
0x47c: {  	v13 =	vbroadcast v1, $0x0;
	v6 =	vshrl.u32 v23, $0x3;
	v23 =	vld [tilespmem:s1+$0xFFFFFCA0];
	[tilespmem:v8+s25+$0x0] =	vst.idx.msk $0xffff, v5;
	v4 =	vadd.s32 v42, v34  }
0x47d: {  	v29 =	vld [tilespmem:s1+$0xFFFFFCE0];
	[tilespmem:v14+s25+$0x0] =	vst.idx.msk $0xffff, v3  }
0x47e: {  	v7 =	vadd.s32 v63, v13;
	v40 =	vld [tilespmem:$0x1FC80]  }
0x47f: {  	v30 =	vld [tilespmem:s1+$0xFFFFFD20];
	v5 =	vmul.f32 $1.250000000e-01, v9;
	v26 =	vadd.s32 v37, v20  }
0x480: {  	v31 =	vld [tilespmem:s1+$0xFFFFFD60];
	v28 =	vadd.s32 v39, v21  }
0x481: {  	v51 =	vld [tilespmem:s1+$0xFFFFFDA0];
	v3 =	vmul.f32 $1.250000000e-01, v16;
	[tilespmem:v4+s25+$0x0] =	vst.idx.msk $0xffff, v5  }
0x482: {  	v9 =	vadd.s32 v50, v19;
	v16 =	vmul.f32 $1.250000000e-01, v24;
	v41 =	vld [tilespmem:$0x1FFF0]  }
0x483: {  	v24 =	vadd.s32 v40, v18;
	v4 =	vmul.f32 $1.250000000e-01, v23;
	[tilespmem:v7+s25+$0x0] =	vst.idx.msk $0xffff, v3;
	v3 =	vld [tilespmem:s1+$0x0]  }
0x484: {  	[tilespmem:v26+s25+$0x0] =	vst.idx.msk $0xffff, v16;
	v26 =	vld [tilespmem:s1+$0xFFFFFDE0]  }
0x485: {  	v16 =	vmul.f32 $1.250000000e-01, v29;
	v43 =	vld [tilespmem:$0x1FEC0];
	[tilespmem:v28+s25+$0x0] =	vst.idx.msk $0xffff, v4  }
0x486: {  	v4 =	vmul.f32 $1.250000000e-01, v30;
	v28 =	vld [tilespmem:s1+$0xFFFFFE20];
	[tilespmem:$0x1FAA0] =	vst v34  }
0x487: {  	v55 =	vld [tilespmem:$0x1FED0];
	[tilespmem:v9+s25+$0x0] =	vst.idx.msk $0xffff, v16  }
0x488: {  	[tilespmem:v24+s25+$0x0] =	vst.idx.msk $0xffff, v4  }
0x489: {  	v1 =	vld [tilespmem:$0x1FC10]  }
0x48a: {  	v5 =	vadd.s32 v41, v17  }
0x48b: {  	v23 =	vadd.s32 v43, v15  }
0x48c: {  	v30 =	vadd.s32 v55, v34  }
0x48d: {  	v9 =	vmul.f32 $1.250000000e-01, v31;
	v16 =	vadd.s32 v35, v22;
	v31 =	vld [tilespmem:s1+$0xFFFFFE60]  }
0x48e: {  	v4 =	vmul.f32 $1.250000000e-01, v51;
	v58 =	vld [tilespmem:s1+$0xFFFFFEA0];
	v24 =	vadd.s32 v1, v49  }
0x48f: {  	v3 =	vmul.f32 $1.250000000e-01, v3;
	[tilespmem:v5+s25+$0x0] =	vst.idx.msk $0xffff, v9;
	v9 =	vadd.s32 v37, v53  }
0x490: {  	[tilespmem:v23+s25+$0x0] =	vst.idx.msk $0xffff, v4;
	v4 =	vmul.f32 $1.250000000e-01, v26;
	v23 =	vadd.s32 v39, v54  }
0x491: {  	v59 =	vld [tilespmem:s1+$0xFFFFFEE0];
	v5 =	vmul.f32 $1.250000000e-01, v28;
	[tilespmem:v30+s25+$0x0] =	vst.idx.msk $0xffff, v3  }
0x492: {  	[tilespmem:v16+s25+$0x0] =	vst.idx.msk $0xffff, v4;
	v16 =	vmul.f32 $1.250000000e-01, v31  }
0x493: {  	v60 =	vld [tilespmem:s1+$0xFFFFFF60];
	v28 =	vadd.s32 v50, v11;
	[tilespmem:v24+s25+$0x0] =	vst.idx.msk $0xffff, v5;
	v24 =	vmul.f32 $1.250000000e-01, v58  }
0x494: {  	v26 =	vld [tilespmem:s1+$0xFFFFFF20];
	[tilespmem:v9+s25+$0x0] =	vst.idx.msk $0xffff, v16  }
0x495: {  	v31 =	vld [tilespmem:s1+$0xFFFFFFA0];
	[tilespmem:v23+s25+$0x0] =	vst.idx.msk $0xffff, v24  }
0x496: {  	v30 =	vadd.s32 v40, v12;
	v9 =	vmul.f32 $1.250000000e-01, v59;
	v44 =	vld [tilespmem:$0x1FC50]  }
0x497: {  	v61 =	vld [tilespmem:s1+$0xFFFFFC20];
	v62 =	vadd.s32 v41, v10  }
0x498: {  	s11 =	simm.s32 $0x12;
	v5 =	vshll.u32 v6, v0;
	v6 =	vld [tilespmem:s1+$0xFFFFFC70];
	v16 =	vadd.s32 v43, v13;
	[tilespmem:v28+s25+$0x0] =	vst.idx.msk $0xffff, v9  }
0x499: {  	s28 =	simm.s32 $0x13;
	s31 =	simm.s32 $0x14;
	v27 =	vmov s11;
	v37 =	vadd.s32 v1, v2;
	v23 =	vmul.f32 $1.250000000e-01, v26;
	v46 =	vld [tilespmem:$0x1FFE0]  }
0x49a: {  	v8 =	vmov s28;
	v14 =	vmov s31;
	v52 =	vld [tilespmem:s1+$0xFFFFFCB0];
	v9 =	vmul.f32 $1.250000000e-01, v60  }
0x49b: {  	v1 =	vmovc v42;
	v42 =	vshrl.u32 v8, $0x3;
	[tilespmem:v30+s25+$0x0] =	vst.idx.msk $0xffff, v23;
	v8 =	vmul.f32 $1.250000000e-01, v31;
	v26 =	vadd.s32 v44, v20  }
0x49c: {  	s8 =	simm.s32 $0x11;
	v24 =	vshrl.u32 v27, $0x3;
	v27 =	vld [tilespmem:s1+$0xFFFFFCF0];
	v23 =	vshrl.u32 v14, $0x3;
	v14 =	vmul.f32 $1.250000000e-01, v61;
	[tilespmem:v62+s25+$0x0] =	vst.idx.msk $0xffff, v9  }
0x49d: {  	v25 =	vmov s8;
	s8 =	simm.s32 $0x16;
	v58 =	vld [tilespmem:$0x1FC90];
	[tilespmem:v16+s25+$0x0] =	vst.idx.msk $0xffff, v8  }
0x49e: {  	v7 =	vmov s8;
	v6 =	vmul.f32 $1.250000000e-01, v6;
	[tilespmem:v37+s25+$0x0] =	vst.idx.msk $0xffff, v14;
	v28 =	vadd.s32 v46, v21  }
0x49f: {  	s7 =	simm.s32 $0x15;
	v43 =	vshrl.u32 v7, $0x3;
	v7 =	vmul.f32 $1.250000000e-01, v52;
	v30 =	vadd.s32 v45, v19;
	v52 =	vld [tilespmem:$0x1FEB0]  }
0x4a0: {  	v57 =	vmov s7;
	v60 =	vld [tilespmem:s1+$0xFFFFFD30];
	[tilespmem:v26+s25+$0x0] =	vst.idx.msk $0xffff, v6  }
0x4a1: {  	v32 =	vshrl.u32 v57, $0x3;
	v57 =	vld [tilespmem:$0x1FE40]  }
0x4a2: {  	v31 =	vld [tilespmem:s1+$0xFFFFFD70];
	v6 =	vmul.f32 $1.250000000e-01, v27  }
0x4a3: {  	v62 =	vld [tilespmem:s1+$0xFFFFFDB0];
	v61 =	vadd.s32 v58, v18;
	[tilespmem:v28+s25+$0x0] =	vst.idx.msk $0xffff, v7  }
0x4a4: {  	v40 =	vld [tilespmem:s1+$0xFFFFFF30];
	v14 =	vadd.s32 v52, v17;
	[tilespmem:v30+s25+$0x0] =	vst.idx.msk $0xffff, v6  }
0x4a5: {  	v59 =	vadd.s32 v1, v22;
	v1 =	vld [tilespmem:$0x1FC20]  }
0x4a6: {  	v16 =	vld [tilespmem:s1+$0xFFFFFDF0];
	v7 =	vmul.f32 $1.250000000e-01, v60;
	v26 =	vadd.s32 v57, v15  }
0x4a7: {  	s11 =	simm.s32 $0x17;
	v27 =	vld [tilespmem:s1+$0xFFFFFE30];
	v28 =	vmul.f32 $1.250000000e-01, v31  }
0x4a8: {  	s28 =	simm.s32 $0x18;
	v29 =	vmov s11;
	s11 =	simm.s32 $0x1C;
	v60 =	vld [tilespmem:s1+$0xFFFFFE70];
	[tilespmem:v61+s25+$0x0] =	vst.idx.msk $0xffff, v7  }
0x4a9: {  	s31 =	simm.s32 $0x19;
	v51 =	vmov s11;
	v34 =	vmov s28;
	s28 =	simm.s32 $0x1D;
	v31 =	vld [tilespmem:s1+$0xFFFFFEB0];
	v61 =	vmul.f32 $1.250000000e-01, v62;
	[tilespmem:v14+s25+$0x0] =	vst.idx.msk $0xffff, v28  }
0x4aa: {  	v35 =	vmov s31;
	v3 =	vmov s28;
	v62 =	vld [tilespmem:s1+$0xFFFFFEF0];
	[tilespmem:$0x1FAB0] =	vst v51;
	v30 =	vadd.s32 v1, v49  }
0x4ab: {  	s8 =	simm.s32 $0x1B;
	s31 =	simm.s32 $0x1E;
	v9 =	vshrl.u32 v35, $0x3;
	v35 =	vadd.s32 v44, v53;
	v14 =	vmul.f32 $1.250000000e-01, v16;
	[tilespmem:v26+s25+$0x0] =	vst.idx.msk $0xffff, v61  }
0x4ac: {  	v33 =	vadd.s32 v45, v11;
	v38 =	vmov s8;
	v4 =	vmov s31;
	v41 =	vld [tilespmem:s1+$0xFFFFFF70];
	[tilespmem:$0x1FAC0] =	vst v3  }
0x4ad: {  	v7 =	vshrl.u32 v38, $0x3;
	v38 =	vadd.s32 v46, v54;
	v26 =	vmul.f32 $1.250000000e-01, v27;
	[tilespmem:v59+s25+$0x0] =	vst.idx.msk $0xffff, v14  }
0x4ae: {  	v28 =	vshrl.u32 v51, $0x3;
	v51 =	vmul.f32 $1.250000000e-01, v60;
	v59 =	vadd.s32 v58, v12;
	v60 =	vld [tilespmem:s1+$0xFFFFFFB0];
	[tilespmem:$0x1FAD0] =	vst v4  }
0x4af: {  	v62 =	vmul.f32 $1.250000000e-01, v62;
	[tilespmem:v30+s25+$0x0] =	vst.idx.msk $0xffff, v26  }
0x4b0: {  	v26 =	vmul.f32 $1.250000000e-01, v31;
	[tilespmem:v35+s25+$0x0] =	vst.idx.msk $0xffff, v51  }
0x4b1: {  	v40 =	vmul.f32 $1.250000000e-01, v40;
	[tilespmem:v33+s25+$0x0] =	vst.idx.msk $0xffff, v62  }
0x4b2: {  	v61 =	vld [tilespmem:s1+$0xFFFFFC30];
	[tilespmem:v38+s25+$0x0] =	vst.idx.msk $0xffff, v26  }
0x4b3: {  	v30 =	vadd.s32 v52, v10;
	v52 =	vld [tilespmem:$0x1FEA0];
	[tilespmem:v59+s25+$0x0] =	vst.idx.msk $0xffff, v40  }
0x4b4: {  	v25 =	vshrl.u32 v25, $0x3;
	v35 =	vadd.s32 v57, v13;
	v57 =	vld [tilespmem:$0x1FE70]  }
0x4b5: {  	v39 =	vshll.u32 v25, v0;
	v25 =	vadd.s32 v1, v2  }
0x4b6: {  	s7 =	simm.s32 $0x1A  }
0x4b7: {  	v36 =	vmov s7;
	v37 =	vshll.u32 v24, v0;
	v31 =	vld [tilespmem:s1+$0xFFFFFC80];
	v51 =	vmul.f32 $1.250000000e-01, v41  }
0x4b8: {  	v6 =	vshrl.u32 v36, $0x3;
	v36 =	vshll.u32 v23, v0;
	v23 =	vmul.f32 $1.250000000e-01, v61  }
0x4b9: {  	v24 =	vld [tilespmem:s1+$0xFFFFFD00];
	[tilespmem:v30+s25+$0x0] =	vst.idx.msk $0xffff, v51;
	v20 =	vadd.s32 v52, v20;
	v58 =	vadd.s32 v57, v21;
	v21 =	vmul.f32 $1.250000000e-01, v60  }
0x4ba: {  	v1 =	vld [tilespmem:$0x1FE80];
	[tilespmem:v25+s25+$0x0] =	vst.idx.msk $0xffff, v23  }
0x4bb: {  	v26 =	vld [tilespmem:s1+$0xFFFFFCC0];
	[tilespmem:v35+s25+$0x0] =	vst.idx.msk $0xffff, v21  }
0x4bc: {  	v30 =	vmul.f32 $1.250000000e-01, v31;
	v51 =	vld [tilespmem:$0x1FCA0];
	_ =	sdelay $0x1  }
0x4bd: {  	v19 =	vadd.s32 v56, v19;
	v59 =	vld [tilespmem:s1+$0xFFFFFD40];
	[tilespmem:v20+s25+$0x0] =	vst.idx.msk $0xffff, v30  }
0x4be: {  	v61 =	vadd.s32 v1, v18;
	v1 =	vld [tilespmem:$0x1FE50]  }
0x4bf: {  	v62 =	vld [tilespmem:s1+$0xFFFFFDC0];
	v18 =	vmul.f32 $1.250000000e-01, v26  }
0x4c0: {  	v60 =	vld [tilespmem:s1+$0xFFFFFD80];
	v23 =	vadd.s32 v51, v17;
	v17 =	vmul.f32 $1.250000000e-01, v24  }
0x4c1: {  	v25 =	vadd.s32 v55, v22;
	v22 =	vld [tilespmem:s1+$0xFFFFFE80];
	[tilespmem:v58+s25+$0x0] =	vst.idx.msk $0xffff, v18  }
0x4c2: {  	v26 =	vld [tilespmem:s1+$0xFFFFFE00];
	[tilespmem:v19+s25+$0x0] =	vst.idx.msk $0xffff, v17  }
0x4c3: {  	v29 =	vshrl.u32 v29, $0x3;
	v40 =	vadd.s32 v1, v15;
	v15 =	vmul.f32 $1.250000000e-01, v59;
	v17 =	vld [tilespmem:$0x1FC30]  }
0x4c4: {  	v29 =	vshll.u32 v29, v0;
	v8 =	vshrl.u32 v34, $0x3;
	v34 =	vshll.u32 v32, v0;
	v21 =	vld [tilespmem:s1+$0xFFFFFE40];
	[tilespmem:$0x1FAE0] =	vst v49  }
0x4c5: {  	v32 =	vshll.u32 v8, v0;
	v16 =	vshrl.u32 v4, $0x3;
	v20 =	vmul.f32 $1.250000000e-01, v60;
	[tilespmem:v61+s25+$0x0] =	vst.idx.msk $0xffff, v15  }
0x4c6: {  	v27 =	vshrl.u32 v3, $0x3;
	v14 =	vbroadcast v5, $0x0;
	v33 =	vshll.u32 v7, v0;
	v18 =	vld [tilespmem:s1+$0xFFFFFEC0];
	[tilespmem:$0x1FAF0] =	vst v53  }
0x4c7: {  	v38 =	vshll.u32 v42, v0;
	v31 =	vshll.u32 v6, v0;
	v41 =	vmul.f32 $1.250000000e-01, v62;
	[tilespmem:v23+s25+$0x0] =	vst.idx.msk $0xffff, v20  }
0x4c8: {  	v35 =	vshll.u32 v43, v0;
	v30 =	vshll.u32 v9, v0;
	v24 =	vadd.s32 v17, v49;
	v17 =	vld [tilespmem:s1+$0xFFFFFF00];
	[tilespmem:$0x1FB00] =	vst v54  }
0x4c9: {  	s0 =	simm.s32 $0x20;
	s8 =	simm.s32 $0x1F;
	v26 =	vmul.f32 $1.250000000e-01, v26;
	v19 =	vadd.s32 v52, v53;
	v23 =	vadd.s32 v57, v54;
	v15 =	vmovc v2;
	v20 =	vld [tilespmem:s1+$0xFFFFFF40]  }
.LBB2_16:
0x4ca: {  	v58 =	vld [tilespmem:$0x1FFB0]  }
0x4cb: {  	v49 =	vld [tilespmem:s1+$0xFFFFFF80]  }
0x4cc: {  	v62 =	vld [tilespmem:$0x1FE80]  }
0x4cd: {  	v53 =	vld [tilespmem:s1+$0xFFFFFC40]  }
0x4ce: {  	v1 =	vld [tilespmem:$0x1FE50]  }
0x4cf: {  	v45 =	vld [tilespmem:$0x1FEE0]  }
0x4d0: {  	v43 =	vld [tilespmem:$0x1FC00]  }
0x4d1: {  	v44 =	vld [tilespmem:$0x1FC60]  }
0x4d2: {  	v46 =	vld [tilespmem:$0x1FF00]  }
0x4d3: {  	v3 =	vld [tilespmem:$0x1FF20]  }
0x4d4: {  	v4 =	vld [tilespmem:$0x1FC90]  }
0x4d5: {  	[tilespmem:v25+s25+$0x0] =	vst.idx.msk $0xffff, v26;
	v25 =	vld [tilespmem:s1+$0xFFFFFFC0];
	s1 =	sadd.s32 $0x400, s1  }
0x4d6: {  	v55 =	vld [tilespmem:s1+$0xFFFFFC90]  }
0x4d7: {  	v42 =	vmov s8;
	v56 =	vld [tilespmem:s1+$0xFFFFFCD0];
	v22 =	vmul.f32 $1.250000000e-01, v22  }
0x4d8: {  	[tilespmem:v40+s25+$0x0] =	vst.idx.msk $0xffff, v41;
	v52 =	vshrl.u32 v42, $0x3;
	v60 =	vld [tilespmem:s1+$0xFFFFFD50];
	v21 =	vmul.f32 $1.250000000e-01, v21  }
0x4d9: {  	v26 =	vshll.u32 v52, v0;
	v11 =	vadd.s32 v58, v11;
	[tilespmem:v19+s25+$0x0] =	vst.idx.msk $0xffff, v22;
	v19 =	vmul.f32 $1.250000000e-01, v17;
	v17 =	vld [tilespmem:$0x1FC30]  }
0x4da: {  	v40 =	vbroadcast v26, $0x0;
	v12 =	vadd.s32 v62, v12;
	[tilespmem:v24+s25+$0x0] =	vst.idx.msk $0xffff, v21;
	v21 =	vld [tilespmem:s1+$0xFFFFFFD0]  }
0x4db: {  	v10 =	vadd.s32 v51, v10;
	v51 =	vld [tilespmem:s1+$0xFFFFFD90];
	v18 =	vmul.f32 $1.250000000e-01, v18  }
0x4dc: {  	v52 =	vld [tilespmem:$0x1FFD0];
	v54 =	vadd.s32 v45, v40  }
0x4dd: {  	v13 =	vadd.s32 v1, v13;
	v24 =	vld [tilespmem:s1+$0xFFFFFC10];
	[tilespmem:v23+s25+$0x0] =	vst.idx.msk $0xffff, v18;
	v18 =	vmul.f32 $1.250000000e-01, v20  }
0x4de: {  	v23 =	vld [tilespmem:s1+$0xFFFFFC50];
	[tilespmem:v11+s25+$0x0] =	vst.idx.msk $0xffff, v19;
	v11 =	vmul.f32 $1.250000000e-01, v49;
	v26 =	vadd.s32 v17, v15;
	v17 =	vbroadcast v39, $0x0;
	v15 =	vmovc v14  }
0x4df: {  	v22 =	vbroadcast v37, $0x0;
	[tilespmem:v12+s25+$0x0] =	vst.idx.msk $0xffff, v18;
	v49 =	vld [tilespmem:$0x1FFC0];
	v59 =	vmul.f32 $1.250000000e-01, v21;
	v14 =	vadd.s32 v43, v15  }
0x4e0: {  	v57 =	vmul.f32 $1.250000000e-01, v53;
	v12 =	vmul.f32 $1.250000000e-01, v25;
	[tilespmem:v10+s25+$0x0] =	vst.idx.msk $0xffff, v11;
	v11 =	vld [tilespmem:s1+$0xFFFFFD10];
	v25 =	vadd.s32 v48, v17  }
0x4e1: {  	v20 =	vbroadcast v34, $0x0;
	v18 =	vbroadcast v38, $0x0;
	v10 =	vadd.s32 v44, v22;
	[tilespmem:v54+s25+$0x0] =	vst.idx.msk $0xffff, v59;
	v59 =	vld [tilespmem:s1+$0xFFFFFE90]  }
0x4e2: {  	[tilespmem:v13+s25+$0x0] =	vst.idx.msk $0xffff, v12;
	v12 =	vmul.f32 $1.250000000e-01, v24;
	v24 =	vbroadcast v32, $0x0;
	v53 =	vld [tilespmem:s1+$0xFFFFFFE0]  }
0x4e3: {  	v19 =	vbroadcast v36, $0x0;
	v23 =	vmul.f32 $1.250000000e-01, v23;
	v13 =	vadd.s32 v47, v18;
	[tilespmem:v26+s25+$0x0] =	vst.idx.msk $0xffff, v57;
	v57 =	vld [tilespmem:s1+$0xFFFFFE50]  }
0x4e4: {  	v26 =	vbroadcast v30, $0x0;
	v30 =	vadd.s32 v43, v24;
	v43 =	vld [tilespmem:s1+$0xFFFFFF10];
	[tilespmem:v14+s25+$0x0] =	vst.idx.msk $0xffff, v12;
	v12 =	vmul.f32 $1.250000000e-01, v55  }
0x4e5: {  	v28 =	vshll.u32 v28, v0;
	v55 =	vld [tilespmem:s1+$0xFFFFFDD0];
	[tilespmem:v25+s25+$0x0] =	vst.idx.msk $0xffff, v23;
	v23 =	vmul.f32 $1.250000000e-01, v56;
	v25 =	vbroadcast v29, $0x0  }
0x4e6: {  	v61 =	vadd.s32 v49, v19;
	v29 =	vld [tilespmem:s1+$0xFFFFFE10];
	[tilespmem:v10+s25+$0x0] =	vst.idx.msk $0xffff, v12;
	v10 =	vmul.f32 $1.250000000e-01, v11;
	v11 =	vmul.f32 $1.250000000e-01, v60  }
0x4e7: {  	v14 =	vadd.s32 v52, v20;
	v60 =	vmul.f32 $1.250000000e-01, v53;
	v12 =	vbroadcast v28, $0x0;
	v53 =	vld [tilespmem:$0x1FC10]  }
0x4e8: {  	v21 =	vbroadcast v35, $0x0;
	v56 =	vadd.s32 v46, v40;
	[tilespmem:v13+s25+$0x0] =	vst.idx.msk $0xffff, v23;
	v23 =	vbroadcast v31, $0x0;
	v31 =	vld [tilespmem:s1+$0xFFFFFED0]  }
0x4e9: {  	v32 =	vadd.s32 v49, v12;
	v49 =	vld [tilespmem:$0x1FC70]  }
0x4ea: {  	v54 =	vadd.s32 v63, v21;
	v42 =	vadd.s32 v44, v23;
	v44 =	vld [tilespmem:s1+$0xFFFFFF50]  }
0x4eb: {  	v13 =	vadd.s32 v45, v25;
	[tilespmem:v61+s25+$0x0] =	vst.idx.msk $0xffff, v10;
	v61 =	vmul.f32 $1.250000000e-01, v55;
	v55 =	vld [tilespmem:$0x1FCB0]  }
0x4ec: {  	[tilespmem:v14+s25+$0x0] =	vst.idx.msk $0xffff, v11;
	v14 =	vadd.s32 v48, v26;
	v48 =	vld [tilespmem:$0x1FC40]  }
0x4ed: {  	v10 =	vmul.f32 $1.250000000e-01, v51;
	v11 =	vbroadcast v33, $0x0;
	[tilespmem:v56+s25+$0x0] =	vst.idx.msk $0xffff, v60;
	v56 =	vld [tilespmem:s1+$0xFFFFFCA0]  }
0x4ee: {  	v27 =	vshll.u32 v27, v0;
	v60 =	vld [tilespmem:s1+$0xFFFFFCE0]  }
0x4ef: {  	[tilespmem:v54+s25+$0x0] =	vst.idx.msk $0xffff, v10;
	v28 =	vmul.f32 $1.250000000e-01, v29;
	v10 =	vbroadcast v27, $0x0;
	v29 =	vadd.s32 v47, v11;
	v47 =	vld [tilespmem:s1+$0xFFFFFC60]  }
0x4f0: {  	v27 =	vmul.f32 $1.250000000e-01, v57;
	[tilespmem:v13+s25+$0x0] =	vst.idx.msk $0xffff, v61;
	v13 =	vshll.u32 v16, v0;
	v16 =	vld [tilespmem:s1+$0xFFFFFFF0]  }
0x4f1: {  	[tilespmem:v30+s25+$0x0] =	vst.idx.msk $0xffff, v28;
	v28 =	vmul.f32 $1.250000000e-01, v59;
	v30 =	vadd.s32 v52, v10;
	v61 =	vld [tilespmem:s1+$0xFFFFFF90]  }
0x4f2: {  	v54 =	vld [tilespmem:$0x1FFF0];
	v13 =	vbroadcast v13, $0x0;
	[tilespmem:v14+s25+$0x0] =	vst.idx.msk $0xffff, v27;
	v14 =	vmul.f32 $1.250000000e-01, v31;
	v27 =	vadd.s32 v55, v40  }
0x4f3: {  	v51 =	vld [tilespmem:s1+$0xFFFFFDA0];
	[tilespmem:v42+s25+$0x0] =	vst.idx.msk $0xffff, v28;
	v28 =	vmul.f32 $1.250000000e-01, v43;
	v59 =	vadd.s32 v48, v17  }
0x4f4: {  	v52 =	vld [tilespmem:$0x1FC80];
	v57 =	vadd.s32 v63, v13;
	[tilespmem:v29+s25+$0x0] =	vst.idx.msk $0xffff, v14;
	v14 =	vmul.f32 $1.250000000e-01, v44  }
0x4f5: {  	v42 =	vld [tilespmem:s1+$0xFFFFFD20];
	[tilespmem:v32+s25+$0x0] =	vst.idx.msk $0xffff, v28;
	v16 =	vmul.f32 $1.250000000e-01, v16  }
0x4f6: {  	v43 =	vld [tilespmem:s1+$0xFFFFFD60];
	[tilespmem:v30+s25+$0x0] =	vst.idx.msk $0xffff, v14;
	v14 =	vmul.f32 $1.250000000e-01, v61;
	v61 =	vmul.f32 $1.250000000e-01, v47  }
0x4f7: {  	v38 =	vadd.s32 v49, v22;
	[tilespmem:v27+s25+$0x0] =	vst.idx.msk $0xffff, v16;
	v27 =	vmul.f32 $1.250000000e-01, v56;
	v56 =	vld [tilespmem:$0x1FEC0]  }
0x4f8: {  	v32 =	vadd.s32 v50, v18;
	[tilespmem:v59+s25+$0x0] =	vst.idx.msk $0xffff, v61;
	v59 =	vld [tilespmem:$0x1FED0]  }
0x4f9: {  	v34 =	vadd.s32 v54, v20;
	[tilespmem:v57+s25+$0x0] =	vst.idx.msk $0xffff, v14;
	v14 =	vld [tilespmem:s1+$0x0]  }
0x4fa: {  	v35 =	vadd.s32 v52, v19;
	v61 =	vld [tilespmem:s1+$0xFFFFFDE0]  }
0x4fb: {  	v60 =	vmul.f32 $1.250000000e-01, v60;
	v57 =	vmul.f32 $1.250000000e-01, v43;
	v43 =	vld [tilespmem:s1+$0xFFFFFE60]  }
0x4fc: {  	[tilespmem:v38+s25+$0x0] =	vst.idx.msk $0xffff, v27;
	v38 =	vld [tilespmem:s1+$0xFFFFFE20];
	v39 =	vadd.s32 v56, v21  }
0x4fd: {  	v27 =	vmul.f32 $1.250000000e-01, v42;
	[tilespmem:v32+s25+$0x0] =	vst.idx.msk $0xffff, v60;
	v60 =	vld [tilespmem:s1+$0xFFFFFEA0];
	v40 =	vadd.s32 v59, v40  }
0x4fe: {  	v33 =	vadd.s32 v46, v25;
	v44 =	vld [tilespmem:s1+$0xFFFFFC70];
	[tilespmem:v34+s25+$0x0] =	vst.idx.msk $0xffff, v57  }
0x4ff: {  	v34 =	vld [tilespmem:s1+$0xFFFFFEE0];
	[tilespmem:v35+s25+$0x0] =	vst.idx.msk $0xffff, v27;
	v27 =	vmul.f32 $1.250000000e-01, v51  }
0x500: {  	v32 =	vadd.s32 v48, v26;
	v57 =	vld [tilespmem:s1+$0xFFFFFF20];
	v14 =	vmul.f32 $1.250000000e-01, v14  }
0x501: {  	s7 =	sadd.s32 $0x1, s0;
	v45 =	vmov s0;
	v41 =	vld [tilespmem:s1+$0xFFFFFCF0];
	v35 =	vadd.s32 v53, v24;
	[tilespmem:v39+s25+$0x0] =	vst.idx.msk $0xffff, v27;
	v27 =	vmul.f32 $1.250000000e-01, v61  }
0x502: {  	s8 =	sadd.s32 $0x3, s0;
	v37 =	vmov s7;
	v31 =	vshrl.u32 v45, $0x3;
	v51 =	vld [tilespmem:s1+$0xFFFFFF60];
	v61 =	vadd.s32 v49, v23;
	[tilespmem:v40+s25+$0x0] =	vst.idx.msk $0xffff, v14  }
0x503: {  	v28 =	vmov s8;
	v50 =	vadd.s32 v50, v11;
	v40 =	vld [tilespmem:s1+$0xFFFFFFA0];
	[tilespmem:v33+s25+$0x0] =	vst.idx.msk $0xffff, v27;
	v27 =	vmul.f32 $1.250000000e-01, v43  }
0x504: {  	v38 =	vmul.f32 $1.250000000e-01, v38;
	v60 =	vmul.f32 $1.250000000e-01, v60;
	v33 =	vadd.s32 v52, v12;
	v52 =	vld [tilespmem:s1+$0xFFFFFC20]  }
0x505: {  	s28 =	sadd.s32 $0x5, s0;
	s8 =	sadd.s32 $0x7, s0;
	[tilespmem:v32+s25+$0x0] =	vst.idx.msk $0xffff, v27;
	v27 =	vmul.f32 $1.250000000e-01, v34;
	v34 =	vshrl.u32 v37, $0x3;
	v37 =	vadd.s32 v53, v15;
	v53 =	vld [tilespmem:s1+$0xFFFFFCB0]  }
0x506: {  	v45 =	vmov s8;
	v16 =	vmov s28;
	s28 =	sadd.s32 $0x9, s0;
	[tilespmem:v35+s25+$0x0] =	vst.idx.msk $0xffff, v38;
	v32 =	vadd.s32 v56, v13;
	v56 =	vld [tilespmem:$0x1FC50]  }
0x507: {  	v46 =	vmov s28;
	v38 =	vadd.s32 v54, v10;
	[tilespmem:v61+s25+$0x0] =	vst.idx.msk $0xffff, v60;
	v61 =	vmul.f32 $1.250000000e-01, v57;
	v57 =	vld [tilespmem:$0x1FFE0]  }
0x508: {  	v54 =	vshrl.u32 v16, $0x3;
	v16 =	vmul.f32 $1.250000000e-01, v44;
	[tilespmem:v50+s25+$0x0] =	vst.idx.msk $0xffff, v27;
	v27 =	vmul.f32 $1.250000000e-01, v51;
	v51 =	vld [tilespmem:s1+$0xFFFFFD30]  }
0x509: {  	v44 =	vshrl.u32 v45, $0x3;
	v45 =	vshrl.u32 v46, $0x3;
	v46 =	vld [tilespmem:s1+$0xFFFFFEB0];
	[tilespmem:v33+s25+$0x0] =	vst.idx.msk $0xffff, v61;
	v61 =	vmul.f32 $1.250000000e-01, v52  }
0x50a: {  	v60 =	vmul.f32 $1.250000000e-01, v40;
	v52 =	vld [tilespmem:s1+$0xFFFFFD70]  }
0x50b: {  	s31 =	sadd.s32 $0x2, s0;
	v39 =	vadd.s32 v56, v17;
	[tilespmem:v37+s25+$0x0] =	vst.idx.msk $0xffff, v61;
	v61 =	vld [tilespmem:$0x1FEB0]  }
0x50c: {  	v29 =	vmov s31;
	[tilespmem:v32+s25+$0x0] =	vst.idx.msk $0xffff, v60;
	v60 =	vld [tilespmem:$0x1FE40]  }
0x50d: {  	s31 =	sadd.s32 $0x6, s0;
	v50 =	vshrl.u32 v28, $0x3;
	v33 =	vadd.s32 v55, v25;
	v55 =	vld [tilespmem:$0x1FC20];
	v28 =	vadd.s32 v57, v22  }
0x50e: {  	s11 =	sadd.s32 $0x4, s0;
	v36 =	vmov s31;
	v40 =	vadd.s32 v3, v18;
	[tilespmem:v38+s25+$0x0] =	vst.idx.msk $0xffff, v27;
	v38 =	vld [tilespmem:s1+$0xFFFFFDB0]  }
0x50f: {  	v30 =	vmov s11;
	s11 =	sadd.s32 $0x8, s0;
	v27 =	vadd.s32 v4, v19;
	v32 =	vshrl.u32 v36, $0x3;
	v36 =	vld [tilespmem:s1+$0xFFFFFDF0]  }
0x510: {  	v42 =	vmov s11;
	v53 =	vmul.f32 $1.250000000e-01, v53;
	v35 =	vadd.s32 v61, v20;
	[tilespmem:v39+s25+$0x0] =	vst.idx.msk $0xffff, v16;
	v39 =	vld [tilespmem:s1+$0xFFFFFE30]  }
0x511: {  	v16 =	vmul.f32 $1.250000000e-01, v41;
	v37 =	vadd.s32 v60, v21;
	v41 =	vshrl.u32 v42, $0x3;
	v42 =	vld [tilespmem:s1+$0xFFFFFE70]  }
0x512: {  	v31 =	vshll.u32 v31, v0;
	s31 =	sadd.s32 $0xA, s0;
	v29 =	vshrl.u32 v29, $0x3;
	s11 =	sadd.s32 $0xC, s0;
	[tilespmem:v28+s25+$0x0] =	vst.idx.msk $0xffff, v53;
	v28 =	vmul.f32 $1.250000000e-01, v51;
	v51 =	vld [tilespmem:s1+$0xFFFFFEF0]  }
0x513: {  	v47 =	vmov s31;
	s28 =	sadd.s32 $0xD, s0;
	v49 =	vmov s11;
	v53 =	vld [tilespmem:s1+$0xFFFFFFB0];
	[tilespmem:v40+s25+$0x0] =	vst.idx.msk $0xffff, v16;
	v16 =	vmul.f32 $1.250000000e-01, v52  }
0x514: {  	s31 =	sadd.s32 $0xE, s0;
	v14 =	vmov s28;
	v40 =	vadd.s32 v55, v24;
	v52 =	vld [tilespmem:s1+$0xFFFFFF70];
	[tilespmem:v27+s25+$0x0] =	vst.idx.msk $0xffff, v28;
	v27 =	vmul.f32 $1.250000000e-01, v38  }
0x515: {  	v43 =	vmov s31;
	v28 =	vshrl.u32 v49, $0x3;
	[tilespmem:v35+s25+$0x0] =	vst.idx.msk $0xffff, v16;
	v16 =	vmul.f32 $1.250000000e-01, v36;
	v36 =	vld [tilespmem:s1+$0xFFFFFF30]  }
0x516: {  	v35 =	vadd.s32 v57, v23;
	[tilespmem:v37+s25+$0x0] =	vst.idx.msk $0xffff, v27;
	v27 =	vshrl.u32 v14, $0x3;
	v14 =	vbroadcast v31, $0x0;
	v31 =	vld [tilespmem:s1+$0xFFFFFC80]  }
0x517: {  	v49 =	vadd.s32 v3, v11;
	v57 =	vmul.f32 $1.250000000e-01, v39;
	[tilespmem:v33+s25+$0x0] =	vst.idx.msk $0xffff, v16;
	v16 =	vshrl.u32 v43, $0x3;
	v43 =	vld [tilespmem:s1+$0xFFFFFC30]  }
0x518: {  	v38 =	vadd.s32 v56, v26;
	v33 =	vmul.f32 $1.250000000e-01, v51;
	v51 =	vadd.s32 v55, v15;
	v55 =	vld [tilespmem:s1+$0xFFFFFCC0]  }
0x519: {  	v37 =	vshll.u32 v29, v0;
	[tilespmem:v40+s25+$0x0] =	vst.idx.msk $0xffff, v57;
	v57 =	vmul.f32 $1.250000000e-01, v46;
	v29 =	vmul.f32 $1.250000000e-01, v52;
	v52 =	vld [tilespmem:$0x1FE70]  }
0x51a: {  	v46 =	vadd.s32 v60, v13;
	v60 =	vld [tilespmem:s1+$0xFFFFFD80]  }
0x51b: {  	v56 =	vmul.f32 $1.250000000e-01, v42;
	[tilespmem:v35+s25+$0x0] =	vst.idx.msk $0xffff, v57;
	v57 =	vld [tilespmem:$0x1FEA0]  }
0x51c: {  	v30 =	vshrl.u32 v30, $0x3;
	v42 =	vadd.s32 v4, v12;
	v40 =	vadd.s32 v61, v10;
	[tilespmem:v49+s25+$0x0] =	vst.idx.msk $0xffff, v33;
	v33 =	vld [tilespmem:s1+$0xFFFFFD40]  }
0x51d: {  	[tilespmem:v38+s25+$0x0] =	vst.idx.msk $0xffff, v56;
	v56 =	vld [tilespmem:s1+$0xFFFFFD00];
	v61 =	vmul.f32 $1.250000000e-01, v36;
	v36 =	vshll.u32 v30, v0;
	v30 =	vmul.f32 $1.250000000e-01, v43  }
0x51e: {  	v19 =	vadd.s32 v62, v19;
	v38 =	vshll.u32 v50, v0;
	v50 =	vld [tilespmem:$0x1FF10]  }
0x51f: {  	v22 =	vadd.s32 v52, v22;
	[tilespmem:v51+s25+$0x0] =	vst.idx.msk $0xffff, v30;
	v51 =	vld [tilespmem:$0x1FCA0]  }
0x520: {  	s8 =	sadd.s32 $0xB, s0;
	v62 =	vld [tilespmem:s1+$0xFFFFFE00];
	v17 =	vadd.s32 v57, v17  }
0x521: {  	v47 =	vshrl.u32 v47, $0x3;
	v48 =	vmov s8;
	v49 =	vld [tilespmem:$0x1FC30];
	[tilespmem:v42+s25+$0x0] =	vst.idx.msk $0xffff, v61;
	v33 =	vmul.f32 $1.250000000e-01, v33  }
0x522: {  	v48 =	vshrl.u32 v48, $0x3;
	v18 =	vadd.s32 v58, v18;
	[tilespmem:v40+s25+$0x0] =	vst.idx.msk $0xffff, v29;
	v61 =	vld [tilespmem:s1+$0xFFFFFDC0];
	v30 =	vmul.f32 $1.250000000e-01, v55  }
0x523: {  	v25 =	vadd.s32 v59, v25;
	v31 =	vmul.f32 $1.250000000e-01, v31;
	v40 =	vadd.s32 v1, v21;
	v21 =	vld [tilespmem:s1+$0xFFFFFE40];
	[tilespmem:v19+s25+$0x0] =	vst.idx.msk $0xffff, v33  }
0x524: {  	p0 =	slt.u32 s0, $0x70;
	v53 =	vmul.f32 $1.250000000e-01, v53;
	v33 =	vshll.u32 v48, v0;
	v48 =	vld [tilespmem:$0x1FE60];
	[tilespmem:v22+s25+$0x0] =	vst.idx.msk $0xffff, v30;
	v20 =	vadd.s32 v51, v20  }
.Ltmp8:
0x525: {  	v39 =	vshll.u32 v34, v0;
	v34 =	vshll.u32 v54, v0;
	v22 =	vld [tilespmem:s1+$0xFFFFFE80];
	[tilespmem:v17+s25+$0x0] =	vst.idx.msk $0xffff, v31;
	v17 =	vmul.f32 $1.250000000e-01, v56;
	(pc) =	sbr.rel @p0 .LBB2_16-.Ltmp8, $4  }
0x526: {  	v35 =	vshll.u32 v32, v0;
	[tilespmem:v46+s25+$0x0] =	vst.idx.msk $0xffff, v53;
	v31 =	vshll.u32 v47, v0;
	v47 =	vld [tilespmem:$0x1FEF0]  }
0x527: {  	v32 =	vshll.u32 v41, v0;
	v29 =	vshll.u32 v44, v0;
	v42 =	vmul.f32 $1.250000000e-01, v60;
	[tilespmem:v18+s25+$0x0] =	vst.idx.msk $0xffff, v17;
	v18 =	vld [tilespmem:s1+$0xFFFFFEC0]  }
0x528: {  	v23 =	vadd.s32 v52, v23;
	v24 =	vadd.s32 v49, v24;
	v19 =	vadd.s32 v57, v26;
	v17 =	vld [tilespmem:s1+$0xFFFFFF00]  }
0x529: {  	s8 =	sadd.s32 $0xF, s0;
	s0 =	sadd.s32 $0x10, s0;
	v26 =	vmul.f32 $1.250000000e-01, v62;
	v30 =	vshll.u32 v45, v0;
	v41 =	vmul.f32 $1.250000000e-01, v61;
	[tilespmem:v20+s25+$0x0] =	vst.idx.msk $0xffff, v42;
	v20 =	vld [tilespmem:s1+$0xFFFFFF40]  }
0x52a: {  	_ =	sdelay $0x3  }
0x52b: {  	v21 =	vmul.f32 $1.250000000e-01, v21;
	[tilespmem:v40+s25+$0x0] =	vst.idx.msk $0xffff, v41  }
0x52c: {  	v22 =	vmul.f32 $1.250000000e-01, v22;
	v44 =	vld [tilespmem:$0x1FFB0];
	[tilespmem:v25+s25+$0x0] =	vst.idx.msk $0xffff, v26  }
0x52d: {  	v43 =	vld [tilespmem:$0x1FE80];
	[tilespmem:v24+s25+$0x0] =	vst.idx.msk $0xffff, v21  }
0x52e: {  	[tilespmem:v19+s25+$0x0] =	vst.idx.msk $0xffff, v22  }
0x52f: {  	v45 =	vld [tilespmem:$0x1FE50];
	_ =	sdelay $0x1  }
0x530: {  	v58 =	vld [tilespmem:s1+$0xFFFFFF80];
	v11 =	vadd.s32 v44, v11  }
0x531: {  	v60 =	vld [tilespmem:s1+$0xFFFFFFC0];
	v12 =	vadd.s32 v43, v12  }
0x532: {  	v62 =	vadd.s32 v51, v10;
	v18 =	vmul.f32 $1.250000000e-01, v18  }
0x533: {  	v10 =	vmul.f32 $1.250000000e-01, v17;
	v13 =	vadd.s32 v45, v13  }
0x534: {  	v61 =	vld [tilespmem:s1+$0xFFFFFC40];
	[tilespmem:v23+s25+$0x0] =	vst.idx.msk $0xffff, v18;
	v18 =	vmul.f32 $1.250000000e-01, v20  }
0x535: {  	v42 =	vld [tilespmem:$0x1FC30];
	v22 =	vmul.f32 $1.250000000e-01, v58;
	[tilespmem:v11+s25+$0x0] =	vst.idx.msk $0xffff, v10  }
0x536: {  	v57 =	vmov s8;
	v26 =	vmul.f32 $1.250000000e-01, v60;
	v1 =	vld [tilespmem:$0x1FEE0];
	[tilespmem:v12+s25+$0x0] =	vst.idx.msk $0xffff, v18  }
0x537: {  	s0 =	sadd.s32 $0x400, s1;
	v59 =	vshrl.u32 v57, $0x3;
	v10 =	vbroadcast v39, $0x0;
	v39 =	vld [tilespmem:$0x1FC00];
	[tilespmem:v62+s25+$0x0] =	vst.idx.msk $0xffff, v22  }
0x538: {  	v21 =	vshll.u32 v59, v0;
	v19 =	vld [tilespmem:s0+$0xFFFFFFD0];
	[tilespmem:v13+s25+$0x0] =	vst.idx.msk $0xffff, v26  }
0x539: {  	v40 =	vbroadcast v21, $0x0;
	v41 =	vld [tilespmem:$0x1FC60]  }
0x53a: {  	v17 =	vld [tilespmem:s0+$0xFFFFFC10];
	v15 =	vadd.s32 v42, v15  }
0x53b: {  	v20 =	vld [tilespmem:s0+$0xFFFFFC50];
	v21 =	vadd.s32 v1, v40  }
0x53c: {  	v49 =	vld [tilespmem:s0+$0xFFFFFC90];
	v11 =	vbroadcast v37, $0x0;
	v18 =	vadd.s32 v39, v14  }
0x53d: {  	v52 =	vld [tilespmem:s0+$0xFFFFFCD0];
	v24 =	vmul.f32 $1.250000000e-01, v61;
	v22 =	vadd.s32 v48, v10  }
0x53e: {  	v54 =	vld [tilespmem:s0+$0xFFFFFD10];
	v19 =	vmul.f32 $1.250000000e-01, v19;
	v53 =	vadd.s32 v41, v11  }
0x53f: {  	v58 =	vld [tilespmem:s0+$0xFFFFFD90];
	v55 =	vmul.f32 $1.250000000e-01, v17;
	v12 =	vbroadcast v38, $0x0;
	[tilespmem:v15+s25+$0x0] =	vst.idx.msk $0xffff, v24  }
0x540: {  	v20 =	vmul.f32 $1.250000000e-01, v20;
	v62 =	vld [tilespmem:s0+$0xFFFFFDD0];
	[tilespmem:v21+s25+$0x0] =	vst.idx.msk $0xffff, v19  }
0x541: {  	v17 =	vbroadcast v35, $0x0;
	v56 =	vadd.s32 v47, v12;
	v19 =	vmul.f32 $1.250000000e-01, v49;
	v3 =	vld [tilespmem:$0x1FFC0];
	[tilespmem:v18+s25+$0x0] =	vst.idx.msk $0xffff, v55  }
0x542: {  	v4 =	vld [tilespmem:$0x1FFD0];
	[tilespmem:v22+s25+$0x0] =	vst.idx.msk $0xffff, v20  }
0x543: {  	v61 =	vadd.s32 v63, v17;
	v26 =	vld [tilespmem:s0+$0xFFFFFE10];
	v18 =	vbroadcast v29, $0x0;
	[tilespmem:v53+s25+$0x0] =	vst.idx.msk $0xffff, v19  }
0x544: {  	v20 =	vmul.f32 $1.250000000e-01, v52;
	v19 =	vbroadcast v32, $0x0;
	v46 =	vld [tilespmem:$0x1FF00]  }
0x545: {  	v13 =	vbroadcast v36, $0x0;
	v53 =	vadd.s32 v1, v18  }
0x546: {  	v57 =	vld [tilespmem:s0+$0xFFFFFD50];
	v15 =	vbroadcast v34, $0x0;
	v55 =	vmul.f32 $1.250000000e-01, v58;
	[tilespmem:v56+s25+$0x0] =	vst.idx.msk $0xffff, v20;
	v56 =	vadd.s32 v39, v19  }
0x547: {  	v60 =	vld [tilespmem:s0+$0xFFFFFFE0];
	v22 =	vmul.f32 $1.250000000e-01, v54;
	v21 =	vadd.s32 v3, v13  }
0x548: {  	v54 =	vld [tilespmem:s0+$0xFFFFFE50];
	[tilespmem:v61+s25+$0x0] =	vst.idx.msk $0xffff, v55;
	v61 =	vmul.f32 $1.250000000e-01, v62;
	v20 =	vbroadcast v30, $0x0;
	v59 =	vadd.s32 v4, v15  }
0x549: {  	v26 =	vmul.f32 $1.250000000e-01, v26;
	v49 =	vadd.s32 v46, v40  }
0x54a: {  	v58 =	vadd.s32 v48, v20;
	[tilespmem:v53+s25+$0x0] =	vst.idx.msk $0xffff, v61  }
0x54b: {  	v52 =	vmul.f32 $1.250000000e-01, v57;
	[tilespmem:v56+s25+$0x0] =	vst.idx.msk $0xffff, v26  }
0x54c: {  	v57 =	vld [tilespmem:s0+$0xFFFFFE90];
	v60 =	vmul.f32 $1.250000000e-01, v60;
	[tilespmem:v21+s25+$0x0] =	vst.idx.msk $0xffff, v22;
	v21 =	vbroadcast v31, $0x0  }
0x54d: {  	v22 =	vbroadcast v33, $0x0;
	[tilespmem:v59+s25+$0x0] =	vst.idx.msk $0xffff, v52;
	v59 =	vld [tilespmem:s0+$0xFFFFFED0];
	v52 =	vmul.f32 $1.250000000e-01, v54  }
0x54e: {  	v62 =	vadd.s32 v41, v21;
	[tilespmem:v49+s25+$0x0] =	vst.idx.msk $0xffff, v60  }
0x54f: {  	v23 =	vshll.u32 v28, v0;
	v41 =	vld [tilespmem:s0+$0xFFFFFF10];
	v49 =	vadd.s32 v47, v22;
	[tilespmem:v58+s25+$0x0] =	vst.idx.msk $0xffff, v52  }
0x550: {  	v23 =	vbroadcast v23, $0x0;
	v47 =	vld [tilespmem:$0x1FCB0]  }
0x551: {  	v27 =	vshll.u32 v27, v0;
	v54 =	vmul.f32 $1.250000000e-01, v57  }
0x552: {  	v35 =	vld [tilespmem:s0+$0xFFFFFF50];
	v24 =	vbroadcast v27, $0x0;
	v53 =	vadd.s32 v3, v23;
	v58 =	vmul.f32 $1.250000000e-01, v59  }
0x553: {  	v32 =	vld [tilespmem:s0+$0xFFFFFFF0];
	[tilespmem:v62+s25+$0x0] =	vst.idx.msk $0xffff, v54  }
0x554: {  	v55 =	vadd.s32 v4, v24;
	v57 =	vld [tilespmem:s0+$0xFFFFFC60];
	[tilespmem:v49+s25+$0x0] =	vst.idx.msk $0xffff, v58  }
0x555: {  	v61 =	vmul.f32 $1.250000000e-01, v41;
	v59 =	vadd.s32 v47, v40;
	v39 =	vld [tilespmem:$0x1FC40]  }
0x556: {  	v16 =	vshll.u32 v16, v0;
	v56 =	vld [tilespmem:s0+$0xFFFFFF90]  }
0x557: {  	v16 =	vbroadcast v16, $0x0;
	v35 =	vmul.f32 $1.250000000e-01, v35;
	v60 =	vld [tilespmem:s0+$0xFFFFFCA0];
	[tilespmem:v53+s25+$0x0] =	vst.idx.msk $0xffff, v61  }
0x558: {  	v32 =	vmul.f32 $1.250000000e-01, v32;
	v41 =	vld [tilespmem:$0x1FC70]  }
0x559: {  	v62 =	vadd.s32 v63, v16;
	v49 =	vld [tilespmem:s0+$0xFFFFFCE0];
	[tilespmem:v55+s25+$0x0] =	vst.idx.msk $0xffff, v35  }
0x55a: {  	v25 =	vmul.f32 $1.250000000e-01, v57;
	v57 =	vld [tilespmem:s0+$0xFFFFFDA0];
	v63 =	vadd.s32 v39, v10;
	[tilespmem:v59+s25+$0x0] =	vst.idx.msk $0xffff, v32  }
0x55b: {  	v37 =	vld [tilespmem:$0x1FC80]  }
0x55c: {  	v36 =	vmul.f32 $1.250000000e-01, v56;
	v53 =	vld [tilespmem:s0+$0xFFFFFD20]  }
0x55d: {  	v55 =	vld [tilespmem:s0+$0xFFFFFD60];
	v52 =	vadd.s32 v41, v11  }
0x55e: {  	v59 =	vmul.f32 $1.250000000e-01, v49;
	v49 =	vld [tilespmem:s0+$0xFFFFFDE0];
	[tilespmem:v62+s25+$0x0] =	vst.idx.msk $0xffff, v36  }
0x55f: {  	v54 =	vadd.s32 v50, v12;
	v3 =	vld [tilespmem:$0x1FFF0];
	[tilespmem:v63+s25+$0x0] =	vst.idx.msk $0xffff, v25  }
0x560: {  	v26 =	vmul.f32 $1.250000000e-01, v60;
	v56 =	vadd.s32 v37, v13;
	v1 =	vld [tilespmem:$0x1FEC0]  }
0x561: {  	v36 =	vld [tilespmem:s0+$0x0]  }
0x562: {  	[tilespmem:v52+s25+$0x0] =	vst.idx.msk $0xffff, v26;
	v52 =	vmul.f32 $1.250000000e-01, v55;
	v55 =	vmul.f32 $1.250000000e-01, v57;
	v57 =	vld [tilespmem:s0+$0xFFFFFEA0]  }
0x563: {  	v60 =	vmul.f32 $1.250000000e-01, v53;
	v4 =	vld [tilespmem:$0x1FED0]  }
0x564: {  	v58 =	vadd.s32 v3, v15;
	[tilespmem:v54+s25+$0x0] =	vst.idx.msk $0xffff, v59;
	v54 =	vld [tilespmem:s0+$0xFFFFFE60]  }
0x565: {  	v59 =	vld [tilespmem:s0+$0xFFFFFEE0];
	v63 =	vadd.s32 v1, v17;
	[tilespmem:v56+s25+$0x0] =	vst.idx.msk $0xffff, v60  }
0x566: {  	v53 =	vadd.s32 v46, v18;
	v46 =	vadd.s32 v41, v21;
	v38 =	vld [tilespmem:$0x1FC10]  }
0x567: {  	v50 =	vadd.s32 v50, v22;
	v61 =	vld [tilespmem:s0+$0xFFFFFE20]  }
0x568: {  	v62 =	vadd.s32 v4, v40  }
0x569: {  	[tilespmem:v58+s25+$0x0] =	vst.idx.msk $0xffff, v52;
	v58 =	vadd.s32 v39, v20;
	v60 =	vmul.f32 $1.250000000e-01, v54;
	v54 =	vmul.f32 $1.250000000e-01, v57  }
0x56a: {  	v57 =	vmul.f32 $1.250000000e-01, v59;
	[tilespmem:v63+s25+$0x0] =	vst.idx.msk $0xffff, v55;
	v63 =	vmul.f32 $1.250000000e-01, v49;
	v49 =	vld [tilespmem:s0+$0xFFFFFF20]  }
0x56b: {  	v36 =	vmul.f32 $1.250000000e-01, v36;
	v52 =	vld [tilespmem:s0+$0xFFFFFF60];
	[tilespmem:v46+s25+$0x0] =	vst.idx.msk $0xffff, v54;
	v56 =	vadd.s32 v38, v19  }
0x56c: {  	v27 =	vmul.f32 $1.250000000e-01, v61;
	v61 =	vadd.s32 v37, v23;
	[tilespmem:v50+s25+$0x0] =	vst.idx.msk $0xffff, v57  }
0x56d: {  	v55 =	vadd.s32 v3, v24;
	[tilespmem:v62+s25+$0x0] =	vst.idx.msk $0xffff, v36  }
0x56e: {  	[tilespmem:v58+s25+$0x0] =	vst.idx.msk $0xffff, v60  }
0x56f: {  	v62 =	vld [tilespmem:s0+$0xFFFFFFA0];
	[tilespmem:v53+s25+$0x0] =	vst.idx.msk $0xffff, v63;
	v29 =	vmul.f32 $1.250000000e-01, v49  }
0x570: {  	v36 =	vmul.f32 $1.250000000e-01, v52;
	v53 =	vld [tilespmem:s0+$0xFFFFFC20];
	[tilespmem:v56+s25+$0x0] =	vst.idx.msk $0xffff, v27  }
0x571: {  	v58 =	vadd.s32 v1, v16;
	v59 =	vadd.s32 v38, v14;
	v38 =	vld [tilespmem:$0x1FC50];
	[tilespmem:v61+s25+$0x0] =	vst.idx.msk $0xffff, v29  }
0x572: {  	v39 =	vld [tilespmem:$0x1FFE0];
	[tilespmem:v55+s25+$0x0] =	vst.idx.msk $0xffff, v36  }
0x573: {  	v3 =	vld [tilespmem:$0x1FF20]  }
0x574: {  	v56 =	vld [tilespmem:s0+$0xFFFFFC70];
	v35 =	vmul.f32 $1.250000000e-01, v62  }
0x575: {  	v63 =	vld [tilespmem:s0+$0xFFFFFCB0]  }
0x576: {  	v49 =	vld [tilespmem:s0+$0xFFFFFCF0];
	[tilespmem:v58+s25+$0x0] =	vst.idx.msk $0xffff, v35;
	v46 =	vadd.s32 v38, v10  }
0x577: {  	v40 =	vmov v4;
	v4 =	vld [tilespmem:$0x1FC90];
	v50 =	vadd.s32 v39, v11  }
0x578: {  	v27 =	vmul.f32 $1.250000000e-01, v53;
	v60 =	vadd.s32 v3, v12  }
0x579: {  	v52 =	vld [tilespmem:s0+$0xFFFFFD30];
	v25 =	vmul.f32 $1.250000000e-01, v56  }
0x57a: {  	v61 =	vld [tilespmem:s0+$0xFFFFFD70];
	v54 =	vmul.f32 $1.250000000e-01, v63;
	[tilespmem:v59+s25+$0x0] =	vst.idx.msk $0xffff, v27  }
0x57b: {  	v57 =	vmul.f32 $1.250000000e-01, v49;
	v41 =	vld [tilespmem:$0x1FEB0];
	[tilespmem:v46+s25+$0x0] =	vst.idx.msk $0xffff, v25  }
0x57c: {  	v62 =	vadd.s32 v4, v13;
	v1 =	vld [tilespmem:$0x1FE40];
	[tilespmem:v50+s25+$0x0] =	vst.idx.msk $0xffff, v54  }
0x57d: {  	v56 =	vld [tilespmem:s0+$0xFFFFFDF0];
	[tilespmem:v60+s25+$0x0] =	vst.idx.msk $0xffff, v57  }
0x57e: {  	v37 =	vld [tilespmem:$0x1FC20]  }
0x57f: {  	v63 =	vmul.f32 $1.250000000e-01, v52;
	v52 =	vld [tilespmem:s0+$0xFFFFFEB0];
	v46 =	vadd.s32 v47, v18  }
0x580: {  	v53 =	vld [tilespmem:s0+$0xFFFFFDB0];
	v55 =	vadd.s32 v41, v15  }
0x581: {  	v59 =	vld [tilespmem:s0+$0xFFFFFE30];
	[tilespmem:v62+s25+$0x0] =	vst.idx.msk $0xffff, v63;
	v62 =	vadd.s32 v39, v21  }
0x582: {  	v49 =	vmul.f32 $1.250000000e-01, v61;
	v61 =	vmul.f32 $1.250000000e-01, v56;
	v47 =	vld [tilespmem:s0+$0xFFFFFE70];
	v58 =	vadd.s32 v1, v17  }
0x583: {  	v60 =	vld [tilespmem:s0+$0xFFFFFEF0];
	v50 =	vadd.s32 v37, v19  }
0x584: {  	v54 =	vadd.s32 v38, v20;
	v63 =	vld [tilespmem:s0+$0xFFFFFF30];
	[tilespmem:v46+s25+$0x0] =	vst.idx.msk $0xffff, v61;
	v46 =	vmul.f32 $1.250000000e-01, v52  }
0x585: {  	v53 =	vmul.f32 $1.250000000e-01, v53;
	v56 =	vadd.s32 v3, v22;
	[tilespmem:v55+s25+$0x0] =	vst.idx.msk $0xffff, v49  }
0x586: {  	v55 =	vmul.f32 $1.250000000e-01, v59;
	v59 =	vadd.s32 v4, v23;
	[tilespmem:v62+s25+$0x0] =	vst.idx.msk $0xffff, v46  }
0x587: {  	[tilespmem:v58+s25+$0x0] =	vst.idx.msk $0xffff, v53;
	v58 =	vmul.f32 $1.250000000e-01, v47  }
0x588: {  	[tilespmem:v50+s25+$0x0] =	vst.idx.msk $0xffff, v55;
	v50 =	vmul.f32 $1.250000000e-01, v60  }
0x589: {  	v34 =	vld [tilespmem:s0+$0xFFFFFFB0];
	v31 =	vmul.f32 $1.250000000e-01, v63;
	[tilespmem:v54+s25+$0x0] =	vst.idx.msk $0xffff, v58  }
0x58a: {  	v57 =	vld [tilespmem:s0+$0xFFFFFF70];
	[tilespmem:v56+s25+$0x0] =	vst.idx.msk $0xffff, v50  }
0x58b: {  	v62 =	vld [tilespmem:$0x1FEA0];
	[tilespmem:v59+s25+$0x0] =	vst.idx.msk $0xffff, v31  }
0x58c: {  	v59 =	vld [tilespmem:$0x1FE70]  }
0x58d: {  	v26 =	vld [tilespmem:s0+$0xFFFFFC30];
	v47 =	vadd.s32 v41, v24  }
0x58e: {  	v49 =	vld [tilespmem:s0+$0xFFFFFC80];
	v52 =	vadd.s32 v1, v16  }
0x58f: {  	v53 =	vadd.s32 v37, v14;
	v54 =	vld [tilespmem:s0+$0xFFFFFCC0]  }
0x590: {  	v30 =	vmul.f32 $1.250000000e-01, v57;
	v55 =	vld [tilespmem:s0+$0xFFFFFD00];
	v10 =	vadd.s32 v62, v10  }
0x591: {  	v58 =	vld [tilespmem:s0+$0xFFFFFD40];
	v60 =	vmul.f32 $1.250000000e-01, v34;
	v11 =	vadd.s32 v59, v11  }
0x592: {  	v12 =	vadd.s32 v44, v12;
	v26 =	vmul.f32 $1.250000000e-01, v26;
	v61 =	vld [tilespmem:s0+$0xFFFFFD80];
	[tilespmem:v47+s25+$0x0] =	vst.idx.msk $0xffff, v30  }
0x593: {  	v13 =	vadd.s32 v43, v13;
	v25 =	vmul.f32 $1.250000000e-01, v49;
	v63 =	vld [tilespmem:s0+$0xFFFFFDC0];
	[tilespmem:v52+s25+$0x0] =	vst.idx.msk $0xffff, v60  }
0x594: {  	v15 =	vadd.s32 v51, v15;
	v33 =	vld [tilespmem:s0+$0xFFFFFE00];
	[tilespmem:v53+s25+$0x0] =	vst.idx.msk $0xffff, v26;
	v32 =	vmul.f32 $1.250000000e-01, v54  }
0x595: {  	v17 =	vadd.s32 v45, v17;
	v34 =	vld [tilespmem:s0+$0xFFFFFE40];
	[tilespmem:v10+s25+$0x0] =	vst.idx.msk $0xffff, v25;
	v10 =	vmul.f32 $1.250000000e-01, v55  }
0x596: {  	v18 =	vadd.s32 v40, v18;
	v35 =	vld [tilespmem:s0+$0xFFFFFE80];
	[tilespmem:v11+s25+$0x0] =	vst.idx.msk $0xffff, v32;
	v11 =	vmul.f32 $1.250000000e-01, v58  }
0x597: {  	[tilespmem:v12+s25+$0x0] =	vst.idx.msk $0xffff, v10;
	v10 =	vmul.f32 $1.250000000e-01, v61;
	v12 =	vadd.s32 v42, v19;
	v19 =	vld [tilespmem:s0+$0xFFFFFEC0]  }
0x598: {  	[tilespmem:v13+s25+$0x0] =	vst.idx.msk $0xffff, v11;
	v11 =	vmul.f32 $1.250000000e-01, v63;
	v13 =	vadd.s32 v62, v20;
	v20 =	vld [tilespmem:s0+$0xFFFFFF00]  }
0x599: {  	[tilespmem:v15+s25+$0x0] =	vst.idx.msk $0xffff, v10;
	v10 =	vmul.f32 $1.250000000e-01, v33;
	v15 =	vadd.s32 v59, v21;
	v21 =	vld [tilespmem:s0+$0xFFFFFF40]  }
0x59a: {  	[tilespmem:v17+s25+$0x0] =	vst.idx.msk $0xffff, v11;
	v11 =	vmul.f32 $1.250000000e-01, v34;
	v17 =	vadd.s32 v44, v22;
	v22 =	vld [tilespmem:s0+$0xFFFFFF80]  }
0x59b: {  	[tilespmem:v18+s25+$0x0] =	vst.idx.msk $0xffff, v10;
	v10 =	vmul.f32 $1.250000000e-01, v35;
	v18 =	vadd.s32 v43, v23;
	v23 =	vld [tilespmem:s0+$0xFFFFFFC0]  }
0x59c: {  	[tilespmem:v12+s25+$0x0] =	vst.idx.msk $0xffff, v11;
	v11 =	vld [tilespmem:s0+$0xFFFFFC40];
	v12 =	vmul.f32 $1.250000000e-01, v19;
	v19 =	vadd.s32 v51, v24  }
0x59d: {  	[tilespmem:v13+s25+$0x0] =	vst.idx.msk $0xffff, v10;
	v10 =	vmul.f32 $1.250000000e-01, v20;
	v13 =	vadd.s32 v45, v16  }
0x59e: {  	v14 =	vadd.s32 v42, v14;
	[tilespmem:v15+s25+$0x0] =	vst.idx.msk $0xffff, v12;
	v12 =	vmul.f32 $1.250000000e-01, v21  }
0x59f: {  	[tilespmem:v17+s25+$0x0] =	vst.idx.msk $0xffff, v10;
	v10 =	vmul.f32 $1.250000000e-01, v22  }
0x5a0: {  	[tilespmem:v18+s25+$0x0] =	vst.idx.msk $0xffff, v12;
	v12 =	vmul.f32 $1.250000000e-01, v23  }
0x5a1: {  	v11 =	vmul.f32 $1.250000000e-01, v11;
	[tilespmem:v19+s25+$0x0] =	vst.idx.msk $0xffff, v10  }
0x5a2: {  	[tilespmem:v13+s25+$0x0] =	vst.idx.msk $0xffff, v12  }
0x5a3: {  	[tilespmem:v14+s25+$0x0] =	vst.idx.msk $0xffff, v11  }
0x5a4: {  	v47 =	vld [tilespmem:$0x1FF80]  }
0x5a5: {  	v29 =	vld [tilespmem:$0x1FAA0]  }
0x5a6: {  	v33 =	vld [tilespmem:$0x1FCC0]  }
0x5a7: {  	s1 =	simm.s32 $0x6200  }
0x5a8: {  	v10 =	vld [tilespmem:s1+$0x3C0]  }
0x5a9: {  	v11 =	vld [tilespmem:s1+$0x0]  }
0x5aa: {  	v13 =	vadd.s32 v47, v29  }
0x5ab: {  	v57 =	vld [tilespmem:$0x1FD00];
	v14 =	vadd.s32 v33, v2  }
0x5ac: {  	v12 =	vld [tilespmem:s1+$0x40]  }
0x5ad: {  	v15 =	vld [tilespmem:s1+$0x80];
	v10 =	vmul.f32 $1.250000000e-01, v10  }
0x5ae: {  	v63 =	vld [tilespmem:$0x1FD40];
	v11 =	vmul.f32 $1.250000000e-01, v11  }
0x5af: {  	v42 =	vld [tilespmem:$0x1FD80];
	[tilespmem:v13+s25+$0x0] =	vst.idx.msk $0xffff, v10  }
0x5b0: {  	v16 =	vadd.s32 v57, v2;
	v41 =	vld [tilespmem:$0x1FDC0];
	[tilespmem:v14+s25+$0x0] =	vst.idx.msk $0xffff, v11  }
0x5b1: {  	v45 =	vld [tilespmem:$0x1FE00]  }
0x5b2: {  	v17 =	vld [tilespmem:s1+$0xC0]  }
0x5b3: {  	v19 =	vld [tilespmem:s1+$0x100];
	v18 =	vadd.s32 v63, v2;
	v12 =	vmul.f32 $1.250000000e-01, v12  }
0x5b4: {  	v21 =	vld [tilespmem:s1+$0x140];
	v20 =	vadd.s32 v42, v2  }
0x5b5: {  	[tilespmem:v16+s25+$0x0] =	vst.idx.msk $0xffff, v12;
	v10 =	vadd.s32 v41, v2  }
0x5b6: {  	v11 =	vmul.f32 $1.250000000e-01, v15;
	v56 =	vld [tilespmem:$0x1FF40];
	v14 =	vadd.s32 v45, v2  }
0x5b7: {  	v12 =	vmul.f32 $1.250000000e-01, v17  }
0x5b8: {  	v13 =	vld [tilespmem:s1+$0x180];
	[tilespmem:v18+s25+$0x0] =	vst.idx.msk $0xffff, v11;
	v11 =	vmul.f32 $1.250000000e-01, v19  }
0x5b9: {  	v36 =	vld [tilespmem:$0x1FF90];
	[tilespmem:v20+s25+$0x0] =	vst.idx.msk $0xffff, v12;
	v12 =	vmul.f32 $1.250000000e-01, v21  }
0x5ba: {  	[tilespmem:v10+s25+$0x0] =	vst.idx.msk $0xffff, v11  }
0x5bb: {  	v16 =	vadd.s32 v56, v2;
	v26 =	vld [tilespmem:$0x1FAE0];
	[tilespmem:v14+s25+$0x0] =	vst.idx.msk $0xffff, v12  }
0x5bc: {  	v1 =	vld [tilespmem:$0x1FA60];
	_ =	sdelay $0x1  }
0x5bd: {  	v15 =	vld [tilespmem:s1+$0x3D0];
	v10 =	vmul.f32 $1.250000000e-01, v13;
	_ =	sdelay $0x1  }
0x5be: {  	v19 =	vadd.s32 v36, v29;
	v27 =	vld [tilespmem:$0x1FAF0];
	[tilespmem:v16+s25+$0x0] =	vst.idx.msk $0xffff, v10  }
0x5bf: {  	v11 =	vbroadcast v1, $0x0;
	v1 =	vld [tilespmem:$0x1FA70];
	_ =	sdelay $0x1  }
0x5c0: {  	v17 =	vld [tilespmem:s1+$0x1C0];
	v15 =	vmul.f32 $1.250000000e-01, v15  }
0x5c1: {  	v18 =	vld [tilespmem:s1+$0x200]  }
0x5c2: {  	v28 =	vld [tilespmem:$0x1FB00];
	[tilespmem:v19+s25+$0x0] =	vst.idx.msk $0xffff, v15  }
0x5c3: {  	v12 =	vbroadcast v1, $0x0;
	v1 =	vld [tilespmem:$0x1FA80]  }
0x5c4: {  	v20 =	vadd.s32 v47, v2;
	v21 =	vld [tilespmem:s1+$0x240]  }
0x5c5: {  	v22 =	vld [tilespmem:s1+$0x280];
	v13 =	vadd.s32 v33, v26  }
0x5c6: {  	v23 =	vld [tilespmem:s1+$0x2C0];
	v14 =	vadd.s32 v57, v27  }
0x5c7: {  	v37 =	vld [tilespmem:s1+$0x300];
	v16 =	vmul.f32 $1.250000000e-01, v17;
	v17 =	vadd.s32 v63, v28  }
0x5c8: {  	v18 =	vmul.f32 $1.250000000e-01, v18;
	v19 =	vld [tilespmem:s1+$0x340];
	v15 =	vadd.s32 v42, v11;
	v10 =	vbroadcast v1, $0x0  }
0x5c9: {  	[tilespmem:v20+s25+$0x0] =	vst.idx.msk $0xffff, v16;
	v16 =	vmul.f32 $1.250000000e-01, v21;
	v20 =	vadd.s32 v41, v12  }
0x5ca: {  	v38 =	vld [tilespmem:s1+$0x380];
	[tilespmem:v13+s25+$0x0] =	vst.idx.msk $0xffff, v18;
	v18 =	vmul.f32 $1.250000000e-01, v22;
	v22 =	vadd.s32 v45, v10  }
0x5cb: {  	v1 =	vld [tilespmem:$0x1FA90];
	[tilespmem:v14+s25+$0x0] =	vst.idx.msk $0xffff, v16;
	v16 =	vmul.f32 $1.250000000e-01, v23  }
0x5cc: {  	v49 =	vld [tilespmem:$0x1FE30];
	[tilespmem:v17+s25+$0x0] =	vst.idx.msk $0xffff, v18;
	v18 =	vmul.f32 $1.250000000e-01, v37  }
0x5cd: {  	v21 =	vld [tilespmem:s1+$0x3E0];
	v19 =	vmul.f32 $1.250000000e-01, v19;
	[tilespmem:v15+s25+$0x0] =	vst.idx.msk $0xffff, v16  }
0x5ce: {  	v34 =	vld [tilespmem:$0x1FCD0];
	[tilespmem:v20+s25+$0x0] =	vst.idx.msk $0xffff, v18  }
0x5cf: {  	v61 =	vld [tilespmem:$0x1FD10];
	[tilespmem:v22+s25+$0x0] =	vst.idx.msk $0xffff, v19  }
0x5d0: {  	v13 =	vbroadcast v1, $0x0;
	v59 =	vld [tilespmem:$0x1FD50]  }
0x5d1: {  	v14 =	vld [tilespmem:s1+$0x210];
	v23 =	vadd.s32 v49, v29  }
0x5d2: {  	v17 =	vld [tilespmem:s1+$0x250];
	v39 =	vadd.s32 v56, v13  }
0x5d3: {  	v16 =	vld [tilespmem:s1+$0x290];
	v15 =	vadd.s32 v34, v26  }
0x5d4: {  	v21 =	vmul.f32 $1.250000000e-01, v21;
	v18 =	vadd.s32 v61, v27  }
0x5d5: {  	v25 =	vmul.f32 $1.250000000e-01, v38;
	v20 =	vld [tilespmem:s1+$0x2D0];
	v19 =	vadd.s32 v59, v28  }
0x5d6: {  	v14 =	vmul.f32 $1.250000000e-01, v14;
	v22 =	vld [tilespmem:s1+$0x310];
	[tilespmem:v23+s25+$0x0] =	vst.idx.msk $0xffff, v21  }
0x5d7: {  	v17 =	vmul.f32 $1.250000000e-01, v17;
	v43 =	vld [tilespmem:$0x1FD90];
	[tilespmem:v39+s25+$0x0] =	vst.idx.msk $0xffff, v25  }
0x5d8: {  	v60 =	vld [tilespmem:$0x1FDD0];
	[tilespmem:v15+s25+$0x0] =	vst.idx.msk $0xffff, v14;
	v14 =	vmul.f32 $1.250000000e-01, v16  }
0x5d9: {  	v46 =	vld [tilespmem:$0x1FF30];
	[tilespmem:v18+s25+$0x0] =	vst.idx.msk $0xffff, v17  }
0x5da: {  	v52 =	vld [tilespmem:$0x1FFA0];
	[tilespmem:v19+s25+$0x0] =	vst.idx.msk $0xffff, v14  }
0x5db: {  	v53 =	vld [tilespmem:$0x1FF50]  }
0x5dc: {  	v23 =	vld [tilespmem:s1+$0x350];
	v21 =	vadd.s32 v43, v11  }
0x5dd: {  	v50 =	vld [tilespmem:s1+$0x3F0];
	v40 =	vadd.s32 v60, v12  }
0x5de: {  	v16 =	vld [tilespmem:s1+$0x390];
	v15 =	vadd.s32 v46, v10  }
0x5df: {  	v17 =	vld [tilespmem:s1+$0x10];
	v18 =	vmul.f32 $1.250000000e-01, v20;
	v20 =	vadd.s32 v52, v29  }
0x5e0: {  	v14 =	vld [tilespmem:s1+$0x50];
	v19 =	vmul.f32 $1.250000000e-01, v22;
	v22 =	vadd.s32 v53, v13  }
0x5e1: {  	v23 =	vmul.f32 $1.250000000e-01, v23;
	[tilespmem:v21+s25+$0x0] =	vst.idx.msk $0xffff, v18;
	v18 =	vadd.s32 v34, v2;
	v21 =	vld [tilespmem:s1+$0x90]  }
0x5e2: {  	v58 =	vld [tilespmem:s1+$0xD0];
	v25 =	vmul.f32 $1.250000000e-01, v50;
	[tilespmem:v40+s25+$0x0] =	vst.idx.msk $0xffff, v19;
	v19 =	vadd.s32 v61, v2  }
0x5e3: {  	v16 =	vmul.f32 $1.250000000e-01, v16;
	[tilespmem:v15+s25+$0x0] =	vst.idx.msk $0xffff, v23;
	v15 =	vadd.s32 v59, v2;
	v23 =	vld [tilespmem:s1+$0x110]  }
0x5e4: {  	v17 =	vmul.f32 $1.250000000e-01, v17;
	[tilespmem:v20+s25+$0x0] =	vst.idx.msk $0xffff, v25;
	v20 =	vadd.s32 v43, v2  }
0x5e5: {  	v14 =	vmul.f32 $1.250000000e-01, v14;
	[tilespmem:v22+s25+$0x0] =	vst.idx.msk $0xffff, v16;
	v16 =	vadd.s32 v60, v2  }
0x5e6: {  	[tilespmem:v18+s25+$0x0] =	vst.idx.msk $0xffff, v17;
	v17 =	vmul.f32 $1.250000000e-01, v21  }
0x5e7: {  	[tilespmem:v19+s25+$0x0] =	vst.idx.msk $0xffff, v14;
	v14 =	vmul.f32 $1.250000000e-01, v58  }
0x5e8: {  	v62 =	vld [tilespmem:s1+$0x150];
	[tilespmem:v15+s25+$0x0] =	vst.idx.msk $0xffff, v17;
	v15 =	vmul.f32 $1.250000000e-01, v23  }
0x5e9: {  	v22 =	vld [tilespmem:s1+$0x190];
	[tilespmem:v20+s25+$0x0] =	vst.idx.msk $0xffff, v14  }
0x5ea: {  	v18 =	vadd.s32 v46, v2;
	v35 =	vld [tilespmem:$0x1FCE0];
	[tilespmem:v16+s25+$0x0] =	vst.idx.msk $0xffff, v15  }
0x5eb: {  	v1 =	vld [tilespmem:$0x1FD20]  }
0x5ec: {  	v21 =	vld [tilespmem:s1+$0x1D0]  }
0x5ed: {  	v29 =	vld [tilespmem:s1+$0x220];
	v19 =	vadd.s32 v53, v2;
	v14 =	vmul.f32 $1.250000000e-01, v62  }
0x5ee: {  	v17 =	vadd.s32 v36, v2;
	v23 =	vld [tilespmem:s1+$0x260]  }
0x5ef: {  	[tilespmem:v18+s25+$0x0] =	vst.idx.msk $0xffff, v14;
	v20 =	vadd.s32 v35, v26  }
0x5f0: {  	v15 =	vmul.f32 $1.250000000e-01, v22;
	v37 =	vld [tilespmem:$0x1FD60];
	v16 =	vadd.s32 v1, v27  }
0x5f1: {  	v31 =	vld [tilespmem:s1+$0x2A0];
	v14 =	vmul.f32 $1.250000000e-01, v21  }
0x5f2: {  	v22 =	vld [tilespmem:s1+$0x2E0];
	[tilespmem:v19+s25+$0x0] =	vst.idx.msk $0xffff, v15;
	v15 =	vmul.f32 $1.250000000e-01, v29  }
0x5f3: {  	v44 =	vld [tilespmem:$0x1FDA0];
	[tilespmem:v17+s25+$0x0] =	vst.idx.msk $0xffff, v14;
	v14 =	vmul.f32 $1.250000000e-01, v23  }
0x5f4: {  	v39 =	vld [tilespmem:$0x1FDE0];
	[tilespmem:v20+s25+$0x0] =	vst.idx.msk $0xffff, v15  }
0x5f5: {  	v18 =	vadd.s32 v37, v28;
	v58 =	vld [tilespmem:$0x1FE10];
	[tilespmem:v16+s25+$0x0] =	vst.idx.msk $0xffff, v14  }
0x5f6: {  	v50 =	vld [tilespmem:$0x1FF60]  }
0x5f7: {  	v21 =	vld [tilespmem:s1+$0x320]  }
0x5f8: {  	v15 =	vld [tilespmem:s1+$0x20];
	v20 =	vmul.f32 $1.250000000e-01, v31;
	v19 =	vadd.s32 v44, v11  }
0x5f9: {  	v23 =	vld [tilespmem:s1+$0x3A0];
	v17 =	vadd.s32 v39, v12  }
0x5fa: {  	v32 =	vld [tilespmem:s1+$0x360];
	[tilespmem:v18+s25+$0x0] =	vst.idx.msk $0xffff, v20;
	v18 =	vadd.s32 v35, v2  }
0x5fb: {  	v14 =	vld [tilespmem:s1+$0x60];
	v16 =	vmul.f32 $1.250000000e-01, v22;
	v22 =	vadd.s32 v50, v13  }
0x5fc: {  	v21 =	vmul.f32 $1.250000000e-01, v21;
	v20 =	vld [tilespmem:s1+$0xA0];
	v38 =	vadd.s32 v58, v10  }
0x5fd: {  	v15 =	vmul.f32 $1.250000000e-01, v15;
	[tilespmem:v19+s25+$0x0] =	vst.idx.msk $0xffff, v16;
	v16 =	vadd.s32 v1, v2;
	v19 =	vld [tilespmem:s1+$0xE0]  }
0x5fe: {  	v23 =	vmul.f32 $1.250000000e-01, v23;
	[tilespmem:v17+s25+$0x0] =	vst.idx.msk $0xffff, v21;
	v17 =	vadd.s32 v37, v2;
	v21 =	vld [tilespmem:s1+$0x120]  }
0x5ff: {  	v24 =	vmul.f32 $1.250000000e-01, v32;
	v40 =	vadd.s32 v44, v2;
	[tilespmem:v18+s25+$0x0] =	vst.idx.msk $0xffff, v15  }
0x600: {  	v51 =	vld [tilespmem:s1+$0x160];
	v14 =	vmul.f32 $1.250000000e-01, v14;
	[tilespmem:v22+s25+$0x0] =	vst.idx.msk $0xffff, v23;
	v22 =	vadd.s32 v39, v2  }
0x601: {  	v15 =	vmul.f32 $1.250000000e-01, v20;
	[tilespmem:v38+s25+$0x0] =	vst.idx.msk $0xffff, v24;
	v23 =	vld [tilespmem:s1+$0x1A0]  }
0x602: {  	v18 =	vadd.s32 v58, v2;
	[tilespmem:v16+s25+$0x0] =	vst.idx.msk $0xffff, v14;
	v14 =	vmul.f32 $1.250000000e-01, v19  }
0x603: {  	v20 =	vld [tilespmem:s1+$0x1E0];
	v16 =	vadd.s32 v50, v2;
	[tilespmem:v17+s25+$0x0] =	vst.idx.msk $0xffff, v15;
	v15 =	vmul.f32 $1.250000000e-01, v21  }
0x604: {  	v19 =	vld [tilespmem:s1+$0x230];
	[tilespmem:v40+s25+$0x0] =	vst.idx.msk $0xffff, v14  }
0x605: {  	v14 =	vmul.f32 $1.250000000e-01, v51;
	v36 =	vld [tilespmem:$0x1FCF0];
	[tilespmem:v22+s25+$0x0] =	vst.idx.msk $0xffff, v15  }
0x606: {  	v17 =	vadd.s32 v49, v2;
	v15 =	vmul.f32 $1.250000000e-01, v23;
	v62 =	vld [tilespmem:$0x1FD30]  }
0x607: {  	v21 =	vld [tilespmem:s1+$0x270];
	[tilespmem:v18+s25+$0x0] =	vst.idx.msk $0xffff, v14  }
0x608: {  	v40 =	vld [tilespmem:$0x1FD70];
	[tilespmem:v16+s25+$0x0] =	vst.idx.msk $0xffff, v15  }
0x609: {  	v14 =	vmul.f32 $1.250000000e-01, v20;
	v51 =	vld [tilespmem:$0x1FDB0]  }
0x60a: {  	v54 =	vadd.s32 v36, v26  }
0x60b: {  	v55 =	vld [tilespmem:s1+$0x2B0];
	[tilespmem:v17+s25+$0x0] =	vst.idx.msk $0xffff, v14;
	v22 =	vadd.s32 v62, v27  }
0x60c: {  	v38 =	vld [tilespmem:$0x1FDF0]  }
0x60d: {  	v15 =	vmul.f32 $1.250000000e-01, v19  }
0x60e: {  	v23 =	vld [tilespmem:s1+$0x2F0];
	v16 =	vadd.s32 v51, v11;
	v11 =	vmul.f32 $1.250000000e-01, v21  }
0x60f: {  	v32 =	vld [tilespmem:s1+$0x3B0];
	[tilespmem:v54+s25+$0x0] =	vst.idx.msk $0xffff, v15;
	v26 =	vadd.s32 v40, v28  }
0x610: {  	v18 =	vld [tilespmem:s1+$0x30];
	[tilespmem:v22+s25+$0x0] =	vst.idx.msk $0xffff, v11  }
0x611: {  	v17 =	vadd.s32 v38, v12;
	v12 =	vmul.f32 $1.250000000e-01, v55;
	v55 =	vld [tilespmem:$0x1FE20]  }
0x612: {  	v27 =	vld [tilespmem:s1+$0x330]  }
0x613: {  	v21 =	vmul.f32 $1.250000000e-01, v23;
	v54 =	vld [tilespmem:$0x1FF70]  }
0x614: {  	v14 =	vld [tilespmem:s1+$0x70];
	[tilespmem:v26+s25+$0x0] =	vst.idx.msk $0xffff, v12  }
0x615: {  	v28 =	vld [tilespmem:s1+$0x370];
	[tilespmem:v16+s25+$0x0] =	vst.idx.msk $0xffff, v21  }
0x616: {  	v20 =	vadd.s32 v55, v10;
	v10 =	vld [tilespmem:$0x1FAB0]  }
0x617: {  	v11 =	vld [tilespmem:s1+$0xB0];
	v22 =	vmul.f32 $1.250000000e-01, v27  }
0x618: {  	v15 =	vadd.s32 v54, v13;
	v13 =	vld [tilespmem:s1+$0xF0]  }
0x619: {  	[tilespmem:v17+s25+$0x0] =	vst.idx.msk $0xffff, v22;
	v17 =	vld [tilespmem:s1+$0x130]  }
0x61a: {  	v19 =	vadd.s32 v36, v2;
	v12 =	vadd.s32 v62, v2;
	v21 =	vmul.f32 $1.250000000e-01, v28;
	v3 =	vld [tilespmem:$0x1FAC0]  }
0x61b: {  	s7 =	simm.s32 $0x1F;
	s0 =	simm.s32 $0x20;
	v16 =	vadd.s32 v40, v2;
	v22 =	vmul.f32 $1.250000000e-01, v32;
	v4 =	vld [tilespmem:$0x1FAD0];
	v10 =	vshrl.u32 v10, $0x3  }
.LBB2_18:
0x61c: {  	_ = 	snop  }
0x61d: {  	v25 =	vld [tilespmem:s1+$0x170]  }
0x61e: {  	v23 =	vmov s7;
	v24 =	vadd.s32 v51, v2;
	v26 =	vld [tilespmem:$0x1FF90];
	[tilespmem:v20+s25+$0x0] =	vst.idx.msk $0xffff, v21;
	v18 =	vmul.f32 $1.250000000e-01, v18  }
0x61f: {  	v20 =	vshrl.u32 v23, $0x3;
	v21 =	vadd.s32 v38, v2;
	v23 =	vld [tilespmem:s1+$0x1B0];
	[tilespmem:v15+s25+$0x0] =	vst.idx.msk $0xffff, v22;
	v14 =	vmul.f32 $1.250000000e-01, v14  }
0x620: {  	v15 =	vshll.u32 v20, v0;
	v20 =	vld [tilespmem:s1+$0x1F0];
	s1 =	sadd.s32 $0x400, s1;
	[tilespmem:v19+s25+$0x0] =	vst.idx.msk $0xffff, v18;
	v18 =	vmul.f32 $1.250000000e-01, v11;
	v19 =	vadd.s32 v55, v2  }
0x621: {  	v22 =	vld [tilespmem:s1+$0x3C0];
	v11 =	vbroadcast v15, $0x0;
	[tilespmem:v12+s25+$0x0] =	vst.idx.msk $0xffff, v14;
	v12 =	vmul.f32 $1.250000000e-01, v13;
	v13 =	vadd.s32 v54, v2  }
0x622: {  	v15 =	vmul.f32 $1.250000000e-01, v17;
	v14 =	vld [tilespmem:s1+$0x0];
	[tilespmem:v16+s25+$0x0] =	vst.idx.msk $0xffff, v18;
	v16 =	vadd.s32 v52, v2;
	v2 =	vbroadcast v5, $0x0  }
0x623: {  	v3 =	vshrl.u32 v3, $0x3;
	v5 =	vld [tilespmem:s1+$0x40];
	v17 =	vadd.s32 v47, v11;
	[tilespmem:v24+s25+$0x0] =	vst.idx.msk $0xffff, v12;
	v12 =	vmul.f32 $1.250000000e-01, v25  }
0x624: {  	v29 =	vshrl.u32 v4, $0x3;
	v4 =	vmul.f32 $1.250000000e-01, v23;
	[tilespmem:v21+s25+$0x0] =	vst.idx.msk $0xffff, v15;
	v28 =	vld [tilespmem:s1+$0x80];
	v18 =	vadd.s32 v33, v2  }
0x625: {  	v8 =	vshll.u32 v8, v0;
	v21 =	vld [tilespmem:s1+$0xC0];
	v15 =	vadd.s32 v57, v2;
	[tilespmem:v19+s25+$0x0] =	vst.idx.msk $0xffff, v12;
	v12 =	vmul.f32 $1.250000000e-01, v20  }
0x626: {  	v9 =	vshll.u32 v9, v0;
	v22 =	vmul.f32 $1.250000000e-01, v22;
	v19 =	vadd.s32 v63, v2;
	v20 =	vld [tilespmem:s1+$0x100];
	[tilespmem:v13+s25+$0x0] =	vst.idx.msk $0xffff, v4  }
0x627: {  	v6 =	vshll.u32 v6, v0;
	v13 =	vadd.s32 v42, v2;
	v4 =	vmul.f32 $1.250000000e-01, v14;
	v14 =	vld [tilespmem:s1+$0x140];
	[tilespmem:v16+s25+$0x0] =	vst.idx.msk $0xffff, v12  }
0x628: {  	v7 =	vshll.u32 v7, v0;
	v5 =	vmul.f32 $1.250000000e-01, v5;
	v12 =	vadd.s32 v41, v2;
	v16 =	vld [tilespmem:s1+$0x180];
	[tilespmem:v17+s25+$0x0] =	vst.idx.msk $0xffff, v22  }
0x629: {  	v10 =	vshll.u32 v10, v0;
	v17 =	vadd.s32 v45, v2;
	[tilespmem:v18+s25+$0x0] =	vst.idx.msk $0xffff, v4;
	v4 =	vmul.f32 $1.250000000e-01, v28;
	v18 =	vld [tilespmem:s1+$0x3D0]  }
0x62a: {  	v22 =	vshll.u32 v3, v0;
	[tilespmem:v15+s25+$0x0] =	vst.idx.msk $0xffff, v5;
	v5 =	vmul.f32 $1.250000000e-01, v21;
	v15 =	vadd.s32 v56, v2;
	v21 =	vld [tilespmem:s1+$0x1C0]  }
0x62b: {  	v3 =	vbroadcast v8, $0x0;
	[tilespmem:v19+s25+$0x0] =	vst.idx.msk $0xffff, v4;
	v4 =	vmul.f32 $1.250000000e-01, v20;
	v19 =	vld [tilespmem:s1+$0x200];
	v20 =	vadd.s32 v26, v11  }
0x62c: {  	v8 =	vbroadcast v9, $0x0;
	[tilespmem:v13+s25+$0x0] =	vst.idx.msk $0xffff, v5;
	v5 =	vmul.f32 $1.250000000e-01, v14;
	v13 =	vadd.s32 v47, v2;
	v14 =	vld [tilespmem:s1+$0x240]  }
0x62d: {  	v9 =	vmul.f32 $1.250000000e-01, v16;
	v16 =	vld [tilespmem:s1+$0x280];
	[tilespmem:v12+s25+$0x0] =	vst.idx.msk $0xffff, v4;
	v12 =	vadd.s32 v33, v3;
	v4 =	vbroadcast v6, $0x0  }
0x62e: {  	v23 =	vld [tilespmem:s1+$0x2C0];
	[tilespmem:v17+s25+$0x0] =	vst.idx.msk $0xffff, v5;
	v17 =	vadd.s32 v57, v8;
	v5 =	vbroadcast v7, $0x0;
	v18 =	vmul.f32 $1.250000000e-01, v18  }
0x62f: {  	v7 =	vbroadcast v10, $0x0;
	[tilespmem:v15+s25+$0x0] =	vst.idx.msk $0xffff, v9;
	v9 =	vmul.f32 $1.250000000e-01, v21;
	v21 =	vld [tilespmem:s1+$0x300];
	v15 =	vadd.s32 v63, v4  }
0x630: {  	v30 =	vld [tilespmem:s1+$0x340];
	v6 =	vbroadcast v22, $0x0;
	v10 =	vmul.f32 $1.250000000e-01, v19;
	v19 =	vadd.s32 v42, v5;
	[tilespmem:v20+s25+$0x0] =	vst.idx.msk $0xffff, v18  }
0x631: {  	[tilespmem:v13+s25+$0x0] =	vst.idx.msk $0xffff, v9;
	v9 =	vmul.f32 $1.250000000e-01, v14;
	v13 =	vadd.s32 v41, v7;
	v14 =	vshll.u32 v29, v0;
	v18 =	vld [tilespmem:s1+$0x3E0]  }
0x632: {  	v20 =	vld [tilespmem:s1+$0x380];
	[tilespmem:v12+s25+$0x0] =	vst.idx.msk $0xffff, v10;
	v12 =	vmul.f32 $1.250000000e-01, v16;
	v16 =	vadd.s32 v45, v6;
	v10 =	vbroadcast v14, $0x0  }
0x633: {  	[tilespmem:v17+s25+$0x0] =	vst.idx.msk $0xffff, v9;
	v9 =	vmul.f32 $1.250000000e-01, v23;
	v17 =	vadd.s32 v49, v11;
	v14 =	vld [tilespmem:s1+$0x210]  }
0x634: {  	v22 =	vld [tilespmem:s1+$0x250];
	[tilespmem:v15+s25+$0x0] =	vst.idx.msk $0xffff, v12;
	v12 =	vmul.f32 $1.250000000e-01, v21;
	v15 =	vadd.s32 v56, v10  }
0x635: {  	v21 =	vadd.s32 v34, v3;
	v23 =	vld [tilespmem:s1+$0x290];
	[tilespmem:v19+s25+$0x0] =	vst.idx.msk $0xffff, v9;
	v9 =	vmul.f32 $1.250000000e-01, v30  }
0x636: {  	v19 =	vadd.s32 v61, v8;
	v31 =	vld [tilespmem:s1+$0x2D0];
	[tilespmem:v13+s25+$0x0] =	vst.idx.msk $0xffff, v12;
	v12 =	vmul.f32 $1.250000000e-01, v18  }
0x637: {  	v13 =	vadd.s32 v59, v4;
	v18 =	vld [tilespmem:s1+$0x310];
	[tilespmem:v16+s25+$0x0] =	vst.idx.msk $0xffff, v9;
	v9 =	vmul.f32 $1.250000000e-01, v20  }
0x638: {  	v16 =	vadd.s32 v43, v5;
	v14 =	vmul.f32 $1.250000000e-01, v14;
	v20 =	vld [tilespmem:s1+$0x350];
	[tilespmem:v17+s25+$0x0] =	vst.idx.msk $0xffff, v12  }
0x639: {  	v12 =	vmul.f32 $1.250000000e-01, v22;
	v17 =	vadd.s32 v60, v7;
	[tilespmem:v15+s25+$0x0] =	vst.idx.msk $0xffff, v9;
	v9 =	vld [tilespmem:s1+$0x3F0]  }
0x63a: {  	v15 =	vadd.s32 v46, v6;
	[tilespmem:v21+s25+$0x0] =	vst.idx.msk $0xffff, v14;
	v14 =	vmul.f32 $1.250000000e-01, v23;
	v21 =	vld [tilespmem:s1+$0x390]  }
0x63b: {  	v11 =	vadd.s32 v52, v11;
	v22 =	vld [tilespmem:s1+$0x10];
	[tilespmem:v19+s25+$0x0] =	vst.idx.msk $0xffff, v12;
	v12 =	vmul.f32 $1.250000000e-01, v31  }
0x63c: {  	v19 =	vld [tilespmem:s1+$0x50];
	[tilespmem:v13+s25+$0x0] =	vst.idx.msk $0xffff, v14;
	v13 =	vmul.f32 $1.250000000e-01, v18;
	v14 =	vadd.s32 v53, v10  }
0x63d: {  	v23 =	vld [tilespmem:s1+$0x90];
	v18 =	vadd.s32 v34, v2;
	[tilespmem:v16+s25+$0x0] =	vst.idx.msk $0xffff, v12;
	v12 =	vmul.f32 $1.250000000e-01, v20  }
0x63e: {  	v16 =	vadd.s32 v61, v2;
	v20 =	vld [tilespmem:s1+$0xD0];
	[tilespmem:v17+s25+$0x0] =	vst.idx.msk $0xffff, v13;
	v9 =	vmul.f32 $1.250000000e-01, v9  }
0x63f: {  	v13 =	vadd.s32 v59, v2;
	v17 =	vld [tilespmem:s1+$0x110];
	[tilespmem:v15+s25+$0x0] =	vst.idx.msk $0xffff, v12;
	v12 =	vmul.f32 $1.250000000e-01, v21  }
0x640: {  	v15 =	vmul.f32 $1.250000000e-01, v22;
	v21 =	vadd.s32 v43, v2;
	v22 =	vld [tilespmem:s1+$0x150];
	[tilespmem:v11+s25+$0x0] =	vst.idx.msk $0xffff, v9  }
0x641: {  	v9 =	vmul.f32 $1.250000000e-01, v19;
	v19 =	vld [tilespmem:s1+$0x190];
	[tilespmem:v14+s25+$0x0] =	vst.idx.msk $0xffff, v12  }
0x642: {  	v11 =	vadd.s32 v60, v2;
	[tilespmem:v18+s25+$0x0] =	vst.idx.msk $0xffff, v15;
	v12 =	vmul.f32 $1.250000000e-01, v23;
	v15 =	vld [tilespmem:s1+$0x1D0]  }
0x643: {  	v14 =	vadd.s32 v46, v2;
	v18 =	vld [tilespmem:s1+$0x220];
	[tilespmem:v16+s25+$0x0] =	vst.idx.msk $0xffff, v9;
	v9 =	vmul.f32 $1.250000000e-01, v20  }
0x644: {  	v16 =	vadd.s32 v53, v2;
	[tilespmem:v13+s25+$0x0] =	vst.idx.msk $0xffff, v12;
	v12 =	vmul.f32 $1.250000000e-01, v17;
	v17 =	vld [tilespmem:s1+$0x260]  }
0x645: {  	v13 =	vadd.s32 v26, v2;
	[tilespmem:v21+s25+$0x0] =	vst.idx.msk $0xffff, v9;
	v21 =	vld [tilespmem:s1+$0x2A0]  }
0x646: {  	v20 =	vadd.s32 v35, v3;
	v9 =	vmul.f32 $1.250000000e-01, v22;
	v22 =	vld [tilespmem:s1+$0x20]  }
0x647: {  	[tilespmem:v11+s25+$0x0] =	vst.idx.msk $0xffff, v12;
	v11 =	vmul.f32 $1.250000000e-01, v19;
	v12 =	vadd.s32 v1, v8;
	v19 =	vld [tilespmem:s1+$0x2E0]  }
0x648: {  	[tilespmem:v14+s25+$0x0] =	vst.idx.msk $0xffff, v9;
	v9 =	vmul.f32 $1.250000000e-01, v15;
	v14 =	vadd.s32 v37, v4;
	v15 =	vld [tilespmem:s1+$0x320]  }
0x649: {  	[tilespmem:v16+s25+$0x0] =	vst.idx.msk $0xffff, v11;
	v11 =	vmul.f32 $1.250000000e-01, v18;
	v16 =	vadd.s32 v44, v5;
	v18 =	vld [tilespmem:s1+$0x360]  }
0x64a: {  	[tilespmem:v13+s25+$0x0] =	vst.idx.msk $0xffff, v9;
	v9 =	vmul.f32 $1.250000000e-01, v17;
	v13 =	vadd.s32 v39, v7;
	v17 =	vld [tilespmem:s1+$0x3A0]  }
0x64b: {  	v23 =	vld [tilespmem:s1+$0xA0];
	[tilespmem:v20+s25+$0x0] =	vst.idx.msk $0xffff, v11;
	v11 =	vmul.f32 $1.250000000e-01, v21;
	v20 =	vadd.s32 v58, v6  }
0x64c: {  	v21 =	vld [tilespmem:s1+$0x60];
	[tilespmem:v12+s25+$0x0] =	vst.idx.msk $0xffff, v9;
	v9 =	vmul.f32 $1.250000000e-01, v19;
	v12 =	vadd.s32 v50, v10  }
0x64d: {  	v32 =	vld [tilespmem:s1+$0x160];
	v19 =	vadd.s32 v35, v2;
	[tilespmem:v14+s25+$0x0] =	vst.idx.msk $0xffff, v11;
	v11 =	vmul.f32 $1.250000000e-01, v15  }
0x64e: {  	v14 =	vadd.s32 v1, v2;
	v15 =	vld [tilespmem:s1+$0xE0];
	[tilespmem:v16+s25+$0x0] =	vst.idx.msk $0xffff, v9;
	v9 =	vmul.f32 $1.250000000e-01, v18  }
0x64f: {  	v16 =	vadd.s32 v37, v2;
	v18 =	vld [tilespmem:s1+$0x120];
	[tilespmem:v13+s25+$0x0] =	vst.idx.msk $0xffff, v11;
	v11 =	vmul.f32 $1.250000000e-01, v17  }
0x650: {  	v24 =	vld [tilespmem:s1+$0x2B0];
	v13 =	vmov s0;
	v17 =	vmul.f32 $1.250000000e-01, v22;
	v22 =	vadd.s32 v44, v2;
	[tilespmem:v20+s25+$0x0] =	vst.idx.msk $0xffff, v9  }
0x651: {  	s31 =	sadd.s32 $0xA, s0;
	v9 =	vshrl.u32 v13, $0x3;
	v13 =	vmul.f32 $1.250000000e-01, v21;
	v20 =	vadd.s32 v39, v2;
	v21 =	vld [tilespmem:s1+$0x1A0];
	[tilespmem:v12+s25+$0x0] =	vst.idx.msk $0xffff, v11  }
0x652: {  	v25 =	vmov s31;
	[tilespmem:v19+s25+$0x0] =	vst.idx.msk $0xffff, v17;
	v12 =	vmul.f32 $1.250000000e-01, v23;
	v17 =	vadd.s32 v58, v2;
	v19 =	vld [tilespmem:s1+$0x1E0]  }
0x653: {  	v29 =	vadd.s32 v51, v5;
	[tilespmem:v14+s25+$0x0] =	vst.idx.msk $0xffff, v13;
	v13 =	vmul.f32 $1.250000000e-01, v15;
	v14 =	vadd.s32 v50, v2;
	v15 =	vld [tilespmem:s1+$0x230]  }
0x654: {  	s8 =	sadd.s32 $0xB, s0;
	v31 =	vadd.s32 v38, v7;
	[tilespmem:v16+s25+$0x0] =	vst.idx.msk $0xffff, v12;
	v12 =	vmul.f32 $1.250000000e-01, v18;
	v16 =	vadd.s32 v49, v2;
	v18 =	vld [tilespmem:s1+$0x270]  }
0x655: {  	s11 =	sadd.s32 $0x8, s0;
	v26 =	vmov s8;
	v28 =	vld [tilespmem:s1+$0x2F0];
	[tilespmem:v22+s25+$0x0] =	vst.idx.msk $0xffff, v13;
	v13 =	vmul.f32 $1.250000000e-01, v32;
	v22 =	vadd.s32 v36, v3  }
0x656: {  	s28 =	sadd.s32 $0x9, s0;
	v11 =	vmov s11;
	[tilespmem:v20+s25+$0x0] =	vst.idx.msk $0xffff, v12;
	v12 =	vmul.f32 $1.250000000e-01, v21;
	v21 =	vadd.s32 v62, v8  }
0x657: {  	v23 =	vmov s28;
	s11 =	sadd.s32 $0xC, s0;
	v5 =	vshll.u32 v9, v0;
	[tilespmem:v17+s25+$0x0] =	vst.idx.msk $0xffff, v13;
	v8 =	vmul.f32 $1.250000000e-01, v19;
	v17 =	vld [tilespmem:s1+$0x330]  }
0x658: {  	v30 =	vld [tilespmem:s1+$0x370];
	v27 =	vmov s11;
	v13 =	vadd.s32 v40, v4;
	[tilespmem:v14+s25+$0x0] =	vst.idx.msk $0xffff, v12;
	v12 =	vmul.f32 $1.250000000e-01, v15  }
0x659: {  	p0 =	slt.u32 s0, $0x70;
	s28 =	sadd.s32 $0xD, s0;
	v9 =	vshrl.u32 v23, $0x3;
	v7 =	vmul.f32 $1.250000000e-01, v24;
	v32 =	vld [tilespmem:s1+$0x3B0];
	[tilespmem:v16+s25+$0x0] =	vst.idx.msk $0xffff, v8;
	v15 =	vmul.f32 $1.250000000e-01, v18  }
.Ltmp9:
0x65a: {  	s31 =	sadd.s32 $0xE, s0;
	v3 =	vmov s28;
	v20 =	vadd.s32 v55, v6;
	v14 =	vld [tilespmem:s1+$0x70];
	v16 =	vmul.f32 $1.250000000e-01, v28;
	[tilespmem:v22+s25+$0x0] =	vst.idx.msk $0xffff, v12;
	(pc) =	sbr.rel @p0 .LBB2_18-.Ltmp9, $4  }
0x65b: {  	v6 =	vshrl.u32 v25, $0x3;
	v4 =	vmov s31;
	v19 =	vadd.s32 v36, v2;
	v18 =	vld [tilespmem:s1+$0x30];
	[tilespmem:v21+s25+$0x0] =	vst.idx.msk $0xffff, v15  }
0x65c: {  	v8 =	vshrl.u32 v11, $0x3;
	v11 =	vld [tilespmem:s1+$0xB0];
	v12 =	vadd.s32 v62, v2;
	[tilespmem:v29+s25+$0x0] =	vst.idx.msk $0xffff, v16;
	v22 =	vmul.f32 $1.250000000e-01, v17  }
0x65d: {  	v15 =	vadd.s32 v54, v10;
	v21 =	vmul.f32 $1.250000000e-01, v30;
	v10 =	vshrl.u32 v27, $0x3;
	[tilespmem:v13+s25+$0x0] =	vst.idx.msk $0xffff, v7;
	v13 =	vld [tilespmem:s1+$0xF0]  }
0x65e: {  	s7 =	sadd.s32 $0xF, s0;
	s0 =	sadd.s32 $0x10, s0;
	v16 =	vadd.s32 v40, v2;
	v7 =	vshrl.u32 v26, $0x3;
	v17 =	vld [tilespmem:s1+$0x130];
	[tilespmem:v31+s25+$0x0] =	vst.idx.msk $0xffff, v22;
	v22 =	vmul.f32 $1.250000000e-01, v32  }
0x65f: {  	_ =	sdelay $0x2  }
0x660: {  	v25 =	vld [tilespmem:s1+$0x170]  }
0x661: {  	v23 =	vmov s7;
	v24 =	vadd.s32 v51, v2;
	[tilespmem:v20+s25+$0x0] =	vst.idx.msk $0xffff, v21;
	v14 =	vmul.f32 $1.250000000e-01, v14;
	v32 =	vld [tilespmem:s1+$0x1F0]  }
0x662: {  	v21 =	vadd.s32 v38, v2;
	s0 =	sadd.s32 $0x400, s1;
	v18 =	vmul.f32 $1.250000000e-01, v18;
	v29 =	vshrl.u32 v23, $0x3;
	v23 =	vld [tilespmem:s1+$0x1B0];
	[tilespmem:v15+s25+$0x0] =	vst.idx.msk $0xffff, v22  }
0x663: {  	v31 =	vadd.s32 v55, v2;
	v5 =	vbroadcast v5, $0x0;
	v20 =	vld [tilespmem:s0+$0x3C0];
	v11 =	vmul.f32 $1.250000000e-01, v11;
	[tilespmem:v12+s25+$0x0] =	vst.idx.msk $0xffff, v14  }
0x664: {  	v30 =	vshll.u32 v29, v0;
	v14 =	vld [tilespmem:s0+$0x0];
	[tilespmem:v19+s25+$0x0] =	vst.idx.msk $0xffff, v18;
	v27 =	vmul.f32 $1.250000000e-01, v13;
	v13 =	vadd.s32 v54, v2  }
0x665: {  	v26 =	vld [tilespmem:s0+$0x100];
	v15 =	vbroadcast v30, $0x0;
	v2 =	vadd.s32 v52, v2;
	[tilespmem:v16+s25+$0x0] =	vst.idx.msk $0xffff, v11;
	v28 =	vmul.f32 $1.250000000e-01, v17  }
0x666: {  	v22 =	vadd.s32 v33, v5;
	v16 =	vld [tilespmem:s0+$0x40];
	[tilespmem:v24+s25+$0x0] =	vst.idx.msk $0xffff, v27;
	v29 =	vmul.f32 $1.250000000e-01, v25  }
0x667: {  	v17 =	vadd.s32 v47, v15;
	v24 =	vld [tilespmem:s0+$0x80];
	[tilespmem:v21+s25+$0x0] =	vst.idx.msk $0xffff, v28;
	v30 =	vmul.f32 $1.250000000e-01, v23  }
0x668: {  	v3 =	vshrl.u32 v3, $0x3;
	v11 =	vadd.s32 v57, v5;
	v21 =	vld [tilespmem:s0+$0xC0];
	[tilespmem:v31+s25+$0x0] =	vst.idx.msk $0xffff, v29;
	v31 =	vmul.f32 $1.250000000e-01, v32  }
0x669: {  	v8 =	vshll.u32 v8, v0;
	v32 =	vadd.s32 v63, v5;
	v27 =	vmul.f32 $1.250000000e-01, v14;
	v29 =	vld [tilespmem:s0+$0x140];
	[tilespmem:v13+s25+$0x0] =	vst.idx.msk $0xffff, v30  }
0x66a: {  	v9 =	vshll.u32 v9, v0;
	v20 =	vmul.f32 $1.250000000e-01, v20;
	v28 =	vadd.s32 v42, v5;
	[tilespmem:v2+s25+$0x0] =	vst.idx.msk $0xffff, v31  }
0x66b: {  	v6 =	vshll.u32 v6, v0;
	v12 =	vadd.s32 v41, v5;
	v2 =	vmul.f32 $1.250000000e-01, v16;
	v16 =	vld [tilespmem:s0+$0x180];
	[tilespmem:v22+s25+$0x0] =	vst.idx.msk $0xffff, v27  }
0x66c: {  	v7 =	vshll.u32 v7, v0;
	v18 =	vld [tilespmem:s0+$0x200];
	[tilespmem:v17+s25+$0x0] =	vst.idx.msk $0xffff, v20;
	v30 =	vmul.f32 $1.250000000e-01, v24;
	v17 =	vadd.s32 v45, v5  }
0x66d: {  	v22 =	vld [tilespmem:s0+$0x1C0];
	[tilespmem:v11+s25+$0x0] =	vst.idx.msk $0xffff, v2;
	v31 =	vmul.f32 $1.250000000e-01, v21;
	v21 =	vadd.s32 v56, v5;
	v2 =	vbroadcast v8, $0x0  }
0x66e: {  	v25 =	vshrl.u32 v4, $0x3;
	[tilespmem:v32+s25+$0x0] =	vst.idx.msk $0xffff, v30;
	v32 =	vmul.f32 $1.250000000e-01, v26;
	v27 =	vmul.f32 $1.250000000e-01, v29;
	v29 =	vld [tilespmem:s0+$0x240]  }
0x66f: {  	v23 =	vshll.u32 v3, v0;
	v3 =	vbroadcast v9, $0x0;
	v26 =	vld [tilespmem:$0x1FF90];
	[tilespmem:v28+s25+$0x0] =	vst.idx.msk $0xffff, v31;
	v28 =	vadd.s32 v47, v5  }
0x670: {  	v4 =	vbroadcast v6, $0x0;
	v31 =	vadd.s32 v33, v2;
	[tilespmem:v12+s25+$0x0] =	vst.idx.msk $0xffff, v32;
	v30 =	vmul.f32 $1.250000000e-01, v16;
	v32 =	vld [tilespmem:s0+$0x280]  }
0x671: {  	v6 =	vbroadcast v7, $0x0;
	v16 =	vadd.s32 v57, v3;
	[tilespmem:v17+s25+$0x0] =	vst.idx.msk $0xffff, v27;
	v17 =	vld [tilespmem:s0+$0x2C0]  }
0x672: {  	v10 =	vshll.u32 v10, v0;
	v20 =	vld [tilespmem:s0+$0x3D0];
	v33 =	vmul.f32 $1.250000000e-01, v22;
	[tilespmem:v21+s25+$0x0] =	vst.idx.msk $0xffff, v30;
	v21 =	vadd.s32 v63, v4  }
0x673: {  	v7 =	vbroadcast v23, $0x0;
	v57 =	vmul.f32 $1.250000000e-01, v18;
	v18 =	vadd.s32 v42, v6;
	v63 =	vld [tilespmem:s0+$0x340]  }
0x674: {  	v8 =	vbroadcast v10, $0x0;
	v47 =	vld [tilespmem:s0+$0x300];
	v19 =	vadd.s32 v26, v15;
	[tilespmem:v28+s25+$0x0] =	vst.idx.msk $0xffff, v33;
	v28 =	vmul.f32 $1.250000000e-01, v29  }
0x675: {  	v30 =	vshll.u32 v25, v0;
	[tilespmem:v31+s25+$0x0] =	vst.idx.msk $0xffff, v57;
	v33 =	vld [tilespmem:s0+$0x380];
	v31 =	vmul.f32 $1.250000000e-01, v32;
	v32 =	vadd.s32 v45, v7  }
0x676: {  	v9 =	vbroadcast v30, $0x0;
	v29 =	vadd.s32 v41, v8;
	v41 =	vld [tilespmem:s0+$0x210];
	[tilespmem:v16+s25+$0x0] =	vst.idx.msk $0xffff, v28;
	v42 =	vmul.f32 $1.250000000e-01, v17  }
0x677: {  	v20 =	vmul.f32 $1.250000000e-01, v20;
	v45 =	vld [tilespmem:s0+$0x250];
	[tilespmem:v21+s25+$0x0] =	vst.idx.msk $0xffff, v31  }
0x678: {  	v56 =	vadd.s32 v56, v9;
	v63 =	vmul.f32 $1.250000000e-01, v63;
	v57 =	vld [tilespmem:s0+$0x290];
	[tilespmem:v18+s25+$0x0] =	vst.idx.msk $0xffff, v42  }
0x679: {  	v22 =	vadd.s32 v34, v2;
	v47 =	vmul.f32 $1.250000000e-01, v47;
	[tilespmem:v19+s25+$0x0] =	vst.idx.msk $0xffff, v20;
	v28 =	vld [tilespmem:s0+$0x2D0]  }
0x67a: {  	v30 =	vadd.s32 v59, v4;
	v19 =	vld [tilespmem:s0+$0x3E0];
	[tilespmem:v32+s25+$0x0] =	vst.idx.msk $0xffff, v63  }
0x67b: {  	[tilespmem:v29+s25+$0x0] =	vst.idx.msk $0xffff, v47;
	v32 =	vmul.f32 $1.250000000e-01, v33;
	v33 =	vmul.f32 $1.250000000e-01, v41;
	v41 =	vadd.s32 v43, v6;
	v42 =	vld [tilespmem:s0+$0x350]  }
0x67c: {  	v16 =	vadd.s32 v49, v15;
	v31 =	vld [tilespmem:s0+$0x310]  }
0x67d: {  	v25 =	vld [tilespmem:s0+$0x10];
	v18 =	vadd.s32 v61, v3;
	[tilespmem:v56+s25+$0x0] =	vst.idx.msk $0xffff, v32;
	v57 =	vmul.f32 $1.250000000e-01, v57  }
0x67e: {  	v47 =	vadd.s32 v60, v8;
	[tilespmem:v22+s25+$0x0] =	vst.idx.msk $0xffff, v33;
	v21 =	vld [tilespmem:s0+$0x390];
	v27 =	vmul.f32 $1.250000000e-01, v28  }
0x67f: {  	v63 =	vadd.s32 v46, v7;
	v45 =	vmul.f32 $1.250000000e-01, v45;
	v28 =	vld [tilespmem:s0+$0x50];
	v29 =	vmul.f32 $1.250000000e-01, v19;
	[tilespmem:v30+s25+$0x0] =	vst.idx.msk $0xffff, v57  }
0x680: {  	v30 =	vadd.s32 v53, v9;
	[tilespmem:v41+s25+$0x0] =	vst.idx.msk $0xffff, v27;
	v33 =	vmul.f32 $1.250000000e-01, v42;
	v41 =	vld [tilespmem:s0+$0xD0];
	v42 =	vadd.s32 v59, v5  }
0x681: {  	v59 =	vld [tilespmem:s0+$0x150];
	[tilespmem:v16+s25+$0x0] =	vst.idx.msk $0xffff, v29;
	v29 =	vmul.f32 $1.250000000e-01, v31;
	v31 =	vadd.s32 v34, v5;
	v34 =	vadd.s32 v61, v5  }
0x682: {  	[tilespmem:v18+s25+$0x0] =	vst.idx.msk $0xffff, v45;
	v57 =	vadd.s32 v43, v5;
	v56 =	vld [tilespmem:s0+$0x3F0]  }
0x683: {  	v24 =	vld [tilespmem:s0+$0x190];
	v27 =	vadd.s32 v46, v5;
	[tilespmem:v47+s25+$0x0] =	vst.idx.msk $0xffff, v29;
	v47 =	vmul.f32 $1.250000000e-01, v21  }
0x684: {  	v15 =	vadd.s32 v52, v15;
	v32 =	vld [tilespmem:s0+$0x90];
	[tilespmem:v63+s25+$0x0] =	vst.idx.msk $0xffff, v33;
	v61 =	vmul.f32 $1.250000000e-01, v28  }
0x685: {  	v45 =	vld [tilespmem:s0+$0x110];
	[tilespmem:v30+s25+$0x0] =	vst.idx.msk $0xffff, v47;
	v29 =	vmul.f32 $1.250000000e-01, v41  }
0x686: {  	v43 =	vld [tilespmem:s0+$0x2A0];
	v41 =	vmul.f32 $1.250000000e-01, v59;
	[tilespmem:v34+s25+$0x0] =	vst.idx.msk $0xffff, v61  }
0x687: {  	v63 =	vadd.s32 v60, v5;
	v28 =	vld [tilespmem:s0+$0x1D0];
	v11 =	vmul.f32 $1.250000000e-01, v56;
	[tilespmem:v57+s25+$0x0] =	vst.idx.msk $0xffff, v29  }
0x688: {  	v30 =	vadd.s32 v53, v5;
	v47 =	vld [tilespmem:s0+$0x2E0];
	v56 =	vmul.f32 $1.250000000e-01, v25;
	[tilespmem:v27+s25+$0x0] =	vst.idx.msk $0xffff, v41  }
0x689: {  	v33 =	vadd.s32 v26, v5;
	v34 =	vld [tilespmem:s0+$0x260];
	v25 =	vmul.f32 $1.250000000e-01, v32;
	[tilespmem:v15+s25+$0x0] =	vst.idx.msk $0xffff, v11  }
0x68a: {  	v60 =	vadd.s32 v44, v6;
	v61 =	vld [tilespmem:s0+$0x360];
	v32 =	vmul.f32 $1.250000000e-01, v45;
	[tilespmem:v31+s25+$0x0] =	vst.idx.msk $0xffff, v56  }
0x68b: {  	v46 =	vadd.s32 v1, v3;
	v45 =	vmul.f32 $1.250000000e-01, v24;
	v57 =	vld [tilespmem:s0+$0x320];
	[tilespmem:v42+s25+$0x0] =	vst.idx.msk $0xffff, v25  }
0x68c: {  	v29 =	vld [tilespmem:s0+$0x60];
	v53 =	vmul.f32 $1.250000000e-01, v28;
	[tilespmem:v63+s25+$0x0] =	vst.idx.msk $0xffff, v32;
	v56 =	vadd.s32 v37, v4  }
0x68d: {  	v24 =	vadd.s32 v39, v8;
	v31 =	vld [tilespmem:s0+$0x220];
	v42 =	vadd.s32 v35, v2;
	[tilespmem:v30+s25+$0x0] =	vst.idx.msk $0xffff, v45;
	v30 =	vmul.f32 $1.250000000e-01, v47  }
0x68e: {  	v41 =	vld [tilespmem:s0+$0xE0];
	v32 =	vadd.s32 v35, v5;
	v35 =	vadd.s32 v1, v5;
	[tilespmem:v33+s25+$0x0] =	vst.idx.msk $0xffff, v53;
	v63 =	vmul.f32 $1.250000000e-01, v34  }
0x68f: {  	v27 =	vmul.f32 $1.250000000e-01, v43;
	v26 =	vld [tilespmem:s0+$0x20];
	[tilespmem:v60+s25+$0x0] =	vst.idx.msk $0xffff, v30  }
0x690: {  	v25 =	vld [tilespmem:s0+$0x3A0];
	v53 =	vadd.s32 v44, v5;
	v34 =	vmul.f32 $1.250000000e-01, v57;
	[tilespmem:v46+s25+$0x0] =	vst.idx.msk $0xffff, v63  }
0x691: {  	v33 =	vld [tilespmem:s0+$0xA0];
	v57 =	vmul.f32 $1.250000000e-01, v29;
	[tilespmem:v56+s25+$0x0] =	vst.idx.msk $0xffff, v27  }
0x692: {  	v28 =	vadd.s32 v58, v7;
	v59 =	vmul.f32 $1.250000000e-01, v31;
	[tilespmem:v24+s25+$0x0] =	vst.idx.msk $0xffff, v34  }
0x693: {  	v43 =	vadd.s32 v37, v5;
	v60 =	vld [tilespmem:s0+$0x1A0];
	[tilespmem:v35+s25+$0x0] =	vst.idx.msk $0xffff, v57;
	v24 =	vmul.f32 $1.250000000e-01, v41  }
0x694: {  	v45 =	vld [tilespmem:s0+$0x120];
	v31 =	vadd.s32 v50, v9;
	v47 =	vmul.f32 $1.250000000e-01, v26;
	[tilespmem:v42+s25+$0x0] =	vst.idx.msk $0xffff, v59  }
0x695: {  	v46 =	vmul.f32 $1.250000000e-01, v25;
	v56 =	vld [tilespmem:s0+$0x160];
	v25 =	vadd.s32 v50, v5;
	v42 =	vmul.f32 $1.250000000e-01, v61;
	[tilespmem:v53+s25+$0x0] =	vst.idx.msk $0xffff, v24  }
0x696: {  	v29 =	vld [tilespmem:s0+$0x270];
	v59 =	vadd.s32 v39, v5;
	v61 =	vmul.f32 $1.250000000e-01, v33;
	[tilespmem:v32+s25+$0x0] =	vst.idx.msk $0xffff, v47  }
0x697: {  	v23 =	vld [tilespmem:s0+$0x1E0];
	v63 =	vadd.s32 v58, v5;
	[tilespmem:v28+s25+$0x0] =	vst.idx.msk $0xffff, v42  }
0x698: {  	v3 =	vadd.s32 v62, v3;
	v33 =	vld [tilespmem:s0+$0x2F0];
	v32 =	vmul.f32 $1.250000000e-01, v60;
	[tilespmem:v43+s25+$0x0] =	vst.idx.msk $0xffff, v61  }
0x699: {  	v27 =	vmul.f32 $1.250000000e-01, v45;
	v26 =	vld [tilespmem:s0+$0x230];
	v28 =	vadd.s32 v49, v5;
	[tilespmem:v31+s25+$0x0] =	vst.idx.msk $0xffff, v46  }
0x69a: {  	v6 =	vadd.s32 v51, v6;
	v43 =	vld [tilespmem:s0+$0x30];
	v30 =	vmul.f32 $1.250000000e-01, v56;
	[tilespmem:v25+s25+$0x0] =	vst.idx.msk $0xffff, v32  }
0x69b: {  	v2 =	vadd.s32 v36, v2;
	v31 =	vld [tilespmem:s0+$0x2B0];
	v41 =	vmul.f32 $1.250000000e-01, v29;
	[tilespmem:v59+s25+$0x0] =	vst.idx.msk $0xffff, v27  }
0x69c: {  	v45 =	vadd.s32 v36, v5;
	v34 =	vmul.f32 $1.250000000e-01, v23;
	v39 =	vld [tilespmem:s0+$0x370];
	[tilespmem:v63+s25+$0x0] =	vst.idx.msk $0xffff, v30  }
0x69d: {  	v4 =	vadd.s32 v40, v4;
	v35 =	vld [tilespmem:s0+$0x330];
	[tilespmem:v3+s25+$0x0] =	vst.idx.msk $0xffff, v41;
	v3 =	vmul.f32 $1.250000000e-01, v33  }
0x69e: {  	v7 =	vadd.s32 v55, v7;
	v44 =	vld [tilespmem:s0+$0x70];
	v37 =	vmul.f32 $1.250000000e-01, v26;
	[tilespmem:v28+s25+$0x0] =	vst.idx.msk $0xffff, v34  }
0x69f: {  	v8 =	vadd.s32 v38, v8;
	v42 =	vld [tilespmem:s0+$0x3B0];
	[tilespmem:v6+s25+$0x0] =	vst.idx.msk $0xffff, v3;
	v56 =	vmul.f32 $1.250000000e-01, v43  }
0x6a0: {  	v47 =	vadd.s32 v62, v5;
	v49 =	vld [tilespmem:s0+$0xF0];
	[tilespmem:v2+s25+$0x0] =	vst.idx.msk $0xffff, v37;
	v2 =	vmul.f32 $1.250000000e-01, v31  }
0x6a1: {  	v9 =	vadd.s32 v54, v9;
	v46 =	vld [tilespmem:s0+$0xB0];
	v3 =	vmul.f32 $1.250000000e-01, v39;
	[tilespmem:v45+s25+$0x0] =	vst.idx.msk $0xffff, v56  }
0x6a2: {  	v57 =	vadd.s32 v51, v5;
	v58 =	vld [tilespmem:s0+$0x170];
	[tilespmem:v4+s25+$0x0] =	vst.idx.msk $0xffff, v2;
	v2 =	vmul.f32 $1.250000000e-01, v35  }
0x6a3: {  	v50 =	vadd.s32 v40, v5;
	v53 =	vld [tilespmem:s0+$0x130];
	[tilespmem:v7+s25+$0x0] =	vst.idx.msk $0xffff, v3;
	v3 =	vmul.f32 $1.250000000e-01, v44  }
0x6a4: {  	v61 =	vadd.s32 v55, v5;
	v62 =	vld [tilespmem:s0+$0x1F0];
	[tilespmem:v8+s25+$0x0] =	vst.idx.msk $0xffff, v2;
	v2 =	vmul.f32 $1.250000000e-01, v42  }
0x6a5: {  	v60 =	vld [tilespmem:s0+$0x1B0];
	v59 =	vadd.s32 v38, v5;
	[tilespmem:v47+s25+$0x0] =	vst.idx.msk $0xffff, v3;
	v3 =	vmul.f32 $1.250000000e-01, v49  }
0x6a6: {  	v63 =	vadd.s32 v54, v5;
	v5 =	vadd.s32 v52, v5;
	[tilespmem:v9+s25+$0x0] =	vst.idx.msk $0xffff, v2;
	v2 =	vmul.f32 $1.250000000e-01, v46  }
0x6a7: {  	[tilespmem:v57+s25+$0x0] =	vst.idx.msk $0xffff, v3;
	v3 =	vmul.f32 $1.250000000e-01, v58  }
0x6a8: {  	s30 =	sadd.s32 s5, s30;
	[tilespmem:v50+s25+$0x0] =	vst.idx.msk $0xffff, v2;
	v2 =	vmul.f32 $1.250000000e-01, v53  }
0x6a9: {  	s31 =	sshll.u32 s30, $0x7;
	[tilespmem:v61+s25+$0x0] =	vst.idx.msk $0xffff, v3;
	v3 =	vmul.f32 $1.250000000e-01, v62  }
0x6aa: {  	s1 =	sand.u32 $0xF00, s31;
	s0 =	sshll.u32 s30, $0xA;
	[tilespmem:v59+s25+$0x0] =	vst.idx.msk $0xffff, v2;
	v2 =	vmul.f32 $1.250000000e-01, v60  }
0x6ab: {  	s1 =	sadd.s32 s2, s1;
	s0 =	sand.u32 $0xFFF8000, s0;
	[tilespmem:v5+s25+$0x0] =	vst.idx.msk $0xffff, v3  }
0x6ac: {  	s7 =	simm.s32 $0xC600;
	s1 =	sadd.s32 s0, s1;
	[tilespmem:v63+s25+$0x0] =	vst.idx.msk $0xffff, v2  }
0x6ad: {  	[hbm4b:s1+s3] =	stream.linear.scatter [tilespmem:s7], [sflag:$0x4], $0x80, $0x38;
	[tilespmem:$0x10A00] =	vst v63  }
0x6ae: {  	s8 =	simm.s32 $0xC688;
	s11 =	sadd.s32 $0x10, s1  }
0x6af: {  	[hbm4b:s11+s3] =	stream.linear.scatter [tilespmem:s8], [sflag:$0x4], $0x80, $0x38;
	[tilespmem:$0x10A00] =	vst v63  }
0x6b0: {  	s30 =	simm.s32 $0xC710;
	s31 =	sadd.s32 $0x20, s1  }
0x6b1: {  	[hbm4b:s31+s3] =	stream.linear.scatter [tilespmem:s30], [sflag:$0x4], $0x80, $0x38;
	[tilespmem:$0x10A00] =	vst v63  }
0x6b2: {  	s8 =	simm.s32 $0xC798;
	s11 =	sadd.s32 $0x30, s1  }
0x6b3: {  	[hbm4b:s11+s3] =	stream.linear.scatter [tilespmem:s8], [sflag:$0x4], $0x80, $0x38;
	[tilespmem:$0x10A00] =	vst v63  }
0x6b4: {  	s30 =	simm.s32 $0xC820;
	s31 =	sadd.s32 $0x40, s1  }
0x6b5: {  	[hbm4b:s31+s3] =	stream.linear.scatter [tilespmem:s30], [sflag:$0x4], $0x80, $0x38;
	[tilespmem:$0x10A00] =	vst v63  }
0x6b6: {  	s8 =	simm.s32 $0xC8A8;
	s11 =	sadd.s32 $0x50, s1  }
0x6b7: {  	[hbm4b:s11+s3] =	stream.linear.scatter [tilespmem:s8], [sflag:$0x4], $0x80, $0x38;
	[tilespmem:$0x10A00] =	vst v63  }
0x6b8: {  	s30 =	simm.s32 $0xC930;
	s31 =	sadd.s32 $0x60, s1  }
0x6b9: {  	[hbm4b:s31+s3] =	stream.linear.scatter [tilespmem:s30], [sflag:$0x4], $0x80, $0x38;
	[tilespmem:$0x10A00] =	vst v63  }
0x6ba: {  	s8 =	simm.s32 $0xC9B8;
	s11 =	sadd.s32 $0x70, s1  }
0x6bb: {  	[hbm4b:s11+s3] =	stream.linear.scatter [tilespmem:s8], [sflag:$0x4], $0x80, $0x38;
	[tilespmem:$0x10A00] =	vst v63  }
0x6bc: {  	s30 =	simm.s32 $0xCA40;
	s31 =	sadd.s32 $0x80, s1  }
0x6bd: {  	[hbm4b:s31+s3] =	stream.linear.scatter [tilespmem:s30], [sflag:$0x4], $0x80, $0x38;
	[tilespmem:$0x10A00] =	vst v63  }
0x6be: {  	s8 =	simm.s32 $0xCAC8;
	s11 =	sadd.s32 $0x90, s1  }
0x6bf: {  	[hbm4b:s11+s3] =	stream.linear.scatter [tilespmem:s8], [sflag:$0x4], $0x80, $0x38;
	[tilespmem:$0x10A00] =	vst v63  }
0x6c0: {  	s0 =	simm.s32 $0x880;
	s30 =	simm.s32 $0xCB50;
	s31 =	sadd.s32 $0xA0, s1  }
0x6c1: {  	[hbm4b:s31+s3] =	stream.linear.scatter [tilespmem:s30], [sflag:$0x4], $0x80, $0x38;
	[tilespmem:$0x10A00] =	vst v63  }
0x6c2: {  	s28 =	sadd.s32 $0xF0, s1;
	s8 =	simm.s32 $0xCBD8;
	s11 =	sadd.s32 $0xB0, s1  }
0x6c3: {  	[hbm4b:s11+s3] =	stream.linear.scatter [tilespmem:s8], [sflag:$0x4], $0x80, $0x38;
	[tilespmem:$0x10A00] =	vst v63  }
0x6c4: {  	s7 =	simm.s32 $0x4400;
	s30 =	simm.s32 $0xCC60;
	s31 =	sadd.s32 $0xC0, s1  }
0x6c5: {  	[hbm4b:s31+s3] =	stream.linear.scatter [tilespmem:s30], [sflag:$0x4], $0x80, $0x38;
	[tilespmem:$0x10A00] =	vst v63  }
0x6c6: {  	s8 =	simm.s32 $0xCCE8;
	s11 =	sadd.s32 $0xD0, s1;
	s30 =	simm.s32 $0xCD70  }
0x6c7: {  	[hbm4b:s11+s3] =	stream.linear.scatter [tilespmem:s8], [sflag:$0x4], $0x80, $0x38;
	[tilespmem:$0x10A00] =	vst v63  }
0x6c8: {  	s31 =	sadd.s32 $0xE0, s1;
	s1 =	sadd.s32 $0x1000, s1;
	s8 =	simm.s32 $0xCDF8  }
0x6c9: {  	[hbm4b:s31+s3] =	stream.linear.scatter [tilespmem:s30], [sflag:$0x4], $0x80, $0x38;
	[tilespmem:$0x10A00] =	vst v63  }
.LBB2_20:
0x6ca: {  	[hbm4b:s28+s3] =	stream.linear.scatter [tilespmem:s8], [sflag:$0x4], $0x80, $0x38;
	[tilespmem:$0x10A00] =	vst v63  }
0x6cb: {  	s8 =	smov.u32 s0;
	s0 =	smov.u32 s7  }
0x6cc: {  	s11 =	sadd.s32 $0x2200, s7;
	s0 =	sshra.s32 s0, $0x2;
	s28 =	sadd.s32 $0xC600, s8  }
0x6cd: {  	[hbm4b:s1+s3] =	stream.linear.scatter [tilespmem:s28], [sflag:$0x4], $0x80, $0x38;
	[tilespmem:$0x10A00] =	vst v63  }
0x6ce: {  	p0 =	sne.s32 s7, $0xEE00;
	s7 =	sadd.s32 $0xC688, s8;
	s28 =	sadd.s32 $0x10, s1  }
0x6cf: {  	[hbm4b:s28+s3] =	stream.linear.scatter [tilespmem:s7], [sflag:$0x4], $0x80, $0x38;
	[tilespmem:$0x10A00] =	vst v63  }
0x6d0: {  	s7 =	sadd.s32 $0xC710, s8;
	s28 =	sadd.s32 $0x20, s1  }
0x6d1: {  	[hbm4b:s28+s3] =	stream.linear.scatter [tilespmem:s7], [sflag:$0x4], $0x80, $0x38;
	[tilespmem:$0x10A00] =	vst v63  }
0x6d2: {  	s7 =	sadd.s32 $0xC798, s8;
	s28 =	sadd.s32 $0x30, s1  }
0x6d3: {  	[hbm4b:s28+s3] =	stream.linear.scatter [tilespmem:s7], [sflag:$0x4], $0x80, $0x38;
	[tilespmem:$0x10A00] =	vst v63  }
0x6d4: {  	s7 =	sadd.s32 $0xC820, s8;
	s28 =	sadd.s32 $0x40, s1  }
0x6d5: {  	[hbm4b:s28+s3] =	stream.linear.scatter [tilespmem:s7], [sflag:$0x4], $0x80, $0x38;
	[tilespmem:$0x10A00] =	vst v63  }
0x6d6: {  	s7 =	sadd.s32 $0xC8A8, s8;
	s28 =	sadd.s32 $0x50, s1  }
0x6d7: {  	[hbm4b:s28+s3] =	stream.linear.scatter [tilespmem:s7], [sflag:$0x4], $0x80, $0x38;
	[tilespmem:$0x10A00] =	vst v63  }
0x6d8: {  	s7 =	sadd.s32 $0xC930, s8;
	s28 =	sadd.s32 $0x60, s1  }
0x6d9: {  	[hbm4b:s28+s3] =	stream.linear.scatter [tilespmem:s7], [sflag:$0x4], $0x80, $0x38;
	[tilespmem:$0x10A00] =	vst v63  }
0x6da: {  	s7 =	sadd.s32 $0xC9B8, s8;
	s28 =	sadd.s32 $0x70, s1  }
0x6db: {  	[hbm4b:s28+s3] =	stream.linear.scatter [tilespmem:s7], [sflag:$0x4], $0x80, $0x38;
	[tilespmem:$0x10A00] =	vst v63  }
0x6dc: {  	s7 =	sadd.s32 $0xCA40, s8;
	s28 =	sadd.s32 $0x80, s1  }
0x6dd: {  	[hbm4b:s28+s3] =	stream.linear.scatter [tilespmem:s7], [sflag:$0x4], $0x80, $0x38;
	[tilespmem:$0x10A00] =	vst v63  }
0x6de: {  	s7 =	sadd.s32 $0xCAC8, s8;
	s28 =	sadd.s32 $0x90, s1  }
0x6df: {  	[hbm4b:s28+s3] =	stream.linear.scatter [tilespmem:s7], [sflag:$0x4], $0x80, $0x38;
	[tilespmem:$0x10A00] =	vst v63  }
0x6e0: {  	s7 =	sadd.s32 $0xCB50, s8;
	s28 =	sadd.s32 $0xA0, s1  }
0x6e1: {  	[hbm4b:s28+s3] =	stream.linear.scatter [tilespmem:s7], [sflag:$0x4], $0x80, $0x38;
	[tilespmem:$0x10A00] =	vst v63  }
0x6e2: {  	s7 =	sadd.s32 $0xCBD8, s8;
	s28 =	sadd.s32 $0xB0, s1  }
0x6e3: {  	[hbm4b:s28+s3] =	stream.linear.scatter [tilespmem:s7], [sflag:$0x4], $0x80, $0x38;
	[tilespmem:$0x10A00] =	vst v63  }
0x6e4: {  	s7 =	sadd.s32 $0xCC60, s8;
	s28 =	sadd.s32 $0xC0, s1  }
0x6e5: {  	[hbm4b:s28+s3] =	stream.linear.scatter [tilespmem:s7], [sflag:$0x4], $0x80, $0x38;
	[tilespmem:$0x10A00] =	vst v63  }
.Ltmp10:
0x6e6: {  	s7 =	sadd.s32 $0xCCE8, s8;
	s28 =	sadd.s32 $0xD0, s1;
	(pc) =	sbr.rel @p0 .LBB2_20-.Ltmp10, $4  }
0x6e7: {  	[hbm4b:s28+s3] =	stream.linear.scatter [tilespmem:s7], [sflag:$0x4], $0x80, $0x38;
	[tilespmem:$0x10A00] =	vst v63  }
0x6e8: {  	s7 =	sadd.s32 $0xCD70, s8;
	s28 =	sadd.s32 $0xE0, s1;
	s8 =	sadd.s32 $0xCDF8, s8  }
0x6e9: {  	[hbm4b:s28+s3] =	stream.linear.scatter [tilespmem:s7], [sflag:$0x4], $0x80, $0x38;
	[tilespmem:$0x10A00] =	vst v63  }
0x6ea: {  	s28 =	sadd.s32 $0xF0, s1;
	s1 =	sadd.s32 $0x1000, s1;
	s7 =	smov.u32 s11  }
0x6eb: {  	[hbm4b:s28+s3] =	stream.linear.scatter [tilespmem:s8], [sflag:$0x4], $0x80, $0x38;
	[tilespmem:$0x10A00] =	vst v63  }
0x6ec: {  	s7 =	sadd.s32 $0xC600, s0  }
0x6ed: {  	[hbm4b:s1+s3] =	stream.linear.scatter [tilespmem:s7], [sflag:$0x4], $0x80, $0x38;
	[tilespmem:$0x10A00] =	vst v63  }
0x6ee: {  	s30 =	sadd.s32 $0xC688, s0;
	s31 =	sadd.s32 $0x10, s1  }
0x6ef: {  	[hbm4b:s31+s3] =	stream.linear.scatter [tilespmem:s30], [sflag:$0x4], $0x80, $0x38;
	[tilespmem:$0x10A00] =	vst v63  }
0x6f0: {  	s11 =	sadd.s32 $0xC710, s0;
	s28 =	sadd.s32 $0x20, s1  }
0x6f1: {  	[hbm4b:s28+s3] =	stream.linear.scatter [tilespmem:s11], [sflag:$0x4], $0x80, $0x38;
	[tilespmem:$0x10A00] =	vst v63  }
0x6f2: {  	s30 =	sadd.s32 $0xC798, s0;
	s31 =	sadd.s32 $0x30, s1  }
0x6f3: {  	[hbm4b:s31+s3] =	stream.linear.scatter [tilespmem:s30], [sflag:$0x4], $0x80, $0x38;
	[tilespmem:$0x10A00] =	vst v63  }
0x6f4: {  	s11 =	sadd.s32 $0xC820, s0;
	s28 =	sadd.s32 $0x40, s1  }
0x6f5: {  	[hbm4b:s28+s3] =	stream.linear.scatter [tilespmem:s11], [sflag:$0x4], $0x80, $0x38;
	[tilespmem:$0x10A00] =	vst v63  }
0x6f6: {  	s30 =	sadd.s32 $0xC8A8, s0;
	s31 =	sadd.s32 $0x50, s1  }
0x6f7: {  	[hbm4b:s31+s3] =	stream.linear.scatter [tilespmem:s30], [sflag:$0x4], $0x80, $0x38;
	[tilespmem:$0x10A00] =	vst v63  }
0x6f8: {  	s11 =	sadd.s32 $0xC930, s0;
	s28 =	sadd.s32 $0x60, s1  }
0x6f9: {  	[hbm4b:s28+s3] =	stream.linear.scatter [tilespmem:s11], [sflag:$0x4], $0x80, $0x38;
	[tilespmem:$0x10A00] =	vst v63  }
0x6fa: {  	s30 =	sadd.s32 $0xC9B8, s0;
	s31 =	sadd.s32 $0x70, s1  }
0x6fb: {  	[hbm4b:s31+s3] =	stream.linear.scatter [tilespmem:s30], [sflag:$0x4], $0x80, $0x38;
	[tilespmem:$0x10A00] =	vst v63  }
0x6fc: {  	s11 =	sadd.s32 $0xCA40, s0;
	s28 =	sadd.s32 $0x80, s1  }
0x6fd: {  	[hbm4b:s28+s3] =	stream.linear.scatter [tilespmem:s11], [sflag:$0x4], $0x80, $0x38;
	[tilespmem:$0x10A00] =	vst v63  }
0x6fe: {  	s30 =	sadd.s32 $0xCAC8, s0;
	s31 =	sadd.s32 $0x90, s1  }
0x6ff: {  	v63 =	vld [tilespmem:$0x1FE90];
	[hbm4b:s31+s3] =	stream.linear.scatter [tilespmem:s30], [sflag:$0x4], $0x80, $0x38  }
0x700: {  	v55 =	vld [tilespmem:$0x1FEC0];
	s11 =	sadd.s32 $0xCB50, s0;
	s28 =	sadd.s32 $0xA0, s1  }
0x701: {  	v43 =	vld [tilespmem:$0x1FE40];
	[hbm4b:s28+s3] =	stream.linear.scatter [tilespmem:s11], [sflag:$0x4], $0x80, $0x38  }
0x702: {  	v44 =	vld [tilespmem:$0x1FFC0];
	s30 =	sadd.s32 $0xCBD8, s0;
	s31 =	sadd.s32 $0xB0, s1  }
0x703: {  	v49 =	vld [tilespmem:$0x1FFD0];
	[hbm4b:s31+s3] =	stream.linear.scatter [tilespmem:s30], [sflag:$0x4], $0x80, $0x38  }
0x704: {  	s29 =	sadd.s32 $0x1, s29;
	v60 =	vld [tilespmem:$0x1FEF0];
	s11 =	sadd.s32 $0xCC60, s0;
	s28 =	sadd.s32 $0xC0, s1  }
0x705: {  	v32 =	vld [tilespmem:$0x1FF10];
	[hbm4b:s28+s3] =	stream.linear.scatter [tilespmem:s11], [sflag:$0x4], $0x80, $0x38  }
0x706: {  	v61 =	vld [tilespmem:$0x1FF20];
	p0 =	sne.s32 s29, $0x32;
	s30 =	sadd.s32 $0xCCE8, s0;
	s31 =	sadd.s32 $0xD0, s1  }
0x707: {  	v56 =	vld [tilespmem:$0x1FFE0];
	[hbm4b:s31+s3] =	stream.linear.scatter [tilespmem:s30], [sflag:$0x4], $0x80, $0x38  }
.Ltmp11:
0x708: {  	v19 =	vld [tilespmem:$0x1FEB0];
	(pc) =	sbr.rel @p0 .LBB2_2-.Ltmp11, $4  }
0x709: {  	v20 =	vld [tilespmem:$0x1FFF0];
	s11 =	sadd.s32 $0xCD70, s0;
	s28 =	sadd.s32 $0xE0, s1  }
0x70a: {  	v39 =	vld [tilespmem:$0x1FEE0];
	[hbm4b:s28+s3] =	stream.linear.scatter [tilespmem:s11], [sflag:$0x4], $0x80, $0x38  }
0x70b: {  	v38 =	vld [tilespmem:$0x1FF00];
	s30 =	sadd.s32 $0xCDF8, s0;
	s31 =	sadd.s32 $0xF0, s1  }
0x70c: {  	v40 =	vld [tilespmem:$0x1FED0];
	[hbm4b:s31+s3] =	stream.linear.scatter [tilespmem:s30], [sflag:$0x4], $0x80, $0x38  }
0x70d: {  	_ =	swait.ge [sflag:s26], $0x4000  }
0x70e: {  	[sflag:s26] =	ssyncset.done $0x0  }
0x70f: {  	[sflag:s26] =	ssyncadd.s32 $0xFFFFC000  }
0x710: {  	_ =	swait.ge [sflag:s24], $0x4000  }
0x711: {  	s1 =	rddreg [dreg:$0x6]  }
0x712: {  	s0 =	rddreg [dreg:$0x5];
	s1 =	sadd.s32 $0x1, s1  }
0x713: {  	p0 =	sne.s32 s1, s0  }
.Ltmp12:
0x714: {  	_ = 	snop;
	(pc) =	sbr.rel @p0 .LBB2_1-.Ltmp12, $3  }
0x715: {  	_ =	sdelay $0x1  }
0x716: {  	[sflag:s24] =	ssyncset.done $0x0  }
0x717: {  	[sflag:s24] =	ssyncadd.s32 $0xFFFFC000  }
0x718: {  	_ =	sfence.sel $0x180000  }
0x719: {  	[bflag:$0x0] =	sbarrier.arrive $0xFFFF  }
0x71a: {  	_ =	strace $0x90000047  }
0x71b: {  	s0 =	stileid.u32;
	[bflag:$0x2] =	sbarrier.arrive $0xFFFF  }
0x71c: {  	p0 =	sne.s32 s0, $0x0;
	s0 =	rddreg [dreg:$0x2]  }
0x71d: {  	s0 =	sadd.s32 @!p0 $0x100000, s0  }
0x71e: {  	[sflag:s0] =	ssyncadd.tile.s32 @!p0 $0x1;
	_ =	shalt  }
.Lfunc_end2:
_tile_overlayer_lowered:
.L_overlay_start_2:
0x71f: {  	(tag) =	ssettag $0x2  }
0x720: {  	s0 =	rddreg [dreg:$0x0];
	s2 =	stileid.u32  }
0x721: {  	s1 =	rddreg [dreg:$0x1];
	p0 =	sne.s32 s2, $0x0  }
0x722: {  	s3 =	rddreg [dreg:$0x2];
	[bflag:$0x3] =	sbarrier.arrive $0xFFFF;
	s2 =	simm.s32 @!p0 $0x1C07  }
0x723: {  	[timem:s3], [sflag:s2] =	dma.local @!p0 [hbm:s0], s1  }
0x724: {  	s0 =	simm.s32 @!p0 $0x7  }
0x725: {  	_ =	swait.ge @!p0 [sflag:s0], s1  }
0x726: {  	s1 =	ssub.s32 @!p0 $0x0, s1;
	[sflag:s0] =	ssyncset.done @!p0 $0x0  }
0x727: {  	[sflag:s0] =	ssyncadd.s32 @!p0 s1  }
0x728: {  	[bflag:$0x3] =	sbarrier.arrive $0xFFFF  }
0x729: {  	_ =	shalt  }

</sc_bundles>
